<compile_context>
chip_gen: v7x
topology: tpu7x:2x2x1
jax: 0.10.2.dev20260603
libtpu: 0.0.44.dev20260713+nightly
codegen_flags: <defaults>
</compile_context>

<pallas_src>
import functools

import jax
import jax.numpy as jnp
from jax import lax
from jax.experimental import pallas as pl
from jax.experimental.pallas import tpu as pltpu
from jax.experimental.pallas import tpu_sc as plsc

EPS = 0.1
LANES = 16
NC = 2
NS = 16
NW = NC * NS
BLK = 96
RB = 512
CH = 128
ZCH = 64

f32 = jnp.float32


def _dot_t(a, b):
  return lax.dot_general(a, b, (((1,), (1,)), ((), ())),
                         preferred_element_type=f32)


def _tc_lin_in(x_p, Win, b_in2, alw, arw, ab2, n_pad):
  def body(x_ref, w_ref, b_ref, alw_ref, arw_ref, ab_ref, h_ref, aux_ref):
    xb = x_ref[...]
    h = _dot_t(xb, w_ref[...]) + b_ref[...]
    h_ref[...] = h
    al_t = _dot_t(alw_ref[...], h) + ab_ref[0]
    ar_t = _dot_t(arw_ref[...], h) + ab_ref[1]
    aux_ref[...] = jnp.concatenate(
        [al_t, ar_t, jnp.zeros((6, al_t.shape[1]), f32)], axis=0)

  return pl.pallas_call(
      body,
      grid=(n_pad // RB,),
      in_specs=[
          pl.BlockSpec((RB, 128), lambda i: (i, 0)),
          pl.BlockSpec((128, 128), lambda i: (0, 0)),
          pl.BlockSpec((1, 128), lambda i: (0, 0)),
          pl.BlockSpec((1, 128), lambda i: (0, 0)),
          pl.BlockSpec((1, 128), lambda i: (0, 0)),
          pl.BlockSpec(memory_space=pltpu.SMEM),
      ],
      out_specs=[
          pl.BlockSpec((RB, 128), lambda i: (i, 0)),
          pl.BlockSpec((8, RB), lambda i: (0, i)),
      ],
      out_shape=[
          jax.ShapeDtypeStruct((n_pad, 128), f32),
          jax.ShapeDtypeStruct((8, n_pad), f32),
      ],
  )(x_p, Win, b_in2, alw, arw, ab2)


def _tc_dinv_scale(deg_parts, h0, n, n_pad):

  def body(dp_ref, h_ref, dc_ref, hs_ref):
    i = pl.program_id(0)
    ones = jnp.ones((NW, 1), f32)
    deg = lax.dot_general(dp_ref[...], ones, (((0,), (0,)), ((), ())),
                          preferred_element_type=f32)
    row = lax.broadcasted_iota(jnp.int32, (RB, 1), 0) + i * RB
    d = jnp.where(deg > 0.0, lax.rsqrt(jnp.maximum(deg, 1.0)), 0.0)
    d = jnp.where(row < n, d, 0.0)
    dc_ref[...] = d
    hs_ref[...] = h_ref[...] * d

  return pl.pallas_call(
      body,
      grid=(n_pad // RB,),
      in_specs=[
          pl.BlockSpec((NW, RB), lambda i: (0, i)),
          pl.BlockSpec((RB, 128), lambda i: (i, 0)),
      ],
      out_specs=[
          pl.BlockSpec((RB, 1), lambda i: (i, 0)),
          pl.BlockSpec((RB, 128), lambda i: (i, 0)),
      ],
      out_shape=[
          jax.ShapeDtypeStruct((n_pad, 1), f32),
          jax.ShapeDtypeStruct((n_pad, 128), f32),
      ],
  )(deg_parts, h0)


def _tc_mid(parts, h0, dinv_col, alw, arw, ab2, n_pad):
  def body(p_ref, h0_ref, dc_ref, alw_ref, arw_ref, ab_ref, hs_ref, aux_ref):
    dc = dc_ref[...]
    hb = (p_ref[0] + p_ref[1]) * dc + EPS * h0_ref[...]
    hb = jnp.maximum(hb, 0.0)
    al_t = _dot_t(alw_ref[...], hb) + ab_ref[0]
    ar_t = _dot_t(arw_ref[...], hb) + ab_ref[1]
    aux_ref[...] = jnp.concatenate(
        [al_t, ar_t, jnp.zeros((6, al_t.shape[1]), f32)], axis=0)
    hs_ref[...] = hb * dc

  return pl.pallas_call(
      body,
      grid=(n_pad // RB,),
      in_specs=[
          pl.BlockSpec((2, RB, 128), lambda i: (0, i, 0)),
          pl.BlockSpec((RB, 128), lambda i: (i, 0)),
          pl.BlockSpec((RB, 1), lambda i: (i, 0)),
          pl.BlockSpec((1, 128), lambda i: (0, 0)),
          pl.BlockSpec((1, 128), lambda i: (0, 0)),
          pl.BlockSpec(memory_space=pltpu.SMEM),
      ],
      out_specs=[
          pl.BlockSpec((RB, 128), lambda i: (i, 0)),
          pl.BlockSpec((8, RB), lambda i: (0, i)),
      ],
      out_shape=[
          jax.ShapeDtypeStruct((n_pad, 128), f32),
          jax.ShapeDtypeStruct((8, n_pad), f32),
      ],
  )(parts, h0, dinv_col, alw, arw, ab2)


def _tc_out(parts, h0, dinv_col, Wout, b_out2, n_pad):
  def body(p_ref, h0_ref, dc_ref, w_ref, b_ref, o_ref):
    hb = (p_ref[0] + p_ref[1]) * dc_ref[...] + EPS * h0_ref[...]
    o_ref[...] = _dot_t(hb, w_ref[...]) + b_ref[...]

  return pl.pallas_call(
      body,
      grid=(n_pad // RB,),
      in_specs=[
          pl.BlockSpec((2, RB, 128), lambda i: (0, i, 0)),
          pl.BlockSpec((RB, 128), lambda i: (i, 0)),
          pl.BlockSpec((RB, 1), lambda i: (i, 0)),
          pl.BlockSpec((128, 128), lambda i: (0, 0)),
          pl.BlockSpec((1, 128), lambda i: (0, 0)),
      ],
      out_specs=pl.BlockSpec((RB, 128), lambda i: (i, 0)),
      out_shape=jax.ShapeDtypeStruct((n_pad, 128), f32),
  )(parts, h0, dinv_col, Wout, b_out2)


def _sc_mesh():
  return plsc.VectorSubcoreMesh(
      core_axis_name="c", subcore_axis_name="s",
      num_cores=NC, num_subcores=NS)


def _sc_degree(dst3, n_pad, nblk):
  @functools.partial(
      pl.kernel,
      out_type=jax.ShapeDtypeStruct((NW, n_pad), f32),
      mesh=_sc_mesh(),
      compiler_params=pltpu.CompilerParams(needs_layout_passes=False),
      scratch_types=[
          pltpu.VMEM((nblk, BLK), jnp.int32),
          pltpu.VMEM((n_pad,), f32),
      ],
  )
  def deg_kernel(dst_hbm, out_hbm, idx_v, deg_v):
    c = lax.axis_index("c")
    s = lax.axis_index("s")
    w = s * NC + c
    pltpu.sync_copy(dst_hbm.at[w], idx_v)
    zeros = jnp.zeros((LANES,), f32)
    ones = jnp.ones((LANES,), f32)

    def zbody(i, carry):
      deg_v[pl.ds(i * LANES, LANES)] = zeros
      return carry

    lax.fori_loop(0, n_pad // LANES, zbody, 0)

    def ebody(j, carry):
      for k in range(BLK // LANES):
        idx = idx_v[j, pl.ds(k * LANES, LANES)]
        plsc.addupdate_scatter(deg_v, [idx], ones)
      return carry

    lax.fori_loop(0, nblk, ebody, 0)
    pltpu.sync_copy(deg_v, out_hbm.at[w])

  return deg_kernel(dst3)


def _sc_edge_pass(hs, al1, ar1, src3, dst3, n_pad, nblk):
  rpt = n_pad // NS
  nzb = rpt // CH

  @functools.partial(
      pl.kernel,
      out_type=jax.ShapeDtypeStruct((NC, n_pad, 128), f32),
      mesh=_sc_mesh(),
      compiler_params=pltpu.CompilerParams(needs_layout_passes=False),
      scratch_types=[
          pltpu.VMEM((2, BLK), jnp.int32),
          pltpu.VMEM((2, BLK), jnp.int32),
          pltpu.VMEM((2, BLK), jnp.int32),
          pltpu.VMEM((BLK,), f32),
          pltpu.VMEM((2, BLK, 128), f32),
          pltpu.VMEM((n_pad,), f32),
          pltpu.VMEM((n_pad,), f32),
          pltpu.VMEM_SHARED((n_pad, 128), f32),
          pltpu.SemaphoreType.DMA,
          pltpu.SemaphoreType.DMA,
          pltpu.SemaphoreType.DMA,
      ],
  )
  def edge_kernel(h_hbm, al_hbm, ar_hbm, src_hbm, dst_hbm, out_hbm,
                  src_v, dst_v, sdst_v, coeff_v,
                  rows_v, al_v, ar_v, acc_sh, sem_i, sem_g, sem_s):
    c = lax.axis_index("c")
    s = lax.axis_index("s")
    w = s * NC + c

    pltpu.sync_copy(al_hbm, al_v)
    pltpu.sync_copy(ar_hbm, ar_v)
    zeros = jnp.zeros((LANES,), f32)

    def zbody(i, carry):
      for q in range(8):
        rows_v[0, i, pl.ds(q * LANES, LANES)] = zeros
      return carry

    lax.fori_loop(0, ZCH, zbody, 0)
    zsrc = rows_v.at[0, pl.ds(0, ZCH)]
    for k in range(rpt // ZCH):
      pltpu.sync_copy(zsrc, acc_sh.at[pl.ds(s * rpt + k * ZCH, ZCH)])
    plsc.subcore_barrier()

    def idx_issue(j, b):
      pltpu.async_copy(src_hbm.at[w, j], src_v.at[b], sem_i)
      pltpu.async_copy(dst_hbm.at[w, j], dst_v.at[b], sem_i)

    def idx_wait(j, b):
      pltpu.make_async_copy(src_hbm.at[w, j], src_v.at[b], sem_i).wait()
      pltpu.make_async_copy(dst_hbm.at[w, j], dst_v.at[b], sem_i).wait()

    def gathers_issue(b):
      pltpu.async_copy(h_hbm.at[src_v.at[b]], rows_v.at[b], sem_g)

    def gathers_wait(b):
      pltpu.make_async_copy(h_hbm.at[src_v.at[b]], rows_v.at[b],
                            sem_g).wait()

    def scatter_wait(b):
      pltpu.make_async_copy(rows_v.at[b], acc_sh.at[sdst_v.at[b]],
                            sem_s).wait()

    def process(b):
      buf = rows_v.at[b]
      for k in range(BLK // LANES):
        sl = pl.ds(k * LANES, LANES)
        si = src_v[b, sl]
        di = dst_v[b, sl]
        a = plsc.load_gather(al_v, [si])
        r = plsc.load_gather(ar_v, [di])
        e2 = jnp.exp((a + r) * 2.0)
        coeff_v[sl] = 1.0 - 2.0 / (e2 + 1.0)
        sdst_v[b, sl] = di

      def sbody(i, carry):
        cb = plsc.load_gather(coeff_v, [jnp.broadcast_to(i, (LANES,))])
        for q in range(8):
          sl = pl.ds(q * LANES, LANES)
          buf[i, sl] = buf[i, sl] * cb
        return carry

      lax.fori_loop(0, BLK, sbody, 0)
      pltpu.async_copy(rows_v.at[b], acc_sh.at[sdst_v.at[b]], sem_s,
                       add=True)

    idx_issue(0, 0)
    idx_issue(1, 1)
    idx_wait(0, 0)
    gathers_issue(0)

    def mbody(i, carry):
      j0 = i * 2

      @pl.when(j0 > 0)
      def _():
        scatter_wait(1)
      idx_wait(j0 + 1, 1)
      gathers_issue(1)
      gathers_wait(0)
      process(0)

      @pl.when(j0 + 2 < nblk)
      def _():
        idx_issue(j0 + 2, 0)

      scatter_wait(0)

      @pl.when(j0 + 2 < nblk)
      def _():
        idx_wait(j0 + 2, 0)
        gathers_issue(0)
      gathers_wait(1)
      process(1)

      @pl.when(j0 + 3 < nblk)
      def _():
        idx_issue(j0 + 3, 1)
      return carry

    lax.fori_loop(0, nblk // 2, mbody, 0)
    scatter_wait(1)
    plsc.subcore_barrier()

    for k in range(nzb):
      rr = pl.ds(s * rpt + k * CH, CH)
      pltpu.sync_copy(acc_sh.at[rr], out_hbm.at[c, rr])

  return edge_kernel(hs, al1, ar1, src3, dst3)


def kernel(x, edge_index, Win, b_in, att_l, att_l_b, att_r, att_r_b,
           Wout, b_out):
  n = x.shape[0]
  e = edge_index.shape[1]
  n_pad = ((n + 1 + RB - 1) // RB) * RB
  epb = NW * BLK
  nblk = -(-e // epb)
  if nblk % 2:
    nblk += 1
  e_pad = nblk * epb

  src = edge_index[0]
  dst = edge_index[1]
  src_p = jnp.concatenate([src, jnp.zeros((e_pad - e,), jnp.int32)])
  dst_p = jnp.concatenate([dst, jnp.full((e_pad - e,), n, jnp.int32)])
  src3 = src_p.reshape(NW, nblk, BLK)
  dst3 = dst_p.reshape(NW, nblk, BLK)
  x_p = jnp.pad(x, ((0, n_pad - n), (0, 0)))

  b_in2 = b_in.reshape(1, 128)
  b_out2 = b_out.reshape(1, 128)
  al0 = att_l[0].reshape(1, 128)
  ar0 = att_r[0].reshape(1, 128)
  al1 = att_l[1].reshape(1, 128)
  ar1 = att_r[1].reshape(1, 128)
  ab0 = jnp.stack([att_l_b[0], att_r_b[0]])
  ab1 = jnp.stack([att_l_b[1], att_r_b[1]])

  deg_parts = _sc_degree(dst3, n_pad, nblk)
  h0, aux0 = _tc_lin_in(x_p, Win, b_in2, al0, ar0, ab0, n_pad)
  dinv_col, h0s = _tc_dinv_scale(deg_parts, h0, n, n_pad)
  parts0 = _sc_edge_pass(h0s, aux0[0], aux0[1], src3, dst3, n_pad, nblk)
  h1s, aux1 = _tc_mid(parts0, h0, dinv_col, al1, ar1, ab1, n_pad)
  parts1 = _sc_edge_pass(h1s, aux1[0], aux1[1], src3, dst3, n_pad, nblk)
  out_p = _tc_out(parts1, h0, dinv_col, Wout, b_out2, n_pad)
  return out_p[:n]

# --- scband reference (transcript-rebuilt; emitter-appended) ---
"""Pipeline reference for scband-fagcnencoder-88304527606664 (READ-ONLY COPY).

The authoritative reference and input builder live on the scoring server;
editing this copy changes nothing except your own understanding.
"""

import jax, jax.numpy as jnp
import numpy as np

N = 10000
E = 320000
IN_DIM = 128
HID = 128
OUT_DIM = 128
LAYERS = 2
EPS = 0.1


def setup_inputs(seed: int = 0) -> dict:
    key = jax.random.key(seed)
    ks = jax.random.split(key, 10)
    x = jax.random.normal(ks[0], (N, IN_DIM), dtype=jnp.float32)
    edge_index = jax.random.randint(ks[1], (2, E), 0, N, dtype=jnp.int32)
    Win = jax.random.normal(ks[2], (HID, IN_DIM), dtype=jnp.float32) * 0.05
    b_in = jnp.zeros((HID,), dtype=jnp.float32)
    att_l = jax.random.normal(ks[3], (LAYERS, HID), dtype=jnp.float32) * 0.05
    att_l_b = jnp.zeros((LAYERS,), dtype=jnp.float32)
    att_r = jax.random.normal(ks[4], (LAYERS, HID), dtype=jnp.float32) * 0.05
    att_r_b = jnp.zeros((LAYERS,), dtype=jnp.float32)
    Wout = jax.random.normal(ks[5], (OUT_DIM, HID), dtype=jnp.float32) * 0.05
    b_out = jnp.zeros((OUT_DIM,), dtype=jnp.float32)
    return {"x": x, "edge_index": edge_index, "Win": Win, "b_in": b_in,
            "att_l": att_l, "att_l_b": att_l_b, "att_r": att_r, "att_r_b": att_r_b,
            "Wout": Wout, "b_out": b_out}


def reference(x, edge_index, Win, b_in, att_l, att_l_b, att_r, att_r_b, Wout, b_out):
    # FAGCNEncoder (eval mode: dropout = identity)
    src = edge_index[0]
    dst = edge_index[1]
    n = x.shape[0]
    # lin_in
    h = x @ Win.T + b_in
    h0 = h
    # gcn_norm without self loops: deg over dst (col), symmetric normalization
    deg = jnp.zeros((n,), dtype=h.dtype).at[dst].add(1.0)
    dinv = jnp.where(deg > 0, 1.0 / jnp.sqrt(jnp.maximum(deg, 1.0)), 0.0)
    norm = dinv[src] * dinv[dst]
    for l in range(LAYERS):
        # FAConv: alpha_ij = tanh(att_l(x_j) + att_r(x_i))
        al = h @ att_l[l] + att_l_b[l]  # [N]
        ar = h @ att_r[l] + att_r_b[l]  # [N]
        alpha = jnp.tanh(al[src] + ar[dst])  # [E]
        msg = h[src] * (alpha * norm)[:, None]  # gather + weight
        agg = jnp.zeros_like(h).at[dst].add(msg)  # scatter-add
        h = agg + EPS * h0
        if l != LAYERS - 1:
            h = jax.nn.relu(h)
            # dropout: identity in eval
    node_repr = h @ Wout.T + b_out
    # batch is None -> graph_repr is None; return node representations
    return node_repr

if __name__ == "__main__":
    import jax
    _d = setup_inputs()
    print(jax.jit(kernel)(*tuple(_d.values())))

</pallas_src>

<mosaic_0001>
#map = affine_map<(d0, d1) -> (0, 0)>
#map1 = affine_map<(d0, d1) -> (0)>
#map2 = affine_map<(d0, d1) -> (0, 0, 0)>
module attributes {stable_mosaic.version = 14 : i64} {
  func.func @edge_kernel(%arg0: i32, %arg1: i32, %arg2: memref<10240x128xf32, #tpu.memory_space<hbm>>, %arg3: memref<10240xf32, #tpu.memory_space<hbm>>, %arg4: memref<10240xf32, #tpu.memory_space<hbm>>, %arg5: memref<32x106x96xi32, #tpu.memory_space<hbm>>, %arg6: memref<32x106x96xi32, #tpu.memory_space<hbm>>, %arg7: memref<2x10240x128xf32, #tpu.memory_space<hbm>>, %arg8: memref<2x96xi32, #tpu.memory_space<vmem>>, %arg9: memref<2x96xi32, #tpu.memory_space<vmem>>, %arg10: memref<2x96xi32, #tpu.memory_space<vmem>>, %arg11: memref<96xf32, #tpu.memory_space<vmem>>, %arg12: memref<2x96x128xf32, #tpu.memory_space<vmem>>, %arg13: memref<10240xf32, #tpu.memory_space<vmem>>, %arg14: memref<10240xf32, #tpu.memory_space<vmem>>, %arg15: memref<10240x128xf32, #tpu.memory_space<vmem_shared>>, %arg16: memref<!tpu.dma_semaphore, #tpu.memory_space<semaphore_mem>>, %arg17: memref<!tpu.dma_semaphore, #tpu.memory_space<semaphore_mem>>, %arg18: memref<!tpu.dma_semaphore, #tpu.memory_space<semaphore_mem>>) attributes {dimension_semantics = [#tpu.dimension_semantics<core_parallel>, #tpu.dimension_semantics<subcore_parallel>], iteration_bounds = array<i64: 2, 16>, scalar_prefetch = 0 : i64, scratch_operands = 11 : i64, tpu.core_type = #tpu.core_type<sc_vector_subcore>, window_params = [{transform_indices = #map}, {transform_indices = #map1}, {transform_indices = #map1}, {transform_indices = #map2}, {transform_indices = #map2}, {transform_indices = #map2}]} {
    %mul3A = arith.constant 2 : i32
    %mul3A_0 = arith.muli %arg1, %mul3A : i32
    %add3A = arith.addi %mul3A_0, %arg0 : i32
    "tpu.region"() ({
      %run_scoped3A_189 = tpu.sem_alloc : memref<!tpu.dma_semaphore, #tpu.memory_space<semaphore_mem>>
      tpu.enqueue_dma source(%arg3 : memref<10240xf32, #tpu.memory_space<hbm>>) target(%arg13 : memref<10240xf32, #tpu.memory_space<vmem>>) target_semaphore(%run_scoped3A_189 : memref<!tpu.dma_semaphore, #tpu.memory_space<semaphore_mem>>)
      tpu.wait_dma2 semaphore(%run_scoped3A_189 : memref<!tpu.dma_semaphore, #tpu.memory_space<semaphore_mem>>) src(%arg3 : memref<10240xf32, #tpu.memory_space<hbm>>) dst(%arg13 : memref<10240xf32, #tpu.memory_space<vmem>>)
      tpu.yield
    }) : () -> ()
    "tpu.region"() ({
      %run_scoped3A_189 = tpu.sem_alloc : memref<!tpu.dma_semaphore, #tpu.memory_space<semaphore_mem>>
      tpu.enqueue_dma source(%arg4 : memref<10240xf32, #tpu.memory_space<hbm>>) target(%arg14 : memref<10240xf32, #tpu.memory_space<vmem>>) target_semaphore(%run_scoped3A_189 : memref<!tpu.dma_semaphore, #tpu.memory_space<semaphore_mem>>)
      tpu.wait_dma2 semaphore(%run_scoped3A_189 : memref<!tpu.dma_semaphore, #tpu.memory_space<semaphore_mem>>) src(%arg4 : memref<10240xf32, #tpu.memory_space<hbm>>) dst(%arg14 : memref<10240xf32, #tpu.memory_space<vmem>>)
      tpu.yield
    }) : () -> ()
    %broadcast_in_dim3A = arith.constant 0.000000e+00 : f32
    %broadcast_in_dim3A_1 = vector.broadcast %broadcast_in_dim3A : f32 to vector<16xf32>
    %scan3A = arith.constant 0 : i32
    %scan3A_2 = arith.constant 0 : i32
    %scan3A_3 = arith.constant 64 : i32
    %scan3A_4 = arith.addi %scan3A_2, %scan3A_3 : i32
    %scan3A_5 = arith.constant 1 : i32
    scf.for %scan3A_189 = %scan3A_2 to %scan3A_4 step %scan3A_5  : i32 {
      %swap3A = arith.constant 0 : i32
      %swap3A_190 = arith.index_cast %swap3A : i32 to index
      %swap3A_191 = arith.index_cast %scan3A_189 : i32 to index
      %swap3A_192 = arith.constant 0 : index
      %swap3A_193 = tpu.vector_load %arg12[%swap3A_190, %swap3A_191, %swap3A_192] {strides = array<i32>} : memref<2x96x128xf32, #tpu.memory_space<vmem>>, vector<16xf32>,
      tpu.vector_store %arg12[%swap3A_190, %swap3A_191, %swap3A_192], %broadcast_in_dim3A_1 {strides = array<i32>} : memref<2x96x128xf32, #tpu.memory_space<vmem>>, vector<16xf32>,
      %swap3A_194 = arith.constant 0 : i32
      %swap3A_195 = arith.index_cast %swap3A_194 : i32 to index
      %swap3A_196 = arith.index_cast %scan3A_189 : i32 to index
      %swap3A_197 = arith.constant 16 : index
      %swap3A_198 = tpu.vector_load %arg12[%swap3A_195, %swap3A_196, %swap3A_197] {strides = array<i32>} : memref<2x96x128xf32, #tpu.memory_space<vmem>>, vector<16xf32>,
      tpu.vector_store %arg12[%swap3A_195, %swap3A_196, %swap3A_197], %broadcast_in_dim3A_1 {strides = array<i32>} : memref<2x96x128xf32, #tpu.memory_space<vmem>>, vector<16xf32>,
      %swap3A_199 = arith.constant 0 : i32
      %swap3A_200 = arith.index_cast %swap3A_199 : i32 to index
      %swap3A_201 = arith.index_cast %scan3A_189 : i32 to index
      %swap3A_202 = arith.constant 32 : index
      %swap3A_203 = tpu.vector_load %arg12[%swap3A_200, %swap3A_201, %swap3A_202] {strides = array<i32>} : memref<2x96x128xf32, #tpu.memory_space<vmem>>, vector<16xf32>,
      tpu.vector_store %arg12[%swap3A_200, %swap3A_201, %swap3A_202], %broadcast_in_dim3A_1 {strides = array<i32>} : memref<2x96x128xf32, #tpu.memory_space<vmem>>, vector<16xf32>,
      %swap3A_204 = arith.constant 0 : i32
      %swap3A_205 = arith.index_cast %swap3A_204 : i32 to index
      %swap3A_206 = arith.index_cast %scan3A_189 : i32 to index
      %swap3A_207 = arith.constant 48 : index
      %swap3A_208 = tpu.vector_load %arg12[%swap3A_205, %swap3A_206, %swap3A_207] {strides = array<i32>} : memref<2x96x128xf32, #tpu.memory_space<vmem>>, vector<16xf32>,
      tpu.vector_store %arg12[%swap3A_205, %swap3A_206, %swap3A_207], %broadcast_in_dim3A_1 {strides = array<i32>} : memref<2x96x128xf32, #tpu.memory_space<vmem>>, vector<16xf32>,
      %swap3A_209 = arith.constant 0 : i32
      %swap3A_210 = arith.index_cast %swap3A_209 : i32 to index
      %swap3A_211 = arith.index_cast %scan3A_189 : i32 to index
      %swap3A_212 = arith.constant 64 : index
      %swap3A_213 = tpu.vector_load %arg12[%swap3A_210, %swap3A_211, %swap3A_212] {strides = array<i32>} : memref<2x96x128xf32, #tpu.memory_space<vmem>>, vector<16xf32>,
      tpu.vector_store %arg12[%swap3A_210, %swap3A_211, %swap3A_212], %broadcast_in_dim3A_1 {strides = array<i32>} : memref<2x96x128xf32, #tpu.memory_space<vmem>>, vector<16xf32>,
      %swap3A_214 = arith.constant 0 : i32
      %swap3A_215 = arith.index_cast %swap3A_214 : i32 to index
      %swap3A_216 = arith.index_cast %scan3A_189 : i32 to index
      %swap3A_217 = arith.constant 80 : index
      %swap3A_218 = tpu.vector_load %arg12[%swap3A_215, %swap3A_216, %swap3A_217] {strides = array<i32>} : memref<2x96x128xf32, #tpu.memory_space<vmem>>, vector<16xf32>,
      tpu.vector_store %arg12[%swap3A_215, %swap3A_216, %swap3A_217], %broadcast_in_dim3A_1 {strides = array<i32>} : memref<2x96x128xf32, #tpu.memory_space<vmem>>, vector<16xf32>,
      %swap3A_219 = arith.constant 0 : i32
      %swap3A_220 = arith.index_cast %swap3A_219 : i32 to index
      %swap3A_221 = arith.index_cast %scan3A_189 : i32 to index
      %swap3A_222 = arith.constant 96 : index
      %swap3A_223 = tpu.vector_load %arg12[%swap3A_220, %swap3A_221, %swap3A_222] {strides = array<i32>} : memref<2x96x128xf32, #tpu.memory_space<vmem>>, vector<16xf32>,
      tpu.vector_store %arg12[%swap3A_220, %swap3A_221, %swap3A_222], %broadcast_in_dim3A_1 {strides = array<i32>} : memref<2x96x128xf32, #tpu.memory_space<vmem>>, vector<16xf32>,
      %swap3A_224 = arith.constant 0 : i32
      %swap3A_225 = arith.index_cast %swap3A_224 : i32 to index
      %swap3A_226 = arith.index_cast %scan3A_189 : i32 to index
      %swap3A_227 = arith.constant 112 : index
      %swap3A_228 = tpu.vector_load %arg12[%swap3A_225, %swap3A_226, %swap3A_227] {strides = array<i32>} : memref<2x96x128xf32, #tpu.memory_space<vmem>>, vector<16xf32>,
      tpu.vector_store %arg12[%swap3A_225, %swap3A_226, %swap3A_227], %broadcast_in_dim3A_1 {strides = array<i32>} : memref<2x96x128xf32, #tpu.memory_space<vmem>>, vector<16xf32>,
    }
    %scan3A_6 = arith.constant 64 : i32
    %mul3A_7 = arith.constant 640 : i32
    %mul3A_8 = arith.muli %arg1, %mul3A_7 : i32
    %add3A_9 = arith.constant 0 : i32
    %add3A_10 = arith.addi %mul3A_8, %add3A_9 : i32
    %run_scoped3A = arith.constant 0 : i32
    "tpu.region"() ({
      %run_scoped3A_189 = tpu.sem_alloc : memref<!tpu.dma_semaphore, #tpu.memory_space<semaphore_mem>>
      %dma_start3A_190 = arith.constant 0 : i32
      %dma_start3A_191 = arith.constant 0 : i32
      %dma_start3A_192 = tpu.memref_slice %arg12[%run_scoped3A, %dma_start3A_190, %dma_start3A_191] : memref<2x96x128xf32, #tpu.memory_space<vmem>> -> memref<1x64x128xf32, #tpu.memory_space<vmem>>
      %dma_start3A_193 = tpu.memref_squeeze %dma_start3A_192 : memref<1x64x128xf32, #tpu.memory_space<vmem>> -> memref<64x128xf32, #tpu.memory_space<vmem>>
      %dma_start3A_194 = arith.constant 0 : i32
      %dma_start3A_195 = tpu.memref_slice %arg15[%add3A_10, %dma_start3A_194] : memref<10240x128xf32, #tpu.memory_space<vmem_shared>> -> memref<64x128xf32, #tpu.memory_space<vmem_shared>>
      %dma_start3A_196 = arith.constant 0 : i32
      %dma_start3A_197 = tpu.memref_slice %arg15[%add3A_10, %dma_start3A_196] : memref<10240x128xf32, #tpu.memory_space<vmem_shared>> -> memref<64x128xf32, #tpu.memory_space<vmem_shared>>
      %dma_start3A_198 = arith.constant 0 : i32
      %dma_start3A_199 = arith.constant 0 : i32
      %dma_start3A_200 = tpu.memref_slice %arg12[%run_scoped3A, %dma_start3A_198, %dma_start3A_199] : memref<2x96x128xf32, #tpu.memory_space<vmem>> -> memref<1x64x128xf32, #tpu.memory_space<vmem>>
      %dma_start3A_201 = tpu.memref_squeeze %dma_start3A_200 : memref<1x64x128xf32, #tpu.memory_space<vmem>> -> memref<64x128xf32, #tpu.memory_space<vmem>>
      tpu.enqueue_dma source(%dma_start3A_201 : memref<64x128xf32, #tpu.memory_space<vmem>>) target(%dma_start3A_197 : memref<64x128xf32, #tpu.memory_space<vmem_shared>>) target_semaphore(%run_scoped3A_189 : memref<!tpu.dma_semaphore, #tpu.memory_space<semaphore_mem>>)
      %dma_wait3A_202 = arith.constant 0 : i32
      %dma_wait3A_203 = arith.constant 0 : i32
      %dma_wait3A_204 = tpu.memref_slice %arg12[%run_scoped3A, %dma_wait3A_202, %dma_wait3A_203] : memref<2x96x128xf32, #tpu.memory_space<vmem>> -> memref<1x64x128xf32, #tpu.memory_space<vmem>>
      %dma_wait3A_205 = tpu.memref_squeeze %dma_wait3A_204 : memref<1x64x128xf32, #tpu.memory_space<vmem>> -> memref<64x128xf32, #tpu.memory_space<vmem>>
      %dma_wait3A_206 = arith.constant 0 : i32
      %dma_wait3A_207 = tpu.memref_slice %arg15[%add3A_10, %dma_wait3A_206] : memref<10240x128xf32, #tpu.memory_space<vmem_shared>> -> memref<64x128xf32, #tpu.memory_space<vmem_shared>>
      %dma_wait3A_208 = arith.constant 0 : i32
      %dma_wait3A_209 = tpu.memref_slice %arg15[%add3A_10, %dma_wait3A_208] : memref<10240x128xf32, #tpu.memory_space<vmem_shared>> -> memref<64x128xf32, #tpu.memory_space<vmem_shared>>
      %dma_wait3A_210 = arith.constant 0 : i32
      %dma_wait3A_211 = arith.constant 0 : i32
      %dma_wait3A_212 = tpu.memref_slice %arg12[%run_scoped3A, %dma_wait3A_210, %dma_wait3A_211] : memref<2x96x128xf32, #tpu.memory_space<vmem>> -> memref<1x64x128xf32, #tpu.memory_space<vmem>>
      %dma_wait3A_213 = tpu.memref_squeeze %dma_wait3A_212 : memref<1x64x128xf32, #tpu.memory_space<vmem>> -> memref<64x128xf32, #tpu.memory_space<vmem>>
      tpu.wait_dma2 semaphore(%run_scoped3A_189 : memref<!tpu.dma_semaphore, #tpu.memory_space<semaphore_mem>>) src(%dma_wait3A_213 : memref<64x128xf32, #tpu.memory_space<vmem>>) dst(%dma_wait3A_209 : memref<64x128xf32, #tpu.memory_space<vmem_shared>>)
      tpu.yield
    }) : () -> ()
    %mul3A_11 = arith.constant 640 : i32
    %mul3A_12 = arith.muli %arg1, %mul3A_11 : i32
    %add3A_13 = arith.constant 64 : i32
    %add3A_14 = arith.addi %mul3A_12, %add3A_13 : i32
    %run_scoped3A_15 = arith.constant 0 : i32
    "tpu.region"() ({
      %run_scoped3A_189 = tpu.sem_alloc : memref<!tpu.dma_semaphore, #tpu.memory_space<semaphore_mem>>
      %dma_start3A_190 = arith.constant 0 : i32
      %dma_start3A_191 = arith.constant 0 : i32
      %dma_start3A_192 = tpu.memref_slice %arg12[%run_scoped3A_15, %dma_start3A_190, %dma_start3A_191] : memref<2x96x128xf32, #tpu.memory_space<vmem>> -> memref<1x64x128xf32, #tpu.memory_space<vmem>>
      %dma_start3A_193 = tpu.memref_squeeze %dma_start3A_192 : memref<1x64x128xf32, #tpu.memory_space<vmem>> -> memref<64x128xf32, #tpu.memory_space<vmem>>
      %dma_start3A_194 = arith.constant 0 : i32
      %dma_start3A_195 = tpu.memref_slice %arg15[%add3A_14, %dma_start3A_194] : memref<10240x128xf32, #tpu.memory_space<vmem_shared>> -> memref<64x128xf32, #tpu.memory_space<vmem_shared>>
      %dma_start3A_196 = arith.constant 0 : i32
      %dma_start3A_197 = tpu.memref_slice %arg15[%add3A_14, %dma_start3A_196] : memref<10240x128xf32, #tpu.memory_space<vmem_shared>> -> memref<64x128xf32, #tpu.memory_space<vmem_shared>>
      %dma_start3A_198 = arith.constant 0 : i32
      %dma_start3A_199 = arith.constant 0 : i32
      %dma_start3A_200 = tpu.memref_slice %arg12[%run_scoped3A_15, %dma_start3A_198, %dma_start3A_199] : memref<2x96x128xf32, #tpu.memory_space<vmem>> -> memref<1x64x128xf32, #tpu.memory_space<vmem>>
      %dma_start3A_201 = tpu.memref_squeeze %dma_start3A_200 : memref<1x64x128xf32, #tpu.memory_space<vmem>> -> memref<64x128xf32, #tpu.memory_space<vmem>>
      tpu.enqueue_dma source(%dma_start3A_201 : memref<64x128xf32, #tpu.memory_space<vmem>>) target(%dma_start3A_197 : memref<64x128xf32, #tpu.memory_space<vmem_shared>>) target_semaphore(%run_scoped3A_189 : memref<!tpu.dma_semaphore, #tpu.memory_space<semaphore_mem>>)
      %dma_wait3A_202 = arith.constant 0 : i32
      %dma_wait3A_203 = arith.constant 0 : i32
      %dma_wait3A_204 = tpu.memref_slice %arg12[%run_scoped3A_15, %dma_wait3A_202, %dma_wait3A_203] : memref<2x96x128xf32, #tpu.memory_space<vmem>> -> memref<1x64x128xf32, #tpu.memory_space<vmem>>
      %dma_wait3A_205 = tpu.memref_squeeze %dma_wait3A_204 : memref<1x64x128xf32, #tpu.memory_space<vmem>> -> memref<64x128xf32, #tpu.memory_space<vmem>>
      %dma_wait3A_206 = arith.constant 0 : i32
      %dma_wait3A_207 = tpu.memref_slice %arg15[%add3A_14, %dma_wait3A_206] : memref<10240x128xf32, #tpu.memory_space<vmem_shared>> -> memref<64x128xf32, #tpu.memory_space<vmem_shared>>
      %dma_wait3A_208 = arith.constant 0 : i32
      %dma_wait3A_209 = tpu.memref_slice %arg15[%add3A_14, %dma_wait3A_208] : memref<10240x128xf32, #tpu.memory_space<vmem_shared>> -> memref<64x128xf32, #tpu.memory_space<vmem_shared>>
      %dma_wait3A_210 = arith.constant 0 : i32
      %dma_wait3A_211 = arith.constant 0 : i32
      %dma_wait3A_212 = tpu.memref_slice %arg12[%run_scoped3A_15, %dma_wait3A_210, %dma_wait3A_211] : memref<2x96x128xf32, #tpu.memory_space<vmem>> -> memref<1x64x128xf32, #tpu.memory_space<vmem>>
      %dma_wait3A_213 = tpu.memref_squeeze %dma_wait3A_212 : memref<1x64x128xf32, #tpu.memory_space<vmem>> -> memref<64x128xf32, #tpu.memory_space<vmem>>
      tpu.wait_dma2 semaphore(%run_scoped3A_189 : memref<!tpu.dma_semaphore, #tpu.memory_space<semaphore_mem>>) src(%dma_wait3A_213 : memref<64x128xf32, #tpu.memory_space<vmem>>) dst(%dma_wait3A_209 : memref<64x128xf32, #tpu.memory_space<vmem_shared>>)
      tpu.yield
    }) : () -> ()
    %mul3A_16 = arith.constant 640 : i32
    %mul3A_17 = arith.muli %arg1, %mul3A_16 : i32
    %add3A_18 = arith.constant 128 : i32
    %add3A_19 = arith.addi %mul3A_17, %add3A_18 : i32
    %run_scoped3A_20 = arith.constant 0 : i32
    "tpu.region"() ({
      %run_scoped3A_189 = tpu.sem_alloc : memref<!tpu.dma_semaphore, #tpu.memory_space<semaphore_mem>>
      %dma_start3A_190 = arith.constant 0 : i32
      %dma_start3A_191 = arith.constant 0 : i32
      %dma_start3A_192 = tpu.memref_slice %arg12[%run_scoped3A_20, %dma_start3A_190, %dma_start3A_191] : memref<2x96x128xf32, #tpu.memory_space<vmem>> -> memref<1x64x128xf32, #tpu.memory_space<vmem>>
      %dma_start3A_193 = tpu.memref_squeeze %dma_start3A_192 : memref<1x64x128xf32, #tpu.memory_space<vmem>> -> memref<64x128xf32, #tpu.memory_space<vmem>>
      %dma_start3A_194 = arith.constant 0 : i32
      %dma_start3A_195 = tpu.memref_slice %arg15[%add3A_19, %dma_start3A_194] : memref<10240x128xf32, #tpu.memory_space<vmem_shared>> -> memref<64x128xf32, #tpu.memory_space<vmem_shared>>
      %dma_start3A_196 = arith.constant 0 : i32
      %dma_start3A_197 = tpu.memref_slice %arg15[%add3A_19, %dma_start3A_196] : memref<10240x128xf32, #tpu.memory_space<vmem_shared>> -> memref<64x128xf32, #tpu.memory_space<vmem_shared>>
      %dma_start3A_198 = arith.constant 0 : i32
      %dma_start3A_199 = arith.constant 0 : i32
      %dma_start3A_200 = tpu.memref_slice %arg12[%run_scoped3A_20, %dma_start3A_198, %dma_start3A_199] : memref<2x96x128xf32, #tpu.memory_space<vmem>> -> memref<1x64x128xf32, #tpu.memory_space<vmem>>
      %dma_start3A_201 = tpu.memref_squeeze %dma_start3A_200 : memref<1x64x128xf32, #tpu.memory_space<vmem>> -> memref<64x128xf32, #tpu.memory_space<vmem>>
      tpu.enqueue_dma source(%dma_start3A_201 : memref<64x128xf32, #tpu.memory_space<vmem>>) target(%dma_start3A_197 : memref<64x128xf32, #tpu.memory_space<vmem_shared>>) target_semaphore(%run_scoped3A_189 : memref<!tpu.dma_semaphore, #tpu.memory_space<semaphore_mem>>)
      %dma_wait3A_202 = arith.constant 0 : i32
      %dma_wait3A_203 = arith.constant 0 : i32
      %dma_wait3A_204 = tpu.memref_slice %arg12[%run_scoped3A_20, %dma_wait3A_202, %dma_wait3A_203] : memref<2x96x128xf32, #tpu.memory_space<vmem>> -> memref<1x64x128xf32, #tpu.memory_space<vmem>>
      %dma_wait3A_205 = tpu.memref_squeeze %dma_wait3A_204 : memref<1x64x128xf32, #tpu.memory_space<vmem>> -> memref<64x128xf32, #tpu.memory_space<vmem>>
      %dma_wait3A_206 = arith.constant 0 : i32
      %dma_wait3A_207 = tpu.memref_slice %arg15[%add3A_19, %dma_wait3A_206] : memref<10240x128xf32, #tpu.memory_space<vmem_shared>> -> memref<64x128xf32, #tpu.memory_space<vmem_shared>>
      %dma_wait3A_208 = arith.constant 0 : i32
      %dma_wait3A_209 = tpu.memref_slice %arg15[%add3A_19, %dma_wait3A_208] : memref<10240x128xf32, #tpu.memory_space<vmem_shared>> -> memref<64x128xf32, #tpu.memory_space<vmem_shared>>
      %dma_wait3A_210 = arith.constant 0 : i32
      %dma_wait3A_211 = arith.constant 0 : i32
      %dma_wait3A_212 = tpu.memref_slice %arg12[%run_scoped3A_20, %dma_wait3A_210, %dma_wait3A_211] : memref<2x96x128xf32, #tpu.memory_space<vmem>> -> memref<1x64x128xf32, #tpu.memory_space<vmem>>
      %dma_wait3A_213 = tpu.memref_squeeze %dma_wait3A_212 : memref<1x64x128xf32, #tpu.memory_space<vmem>> -> memref<64x128xf32, #tpu.memory_space<vmem>>
      tpu.wait_dma2 semaphore(%run_scoped3A_189 : memref<!tpu.dma_semaphore, #tpu.memory_space<semaphore_mem>>) src(%dma_wait3A_213 : memref<64x128xf32, #tpu.memory_space<vmem>>) dst(%dma_wait3A_209 : memref<64x128xf32, #tpu.memory_space<vmem_shared>>)
      tpu.yield
    }) : () -> ()
    %mul3A_21 = arith.constant 640 : i32
    %mul3A_22 = arith.muli %arg1, %mul3A_21 : i32
    %add3A_23 = arith.constant 192 : i32
    %add3A_24 = arith.addi %mul3A_22, %add3A_23 : i32
    %run_scoped3A_25 = arith.constant 0 : i32
    "tpu.region"() ({
      %run_scoped3A_189 = tpu.sem_alloc : memref<!tpu.dma_semaphore, #tpu.memory_space<semaphore_mem>>
      %dma_start3A_190 = arith.constant 0 : i32
      %dma_start3A_191 = arith.constant 0 : i32
      %dma_start3A_192 = tpu.memref_slice %arg12[%run_scoped3A_25, %dma_start3A_190, %dma_start3A_191] : memref<2x96x128xf32, #tpu.memory_space<vmem>> -> memref<1x64x128xf32, #tpu.memory_space<vmem>>
      %dma_start3A_193 = tpu.memref_squeeze %dma_start3A_192 : memref<1x64x128xf32, #tpu.memory_space<vmem>> -> memref<64x128xf32, #tpu.memory_space<vmem>>
      %dma_start3A_194 = arith.constant 0 : i32
      %dma_start3A_195 = tpu.memref_slice %arg15[%add3A_24, %dma_start3A_194] : memref<10240x128xf32, #tpu.memory_space<vmem_shared>> -> memref<64x128xf32, #tpu.memory_space<vmem_shared>>
      %dma_start3A_196 = arith.constant 0 : i32
      %dma_start3A_197 = tpu.memref_slice %arg15[%add3A_24, %dma_start3A_196] : memref<10240x128xf32, #tpu.memory_space<vmem_shared>> -> memref<64x128xf32, #tpu.memory_space<vmem_shared>>
      %dma_start3A_198 = arith.constant 0 : i32
      %dma_start3A_199 = arith.constant 0 : i32
      %dma_start3A_200 = tpu.memref_slice %arg12[%run_scoped3A_25, %dma_start3A_198, %dma_start3A_199] : memref<2x96x128xf32, #tpu.memory_space<vmem>> -> memref<1x64x128xf32, #tpu.memory_space<vmem>>
      %dma_start3A_201 = tpu.memref_squeeze %dma_start3A_200 : memref<1x64x128xf32, #tpu.memory_space<vmem>> -> memref<64x128xf32, #tpu.memory_space<vmem>>
      tpu.enqueue_dma source(%dma_start3A_201 : memref<64x128xf32, #tpu.memory_space<vmem>>) target(%dma_start3A_197 : memref<64x128xf32, #tpu.memory_space<vmem_shared>>) target_semaphore(%run_scoped3A_189 : memref<!tpu.dma_semaphore, #tpu.memory_space<semaphore_mem>>)
      %dma_wait3A_202 = arith.constant 0 : i32
      %dma_wait3A_203 = arith.constant 0 : i32
      %dma_wait3A_204 = tpu.memref_slice %arg12[%run_scoped3A_25, %dma_wait3A_202, %dma_wait3A_203] : memref<2x96x128xf32, #tpu.memory_space<vmem>> -> memref<1x64x128xf32, #tpu.memory_space<vmem>>
      %dma_wait3A_205 = tpu.memref_squeeze %dma_wait3A_204 : memref<1x64x128xf32, #tpu.memory_space<vmem>> -> memref<64x128xf32, #tpu.memory_space<vmem>>
      %dma_wait3A_206 = arith.constant 0 : i32
      %dma_wait3A_207 = tpu.memref_slice %arg15[%add3A_24, %dma_wait3A_206] : memref<10240x128xf32, #tpu.memory_space<vmem_shared>> -> memref<64x128xf32, #tpu.memory_space<vmem_shared>>
      %dma_wait3A_208 = arith.constant 0 : i32
      %dma_wait3A_209 = tpu.memref_slice %arg15[%add3A_24, %dma_wait3A_208] : memref<10240x128xf32, #tpu.memory_space<vmem_shared>> -> memref<64x128xf32, #tpu.memory_space<vmem_shared>>
      %dma_wait3A_210 = arith.constant 0 : i32
      %dma_wait3A_211 = arith.constant 0 : i32
      %dma_wait3A_212 = tpu.memref_slice %arg12[%run_scoped3A_25, %dma_wait3A_210, %dma_wait3A_211] : memref<2x96x128xf32, #tpu.memory_space<vmem>> -> memref<1x64x128xf32, #tpu.memory_space<vmem>>
      %dma_wait3A_213 = tpu.memref_squeeze %dma_wait3A_212 : memref<1x64x128xf32, #tpu.memory_space<vmem>> -> memref<64x128xf32, #tpu.memory_space<vmem>>
      tpu.wait_dma2 semaphore(%run_scoped3A_189 : memref<!tpu.dma_semaphore, #tpu.memory_space<semaphore_mem>>) src(%dma_wait3A_213 : memref<64x128xf32, #tpu.memory_space<vmem>>) dst(%dma_wait3A_209 : memref<64x128xf32, #tpu.memory_space<vmem_shared>>)
      tpu.yield
    }) : () -> ()
    %mul3A_26 = arith.constant 640 : i32
    %mul3A_27 = arith.muli %arg1, %mul3A_26 : i32
    %add3A_28 = arith.constant 256 : i32
    %add3A_29 = arith.addi %mul3A_27, %add3A_28 : i32
    %run_scoped3A_30 = arith.constant 0 : i32
    "tpu.region"() ({
      %run_scoped3A_189 = tpu.sem_alloc : memref<!tpu.dma_semaphore, #tpu.memory_space<semaphore_mem>>
      %dma_start3A_190 = arith.constant 0 : i32
      %dma_start3A_191 = arith.constant 0 : i32
      %dma_start3A_192 = tpu.memref_slice %arg12[%run_scoped3A_30, %dma_start3A_190, %dma_start3A_191] : memref<2x96x128xf32, #tpu.memory_space<vmem>> -> memref<1x64x128xf32, #tpu.memory_space<vmem>>
      %dma_start3A_193 = tpu.memref_squeeze %dma_start3A_192 : memref<1x64x128xf32, #tpu.memory_space<vmem>> -> memref<64x128xf32, #tpu.memory_space<vmem>>
      %dma_start3A_194 = arith.constant 0 : i32
      %dma_start3A_195 = tpu.memref_slice %arg15[%add3A_29, %dma_start3A_194] : memref<10240x128xf32, #tpu.memory_space<vmem_shared>> -> memref<64x128xf32, #tpu.memory_space<vmem_shared>>
      %dma_start3A_196 = arith.constant 0 : i32
      %dma_start3A_197 = tpu.memref_slice %arg15[%add3A_29, %dma_start3A_196] : memref<10240x128xf32, #tpu.memory_space<vmem_shared>> -> memref<64x128xf32, #tpu.memory_space<vmem_shared>>
      %dma_start3A_198 = arith.constant 0 : i32
      %dma_start3A_199 = arith.constant 0 : i32
      %dma_start3A_200 = tpu.memref_slice %arg12[%run_scoped3A_30, %dma_start3A_198, %dma_start3A_199] : memref<2x96x128xf32, #tpu.memory_space<vmem>> -> memref<1x64x128xf32, #tpu.memory_space<vmem>>
      %dma_start3A_201 = tpu.memref_squeeze %dma_start3A_200 : memref<1x64x128xf32, #tpu.memory_space<vmem>> -> memref<64x128xf32, #tpu.memory_space<vmem>>
      tpu.enqueue_dma source(%dma_start3A_201 : memref<64x128xf32, #tpu.memory_space<vmem>>) target(%dma_start3A_197 : memref<64x128xf32, #tpu.memory_space<vmem_shared>>) target_semaphore(%run_scoped3A_189 : memref<!tpu.dma_semaphore, #tpu.memory_space<semaphore_mem>>)
      %dma_wait3A_202 = arith.constant 0 : i32
      %dma_wait3A_203 = arith.constant 0 : i32
      %dma_wait3A_204 = tpu.memref_slice %arg12[%run_scoped3A_30, %dma_wait3A_202, %dma_wait3A_203] : memref<2x96x128xf32, #tpu.memory_space<vmem>> -> memref<1x64x128xf32, #tpu.memory_space<vmem>>
      %dma_wait3A_205 = tpu.memref_squeeze %dma_wait3A_204 : memref<1x64x128xf32, #tpu.memory_space<vmem>> -> memref<64x128xf32, #tpu.memory_space<vmem>>
      %dma_wait3A_206 = arith.constant 0 : i32
      %dma_wait3A_207 = tpu.memref_slice %arg15[%add3A_29, %dma_wait3A_206] : memref<10240x128xf32, #tpu.memory_space<vmem_shared>> -> memref<64x128xf32, #tpu.memory_space<vmem_shared>>
      %dma_wait3A_208 = arith.constant 0 : i32
      %dma_wait3A_209 = tpu.memref_slice %arg15[%add3A_29, %dma_wait3A_208] : memref<10240x128xf32, #tpu.memory_space<vmem_shared>> -> memref<64x128xf32, #tpu.memory_space<vmem_shared>>
      %dma_wait3A_210 = arith.constant 0 : i32
      %dma_wait3A_211 = arith.constant 0 : i32
      %dma_wait3A_212 = tpu.memref_slice %arg12[%run_scoped3A_30, %dma_wait3A_210, %dma_wait3A_211] : memref<2x96x128xf32, #tpu.memory_space<vmem>> -> memref<1x64x128xf32, #tpu.memory_space<vmem>>
      %dma_wait3A_213 = tpu.memref_squeeze %dma_wait3A_212 : memref<1x64x128xf32, #tpu.memory_space<vmem>> -> memref<64x128xf32, #tpu.memory_space<vmem>>
      tpu.wait_dma2 semaphore(%run_scoped3A_189 : memref<!tpu.dma_semaphore, #tpu.memory_space<semaphore_mem>>) src(%dma_wait3A_213 : memref<64x128xf32, #tpu.memory_space<vmem>>) dst(%dma_wait3A_209 : memref<64x128xf32, #tpu.memory_space<vmem_shared>>)
      tpu.yield
    }) : () -> ()
    %mul3A_31 = arith.constant 640 : i32
    %mul3A_32 = arith.muli %arg1, %mul3A_31 : i32
    %add3A_33 = arith.constant 320 : i32
    %add3A_34 = arith.addi %mul3A_32, %add3A_33 : i32
    %run_scoped3A_35 = arith.constant 0 : i32
    "tpu.region"() ({
      %run_scoped3A_189 = tpu.sem_alloc : memref<!tpu.dma_semaphore, #tpu.memory_space<semaphore_mem>>
      %dma_start3A_190 = arith.constant 0 : i32
      %dma_start3A_191 = arith.constant 0 : i32
      %dma_start3A_192 = tpu.memref_slice %arg12[%run_scoped3A_35, %dma_start3A_190, %dma_start3A_191] : memref<2x96x128xf32, #tpu.memory_space<vmem>> -> memref<1x64x128xf32, #tpu.memory_space<vmem>>
      %dma_start3A_193 = tpu.memref_squeeze %dma_start3A_192 : memref<1x64x128xf32, #tpu.memory_space<vmem>> -> memref<64x128xf32, #tpu.memory_space<vmem>>
      %dma_start3A_194 = arith.constant 0 : i32
      %dma_start3A_195 = tpu.memref_slice %arg15[%add3A_34, %dma_start3A_194] : memref<10240x128xf32, #tpu.memory_space<vmem_shared>> -> memref<64x128xf32, #tpu.memory_space<vmem_shared>>
      %dma_start3A_196 = arith.constant 0 : i32
      %dma_start3A_197 = tpu.memref_slice %arg15[%add3A_34, %dma_start3A_196] : memref<10240x128xf32, #tpu.memory_space<vmem_shared>> -> memref<64x128xf32, #tpu.memory_space<vmem_shared>>
      %dma_start3A_198 = arith.constant 0 : i32
      %dma_start3A_199 = arith.constant 0 : i32
      %dma_start3A_200 = tpu.memref_slice %arg12[%run_scoped3A_35, %dma_start3A_198, %dma_start3A_199] : memref<2x96x128xf32, #tpu.memory_space<vmem>> -> memref<1x64x128xf32, #tpu.memory_space<vmem>>
      %dma_start3A_201 = tpu.memref_squeeze %dma_start3A_200 : memref<1x64x128xf32, #tpu.memory_space<vmem>> -> memref<64x128xf32, #tpu.memory_space<vmem>>
      tpu.enqueue_dma source(%dma_start3A_201 : memref<64x128xf32, #tpu.memory_space<vmem>>) target(%dma_start3A_197 : memref<64x128xf32, #tpu.memory_space<vmem_shared>>) target_semaphore(%run_scoped3A_189 : memref<!tpu.dma_semaphore, #tpu.memory_space<semaphore_mem>>)
      %dma_wait3A_202 = arith.constant 0 : i32
      %dma_wait3A_203 = arith.constant 0 : i32
      %dma_wait3A_204 = tpu.memref_slice %arg12[%run_scoped3A_35, %dma_wait3A_202, %dma_wait3A_203] : memref<2x96x128xf32, #tpu.memory_space<vmem>> -> memref<1x64x128xf32, #tpu.memory_space<vmem>>
      %dma_wait3A_205 = tpu.memref_squeeze %dma_wait3A_204 : memref<1x64x128xf32, #tpu.memory_space<vmem>> -> memref<64x128xf32, #tpu.memory_space<vmem>>
      %dma_wait3A_206 = arith.constant 0 : i32
      %dma_wait3A_207 = tpu.memref_slice %arg15[%add3A_34, %dma_wait3A_206] : memref<10240x128xf32, #tpu.memory_space<vmem_shared>> -> memref<64x128xf32, #tpu.memory_space<vmem_shared>>
      %dma_wait3A_208 = arith.constant 0 : i32
      %dma_wait3A_209 = tpu.memref_slice %arg15[%add3A_34, %dma_wait3A_208] : memref<10240x128xf32, #tpu.memory_space<vmem_shared>> -> memref<64x128xf32, #tpu.memory_space<vmem_shared>>
      %dma_wait3A_210 = arith.constant 0 : i32
      %dma_wait3A_211 = arith.constant 0 : i32
      %dma_wait3A_212 = tpu.memref_slice %arg12[%run_scoped3A_35, %dma_wait3A_210, %dma_wait3A_211] : memref<2x96x128xf32, #tpu.memory_space<vmem>> -> memref<1x64x128xf32, #tpu.memory_space<vmem>>
      %dma_wait3A_213 = tpu.memref_squeeze %dma_wait3A_212 : memref<1x64x128xf32, #tpu.memory_space<vmem>> -> memref<64x128xf32, #tpu.memory_space<vmem>>
      tpu.wait_dma2 semaphore(%run_scoped3A_189 : memref<!tpu.dma_semaphore, #tpu.memory_space<semaphore_mem>>) src(%dma_wait3A_213 : memref<64x128xf32, #tpu.memory_space<vmem>>) dst(%dma_wait3A_209 : memref<64x128xf32, #tpu.memory_space<vmem_shared>>)
      tpu.yield
    }) : () -> ()
    %mul3A_36 = arith.constant 640 : i32
    %mul3A_37 = arith.muli %arg1, %mul3A_36 : i32
    %add3A_38 = arith.constant 384 : i32
    %add3A_39 = arith.addi %mul3A_37, %add3A_38 : i32
    %run_scoped3A_40 = arith.constant 0 : i32
    "tpu.region"() ({
      %run_scoped3A_189 = tpu.sem_alloc : memref<!tpu.dma_semaphore, #tpu.memory_space<semaphore_mem>>
      %dma_start3A_190 = arith.constant 0 : i32
      %dma_start3A_191 = arith.constant 0 : i32
      %dma_start3A_192 = tpu.memref_slice %arg12[%run_scoped3A_40, %dma_start3A_190, %dma_start3A_191] : memref<2x96x128xf32, #tpu.memory_space<vmem>> -> memref<1x64x128xf32, #tpu.memory_space<vmem>>
      %dma_start3A_193 = tpu.memref_squeeze %dma_start3A_192 : memref<1x64x128xf32, #tpu.memory_space<vmem>> -> memref<64x128xf32, #tpu.memory_space<vmem>>
      %dma_start3A_194 = arith.constant 0 : i32
      %dma_start3A_195 = tpu.memref_slice %arg15[%add3A_39, %dma_start3A_194] : memref<10240x128xf32, #tpu.memory_space<vmem_shared>> -> memref<64x128xf32, #tpu.memory_space<vmem_shared>>
      %dma_start3A_196 = arith.constant 0 : i32
      %dma_start3A_197 = tpu.memref_slice %arg15[%add3A_39, %dma_start3A_196] : memref<10240x128xf32, #tpu.memory_space<vmem_shared>> -> memref<64x128xf32, #tpu.memory_space<vmem_shared>>
      %dma_start3A_198 = arith.constant 0 : i32
      %dma_start3A_199 = arith.constant 0 : i32
      %dma_start3A_200 = tpu.memref_slice %arg12[%run_scoped3A_40, %dma_start3A_198, %dma_start3A_199] : memref<2x96x128xf32, #tpu.memory_space<vmem>> -> memref<1x64x128xf32, #tpu.memory_space<vmem>>
      %dma_start3A_201 = tpu.memref_squeeze %dma_start3A_200 : memref<1x64x128xf32, #tpu.memory_space<vmem>> -> memref<64x128xf32, #tpu.memory_space<vmem>>
      tpu.enqueue_dma source(%dma_start3A_201 : memref<64x128xf32, #tpu.memory_space<vmem>>) target(%dma_start3A_197 : memref<64x128xf32, #tpu.memory_space<vmem_shared>>) target_semaphore(%run_scoped3A_189 : memref<!tpu.dma_semaphore, #tpu.memory_space<semaphore_mem>>)
      %dma_wait3A_202 = arith.constant 0 : i32
      %dma_wait3A_203 = arith.constant 0 : i32
      %dma_wait3A_204 = tpu.memref_slice %arg12[%run_scoped3A_40, %dma_wait3A_202, %dma_wait3A_203] : memref<2x96x128xf32, #tpu.memory_space<vmem>> -> memref<1x64x128xf32, #tpu.memory_space<vmem>>
      %dma_wait3A_205 = tpu.memref_squeeze %dma_wait3A_204 : memref<1x64x128xf32, #tpu.memory_space<vmem>> -> memref<64x128xf32, #tpu.memory_space<vmem>>
      %dma_wait3A_206 = arith.constant 0 : i32
      %dma_wait3A_207 = tpu.memref_slice %arg15[%add3A_39, %dma_wait3A_206] : memref<10240x128xf32, #tpu.memory_space<vmem_shared>> -> memref<64x128xf32, #tpu.memory_space<vmem_shared>>
      %dma_wait3A_208 = arith.constant 0 : i32
      %dma_wait3A_209 = tpu.memref_slice %arg15[%add3A_39, %dma_wait3A_208] : memref<10240x128xf32, #tpu.memory_space<vmem_shared>> -> memref<64x128xf32, #tpu.memory_space<vmem_shared>>
      %dma_wait3A_210 = arith.constant 0 : i32
      %dma_wait3A_211 = arith.constant 0 : i32
      %dma_wait3A_212 = tpu.memref_slice %arg12[%run_scoped3A_40, %dma_wait3A_210, %dma_wait3A_211] : memref<2x96x128xf32, #tpu.memory_space<vmem>> -> memref<1x64x128xf32, #tpu.memory_space<vmem>>
      %dma_wait3A_213 = tpu.memref_squeeze %dma_wait3A_212 : memref<1x64x128xf32, #tpu.memory_space<vmem>> -> memref<64x128xf32, #tpu.memory_space<vmem>>
      tpu.wait_dma2 semaphore(%run_scoped3A_189 : memref<!tpu.dma_semaphore, #tpu.memory_space<semaphore_mem>>) src(%dma_wait3A_213 : memref<64x128xf32, #tpu.memory_space<vmem>>) dst(%dma_wait3A_209 : memref<64x128xf32, #tpu.memory_space<vmem_shared>>)
      tpu.yield
    }) : () -> ()
    %mul3A_41 = arith.constant 640 : i32
    %mul3A_42 = arith.muli %arg1, %mul3A_41 : i32
    %add3A_43 = arith.constant 448 : i32
    %add3A_44 = arith.addi %mul3A_42, %add3A_43 : i32
    %run_scoped3A_45 = arith.constant 0 : i32
    "tpu.region"() ({
      %run_scoped3A_189 = tpu.sem_alloc : memref<!tpu.dma_semaphore, #tpu.memory_space<semaphore_mem>>
      %dma_start3A_190 = arith.constant 0 : i32
      %dma_start3A_191 = arith.constant 0 : i32
      %dma_start3A_192 = tpu.memref_slice %arg12[%run_scoped3A_45, %dma_start3A_190, %dma_start3A_191] : memref<2x96x128xf32, #tpu.memory_space<vmem>> -> memref<1x64x128xf32, #tpu.memory_space<vmem>>
      %dma_start3A_193 = tpu.memref_squeeze %dma_start3A_192 : memref<1x64x128xf32, #tpu.memory_space<vmem>> -> memref<64x128xf32, #tpu.memory_space<vmem>>
      %dma_start3A_194 = arith.constant 0 : i32
      %dma_start3A_195 = tpu.memref_slice %arg15[%add3A_44, %dma_start3A_194] : memref<10240x128xf32, #tpu.memory_space<vmem_shared>> -> memref<64x128xf32, #tpu.memory_space<vmem_shared>>
      %dma_start3A_196 = arith.constant 0 : i32
      %dma_start3A_197 = tpu.memref_slice %arg15[%add3A_44, %dma_start3A_196] : memref<10240x128xf32, #tpu.memory_space<vmem_shared>> -> memref<64x128xf32, #tpu.memory_space<vmem_shared>>
      %dma_start3A_198 = arith.constant 0 : i32
      %dma_start3A_199 = arith.constant 0 : i32
      %dma_start3A_200 = tpu.memref_slice %arg12[%run_scoped3A_45, %dma_start3A_198, %dma_start3A_199] : memref<2x96x128xf32, #tpu.memory_space<vmem>> -> memref<1x64x128xf32, #tpu.memory_space<vmem>>
      %dma_start3A_201 = tpu.memref_squeeze %dma_start3A_200 : memref<1x64x128xf32, #tpu.memory_space<vmem>> -> memref<64x128xf32, #tpu.memory_space<vmem>>
      tpu.enqueue_dma source(%dma_start3A_201 : memref<64x128xf32, #tpu.memory_space<vmem>>) target(%dma_start3A_197 : memref<64x128xf32, #tpu.memory_space<vmem_shared>>) target_semaphore(%run_scoped3A_189 : memref<!tpu.dma_semaphore, #tpu.memory_space<semaphore_mem>>)
      %dma_wait3A_202 = arith.constant 0 : i32
      %dma_wait3A_203 = arith.constant 0 : i32
      %dma_wait3A_204 = tpu.memref_slice %arg12[%run_scoped3A_45, %dma_wait3A_202, %dma_wait3A_203] : memref<2x96x128xf32, #tpu.memory_space<vmem>> -> memref<1x64x128xf32, #tpu.memory_space<vmem>>
      %dma_wait3A_205 = tpu.memref_squeeze %dma_wait3A_204 : memref<1x64x128xf32, #tpu.memory_space<vmem>> -> memref<64x128xf32, #tpu.memory_space<vmem>>
      %dma_wait3A_206 = arith.constant 0 : i32
      %dma_wait3A_207 = tpu.memref_slice %arg15[%add3A_44, %dma_wait3A_206] : memref<10240x128xf32, #tpu.memory_space<vmem_shared>> -> memref<64x128xf32, #tpu.memory_space<vmem_shared>>
      %dma_wait3A_208 = arith.constant 0 : i32
      %dma_wait3A_209 = tpu.memref_slice %arg15[%add3A_44, %dma_wait3A_208] : memref<10240x128xf32, #tpu.memory_space<vmem_shared>> -> memref<64x128xf32, #tpu.memory_space<vmem_shared>>
      %dma_wait3A_210 = arith.constant 0 : i32
      %dma_wait3A_211 = arith.constant 0 : i32
      %dma_wait3A_212 = tpu.memref_slice %arg12[%run_scoped3A_45, %dma_wait3A_210, %dma_wait3A_211] : memref<2x96x128xf32, #tpu.memory_space<vmem>> -> memref<1x64x128xf32, #tpu.memory_space<vmem>>
      %dma_wait3A_213 = tpu.memref_squeeze %dma_wait3A_212 : memref<1x64x128xf32, #tpu.memory_space<vmem>> -> memref<64x128xf32, #tpu.memory_space<vmem>>
      tpu.wait_dma2 semaphore(%run_scoped3A_189 : memref<!tpu.dma_semaphore, #tpu.memory_space<semaphore_mem>>) src(%dma_wait3A_213 : memref<64x128xf32, #tpu.memory_space<vmem>>) dst(%dma_wait3A_209 : memref<64x128xf32, #tpu.memory_space<vmem_shared>>)
      tpu.yield
    }) : () -> ()
    %mul3A_46 = arith.constant 640 : i32
    %mul3A_47 = arith.muli %arg1, %mul3A_46 : i32
    %add3A_48 = arith.constant 512 : i32
    %add3A_49 = arith.addi %mul3A_47, %add3A_48 : i32
    %run_scoped3A_50 = arith.constant 0 : i32
    "tpu.region"() ({
      %run_scoped3A_189 = tpu.sem_alloc : memref<!tpu.dma_semaphore, #tpu.memory_space<semaphore_mem>>
      %dma_start3A_190 = arith.constant 0 : i32
      %dma_start3A_191 = arith.constant 0 : i32
      %dma_start3A_192 = tpu.memref_slice %arg12[%run_scoped3A_50, %dma_start3A_190, %dma_start3A_191] : memref<2x96x128xf32, #tpu.memory_space<vmem>> -> memref<1x64x128xf32, #tpu.memory_space<vmem>>
      %dma_start3A_193 = tpu.memref_squeeze %dma_start3A_192 : memref<1x64x128xf32, #tpu.memory_space<vmem>> -> memref<64x128xf32, #tpu.memory_space<vmem>>
      %dma_start3A_194 = arith.constant 0 : i32
      %dma_start3A_195 = tpu.memref_slice %arg15[%add3A_49, %dma_start3A_194] : memref<10240x128xf32, #tpu.memory_space<vmem_shared>> -> memref<64x128xf32, #tpu.memory_space<vmem_shared>>
      %dma_start3A_196 = arith.constant 0 : i32
      %dma_start3A_197 = tpu.memref_slice %arg15[%add3A_49, %dma_start3A_196] : memref<10240x128xf32, #tpu.memory_space<vmem_shared>> -> memref<64x128xf32, #tpu.memory_space<vmem_shared>>
      %dma_start3A_198 = arith.constant 0 : i32
      %dma_start3A_199 = arith.constant 0 : i32
      %dma_start3A_200 = tpu.memref_slice %arg12[%run_scoped3A_50, %dma_start3A_198, %dma_start3A_199] : memref<2x96x128xf32, #tpu.memory_space<vmem>> -> memref<1x64x128xf32, #tpu.memory_space<vmem>>
      %dma_start3A_201 = tpu.memref_squeeze %dma_start3A_200 : memref<1x64x128xf32, #tpu.memory_space<vmem>> -> memref<64x128xf32, #tpu.memory_space<vmem>>
      tpu.enqueue_dma source(%dma_start3A_201 : memref<64x128xf32, #tpu.memory_space<vmem>>) target(%dma_start3A_197 : memref<64x128xf32, #tpu.memory_space<vmem_shared>>) target_semaphore(%run_scoped3A_189 : memref<!tpu.dma_semaphore, #tpu.memory_space<semaphore_mem>>)
      %dma_wait3A_202 = arith.constant 0 : i32
      %dma_wait3A_203 = arith.constant 0 : i32
      %dma_wait3A_204 = tpu.memref_slice %arg12[%run_scoped3A_50, %dma_wait3A_202, %dma_wait3A_203] : memref<2x96x128xf32, #tpu.memory_space<vmem>> -> memref<1x64x128xf32, #tpu.memory_space<vmem>>
      %dma_wait3A_205 = tpu.memref_squeeze %dma_wait3A_204 : memref<1x64x128xf32, #tpu.memory_space<vmem>> -> memref<64x128xf32, #tpu.memory_space<vmem>>
      %dma_wait3A_206 = arith.constant 0 : i32
      %dma_wait3A_207 = tpu.memref_slice %arg15[%add3A_49, %dma_wait3A_206] : memref<10240x128xf32, #tpu.memory_space<vmem_shared>> -> memref<64x128xf32, #tpu.memory_space<vmem_shared>>
      %dma_wait3A_208 = arith.constant 0 : i32
      %dma_wait3A_209 = tpu.memref_slice %arg15[%add3A_49, %dma_wait3A_208] : memref<10240x128xf32, #tpu.memory_space<vmem_shared>> -> memref<64x128xf32, #tpu.memory_space<vmem_shared>>
      %dma_wait3A_210 = arith.constant 0 : i32
      %dma_wait3A_211 = arith.constant 0 : i32
      %dma_wait3A_212 = tpu.memref_slice %arg12[%run_scoped3A_50, %dma_wait3A_210, %dma_wait3A_211] : memref<2x96x128xf32, #tpu.memory_space<vmem>> -> memref<1x64x128xf32, #tpu.memory_space<vmem>>
      %dma_wait3A_213 = tpu.memref_squeeze %dma_wait3A_212 : memref<1x64x128xf32, #tpu.memory_space<vmem>> -> memref<64x128xf32, #tpu.memory_space<vmem>>
      tpu.wait_dma2 semaphore(%run_scoped3A_189 : memref<!tpu.dma_semaphore, #tpu.memory_space<semaphore_mem>>) src(%dma_wait3A_213 : memref<64x128xf32, #tpu.memory_space<vmem>>) dst(%dma_wait3A_209 : memref<64x128xf32, #tpu.memory_space<vmem_shared>>)
      tpu.yield
    }) : () -> ()
    %mul3A_51 = arith.constant 640 : i32
    %mul3A_52 = arith.muli %arg1, %mul3A_51 : i32
    %add3A_53 = arith.constant 576 : i32
    %add3A_54 = arith.addi %mul3A_52, %add3A_53 : i32
    %run_scoped3A_55 = arith.constant 0 : i32
    "tpu.region"() ({
      %run_scoped3A_189 = tpu.sem_alloc : memref<!tpu.dma_semaphore, #tpu.memory_space<semaphore_mem>>
      %dma_start3A_190 = arith.constant 0 : i32
      %dma_start3A_191 = arith.constant 0 : i32
      %dma_start3A_192 = tpu.memref_slice %arg12[%run_scoped3A_55, %dma_start3A_190, %dma_start3A_191] : memref<2x96x128xf32, #tpu.memory_space<vmem>> -> memref<1x64x128xf32, #tpu.memory_space<vmem>>
      %dma_start3A_193 = tpu.memref_squeeze %dma_start3A_192 : memref<1x64x128xf32, #tpu.memory_space<vmem>> -> memref<64x128xf32, #tpu.memory_space<vmem>>
      %dma_start3A_194 = arith.constant 0 : i32
      %dma_start3A_195 = tpu.memref_slice %arg15[%add3A_54, %dma_start3A_194] : memref<10240x128xf32, #tpu.memory_space<vmem_shared>> -> memref<64x128xf32, #tpu.memory_space<vmem_shared>>
      %dma_start3A_196 = arith.constant 0 : i32
      %dma_start3A_197 = tpu.memref_slice %arg15[%add3A_54, %dma_start3A_196] : memref<10240x128xf32, #tpu.memory_space<vmem_shared>> -> memref<64x128xf32, #tpu.memory_space<vmem_shared>>
      %dma_start3A_198 = arith.constant 0 : i32
      %dma_start3A_199 = arith.constant 0 : i32
      %dma_start3A_200 = tpu.memref_slice %arg12[%run_scoped3A_55, %dma_start3A_198, %dma_start3A_199] : memref<2x96x128xf32, #tpu.memory_space<vmem>> -> memref<1x64x128xf32, #tpu.memory_space<vmem>>
      %dma_start3A_201 = tpu.memref_squeeze %dma_start3A_200 : memref<1x64x128xf32, #tpu.memory_space<vmem>> -> memref<64x128xf32, #tpu.memory_space<vmem>>
      tpu.enqueue_dma source(%dma_start3A_201 : memref<64x128xf32, #tpu.memory_space<vmem>>) target(%dma_start3A_197 : memref<64x128xf32, #tpu.memory_space<vmem_shared>>) target_semaphore(%run_scoped3A_189 : memref<!tpu.dma_semaphore, #tpu.memory_space<semaphore_mem>>)
      %dma_wait3A_202 = arith.constant 0 : i32
      %dma_wait3A_203 = arith.constant 0 : i32
      %dma_wait3A_204 = tpu.memref_slice %arg12[%run_scoped3A_55, %dma_wait3A_202, %dma_wait3A_203] : memref<2x96x128xf32, #tpu.memory_space<vmem>> -> memref<1x64x128xf32, #tpu.memory_space<vmem>>
      %dma_wait3A_205 = tpu.memref_squeeze %dma_wait3A_204 : memref<1x64x128xf32, #tpu.memory_space<vmem>> -> memref<64x128xf32, #tpu.memory_space<vmem>>
      %dma_wait3A_206 = arith.constant 0 : i32
      %dma_wait3A_207 = tpu.memref_slice %arg15[%add3A_54, %dma_wait3A_206] : memref<10240x128xf32, #tpu.memory_space<vmem_shared>> -> memref<64x128xf32, #tpu.memory_space<vmem_shared>>
      %dma_wait3A_208 = arith.constant 0 : i32
      %dma_wait3A_209 = tpu.memref_slice %arg15[%add3A_54, %dma_wait3A_208] : memref<10240x128xf32, #tpu.memory_space<vmem_shared>> -> memref<64x128xf32, #tpu.memory_space<vmem_shared>>
      %dma_wait3A_210 = arith.constant 0 : i32
      %dma_wait3A_211 = arith.constant 0 : i32
      %dma_wait3A_212 = tpu.memref_slice %arg12[%run_scoped3A_55, %dma_wait3A_210, %dma_wait3A_211] : memref<2x96x128xf32, #tpu.memory_space<vmem>> -> memref<1x64x128xf32, #tpu.memory_space<vmem>>
      %dma_wait3A_213 = tpu.memref_squeeze %dma_wait3A_212 : memref<1x64x128xf32, #tpu.memory_space<vmem>> -> memref<64x128xf32, #tpu.memory_space<vmem>>
      tpu.wait_dma2 semaphore(%run_scoped3A_189 : memref<!tpu.dma_semaphore, #tpu.memory_space<semaphore_mem>>) src(%dma_wait3A_213 : memref<64x128xf32, #tpu.memory_space<vmem>>) dst(%dma_wait3A_209 : memref<64x128xf32, #tpu.memory_space<vmem_shared>>)
      tpu.yield
    }) : () -> ()
    %barrier3A = arith.constant 0 : index
    tpu.barrier barrier_id(%barrier3A)
    %dma_start3A = arith.constant 0 : i32
    %dma_start3A_56 = arith.constant 0 : i32
    %dma_start3A_57 = arith.constant 0 : i32
    %dma_start3A_58 = tpu.memref_slice %arg8[%dma_start3A_56, %dma_start3A_57] : memref<2x96xi32, #tpu.memory_space<vmem>> -> memref<1x96xi32, #tpu.memory_space<vmem>>
    %dma_start3A_59 = tpu.memref_squeeze %dma_start3A_58 : memref<1x96xi32, #tpu.memory_space<vmem>> -> memref<96xi32, #tpu.memory_space<vmem>>
    %dma_start3A_60 = arith.constant 0 : i32
    %dma_start3A_61 = tpu.memref_slice %arg5[%add3A, %dma_start3A, %dma_start3A_60] : memref<32x106x96xi32, #tpu.memory_space<hbm>> -> memref<1x1x96xi32, #tpu.memory_space<hbm>>
    %dma_start3A_62 = tpu.memref_squeeze %dma_start3A_61 : memref<1x1x96xi32, #tpu.memory_space<hbm>> -> memref<96xi32, #tpu.memory_space<hbm>>
    %dma_start3A_63 = arith.constant 0 : i32
    %dma_start3A_64 = tpu.memref_slice %arg8[%dma_start3A_56, %dma_start3A_63] : memref<2x96xi32, #tpu.memory_space<vmem>> -> memref<1x96xi32, #tpu.memory_space<vmem>>
    %dma_start3A_65 = tpu.memref_squeeze %dma_start3A_64 : memref<1x96xi32, #tpu.memory_space<vmem>> -> memref<96xi32, #tpu.memory_space<vmem>>
    %dma_start3A_66 = arith.constant 0 : i32
    %dma_start3A_67 = tpu.memref_slice %arg5[%add3A, %dma_start3A, %dma_start3A_66] : memref<32x106x96xi32, #tpu.memory_space<hbm>> -> memref<1x1x96xi32, #tpu.memory_space<hbm>>
    %dma_start3A_68 = tpu.memref_squeeze %dma_start3A_67 : memref<1x1x96xi32, #tpu.memory_space<hbm>> -> memref<96xi32, #tpu.memory_space<hbm>>
    tpu.enqueue_dma source(%dma_start3A_68 : memref<96xi32, #tpu.memory_space<hbm>>) target(%dma_start3A_65 : memref<96xi32, #tpu.memory_space<vmem>>) target_semaphore(%arg16 : memref<!tpu.dma_semaphore, #tpu.memory_space<semaphore_mem>>)
    %dma_start3A_69 = arith.constant 0 : i32
    %dma_start3A_70 = arith.constant 0 : i32
    %dma_start3A_71 = arith.constant 0 : i32
    %dma_start3A_72 = tpu.memref_slice %arg9[%dma_start3A_70, %dma_start3A_71] : memref<2x96xi32, #tpu.memory_space<vmem>> -> memref<1x96xi32, #tpu.memory_space<vmem>>
    %dma_start3A_73 = tpu.memref_squeeze %dma_start3A_72 : memref<1x96xi32, #tpu.memory_space<vmem>> -> memref<96xi32, #tpu.memory_space<vmem>>
    %dma_start3A_74 = arith.constant 0 : i32
    %dma_start3A_75 = tpu.memref_slice %arg6[%add3A, %dma_start3A_69, %dma_start3A_74] : memref<32x106x96xi32, #tpu.memory_space<hbm>> -> memref<1x1x96xi32, #tpu.memory_space<hbm>>
    %dma_start3A_76 = tpu.memref_squeeze %dma_start3A_75 : memref<1x1x96xi32, #tpu.memory_space<hbm>> -> memref<96xi32, #tpu.memory_space<hbm>>
    %dma_start3A_77 = arith.constant 0 : i32
    %dma_start3A_78 = tpu.memref_slice %arg9[%dma_start3A_70, %dma_start3A_77] : memref<2x96xi32, #tpu.memory_space<vmem>> -> memref<1x96xi32, #tpu.memory_space<vmem>>
    %dma_start3A_79 = tpu.memref_squeeze %dma_start3A_78 : memref<1x96xi32, #tpu.memory_space<vmem>> -> memref<96xi32, #tpu.memory_space<vmem>>
    %dma_start3A_80 = arith.constant 0 : i32
    %dma_start3A_81 = tpu.memref_slice %arg6[%add3A, %dma_start3A_69, %dma_start3A_80] : memref<32x106x96xi32, #tpu.memory_space<hbm>> -> memref<1x1x96xi32, #tpu.memory_space<hbm>>
    %dma_start3A_82 = tpu.memref_squeeze %dma_start3A_81 : memref<1x1x96xi32, #tpu.memory_space<hbm>> -> memref<96xi32, #tpu.memory_space<hbm>>
    tpu.enqueue_dma source(%dma_start3A_82 : memref<96xi32, #tpu.memory_space<hbm>>) target(%dma_start3A_79 : memref<96xi32, #tpu.memory_space<vmem>>) target_semaphore(%arg16 : memref<!tpu.dma_semaphore, #tpu.memory_space<semaphore_mem>>)
    %dma_start3A_83 = arith.constant 1 : i32
    %dma_start3A_84 = arith.constant 1 : i32
    %dma_start3A_85 = arith.constant 0 : i32
    %dma_start3A_86 = tpu.memref_slice %arg8[%dma_start3A_84, %dma_start3A_85] : memref<2x96xi32, #tpu.memory_space<vmem>> -> memref<1x96xi32, #tpu.memory_space<vmem>>
    %dma_start3A_87 = tpu.memref_squeeze %dma_start3A_86 : memref<1x96xi32, #tpu.memory_space<vmem>> -> memref<96xi32, #tpu.memory_space<vmem>>
    %dma_start3A_88 = arith.constant 0 : i32
    %dma_start3A_89 = tpu.memref_slice %arg5[%add3A, %dma_start3A_83, %dma_start3A_88] : memref<32x106x96xi32, #tpu.memory_space<hbm>> -> memref<1x1x96xi32, #tpu.memory_space<hbm>>
    %dma_start3A_90 = tpu.memref_squeeze %dma_start3A_89 : memref<1x1x96xi32, #tpu.memory_space<hbm>> -> memref<96xi32, #tpu.memory_space<hbm>>
    %dma_start3A_91 = arith.constant 0 : i32
    %dma_start3A_92 = tpu.memref_slice %arg8[%dma_start3A_84, %dma_start3A_91] : memref<2x96xi32, #tpu.memory_space<vmem>> -> memref<1x96xi32, #tpu.memory_space<vmem>>
    %dma_start3A_93 = tpu.memref_squeeze %dma_start3A_92 : memref<1x96xi32, #tpu.memory_space<vmem>> -> memref<96xi32, #tpu.memory_space<vmem>>
    %dma_start3A_94 = arith.constant 0 : i32
    %dma_start3A_95 = tpu.memref_slice %arg5[%add3A, %dma_start3A_83, %dma_start3A_94] : memref<32x106x96xi32, #tpu.memory_space<hbm>> -> memref<1x1x96xi32, #tpu.memory_space<hbm>>
    %dma_start3A_96 = tpu.memref_squeeze %dma_start3A_95 : memref<1x1x96xi32, #tpu.memory_space<hbm>> -> memref<96xi32, #tpu.memory_space<hbm>>
    tpu.enqueue_dma source(%dma_start3A_96 : memref<96xi32, #tpu.memory_space<hbm>>) target(%dma_start3A_93 : memref<96xi32, #tpu.memory_space<vmem>>) target_semaphore(%arg16 : memref<!tpu.dma_semaphore, #tpu.memory_space<semaphore_mem>>)
    %dma_start3A_97 = arith.constant 1 : i32
    %dma_start3A_98 = arith.constant 1 : i32
    %dma_start3A_99 = arith.constant 0 : i32
    %dma_start3A_100 = tpu.memref_slice %arg9[%dma_start3A_98, %dma_start3A_99] : memref<2x96xi32, #tpu.memory_space<vmem>> -> memref<1x96xi32, #tpu.memory_space<vmem>>
    %dma_start3A_101 = tpu.memref_squeeze %dma_start3A_100 : memref<1x96xi32, #tpu.memory_space<vmem>> -> memref<96xi32, #tpu.memory_space<vmem>>
    %dma_start3A_102 = arith.constant 0 : i32
    %dma_start3A_103 = tpu.memref_slice %arg6[%add3A, %dma_start3A_97, %dma_start3A_102] : memref<32x106x96xi32, #tpu.memory_space<hbm>> -> memref<1x1x96xi32, #tpu.memory_space<hbm>>
    %dma_start3A_104 = tpu.memref_squeeze %dma_start3A_103 : memref<1x1x96xi32, #tpu.memory_space<hbm>> -> memref<96xi32, #tpu.memory_space<hbm>>
    %dma_start3A_105 = arith.constant 0 : i32
    %dma_start3A_106 = tpu.memref_slice %arg9[%dma_start3A_98, %dma_start3A_105] : memref<2x96xi32, #tpu.memory_space<vmem>> -> memref<1x96xi32, #tpu.memory_space<vmem>>
    %dma_start3A_107 = tpu.memref_squeeze %dma_start3A_106 : memref<1x96xi32, #tpu.memory_space<vmem>> -> memref<96xi32, #tpu.memory_space<vmem>>
    %dma_start3A_108 = arith.constant 0 : i32
    %dma_start3A_109 = tpu.memref_slice %arg6[%add3A, %dma_start3A_97, %dma_start3A_108] : memref<32x106x96xi32, #tpu.memory_space<hbm>> -> memref<1x1x96xi32, #tpu.memory_space<hbm>>
    %dma_start3A_110 = tpu.memref_squeeze %dma_start3A_109 : memref<1x1x96xi32, #tpu.memory_space<hbm>> -> memref<96xi32, #tpu.memory_space<hbm>>
    tpu.enqueue_dma source(%dma_start3A_110 : memref<96xi32, #tpu.memory_space<hbm>>) target(%dma_start3A_107 : memref<96xi32, #tpu.memory_space<vmem>>) target_semaphore(%arg16 : memref<!tpu.dma_semaphore, #tpu.memory_space<semaphore_mem>>)
    %dma_wait3A = arith.constant 0 : i32
    %dma_wait3A_111 = arith.constant 0 : i32
    %dma_wait3A_112 = arith.constant 0 : i32
    %dma_wait3A_113 = tpu.memref_slice %arg8[%dma_wait3A_111, %dma_wait3A_112] : memref<2x96xi32, #tpu.memory_space<vmem>> -> memref<1x96xi32, #tpu.memory_space<vmem>>
    %dma_wait3A_114 = tpu.memref_squeeze %dma_wait3A_113 : memref<1x96xi32, #tpu.memory_space<vmem>> -> memref<96xi32, #tpu.memory_space<vmem>>
    %dma_wait3A_115 = arith.constant 0 : i32
    %dma_wait3A_116 = tpu.memref_slice %arg5[%add3A, %dma_wait3A, %dma_wait3A_115] : memref<32x106x96xi32, #tpu.memory_space<hbm>> -> memref<1x1x96xi32, #tpu.memory_space<hbm>>
    %dma_wait3A_117 = tpu.memref_squeeze %dma_wait3A_116 : memref<1x1x96xi32, #tpu.memory_space<hbm>> -> memref<96xi32, #tpu.memory_space<hbm>>
    %dma_wait3A_118 = arith.constant 0 : i32
    %dma_wait3A_119 = tpu.memref_slice %arg8[%dma_wait3A_111, %dma_wait3A_118] : memref<2x96xi32, #tpu.memory_space<vmem>> -> memref<1x96xi32, #tpu.memory_space<vmem>>
    %dma_wait3A_120 = tpu.memref_squeeze %dma_wait3A_119 : memref<1x96xi32, #tpu.memory_space<vmem>> -> memref<96xi32, #tpu.memory_space<vmem>>
    %dma_wait3A_121 = arith.constant 0 : i32
    %dma_wait3A_122 = tpu.memref_slice %arg5[%add3A, %dma_wait3A, %dma_wait3A_121] : memref<32x106x96xi32, #tpu.memory_space<hbm>> -> memref<1x1x96xi32, #tpu.memory_space<hbm>>
    %dma_wait3A_123 = tpu.memref_squeeze %dma_wait3A_122 : memref<1x1x96xi32, #tpu.memory_space<hbm>> -> memref<96xi32, #tpu.memory_space<hbm>>
    tpu.wait_dma2 semaphore(%arg16 : memref<!tpu.dma_semaphore, #tpu.memory_space<semaphore_mem>>) src(%dma_wait3A_123 : memref<96xi32, #tpu.memory_space<hbm>>) dst(%dma_wait3A_120 : memref<96xi32, #tpu.memory_space<vmem>>)
    %dma_wait3A_124 = arith.constant 0 : i32
    %dma_wait3A_125 = arith.constant 0 : i32
    %dma_wait3A_126 = arith.constant 0 : i32
    %dma_wait3A_127 = tpu.memref_slice %arg9[%dma_wait3A_125, %dma_wait3A_126] : memref<2x96xi32, #tpu.memory_space<vmem>> -> memref<1x96xi32, #tpu.memory_space<vmem>>
    %dma_wait3A_128 = tpu.memref_squeeze %dma_wait3A_127 : memref<1x96xi32, #tpu.memory_space<vmem>> -> memref<96xi32, #tpu.memory_space<vmem>>
    %dma_wait3A_129 = arith.constant 0 : i32
    %dma_wait3A_130 = tpu.memref_slice %arg6[%add3A, %dma_wait3A_124, %dma_wait3A_129] : memref<32x106x96xi32, #tpu.memory_space<hbm>> -> memref<1x1x96xi32, #tpu.memory_space<hbm>>
    %dma_wait3A_131 = tpu.memref_squeeze %dma_wait3A_130 : memref<1x1x96xi32, #tpu.memory_space<hbm>> -> memref<96xi32, #tpu.memory_space<hbm>>
    %dma_wait3A_132 = arith.constant 0 : i32
    %dma_wait3A_133 = tpu.memref_slice %arg9[%dma_wait3A_125, %dma_wait3A_132] : memref<2x96xi32, #tpu.memory_space<vmem>> -> memref<1x96xi32, #tpu.memory_space<vmem>>
    %dma_wait3A_134 = tpu.memref_squeeze %dma_wait3A_133 : memref<1x96xi32, #tpu.memory_space<vmem>> -> memref<96xi32, #tpu.memory_space<vmem>>
    %dma_wait3A_135 = arith.constant 0 : i32
    %dma_wait3A_136 = tpu.memref_slice %arg6[%add3A, %dma_wait3A_124, %dma_wait3A_135] : memref<32x106x96xi32, #tpu.memory_space<hbm>> -> memref<1x1x96xi32, #tpu.memory_space<hbm>>
    %dma_wait3A_137 = tpu.memref_squeeze %dma_wait3A_136 : memref<1x1x96xi32, #tpu.memory_space<hbm>> -> memref<96xi32, #tpu.memory_space<hbm>>
    tpu.wait_dma2 semaphore(%arg16 : memref<!tpu.dma_semaphore, #tpu.memory_space<semaphore_mem>>) src(%dma_wait3A_137 : memref<96xi32, #tpu.memory_space<hbm>>) dst(%dma_wait3A_134 : memref<96xi32, #tpu.memory_space<vmem>>)
    %dma_start3A_138 = arith.constant 0 : i32
    %dma_start3A_139 = arith.constant 0 : i32
    %dma_start3A_140 = arith.constant 0 : i32
    %dma_start3A_141 = arith.constant 0 : i32
    %dma_start3A_142 = tpu.memref_slice %arg12[%dma_start3A_139, %dma_start3A_140, %dma_start3A_141] : memref<2x96x128xf32, #tpu.memory_space<vmem>> -> memref<1x96x128xf32, #tpu.memory_space<vmem>>
    %dma_start3A_143 = tpu.memref_squeeze %dma_start3A_142 : memref<1x96x128xf32, #tpu.memory_space<vmem>> -> memref<96x128xf32, #tpu.memory_space<vmem>>
    %dma_start3A_144 = arith.constant 0 : i32
    %dma_start3A_145 = tpu.memref_slice %arg8[%dma_start3A_138, %dma_start3A_144] : memref<2x96xi32, #tpu.memory_space<vmem>> -> memref<1x96xi32, #tpu.memory_space<vmem>>
    %dma_start3A_146 = tpu.memref_squeeze %dma_start3A_145 : memref<1x96xi32, #tpu.memory_space<vmem>> -> memref<96xi32, #tpu.memory_space<vmem>>
    %dma_start3A_147 = arith.constant 0 : i32
    %dma_start3A_148 = arith.constant 0 : i32
    %dma_start3A_149 = tpu.memref_slice %arg2[%dma_start3A_147, %dma_start3A_148] : memref<10240x128xf32, #tpu.memory_space<hbm>> -> memref<10240x128xf32, #tpu.memory_space<hbm>>
    tpu.enqueue_indirect_dma source(%dma_start3A_149 : memref<10240x128xf32, #tpu.memory_space<hbm>>) target(%dma_start3A_143 : memref<96x128xf32, #tpu.memory_space<vmem>>) offsets(%dma_start3A_146 : memref<96xi32, #tpu.memory_space<vmem>>) semaphore(%arg17 : memref<!tpu.dma_semaphore, #tpu.memory_space<semaphore_mem>>)
    %scan3A_150 = arith.constant 0 : i32
    %scan3A_151 = arith.constant 0 : i32
    %scan3A_152 = arith.constant 53 : i32
    %scan3A_153 = arith.addi %scan3A_151, %scan3A_152 : i32
    %scan3A_154 = arith.constant 1 : i32
    scf.for %scan3A_189 = %scan3A_151 to %scan3A_153 step %scan3A_154  : i32 {
      %mul3A_190 = arith.constant 2 : i32
      %mul3A_191 = arith.muli %scan3A_189, %mul3A_190 : i32
      %gt3A = arith.constant 0 : i32
      %gt3A_192 = arith.cmpi sgt, %mul3A_191, %gt3A : i32
      %convert_element_type3A = arith.extui %gt3A_192 : i1 to i32
      %cond3A = arith.constant 0 : i32
      %cond3A_193 = arith.cmpi ne, %convert_element_type3A, %cond3A : i32
      scf.if %cond3A_193 {
        %dma_wait3A_682 = arith.constant 1 : i32
        %dma_wait3A_683 = arith.constant 1 : i32
        %dma_wait3A_684 = arith.constant 0 : i32
        %dma_wait3A_685 = arith.constant 0 : i32
        %dma_wait3A_686 = tpu.memref_slice %arg12[%dma_wait3A_682, %dma_wait3A_684, %dma_wait3A_685] : memref<2x96x128xf32, #tpu.memory_space<vmem>> -> memref<1x96x128xf32, #tpu.memory_space<vmem>>
        %dma_wait3A_687 = tpu.memref_squeeze %dma_wait3A_686 : memref<1x96x128xf32, #tpu.memory_space<vmem>> -> memref<96x128xf32, #tpu.memory_space<vmem>>
        %dma_wait3A_688 = arith.constant 0 : i32
        %dma_wait3A_689 = tpu.memref_slice %arg10[%dma_wait3A_683, %dma_wait3A_688] : memref<2x96xi32, #tpu.memory_space<vmem>> -> memref<1x96xi32, #tpu.memory_space<vmem>>
        %dma_wait3A_690 = tpu.memref_squeeze %dma_wait3A_689 : memref<1x96xi32, #tpu.memory_space<vmem>> -> memref<96xi32, #tpu.memory_space<vmem>>
        %dma_wait3A_691 = arith.constant 0 : i32
        %dma_wait3A_692 = arith.constant 0 : i32
        %dma_wait3A_693 = tpu.memref_slice %arg15[%dma_wait3A_691, %dma_wait3A_692] : memref<10240x128xf32, #tpu.memory_space<vmem_shared>> -> memref<10240x128xf32, #tpu.memory_space<vmem_shared>>
        tpu.wait_indirect_dma semaphore(%arg18 : memref<!tpu.dma_semaphore, #tpu.memory_space<semaphore_mem>>) src(%dma_wait3A_687 : memref<96x128xf32, #tpu.memory_space<vmem>>) dst(%dma_wait3A_693 : memref<10240x128xf32, #tpu.memory_space<vmem_shared>>)
      } else {
      }
      %add3A_194 = arith.constant 1 : i32
      %add3A_195 = arith.addi %mul3A_191, %add3A_194 : i32
      %dma_wait3A_196 = arith.constant 1 : i32
      %dma_wait3A_197 = arith.constant 0 : i32
      %dma_wait3A_198 = tpu.memref_slice %arg8[%dma_wait3A_196, %dma_wait3A_197] : memref<2x96xi32, #tpu.memory_space<vmem>> -> memref<1x96xi32, #tpu.memory_space<vmem>>
      %dma_wait3A_199 = tpu.memref_squeeze %dma_wait3A_198 : memref<1x96xi32, #tpu.memory_space<vmem>> -> memref<96xi32, #tpu.memory_space<vmem>>
      %dma_wait3A_200 = arith.constant 0 : i32
      %dma_wait3A_201 = tpu.memref_slice %arg5[%add3A, %add3A_195, %dma_wait3A_200] : memref<32x106x96xi32, #tpu.memory_space<hbm>> -> memref<1x1x96xi32, #tpu.memory_space<hbm>>
      %dma_wait3A_202 = tpu.memref_squeeze %dma_wait3A_201 : memref<1x1x96xi32, #tpu.memory_space<hbm>> -> memref<96xi32, #tpu.memory_space<hbm>>
      %dma_wait3A_203 = arith.constant 0 : i32
      %dma_wait3A_204 = tpu.memref_slice %arg8[%dma_wait3A_196, %dma_wait3A_203] : memref<2x96xi32, #tpu.memory_space<vmem>> -> memref<1x96xi32, #tpu.memory_space<vmem>>
      %dma_wait3A_205 = tpu.memref_squeeze %dma_wait3A_204 : memref<1x96xi32, #tpu.memory_space<vmem>> -> memref<96xi32, #tpu.memory_space<vmem>>
      %dma_wait3A_206 = arith.constant 0 : i32
      %dma_wait3A_207 = tpu.memref_slice %arg5[%add3A, %add3A_195, %dma_wait3A_206] : memref<32x106x96xi32, #tpu.memory_space<hbm>> -> memref<1x1x96xi32, #tpu.memory_space<hbm>>
      %dma_wait3A_208 = tpu.memref_squeeze %dma_wait3A_207 : memref<1x1x96xi32, #tpu.memory_space<hbm>> -> memref<96xi32, #tpu.memory_space<hbm>>
      tpu.wait_dma2 semaphore(%arg16 : memref<!tpu.dma_semaphore, #tpu.memory_space<semaphore_mem>>) src(%dma_wait3A_208 : memref<96xi32, #tpu.memory_space<hbm>>) dst(%dma_wait3A_205 : memref<96xi32, #tpu.memory_space<vmem>>)
      %dma_wait3A_209 = arith.constant 1 : i32
      %dma_wait3A_210 = arith.constant 0 : i32
      %dma_wait3A_211 = tpu.memref_slice %arg9[%dma_wait3A_209, %dma_wait3A_210] : memref<2x96xi32, #tpu.memory_space<vmem>> -> memref<1x96xi32, #tpu.memory_space<vmem>>
      %dma_wait3A_212 = tpu.memref_squeeze %dma_wait3A_211 : memref<1x96xi32, #tpu.memory_space<vmem>> -> memref<96xi32, #tpu.memory_space<vmem>>
      %dma_wait3A_213 = arith.constant 0 : i32
      %dma_wait3A_214 = tpu.memref_slice %arg6[%add3A, %add3A_195, %dma_wait3A_213] : memref<32x106x96xi32, #tpu.memory_space<hbm>> -> memref<1x1x96xi32, #tpu.memory_space<hbm>>
      %dma_wait3A_215 = tpu.memref_squeeze %dma_wait3A_214 : memref<1x1x96xi32, #tpu.memory_space<hbm>> -> memref<96xi32, #tpu.memory_space<hbm>>
      %dma_wait3A_216 = arith.constant 0 : i32
      %dma_wait3A_217 = tpu.memref_slice %arg9[%dma_wait3A_209, %dma_wait3A_216] : memref<2x96xi32, #tpu.memory_space<vmem>> -> memref<1x96xi32, #tpu.memory_space<vmem>>
      %dma_wait3A_218 = tpu.memref_squeeze %dma_wait3A_217 : memref<1x96xi32, #tpu.memory_space<vmem>> -> memref<96xi32, #tpu.memory_space<vmem>>
      %dma_wait3A_219 = arith.constant 0 : i32
      %dma_wait3A_220 = tpu.memref_slice %arg6[%add3A, %add3A_195, %dma_wait3A_219] : memref<32x106x96xi32, #tpu.memory_space<hbm>> -> memref<1x1x96xi32, #tpu.memory_space<hbm>>
      %dma_wait3A_221 = tpu.memref_squeeze %dma_wait3A_220 : memref<1x1x96xi32, #tpu.memory_space<hbm>> -> memref<96xi32, #tpu.memory_space<hbm>>
      tpu.wait_dma2 semaphore(%arg16 : memref<!tpu.dma_semaphore, #tpu.memory_space<semaphore_mem>>) src(%dma_wait3A_221 : memref<96xi32, #tpu.memory_space<hbm>>) dst(%dma_wait3A_218 : memref<96xi32, #tpu.memory_space<vmem>>)
      %dma_start3A_222 = arith.constant 1 : i32
      %dma_start3A_223 = arith.constant 1 : i32
      %dma_start3A_224 = arith.constant 0 : i32
      %dma_start3A_225 = arith.constant 0 : i32
      %dma_start3A_226 = tpu.memref_slice %arg12[%dma_start3A_223, %dma_start3A_224, %dma_start3A_225] : memref<2x96x128xf32, #tpu.memory_space<vmem>> -> memref<1x96x128xf32, #tpu.memory_space<vmem>>
      %dma_start3A_227 = tpu.memref_squeeze %dma_start3A_226 : memref<1x96x128xf32, #tpu.memory_space<vmem>> -> memref<96x128xf32, #tpu.memory_space<vmem>>
      %dma_start3A_228 = arith.constant 0 : i32
      %dma_start3A_229 = tpu.memref_slice %arg8[%dma_start3A_222, %dma_start3A_228] : memref<2x96xi32, #tpu.memory_space<vmem>> -> memref<1x96xi32, #tpu.memory_space<vmem>>
      %dma_start3A_230 = tpu.memref_squeeze %dma_start3A_229 : memref<1x96xi32, #tpu.memory_space<vmem>> -> memref<96xi32, #tpu.memory_space<vmem>>
      %dma_start3A_231 = arith.constant 0 : i32
      %dma_start3A_232 = arith.constant 0 : i32
      %dma_start3A_233 = tpu.memref_slice %arg2[%dma_start3A_231, %dma_start3A_232] : memref<10240x128xf32, #tpu.memory_space<hbm>> -> memref<10240x128xf32, #tpu.memory_space<hbm>>
      tpu.enqueue_indirect_dma source(%dma_start3A_233 : memref<10240x128xf32, #tpu.memory_space<hbm>>) target(%dma_start3A_227 : memref<96x128xf32, #tpu.memory_space<vmem>>) offsets(%dma_start3A_230 : memref<96xi32, #tpu.memory_space<vmem>>) semaphore(%arg17 : memref<!tpu.dma_semaphore, #tpu.memory_space<semaphore_mem>>)
      %dma_wait3A_234 = arith.constant 0 : i32
      %dma_wait3A_235 = arith.constant 0 : i32
      %dma_wait3A_236 = arith.constant 0 : i32
      %dma_wait3A_237 = arith.constant 0 : i32
      %dma_wait3A_238 = tpu.memref_slice %arg12[%dma_wait3A_235, %dma_wait3A_236, %dma_wait3A_237] : memref<2x96x128xf32, #tpu.memory_space<vmem>> -> memref<1x96x128xf32, #tpu.memory_space<vmem>>
      %dma_wait3A_239 = tpu.memref_squeeze %dma_wait3A_238 : memref<1x96x128xf32, #tpu.memory_space<vmem>> -> memref<96x128xf32, #tpu.memory_space<vmem>>
      %dma_wait3A_240 = arith.constant 0 : i32
      %dma_wait3A_241 = tpu.memref_slice %arg8[%dma_wait3A_234, %dma_wait3A_240] : memref<2x96xi32, #tpu.memory_space<vmem>> -> memref<1x96xi32, #tpu.memory_space<vmem>>
      %dma_wait3A_242 = tpu.memref_squeeze %dma_wait3A_241 : memref<1x96xi32, #tpu.memory_space<vmem>> -> memref<96xi32, #tpu.memory_space<vmem>>
      %dma_wait3A_243 = arith.constant 0 : i32
      %dma_wait3A_244 = arith.constant 0 : i32
      %dma_wait3A_245 = tpu.memref_slice %arg2[%dma_wait3A_243, %dma_wait3A_244] : memref<10240x128xf32, #tpu.memory_space<hbm>> -> memref<10240x128xf32, #tpu.memory_space<hbm>>
      tpu.wait_indirect_dma semaphore(%arg17 : memref<!tpu.dma_semaphore, #tpu.memory_space<semaphore_mem>>) src(%dma_wait3A_245 : memref<10240x128xf32, #tpu.memory_space<hbm>>) dst(%dma_wait3A_239 : memref<96x128xf32, #tpu.memory_space<vmem>>)
      %get3A = arith.constant 0 : i32
      %get3A_246 = arith.index_cast %get3A : i32 to index
      %get3A_247 = arith.constant 0 : index
      %get3A_248 = tpu.vector_load %arg8[%get3A_246, %get3A_247] {strides = array<i32>} : memref<2x96xi32, #tpu.memory_space<vmem>>, vector<16xi32>,
      %get3A_249 = arith.constant 0 : i32
      %get3A_250 = arith.index_cast %get3A_249 : i32 to index
      %get3A_251 = arith.constant 0 : index
      %get3A_252 = tpu.vector_load %arg9[%get3A_250, %get3A_251] {strides = array<i32>} : memref<2x96xi32, #tpu.memory_space<vmem>>, vector<16xi32>,
      %gather3A = tpu.vector_load_idx %arg13[%get3A_248] : memref<10240xf32, #tpu.memory_space<vmem>>[vector<16xi32>], vector<16xf32>,
      %gather3A_253 = tpu.vector_load_idx %arg14[%get3A_252] : memref<10240xf32, #tpu.memory_space<vmem>>[vector<16xi32>], vector<16xf32>,
      %add3A_254 = arith.addf %gather3A, %gather3A_253 : vector<16xf32>
      %mul3A_255 = arith.constant 2.000000e+00 : f32
      %mul3A_256 = vector.broadcast %mul3A_255 : f32 to vector<16xf32>
      %mul3A_257 = arith.mulf %add3A_254, %mul3A_256 : vector<16xf32>
      %exp3A = math.exp %mul3A_257 : vector<16xf32>
      %add3A_258 = arith.constant 1.000000e+00 : f32
      %add3A_259 = vector.broadcast %add3A_258 : f32 to vector<16xf32>
      %add3A_260 = arith.addf %exp3A, %add3A_259 : vector<16xf32>
      %div3A = arith.constant 2.000000e+00 : f32
      %div3A_261 = vector.broadcast %div3A : f32 to vector<16xf32>
      %div3A_262 = arith.divf %div3A_261, %add3A_260 : vector<16xf32>
      %sub3A = arith.constant 1.000000e+00 : f32
      %sub3A_263 = vector.broadcast %sub3A : f32 to vector<16xf32>
      %sub3A_264 = arith.subf %sub3A_263, %div3A_262 : vector<16xf32>
      %swap3A = arith.constant 0 : index
      %swap3A_265 = tpu.vector_load %arg11[%swap3A] {strides = array<i32>} : memref<96xf32, #tpu.memory_space<vmem>>, vector<16xf32>,
      tpu.vector_store %arg11[%swap3A], %sub3A_264 {strides = array<i32>} : memref<96xf32, #tpu.memory_space<vmem>>, vector<16xf32>,
      %swap3A_266 = arith.constant 0 : i32
      %swap3A_267 = arith.index_cast %swap3A_266 : i32 to index
      %swap3A_268 = arith.constant 0 : index
      %swap3A_269 = tpu.vector_load %arg10[%swap3A_267, %swap3A_268] {strides = array<i32>} : memref<2x96xi32, #tpu.memory_space<vmem>>, vector<16xi32>,
      tpu.vector_store %arg10[%swap3A_267, %swap3A_268], %get3A_252 {strides = array<i32>} : memref<2x96xi32, #tpu.memory_space<vmem>>, vector<16xi32>,
      %get3A_270 = arith.constant 0 : i32
      %get3A_271 = arith.index_cast %get3A_270 : i32 to index
      %get3A_272 = arith.constant 16 : index
      %get3A_273 = tpu.vector_load %arg8[%get3A_271, %get3A_272] {strides = array<i32>} : memref<2x96xi32, #tpu.memory_space<vmem>>, vector<16xi32>,
      %get3A_274 = arith.constant 0 : i32
      %get3A_275 = arith.index_cast %get3A_274 : i32 to index
      %get3A_276 = arith.constant 16 : index
      %get3A_277 = tpu.vector_load %arg9[%get3A_275, %get3A_276] {strides = array<i32>} : memref<2x96xi32, #tpu.memory_space<vmem>>, vector<16xi32>,
      %gather3A_278 = tpu.vector_load_idx %arg13[%get3A_273] : memref<10240xf32, #tpu.memory_space<vmem>>[vector<16xi32>], vector<16xf32>,
      %gather3A_279 = tpu.vector_load_idx %arg14[%get3A_277] : memref<10240xf32, #tpu.memory_space<vmem>>[vector<16xi32>], vector<16xf32>,
      %add3A_280 = arith.addf %gather3A_278, %gather3A_279 : vector<16xf32>
      %mul3A_281 = arith.constant 2.000000e+00 : f32
      %mul3A_282 = vector.broadcast %mul3A_281 : f32 to vector<16xf32>
      %mul3A_283 = arith.mulf %add3A_280, %mul3A_282 : vector<16xf32>
      %exp3A_284 = math.exp %mul3A_283 : vector<16xf32>
      %add3A_285 = arith.constant 1.000000e+00 : f32
      %add3A_286 = vector.broadcast %add3A_285 : f32 to vector<16xf32>
      %add3A_287 = arith.addf %exp3A_284, %add3A_286 : vector<16xf32>
      %div3A_288 = arith.constant 2.000000e+00 : f32
      %div3A_289 = vector.broadcast %div3A_288 : f32 to vector<16xf32>
      %div3A_290 = arith.divf %div3A_289, %add3A_287 : vector<16xf32>
      %sub3A_291 = arith.constant 1.000000e+00 : f32
      %sub3A_292 = vector.broadcast %sub3A_291 : f32 to vector<16xf32>
      %sub3A_293 = arith.subf %sub3A_292, %div3A_290 : vector<16xf32>
      %swap3A_294 = arith.constant 16 : index
      %swap3A_295 = tpu.vector_load %arg11[%swap3A_294] {strides = array<i32>} : memref<96xf32, #tpu.memory_space<vmem>>, vector<16xf32>,
      tpu.vector_store %arg11[%swap3A_294], %sub3A_293 {strides = array<i32>} : memref<96xf32, #tpu.memory_space<vmem>>, vector<16xf32>,
      %swap3A_296 = arith.constant 0 : i32
      %swap3A_297 = arith.index_cast %swap3A_296 : i32 to index
      %swap3A_298 = arith.constant 16 : index
      %swap3A_299 = tpu.vector_load %arg10[%swap3A_297, %swap3A_298] {strides = array<i32>} : memref<2x96xi32, #tpu.memory_space<vmem>>, vector<16xi32>,
      tpu.vector_store %arg10[%swap3A_297, %swap3A_298], %get3A_277 {strides = array<i32>} : memref<2x96xi32, #tpu.memory_space<vmem>>, vector<16xi32>,
      %get3A_300 = arith.constant 0 : i32
      %get3A_301 = arith.index_cast %get3A_300 : i32 to index
      %get3A_302 = arith.constant 32 : index
      %get3A_303 = tpu.vector_load %arg8[%get3A_301, %get3A_302] {strides = array<i32>} : memref<2x96xi32, #tpu.memory_space<vmem>>, vector<16xi32>,
      %get3A_304 = arith.constant 0 : i32
      %get3A_305 = arith.index_cast %get3A_304 : i32 to index
      %get3A_306 = arith.constant 32 : index
      %get3A_307 = tpu.vector_load %arg9[%get3A_305, %get3A_306] {strides = array<i32>} : memref<2x96xi32, #tpu.memory_space<vmem>>, vector<16xi32>,
      %gather3A_308 = tpu.vector_load_idx %arg13[%get3A_303] : memref<10240xf32, #tpu.memory_space<vmem>>[vector<16xi32>], vector<16xf32>,
      %gather3A_309 = tpu.vector_load_idx %arg14[%get3A_307] : memref<10240xf32, #tpu.memory_space<vmem>>[vector<16xi32>], vector<16xf32>,
      %add3A_310 = arith.addf %gather3A_308, %gather3A_309 : vector<16xf32>
      %mul3A_311 = arith.constant 2.000000e+00 : f32
      %mul3A_312 = vector.broadcast %mul3A_311 : f32 to vector<16xf32>
      %mul3A_313 = arith.mulf %add3A_310, %mul3A_312 : vector<16xf32>
      %exp3A_314 = math.exp %mul3A_313 : vector<16xf32>
      %add3A_315 = arith.constant 1.000000e+00 : f32
      %add3A_316 = vector.broadcast %add3A_315 : f32 to vector<16xf32>
      %add3A_317 = arith.addf %exp3A_314, %add3A_316 : vector<16xf32>
      %div3A_318 = arith.constant 2.000000e+00 : f32
      %div3A_319 = vector.broadcast %div3A_318 : f32 to vector<16xf32>
      %div3A_320 = arith.divf %div3A_319, %add3A_317 : vector<16xf32>
      %sub3A_321 = arith.constant 1.000000e+00 : f32
      %sub3A_322 = vector.broadcast %sub3A_321 : f32 to vector<16xf32>
      %sub3A_323 = arith.subf %sub3A_322, %div3A_320 : vector<16xf32>
      %swap3A_324 = arith.constant 32 : index
      %swap3A_325 = tpu.vector_load %arg11[%swap3A_324] {strides = array<i32>} : memref<96xf32, #tpu.memory_space<vmem>>, vector<16xf32>,
      tpu.vector_store %arg11[%swap3A_324], %sub3A_323 {strides = array<i32>} : memref<96xf32, #tpu.memory_space<vmem>>, vector<16xf32>,
      %swap3A_326 = arith.constant 0 : i32
      %swap3A_327 = arith.index_cast %swap3A_326 : i32 to index
      %swap3A_328 = arith.constant 32 : index
      %swap3A_329 = tpu.vector_load %arg10[%swap3A_327, %swap3A_328] {strides = array<i32>} : memref<2x96xi32, #tpu.memory_space<vmem>>, vector<16xi32>,
      tpu.vector_store %arg10[%swap3A_327, %swap3A_328], %get3A_307 {strides = array<i32>} : memref<2x96xi32, #tpu.memory_space<vmem>>, vector<16xi32>,
      %get3A_330 = arith.constant 0 : i32
      %get3A_331 = arith.index_cast %get3A_330 : i32 to index
      %get3A_332 = arith.constant 48 : index
      %get3A_333 = tpu.vector_load %arg8[%get3A_331, %get3A_332] {strides = array<i32>} : memref<2x96xi32, #tpu.memory_space<vmem>>, vector<16xi32>,
      %get3A_334 = arith.constant 0 : i32
      %get3A_335 = arith.index_cast %get3A_334 : i32 to index
      %get3A_336 = arith.constant 48 : index
      %get3A_337 = tpu.vector_load %arg9[%get3A_335, %get3A_336] {strides = array<i32>} : memref<2x96xi32, #tpu.memory_space<vmem>>, vector<16xi32>,
      %gather3A_338 = tpu.vector_load_idx %arg13[%get3A_333] : memref<10240xf32, #tpu.memory_space<vmem>>[vector<16xi32>], vector<16xf32>,
      %gather3A_339 = tpu.vector_load_idx %arg14[%get3A_337] : memref<10240xf32, #tpu.memory_space<vmem>>[vector<16xi32>], vector<16xf32>,
      %add3A_340 = arith.addf %gather3A_338, %gather3A_339 : vector<16xf32>
      %mul3A_341 = arith.constant 2.000000e+00 : f32
      %mul3A_342 = vector.broadcast %mul3A_341 : f32 to vector<16xf32>
      %mul3A_343 = arith.mulf %add3A_340, %mul3A_342 : vector<16xf32>
      %exp3A_344 = math.exp %mul3A_343 : vector<16xf32>
      %add3A_345 = arith.constant 1.000000e+00 : f32
      %add3A_346 = vector.broadcast %add3A_345 : f32 to vector<16xf32>
      %add3A_347 = arith.addf %exp3A_344, %add3A_346 : vector<16xf32>
      %div3A_348 = arith.constant 2.000000e+00 : f32
      %div3A_349 = vector.broadcast %div3A_348 : f32 to vector<16xf32>
      %div3A_350 = arith.divf %div3A_349, %add3A_347 : vector<16xf32>
      %sub3A_351 = arith.constant 1.000000e+00 : f32
      %sub3A_352 = vector.broadcast %sub3A_351 : f32 to vector<16xf32>
      %sub3A_353 = arith.subf %sub3A_352, %div3A_350 : vector<16xf32>
      %swap3A_354 = arith.constant 48 : index
      %swap3A_355 = tpu.vector_load %arg11[%swap3A_354] {strides = array<i32>} : memref<96xf32, #tpu.memory_space<vmem>>, vector<16xf32>,
      tpu.vector_store %arg11[%swap3A_354], %sub3A_353 {strides = array<i32>} : memref<96xf32, #tpu.memory_space<vmem>>, vector<16xf32>,
      %swap3A_356 = arith.constant 0 : i32
      %swap3A_357 = arith.index_cast %swap3A_356 : i32 to index
      %swap3A_358 = arith.constant 48 : index
      %swap3A_359 = tpu.vector_load %arg10[%swap3A_357, %swap3A_358] {strides = array<i32>} : memref<2x96xi32, #tpu.memory_space<vmem>>, vector<16xi32>,
      tpu.vector_store %arg10[%swap3A_357, %swap3A_358], %get3A_337 {strides = array<i32>} : memref<2x96xi32, #tpu.memory_space<vmem>>, vector<16xi32>,
      %get3A_360 = arith.constant 0 : i32
      %get3A_361 = arith.index_cast %get3A_360 : i32 to index
      %get3A_362 = arith.constant 64 : index
      %get3A_363 = tpu.vector_load %arg8[%get3A_361, %get3A_362] {strides = array<i32>} : memref<2x96xi32, #tpu.memory_space<vmem>>, vector<16xi32>,
      %get3A_364 = arith.constant 0 : i32
      %get3A_365 = arith.index_cast %get3A_364 : i32 to index
      %get3A_366 = arith.constant 64 : index
      %get3A_367 = tpu.vector_load %arg9[%get3A_365, %get3A_366] {strides = array<i32>} : memref<2x96xi32, #tpu.memory_space<vmem>>, vector<16xi32>,
      %gather3A_368 = tpu.vector_load_idx %arg13[%get3A_363] : memref<10240xf32, #tpu.memory_space<vmem>>[vector<16xi32>], vector<16xf32>,
      %gather3A_369 = tpu.vector_load_idx %arg14[%get3A_367] : memref<10240xf32, #tpu.memory_space<vmem>>[vector<16xi32>], vector<16xf32>,
      %add3A_370 = arith.addf %gather3A_368, %gather3A_369 : vector<16xf32>
      %mul3A_371 = arith.constant 2.000000e+00 : f32
      %mul3A_372 = vector.broadcast %mul3A_371 : f32 to vector<16xf32>
      %mul3A_373 = arith.mulf %add3A_370, %mul3A_372 : vector<16xf32>
      %exp3A_374 = math.exp %mul3A_373 : vector<16xf32>
      %add3A_375 = arith.constant 1.000000e+00 : f32
      %add3A_376 = vector.broadcast %add3A_375 : f32 to vector<16xf32>
      %add3A_377 = arith.addf %exp3A_374, %add3A_376 : vector<16xf32>
      %div3A_378 = arith.constant 2.000000e+00 : f32
      %div3A_379 = vector.broadcast %div3A_378 : f32 to vector<16xf32>
      %div3A_380 = arith.divf %div3A_379, %add3A_377 : vector<16xf32>
      %sub3A_381 = arith.constant 1.000000e+00 : f32
      %sub3A_382 = vector.broadcast %sub3A_381 : f32 to vector<16xf32>
      %sub3A_383 = arith.subf %sub3A_382, %div3A_380 : vector<16xf32>
      %swap3A_384 = arith.constant 64 : index
      %swap3A_385 = tpu.vector_load %arg11[%swap3A_384] {strides = array<i32>} : memref<96xf32, #tpu.memory_space<vmem>>, vector<16xf32>,
      tpu.vector_store %arg11[%swap3A_384], %sub3A_383 {strides = array<i32>} : memref<96xf32, #tpu.memory_space<vmem>>, vector<16xf32>,
      %swap3A_386 = arith.constant 0 : i32
      %swap3A_387 = arith.index_cast %swap3A_386 : i32 to index
      %swap3A_388 = arith.constant 64 : index
      %swap3A_389 = tpu.vector_load %arg10[%swap3A_387, %swap3A_388] {strides = array<i32>} : memref<2x96xi32, #tpu.memory_space<vmem>>, vector<16xi32>,
      tpu.vector_store %arg10[%swap3A_387, %swap3A_388], %get3A_367 {strides = array<i32>} : memref<2x96xi32, #tpu.memory_space<vmem>>, vector<16xi32>,
      %get3A_390 = arith.constant 0 : i32
      %get3A_391 = arith.index_cast %get3A_390 : i32 to index
      %get3A_392 = arith.constant 80 : index
      %get3A_393 = tpu.vector_load %arg8[%get3A_391, %get3A_392] {strides = array<i32>} : memref<2x96xi32, #tpu.memory_space<vmem>>, vector<16xi32>,
      %get3A_394 = arith.constant 0 : i32
      %get3A_395 = arith.index_cast %get3A_394 : i32 to index
      %get3A_396 = arith.constant 80 : index
      %get3A_397 = tpu.vector_load %arg9[%get3A_395, %get3A_396] {strides = array<i32>} : memref<2x96xi32, #tpu.memory_space<vmem>>, vector<16xi32>,
      %gather3A_398 = tpu.vector_load_idx %arg13[%get3A_393] : memref<10240xf32, #tpu.memory_space<vmem>>[vector<16xi32>], vector<16xf32>,
      %gather3A_399 = tpu.vector_load_idx %arg14[%get3A_397] : memref<10240xf32, #tpu.memory_space<vmem>>[vector<16xi32>], vector<16xf32>,
      %add3A_400 = arith.addf %gather3A_398, %gather3A_399 : vector<16xf32>
      %mul3A_401 = arith.constant 2.000000e+00 : f32
      %mul3A_402 = vector.broadcast %mul3A_401 : f32 to vector<16xf32>
      %mul3A_403 = arith.mulf %add3A_400, %mul3A_402 : vector<16xf32>
      %exp3A_404 = math.exp %mul3A_403 : vector<16xf32>
      %add3A_405 = arith.constant 1.000000e+00 : f32
      %add3A_406 = vector.broadcast %add3A_405 : f32 to vector<16xf32>
      %add3A_407 = arith.addf %exp3A_404, %add3A_406 : vector<16xf32>
      %div3A_408 = arith.constant 2.000000e+00 : f32
      %div3A_409 = vector.broadcast %div3A_408 : f32 to vector<16xf32>
      %div3A_410 = arith.divf %div3A_409, %add3A_407 : vector<16xf32>
      %sub3A_411 = arith.constant 1.000000e+00 : f32
      %sub3A_412 = vector.broadcast %sub3A_411 : f32 to vector<16xf32>
      %sub3A_413 = arith.subf %sub3A_412, %div3A_410 : vector<16xf32>
      %swap3A_414 = arith.constant 80 : index
      %swap3A_415 = tpu.vector_load %arg11[%swap3A_414] {strides = array<i32>} : memref<96xf32, #tpu.memory_space<vmem>>, vector<16xf32>,
      tpu.vector_store %arg11[%swap3A_414], %sub3A_413 {strides = array<i32>} : memref<96xf32, #tpu.memory_space<vmem>>, vector<16xf32>,
      %swap3A_416 = arith.constant 0 : i32
      %swap3A_417 = arith.index_cast %swap3A_416 : i32 to index
      %swap3A_418 = arith.constant 80 : index
      %swap3A_419 = tpu.vector_load %arg10[%swap3A_417, %swap3A_418] {strides = array<i32>} : memref<2x96xi32, #tpu.memory_space<vmem>>, vector<16xi32>,
      tpu.vector_store %arg10[%swap3A_417, %swap3A_418], %get3A_397 {strides = array<i32>} : memref<2x96xi32, #tpu.memory_space<vmem>>, vector<16xi32>,
      %scan3A_420 = arith.constant 0 : i32
      %scan3A_421 = arith.constant 0 : i32
      %scan3A_422 = arith.constant 0 : i32
      %scan3A_423 = arith.constant 96 : i32
      %scan3A_424 = arith.addi %scan3A_422, %scan3A_423 : i32
      %scan3A_425 = arith.constant 1 : i32
      scf.for %scan3A_682 = %scan3A_422 to %scan3A_424 step %scan3A_425  : i32 {
        %broadcast_in_dim3A_683 = vector.broadcast %scan3A_682 : i32 to vector<16xi32>
        %gather3A_684 = tpu.vector_load_idx %arg11[%broadcast_in_dim3A_683] : memref<96xf32, #tpu.memory_space<vmem>>[vector<16xi32>], vector<16xf32>,
        %get3A_685 = arith.constant 0 : i32
        %get3A_686 = arith.constant 0 : i32
        %get3A_687 = tpu.memref_slice %arg12[%scan3A_421, %get3A_685, %get3A_686] : memref<2x96x128xf32, #tpu.memory_space<vmem>> -> memref<1x96x128xf32, #tpu.memory_space<vmem>>
        %get3A_688 = tpu.memref_squeeze %get3A_687 : memref<1x96x128xf32, #tpu.memory_space<vmem>> -> memref<96x128xf32, #tpu.memory_space<vmem>>
        %get3A_689 = arith.index_cast %scan3A_682 : i32 to index
        %get3A_690 = arith.constant 0 : index
        %get3A_691 = tpu.vector_load %get3A_688[%get3A_689, %get3A_690] {strides = array<i32>} : memref<96x128xf32, #tpu.memory_space<vmem>>, vector<16xf32>,
        %mul3A_692 = arith.mulf %get3A_691, %gather3A_684 : vector<16xf32>
        %swap3A_693 = arith.constant 0 : i32
        %swap3A_694 = arith.constant 0 : i32
        %swap3A_695 = tpu.memref_slice %arg12[%scan3A_421, %swap3A_693, %swap3A_694] : memref<2x96x128xf32, #tpu.memory_space<vmem>> -> memref<1x96x128xf32, #tpu.memory_space<vmem>>
        %swap3A_696 = tpu.memref_squeeze %swap3A_695 : memref<1x96x128xf32, #tpu.memory_space<vmem>> -> memref<96x128xf32, #tpu.memory_space<vmem>>
        %swap3A_697 = arith.index_cast %scan3A_682 : i32 to index
        %swap3A_698 = arith.constant 0 : index
        %swap3A_699 = tpu.vector_load %swap3A_696[%swap3A_697, %swap3A_698] {strides = array<i32>} : memref<96x128xf32, #tpu.memory_space<vmem>>, vector<16xf32>,
        tpu.vector_store %swap3A_696[%swap3A_697, %swap3A_698], %mul3A_692 {strides = array<i32>} : memref<96x128xf32, #tpu.memory_space<vmem>>, vector<16xf32>,
        %get3A_700 = arith.constant 0 : i32
        %get3A_701 = arith.constant 0 : i32
        %get3A_702 = tpu.memref_slice %arg12[%scan3A_421, %get3A_700, %get3A_701] : memref<2x96x128xf32, #tpu.memory_space<vmem>> -> memref<1x96x128xf32, #tpu.memory_space<vmem>>
        %get3A_703 = tpu.memref_squeeze %get3A_702 : memref<1x96x128xf32, #tpu.memory_space<vmem>> -> memref<96x128xf32, #tpu.memory_space<vmem>>
        %get3A_704 = arith.index_cast %scan3A_682 : i32 to index
        %get3A_705 = arith.constant 16 : index
        %get3A_706 = tpu.vector_load %get3A_703[%get3A_704, %get3A_705] {strides = array<i32>} : memref<96x128xf32, #tpu.memory_space<vmem>>, vector<16xf32>,
        %mul3A_707 = arith.mulf %get3A_706, %gather3A_684 : vector<16xf32>
        %swap3A_708 = arith.constant 0 : i32
        %swap3A_709 = arith.constant 0 : i32
        %swap3A_710 = tpu.memref_slice %arg12[%scan3A_421, %swap3A_708, %swap3A_709] : memref<2x96x128xf32, #tpu.memory_space<vmem>> -> memref<1x96x128xf32, #tpu.memory_space<vmem>>
        %swap3A_711 = tpu.memref_squeeze %swap3A_710 : memref<1x96x128xf32, #tpu.memory_space<vmem>> -> memref<96x128xf32, #tpu.memory_space<vmem>>
        %swap3A_712 = arith.index_cast %scan3A_682 : i32 to index
        %swap3A_713 = arith.constant 16 : index
        %swap3A_714 = tpu.vector_load %swap3A_711[%swap3A_712, %swap3A_713] {strides = array<i32>} : memref<96x128xf32, #tpu.memory_space<vmem>>, vector<16xf32>,
        tpu.vector_store %swap3A_711[%swap3A_712, %swap3A_713], %mul3A_707 {strides = array<i32>} : memref<96x128xf32, #tpu.memory_space<vmem>>, vector<16xf32>,
        %get3A_715 = arith.constant 0 : i32
        %get3A_716 = arith.constant 0 : i32
        %get3A_717 = tpu.memref_slice %arg12[%scan3A_421, %get3A_715, %get3A_716] : memref<2x96x128xf32, #tpu.memory_space<vmem>> -> memref<1x96x128xf32, #tpu.memory_space<vmem>>
        %get3A_718 = tpu.memref_squeeze %get3A_717 : memref<1x96x128xf32, #tpu.memory_space<vmem>> -> memref<96x128xf32, #tpu.memory_space<vmem>>
        %get3A_719 = arith.index_cast %scan3A_682 : i32 to index
        %get3A_720 = arith.constant 32 : index
        %get3A_721 = tpu.vector_load %get3A_718[%get3A_719, %get3A_720] {strides = array<i32>} : memref<96x128xf32, #tpu.memory_space<vmem>>, vector<16xf32>,
        %mul3A_722 = arith.mulf %get3A_721, %gather3A_684 : vector<16xf32>
        %swap3A_723 = arith.constant 0 : i32
        %swap3A_724 = arith.constant 0 : i32
        %swap3A_725 = tpu.memref_slice %arg12[%scan3A_421, %swap3A_723, %swap3A_724] : memref<2x96x128xf32, #tpu.memory_space<vmem>> -> memref<1x96x128xf32, #tpu.memory_space<vmem>>
        %swap3A_726 = tpu.memref_squeeze %swap3A_725 : memref<1x96x128xf32, #tpu.memory_space<vmem>> -> memref<96x128xf32, #tpu.memory_space<vmem>>
        %swap3A_727 = arith.index_cast %scan3A_682 : i32 to index
        %swap3A_728 = arith.constant 32 : index
        %swap3A_729 = tpu.vector_load %swap3A_726[%swap3A_727, %swap3A_728] {strides = array<i32>} : memref<96x128xf32, #tpu.memory_space<vmem>>, vector<16xf32>,
        tpu.vector_store %swap3A_726[%swap3A_727, %swap3A_728], %mul3A_722 {strides = array<i32>} : memref<96x128xf32, #tpu.memory_space<vmem>>, vector<16xf32>,
        %get3A_730 = arith.constant 0 : i32
        %get3A_731 = arith.constant 0 : i32
        %get3A_732 = tpu.memref_slice %arg12[%scan3A_421, %get3A_730, %get3A_731] : memref<2x96x128xf32, #tpu.memory_space<vmem>> -> memref<1x96x128xf32, #tpu.memory_space<vmem>>
        %get3A_733 = tpu.memref_squeeze %get3A_732 : memref<1x96x128xf32, #tpu.memory_space<vmem>> -> memref<96x128xf32, #tpu.memory_space<vmem>>
        %get3A_734 = arith.index_cast %scan3A_682 : i32 to index
        %get3A_735 = arith.constant 48 : index
        %get3A_736 = tpu.vector_load %get3A_733[%get3A_734, %get3A_735] {strides = array<i32>} : memref<96x128xf32, #tpu.memory_space<vmem>>, vector<16xf32>,
        %mul3A_737 = arith.mulf %get3A_736, %gather3A_684 : vector<16xf32>
        %swap3A_738 = arith.constant 0 : i32
        %swap3A_739 = arith.constant 0 : i32
        %swap3A_740 = tpu.memref_slice %arg12[%scan3A_421, %swap3A_738, %swap3A_739] : memref<2x96x128xf32, #tpu.memory_space<vmem>> -> memref<1x96x128xf32, #tpu.memory_space<vmem>>
        %swap3A_741 = tpu.memref_squeeze %swap3A_740 : memref<1x96x128xf32, #tpu.memory_space<vmem>> -> memref<96x128xf32, #tpu.memory_space<vmem>>
        %swap3A_742 = arith.index_cast %scan3A_682 : i32 to index
        %swap3A_743 = arith.constant 48 : index
        %swap3A_744 = tpu.vector_load %swap3A_741[%swap3A_742, %swap3A_743] {strides = array<i32>} : memref<96x128xf32, #tpu.memory_space<vmem>>, vector<16xf32>,
        tpu.vector_store %swap3A_741[%swap3A_742, %swap3A_743], %mul3A_737 {strides = array<i32>} : memref<96x128xf32, #tpu.memory_space<vmem>>, vector<16xf32>,
        %get3A_745 = arith.constant 0 : i32
        %get3A_746 = arith.constant 0 : i32
        %get3A_747 = tpu.memref_slice %arg12[%scan3A_421, %get3A_745, %get3A_746] : memref<2x96x128xf32, #tpu.memory_space<vmem>> -> memref<1x96x128xf32, #tpu.memory_space<vmem>>
        %get3A_748 = tpu.memref_squeeze %get3A_747 : memref<1x96x128xf32, #tpu.memory_space<vmem>> -> memref<96x128xf32, #tpu.memory_space<vmem>>
        %get3A_749 = arith.index_cast %scan3A_682 : i32 to index
        %get3A_750 = arith.constant 64 : index
        %get3A_751 = tpu.vector_load %get3A_748[%get3A_749, %get3A_750] {strides = array<i32>} : memref<96x128xf32, #tpu.memory_space<vmem>>, vector<16xf32>,
        %mul3A_752 = arith.mulf %get3A_751, %gather3A_684 : vector<16xf32>
        %swap3A_753 = arith.constant 0 : i32
        %swap3A_754 = arith.constant 0 : i32
        %swap3A_755 = tpu.memref_slice %arg12[%scan3A_421, %swap3A_753, %swap3A_754] : memref<2x96x128xf32, #tpu.memory_space<vmem>> -> memref<1x96x128xf32, #tpu.memory_space<vmem>>
        %swap3A_756 = tpu.memref_squeeze %swap3A_755 : memref<1x96x128xf32, #tpu.memory_space<vmem>> -> memref<96x128xf32, #tpu.memory_space<vmem>>
        %swap3A_757 = arith.index_cast %scan3A_682 : i32 to index
        %swap3A_758 = arith.constant 64 : index
        %swap3A_759 = tpu.vector_load %swap3A_756[%swap3A_757, %swap3A_758] {strides = array<i32>} : memref<96x128xf32, #tpu.memory_space<vmem>>, vector<16xf32>,
        tpu.vector_store %swap3A_756[%swap3A_757, %swap3A_758], %mul3A_752 {strides = array<i32>} : memref<96x128xf32, #tpu.memory_space<vmem>>, vector<16xf32>,
        %get3A_760 = arith.constant 0 : i32
        %get3A_761 = arith.constant 0 : i32
        %get3A_762 = tpu.memref_slice %arg12[%scan3A_421, %get3A_760, %get3A_761] : memref<2x96x128xf32, #tpu.memory_space<vmem>> -> memref<1x96x128xf32, #tpu.memory_space<vmem>>
        %get3A_763 = tpu.memref_squeeze %get3A_762 : memref<1x96x128xf32, #tpu.memory_space<vmem>> -> memref<96x128xf32, #tpu.memory_space<vmem>>
        %get3A_764 = arith.index_cast %scan3A_682 : i32 to index
        %get3A_765 = arith.constant 80 : index
        %get3A_766 = tpu.vector_load %get3A_763[%get3A_764, %get3A_765] {strides = array<i32>} : memref<96x128xf32, #tpu.memory_space<vmem>>, vector<16xf32>,
        %mul3A_767 = arith.mulf %get3A_766, %gather3A_684 : vector<16xf32>
        %swap3A_768 = arith.constant 0 : i32
        %swap3A_769 = arith.constant 0 : i32
        %swap3A_770 = tpu.memref_slice %arg12[%scan3A_421, %swap3A_768, %swap3A_769] : memref<2x96x128xf32, #tpu.memory_space<vmem>> -> memref<1x96x128xf32, #tpu.memory_space<vmem>>
        %swap3A_771 = tpu.memref_squeeze %swap3A_770 : memref<1x96x128xf32, #tpu.memory_space<vmem>> -> memref<96x128xf32, #tpu.memory_space<vmem>>
        %swap3A_772 = arith.index_cast %scan3A_682 : i32 to index
        %swap3A_773 = arith.constant 80 : index
        %swap3A_774 = tpu.vector_load %swap3A_771[%swap3A_772, %swap3A_773] {strides = array<i32>} : memref<96x128xf32, #tpu.memory_space<vmem>>, vector<16xf32>,
        tpu.vector_store %swap3A_771[%swap3A_772, %swap3A_773], %mul3A_767 {strides = array<i32>} : memref<96x128xf32, #tpu.memory_space<vmem>>, vector<16xf32>,
        %get3A_775 = arith.constant 0 : i32
        %get3A_776 = arith.constant 0 : i32
        %get3A_777 = tpu.memref_slice %arg12[%scan3A_421, %get3A_775, %get3A_776] : memref<2x96x128xf32, #tpu.memory_space<vmem>> -> memref<1x96x128xf32, #tpu.memory_space<vmem>>
        %get3A_778 = tpu.memref_squeeze %get3A_777 : memref<1x96x128xf32, #tpu.memory_space<vmem>> -> memref<96x128xf32, #tpu.memory_space<vmem>>
        %get3A_779 = arith.index_cast %scan3A_682 : i32 to index
        %get3A_780 = arith.constant 96 : index
        %get3A_781 = tpu.vector_load %get3A_778[%get3A_779, %get3A_780] {strides = array<i32>} : memref<96x128xf32, #tpu.memory_space<vmem>>, vector<16xf32>,
        %mul3A_782 = arith.mulf %get3A_781, %gather3A_684 : vector<16xf32>
        %swap3A_783 = arith.constant 0 : i32
        %swap3A_784 = arith.constant 0 : i32
        %swap3A_785 = tpu.memref_slice %arg12[%scan3A_421, %swap3A_783, %swap3A_784] : memref<2x96x128xf32, #tpu.memory_space<vmem>> -> memref<1x96x128xf32, #tpu.memory_space<vmem>>
        %swap3A_786 = tpu.memref_squeeze %swap3A_785 : memref<1x96x128xf32, #tpu.memory_space<vmem>> -> memref<96x128xf32, #tpu.memory_space<vmem>>
        %swap3A_787 = arith.index_cast %scan3A_682 : i32 to index
        %swap3A_788 = arith.constant 96 : index
        %swap3A_789 = tpu.vector_load %swap3A_786[%swap3A_787, %swap3A_788] {strides = array<i32>} : memref<96x128xf32, #tpu.memory_space<vmem>>, vector<16xf32>,
        tpu.vector_store %swap3A_786[%swap3A_787, %swap3A_788], %mul3A_782 {strides = array<i32>} : memref<96x128xf32, #tpu.memory_space<vmem>>, vector<16xf32>,
        %get3A_790 = arith.constant 0 : i32
        %get3A_791 = arith.constant 0 : i32
        %get3A_792 = tpu.memref_slice %arg12[%scan3A_421, %get3A_790, %get3A_791] : memref<2x96x128xf32, #tpu.memory_space<vmem>> -> memref<1x96x128xf32, #tpu.memory_space<vmem>>
        %get3A_793 = tpu.memref_squeeze %get3A_792 : memref<1x96x128xf32, #tpu.memory_space<vmem>> -> memref<96x128xf32, #tpu.memory_space<vmem>>
        %get3A_794 = arith.index_cast %scan3A_682 : i32 to index
        %get3A_795 = arith.constant 112 : index
        %get3A_796 = tpu.vector_load %get3A_793[%get3A_794, %get3A_795] {strides = array<i32>} : memref<96x128xf32, #tpu.memory_space<vmem>>, vector<16xf32>,
        %mul3A_797 = arith.mulf %get3A_796, %gather3A_684 : vector<16xf32>
        %swap3A_798 = arith.constant 0 : i32
        %swap3A_799 = arith.constant 0 : i32
        %swap3A_800 = tpu.memref_slice %arg12[%scan3A_421, %swap3A_798, %swap3A_799] : memref<2x96x128xf32, #tpu.memory_space<vmem>> -> memref<1x96x128xf32, #tpu.memory_space<vmem>>
        %swap3A_801 = tpu.memref_squeeze %swap3A_800 : memref<1x96x128xf32, #tpu.memory_space<vmem>> -> memref<96x128xf32, #tpu.memory_space<vmem>>
        %swap3A_802 = arith.index_cast %scan3A_682 : i32 to index
        %swap3A_803 = arith.constant 112 : index
        %swap3A_804 = tpu.vector_load %swap3A_801[%swap3A_802, %swap3A_803] {strides = array<i32>} : memref<96x128xf32, #tpu.memory_space<vmem>>, vector<16xf32>,
        tpu.vector_store %swap3A_801[%swap3A_802, %swap3A_803], %mul3A_797 {strides = array<i32>} : memref<96x128xf32, #tpu.memory_space<vmem>>, vector<16xf32>,
      }
      %scan3A_426 = arith.constant 96 : i32
      %dma_start3A_427 = arith.constant 0 : i32
      %dma_start3A_428 = arith.constant 0 : i32
      %dma_start3A_429 = arith.constant 0 : i32
      %dma_start3A_430 = arith.constant 0 : i32
      %dma_start3A_431 = tpu.memref_slice %arg12[%dma_start3A_427, %dma_start3A_429, %dma_start3A_430] : memref<2x96x128xf32, #tpu.memory_space<vmem>> -> memref<1x96x128xf32, #tpu.memory_space<vmem>>
      %dma_start3A_432 = tpu.memref_squeeze %dma_start3A_431 : memref<1x96x128xf32, #tpu.memory_space<vmem>> -> memref<96x128xf32, #tpu.memory_space<vmem>>
      %dma_start3A_433 = arith.constant 0 : i32
      %dma_start3A_434 = tpu.memref_slice %arg10[%dma_start3A_428, %dma_start3A_433] : memref<2x96xi32, #tpu.memory_space<vmem>> -> memref<1x96xi32, #tpu.memory_space<vmem>>
      %dma_start3A_435 = tpu.memref_squeeze %dma_start3A_434 : memref<1x96xi32, #tpu.memory_space<vmem>> -> memref<96xi32, #tpu.memory_space<vmem>>
      %dma_start3A_436 = arith.constant 0 : i32
      %dma_start3A_437 = arith.constant 0 : i32
      %dma_start3A_438 = tpu.memref_slice %arg15[%dma_start3A_436, %dma_start3A_437] : memref<10240x128xf32, #tpu.memory_space<vmem_shared>> -> memref<10240x128xf32, #tpu.memory_space<vmem_shared>>
      tpu.enqueue_indirect_dma source(%dma_start3A_432 : memref<96x128xf32, #tpu.memory_space<vmem>>) target(%dma_start3A_438 : memref<10240x128xf32, #tpu.memory_space<vmem_shared>>) offsets(%dma_start3A_435 : memref<96xi32, #tpu.memory_space<vmem>>) semaphore(%arg18 : memref<!tpu.dma_semaphore, #tpu.memory_space<semaphore_mem>>) {add = true}
      %add3A_439 = arith.constant 2 : i32
      %add3A_440 = arith.addi %mul3A_191, %add3A_439 : i32
      %lt3A = arith.constant 106 : i32
      %lt3A_441 = arith.cmpi slt, %add3A_440, %lt3A : i32
      %convert_element_type3A_442 = arith.extui %lt3A_441 : i1 to i32
      %cond3A_443 = arith.constant 0 : i32
      %cond3A_444 = arith.cmpi ne, %convert_element_type3A_442, %cond3A_443 : i32
      scf.if %cond3A_444 {
        %add3A_682 = arith.constant 2 : i32
        %add3A_683 = arith.addi %mul3A_191, %add3A_682 : i32
        %dma_start3A_684 = arith.constant 0 : i32
        %dma_start3A_685 = arith.constant 0 : i32
        %dma_start3A_686 = tpu.memref_slice %arg8[%dma_start3A_684, %dma_start3A_685] : memref<2x96xi32, #tpu.memory_space<vmem>> -> memref<1x96xi32, #tpu.memory_space<vmem>>
        %dma_start3A_687 = tpu.memref_squeeze %dma_start3A_686 : memref<1x96xi32, #tpu.memory_space<vmem>> -> memref<96xi32, #tpu.memory_space<vmem>>
        %dma_start3A_688 = arith.constant 0 : i32
        %dma_start3A_689 = tpu.memref_slice %arg5[%add3A, %add3A_683, %dma_start3A_688] : memref<32x106x96xi32, #tpu.memory_space<hbm>> -> memref<1x1x96xi32, #tpu.memory_space<hbm>>
        %dma_start3A_690 = tpu.memref_squeeze %dma_start3A_689 : memref<1x1x96xi32, #tpu.memory_space<hbm>> -> memref<96xi32, #tpu.memory_space<hbm>>
        %dma_start3A_691 = arith.constant 0 : i32
        %dma_start3A_692 = tpu.memref_slice %arg8[%dma_start3A_684, %dma_start3A_691] : memref<2x96xi32, #tpu.memory_space<vmem>> -> memref<1x96xi32, #tpu.memory_space<vmem>>
        %dma_start3A_693 = tpu.memref_squeeze %dma_start3A_692 : memref<1x96xi32, #tpu.memory_space<vmem>> -> memref<96xi32, #tpu.memory_space<vmem>>
        %dma_start3A_694 = arith.constant 0 : i32
        %dma_start3A_695 = tpu.memref_slice %arg5[%add3A, %add3A_683, %dma_start3A_694] : memref<32x106x96xi32, #tpu.memory_space<hbm>> -> memref<1x1x96xi32, #tpu.memory_space<hbm>>
        %dma_start3A_696 = tpu.memref_squeeze %dma_start3A_695 : memref<1x1x96xi32, #tpu.memory_space<hbm>> -> memref<96xi32, #tpu.memory_space<hbm>>
        tpu.enqueue_dma source(%dma_start3A_696 : memref<96xi32, #tpu.memory_space<hbm>>) target(%dma_start3A_693 : memref<96xi32, #tpu.memory_space<vmem>>) target_semaphore(%arg16 : memref<!tpu.dma_semaphore, #tpu.memory_space<semaphore_mem>>)
        %dma_start3A_697 = arith.constant 0 : i32
        %dma_start3A_698 = arith.constant 0 : i32
        %dma_start3A_699 = tpu.memref_slice %arg9[%dma_start3A_697, %dma_start3A_698] : memref<2x96xi32, #tpu.memory_space<vmem>> -> memref<1x96xi32, #tpu.memory_space<vmem>>
        %dma_start3A_700 = tpu.memref_squeeze %dma_start3A_699 : memref<1x96xi32, #tpu.memory_space<vmem>> -> memref<96xi32, #tpu.memory_space<vmem>>
        %dma_start3A_701 = arith.constant 0 : i32
        %dma_start3A_702 = tpu.memref_slice %arg6[%add3A, %add3A_683, %dma_start3A_701] : memref<32x106x96xi32, #tpu.memory_space<hbm>> -> memref<1x1x96xi32, #tpu.memory_space<hbm>>
        %dma_start3A_703 = tpu.memref_squeeze %dma_start3A_702 : memref<1x1x96xi32, #tpu.memory_space<hbm>> -> memref<96xi32, #tpu.memory_space<hbm>>
        %dma_start3A_704 = arith.constant 0 : i32
        %dma_start3A_705 = tpu.memref_slice %arg9[%dma_start3A_697, %dma_start3A_704] : memref<2x96xi32, #tpu.memory_space<vmem>> -> memref<1x96xi32, #tpu.memory_space<vmem>>
        %dma_start3A_706 = tpu.memref_squeeze %dma_start3A_705 : memref<1x96xi32, #tpu.memory_space<vmem>> -> memref<96xi32, #tpu.memory_space<vmem>>
        %dma_start3A_707 = arith.constant 0 : i32
        %dma_start3A_708 = tpu.memref_slice %arg6[%add3A, %add3A_683, %dma_start3A_707] : memref<32x106x96xi32, #tpu.memory_space<hbm>> -> memref<1x1x96xi32, #tpu.memory_space<hbm>>
        %dma_start3A_709 = tpu.memref_squeeze %dma_start3A_708 : memref<1x1x96xi32, #tpu.memory_space<hbm>> -> memref<96xi32, #tpu.memory_space<hbm>>
        tpu.enqueue_dma source(%dma_start3A_709 : memref<96xi32, #tpu.memory_space<hbm>>) target(%dma_start3A_706 : memref<96xi32, #tpu.memory_space<vmem>>) target_semaphore(%arg16 : memref<!tpu.dma_semaphore, #tpu.memory_space<semaphore_mem>>)
      } else {
      }
      %dma_wait3A_445 = arith.constant 0 : i32
      %dma_wait3A_446 = arith.constant 0 : i32
      %dma_wait3A_447 = arith.constant 0 : i32
      %dma_wait3A_448 = arith.constant 0 : i32
      %dma_wait3A_449 = tpu.memref_slice %arg12[%dma_wait3A_445, %dma_wait3A_447, %dma_wait3A_448] : memref<2x96x128xf32, #tpu.memory_space<vmem>> -> memref<1x96x128xf32, #tpu.memory_space<vmem>>
      %dma_wait3A_450 = tpu.memref_squeeze %dma_wait3A_449 : memref<1x96x128xf32, #tpu.memory_space<vmem>> -> memref<96x128xf32, #tpu.memory_space<vmem>>
      %dma_wait3A_451 = arith.constant 0 : i32
      %dma_wait3A_452 = tpu.memref_slice %arg10[%dma_wait3A_446, %dma_wait3A_451] : memref<2x96xi32, #tpu.memory_space<vmem>> -> memref<1x96xi32, #tpu.memory_space<vmem>>
      %dma_wait3A_453 = tpu.memref_squeeze %dma_wait3A_452 : memref<1x96xi32, #tpu.memory_space<vmem>> -> memref<96xi32, #tpu.memory_space<vmem>>
      %dma_wait3A_454 = arith.constant 0 : i32
      %dma_wait3A_455 = arith.constant 0 : i32
      %dma_wait3A_456 = tpu.memref_slice %arg15[%dma_wait3A_454, %dma_wait3A_455] : memref<10240x128xf32, #tpu.memory_space<vmem_shared>> -> memref<10240x128xf32, #tpu.memory_space<vmem_shared>>
      tpu.wait_indirect_dma semaphore(%arg18 : memref<!tpu.dma_semaphore, #tpu.memory_space<semaphore_mem>>) src(%dma_wait3A_450 : memref<96x128xf32, #tpu.memory_space<vmem>>) dst(%dma_wait3A_456 : memref<10240x128xf32, #tpu.memory_space<vmem_shared>>)
      %add3A_457 = arith.constant 2 : i32
      %add3A_458 = arith.addi %mul3A_191, %add3A_457 : i32
      %lt3A_459 = arith.constant 106 : i32
      %lt3A_460 = arith.cmpi slt, %add3A_458, %lt3A_459 : i32
      %convert_element_type3A_461 = arith.extui %lt3A_460 : i1 to i32
      %cond3A_462 = arith.constant 0 : i32
      %cond3A_463 = arith.cmpi ne, %convert_element_type3A_461, %cond3A_462 : i32
      scf.if %cond3A_463 {
        %add3A_682 = arith.constant 2 : i32
        %add3A_683 = arith.addi %mul3A_191, %add3A_682 : i32
        %dma_wait3A_684 = arith.constant 0 : i32
        %dma_wait3A_685 = arith.constant 0 : i32
        %dma_wait3A_686 = tpu.memref_slice %arg8[%dma_wait3A_684, %dma_wait3A_685] : memref<2x96xi32, #tpu.memory_space<vmem>> -> memref<1x96xi32, #tpu.memory_space<vmem>>
        %dma_wait3A_687 = tpu.memref_squeeze %dma_wait3A_686 : memref<1x96xi32, #tpu.memory_space<vmem>> -> memref<96xi32, #tpu.memory_space<vmem>>
        %dma_wait3A_688 = arith.constant 0 : i32
        %dma_wait3A_689 = tpu.memref_slice %arg5[%add3A, %add3A_683, %dma_wait3A_688] : memref<32x106x96xi32, #tpu.memory_space<hbm>> -> memref<1x1x96xi32, #tpu.memory_space<hbm>>
        %dma_wait3A_690 = tpu.memref_squeeze %dma_wait3A_689 : memref<1x1x96xi32, #tpu.memory_space<hbm>> -> memref<96xi32, #tpu.memory_space<hbm>>
        %dma_wait3A_691 = arith.constant 0 : i32
        %dma_wait3A_692 = tpu.memref_slice %arg8[%dma_wait3A_684, %dma_wait3A_691] : memref<2x96xi32, #tpu.memory_space<vmem>> -> memref<1x96xi32, #tpu.memory_space<vmem>>
        %dma_wait3A_693 = tpu.memref_squeeze %dma_wait3A_692 : memref<1x96xi32, #tpu.memory_space<vmem>> -> memref<96xi32, #tpu.memory_space<vmem>>
        %dma_wait3A_694 = arith.constant 0 : i32
        %dma_wait3A_695 = tpu.memref_slice %arg5[%add3A, %add3A_683, %dma_wait3A_694] : memref<32x106x96xi32, #tpu.memory_space<hbm>> -> memref<1x1x96xi32, #tpu.memory_space<hbm>>
        %dma_wait3A_696 = tpu.memref_squeeze %dma_wait3A_695 : memref<1x1x96xi32, #tpu.memory_space<hbm>> -> memref<96xi32, #tpu.memory_space<hbm>>
        tpu.wait_dma2 semaphore(%arg16 : memref<!tpu.dma_semaphore, #tpu.memory_space<semaphore_mem>>) src(%dma_wait3A_696 : memref<96xi32, #tpu.memory_space<hbm>>) dst(%dma_wait3A_693 : memref<96xi32, #tpu.memory_space<vmem>>)
        %dma_wait3A_697 = arith.constant 0 : i32
        %dma_wait3A_698 = arith.constant 0 : i32
        %dma_wait3A_699 = tpu.memref_slice %arg9[%dma_wait3A_697, %dma_wait3A_698] : memref<2x96xi32, #tpu.memory_space<vmem>> -> memref<1x96xi32, #tpu.memory_space<vmem>>
        %dma_wait3A_700 = tpu.memref_squeeze %dma_wait3A_699 : memref<1x96xi32, #tpu.memory_space<vmem>> -> memref<96xi32, #tpu.memory_space<vmem>>
        %dma_wait3A_701 = arith.constant 0 : i32
        %dma_wait3A_702 = tpu.memref_slice %arg6[%add3A, %add3A_683, %dma_wait3A_701] : memref<32x106x96xi32, #tpu.memory_space<hbm>> -> memref<1x1x96xi32, #tpu.memory_space<hbm>>
        %dma_wait3A_703 = tpu.memref_squeeze %dma_wait3A_702 : memref<1x1x96xi32, #tpu.memory_space<hbm>> -> memref<96xi32, #tpu.memory_space<hbm>>
        %dma_wait3A_704 = arith.constant 0 : i32
        %dma_wait3A_705 = tpu.memref_slice %arg9[%dma_wait3A_697, %dma_wait3A_704] : memref<2x96xi32, #tpu.memory_space<vmem>> -> memref<1x96xi32, #tpu.memory_space<vmem>>
        %dma_wait3A_706 = tpu.memref_squeeze %dma_wait3A_705 : memref<1x96xi32, #tpu.memory_space<vmem>> -> memref<96xi32, #tpu.memory_space<vmem>>
        %dma_wait3A_707 = arith.constant 0 : i32
        %dma_wait3A_708 = tpu.memref_slice %arg6[%add3A, %add3A_683, %dma_wait3A_707] : memref<32x106x96xi32, #tpu.memory_space<hbm>> -> memref<1x1x96xi32, #tpu.memory_space<hbm>>
        %dma_wait3A_709 = tpu.memref_squeeze %dma_wait3A_708 : memref<1x1x96xi32, #tpu.memory_space<hbm>> -> memref<96xi32, #tpu.memory_space<hbm>>
        tpu.wait_dma2 semaphore(%arg16 : memref<!tpu.dma_semaphore, #tpu.memory_space<semaphore_mem>>) src(%dma_wait3A_709 : memref<96xi32, #tpu.memory_space<hbm>>) dst(%dma_wait3A_706 : memref<96xi32, #tpu.memory_space<vmem>>)
        %dma_start3A_710 = arith.constant 0 : i32
        %dma_start3A_711 = arith.constant 0 : i32
        %dma_start3A_712 = arith.constant 0 : i32
        %dma_start3A_713 = arith.constant 0 : i32
        %dma_start3A_714 = tpu.memref_slice %arg12[%dma_start3A_711, %dma_start3A_712, %dma_start3A_713] : memref<2x96x128xf32, #tpu.memory_space<vmem>> -> memref<1x96x128xf32, #tpu.memory_space<vmem>>
        %dma_start3A_715 = tpu.memref_squeeze %dma_start3A_714 : memref<1x96x128xf32, #tpu.memory_space<vmem>> -> memref<96x128xf32, #tpu.memory_space<vmem>>
        %dma_start3A_716 = arith.constant 0 : i32
        %dma_start3A_717 = tpu.memref_slice %arg8[%dma_start3A_710, %dma_start3A_716] : memref<2x96xi32, #tpu.memory_space<vmem>> -> memref<1x96xi32, #tpu.memory_space<vmem>>
        %dma_start3A_718 = tpu.memref_squeeze %dma_start3A_717 : memref<1x96xi32, #tpu.memory_space<vmem>> -> memref<96xi32, #tpu.memory_space<vmem>>
        %dma_start3A_719 = arith.constant 0 : i32
        %dma_start3A_720 = arith.constant 0 : i32
        %dma_start3A_721 = tpu.memref_slice %arg2[%dma_start3A_719, %dma_start3A_720] : memref<10240x128xf32, #tpu.memory_space<hbm>> -> memref<10240x128xf32, #tpu.memory_space<hbm>>
        tpu.enqueue_indirect_dma source(%dma_start3A_721 : memref<10240x128xf32, #tpu.memory_space<hbm>>) target(%dma_start3A_715 : memref<96x128xf32, #tpu.memory_space<vmem>>) offsets(%dma_start3A_718 : memref<96xi32, #tpu.memory_space<vmem>>) semaphore(%arg17 : memref<!tpu.dma_semaphore, #tpu.memory_space<semaphore_mem>>)
      } else {
      }
      %dma_wait3A_464 = arith.constant 1 : i32
      %dma_wait3A_465 = arith.constant 1 : i32
      %dma_wait3A_466 = arith.constant 0 : i32
      %dma_wait3A_467 = arith.constant 0 : i32
      %dma_wait3A_468 = tpu.memref_slice %arg12[%dma_wait3A_465, %dma_wait3A_466, %dma_wait3A_467] : memref<2x96x128xf32, #tpu.memory_space<vmem>> -> memref<1x96x128xf32, #tpu.memory_space<vmem>>
      %dma_wait3A_469 = tpu.memref_squeeze %dma_wait3A_468 : memref<1x96x128xf32, #tpu.memory_space<vmem>> -> memref<96x128xf32, #tpu.memory_space<vmem>>
      %dma_wait3A_470 = arith.constant 0 : i32
      %dma_wait3A_471 = tpu.memref_slice %arg8[%dma_wait3A_464, %dma_wait3A_470] : memref<2x96xi32, #tpu.memory_space<vmem>> -> memref<1x96xi32, #tpu.memory_space<vmem>>
      %dma_wait3A_472 = tpu.memref_squeeze %dma_wait3A_471 : memref<1x96xi32, #tpu.memory_space<vmem>> -> memref<96xi32, #tpu.memory_space<vmem>>
      %dma_wait3A_473 = arith.constant 0 : i32
      %dma_wait3A_474 = arith.constant 0 : i32
      %dma_wait3A_475 = tpu.memref_slice %arg2[%dma_wait3A_473, %dma_wait3A_474] : memref<10240x128xf32, #tpu.memory_space<hbm>> -> memref<10240x128xf32, #tpu.memory_space<hbm>>
      tpu.wait_indirect_dma semaphore(%arg17 : memref<!tpu.dma_semaphore, #tpu.memory_space<semaphore_mem>>) src(%dma_wait3A_475 : memref<10240x128xf32, #tpu.memory_space<hbm>>) dst(%dma_wait3A_469 : memref<96x128xf32, #tpu.memory_space<vmem>>)
      %get3A_476 = arith.constant 1 : i32
      %get3A_477 = arith.index_cast %get3A_476 : i32 to index
      %get3A_478 = arith.constant 0 : index
      %get3A_479 = tpu.vector_load %arg8[%get3A_477, %get3A_478] {strides = array<i32>} : memref<2x96xi32, #tpu.memory_space<vmem>>, vector<16xi32>,
      %get3A_480 = arith.constant 1 : i32
      %get3A_481 = arith.index_cast %get3A_480 : i32 to index
      %get3A_482 = arith.constant 0 : index
      %get3A_483 = tpu.vector_load %arg9[%get3A_481, %get3A_482] {strides = array<i32>} : memref<2x96xi32, #tpu.memory_space<vmem>>, vector<16xi32>,
      %gather3A_484 = tpu.vector_load_idx %arg13[%get3A_479] : memref<10240xf32, #tpu.memory_space<vmem>>[vector<16xi32>], vector<16xf32>,
      %gather3A_485 = tpu.vector_load_idx %arg14[%get3A_483] : memref<10240xf32, #tpu.memory_space<vmem>>[vector<16xi32>], vector<16xf32>,
      %add3A_486 = arith.addf %gather3A_484, %gather3A_485 : vector<16xf32>
      %mul3A_487 = arith.constant 2.000000e+00 : f32
      %mul3A_488 = vector.broadcast %mul3A_487 : f32 to vector<16xf32>
      %mul3A_489 = arith.mulf %add3A_486, %mul3A_488 : vector<16xf32>
      %exp3A_490 = math.exp %mul3A_489 : vector<16xf32>
      %add3A_491 = arith.constant 1.000000e+00 : f32
      %add3A_492 = vector.broadcast %add3A_491 : f32 to vector<16xf32>
      %add3A_493 = arith.addf %exp3A_490, %add3A_492 : vector<16xf32>
      %div3A_494 = arith.constant 2.000000e+00 : f32
      %div3A_495 = vector.broadcast %div3A_494 : f32 to vector<16xf32>
      %div3A_496 = arith.divf %div3A_495, %add3A_493 : vector<16xf32>
      %sub3A_497 = arith.constant 1.000000e+00 : f32
      %sub3A_498 = vector.broadcast %sub3A_497 : f32 to vector<16xf32>
      %sub3A_499 = arith.subf %sub3A_498, %div3A_496 : vector<16xf32>
      %swap3A_500 = arith.constant 0 : index
      %swap3A_501 = tpu.vector_load %arg11[%swap3A_500] {strides = array<i32>} : memref<96xf32, #tpu.memory_space<vmem>>, vector<16xf32>,
      tpu.vector_store %arg11[%swap3A_500], %sub3A_499 {strides = array<i32>} : memref<96xf32, #tpu.memory_space<vmem>>, vector<16xf32>,
      %swap3A_502 = arith.constant 1 : i32
      %swap3A_503 = arith.index_cast %swap3A_502 : i32 to index
      %swap3A_504 = arith.constant 0 : index
      %swap3A_505 = tpu.vector_load %arg10[%swap3A_503, %swap3A_504] {strides = array<i32>} : memref<2x96xi32, #tpu.memory_space<vmem>>, vector<16xi32>,
      tpu.vector_store %arg10[%swap3A_503, %swap3A_504], %get3A_483 {strides = array<i32>} : memref<2x96xi32, #tpu.memory_space<vmem>>, vector<16xi32>,
      %get3A_506 = arith.constant 1 : i32
      %get3A_507 = arith.index_cast %get3A_506 : i32 to index
      %get3A_508 = arith.constant 16 : index
      %get3A_509 = tpu.vector_load %arg8[%get3A_507, %get3A_508] {strides = array<i32>} : memref<2x96xi32, #tpu.memory_space<vmem>>, vector<16xi32>,
      %get3A_510 = arith.constant 1 : i32
      %get3A_511 = arith.index_cast %get3A_510 : i32 to index
      %get3A_512 = arith.constant 16 : index
      %get3A_513 = tpu.vector_load %arg9[%get3A_511, %get3A_512] {strides = array<i32>} : memref<2x96xi32, #tpu.memory_space<vmem>>, vector<16xi32>,
      %gather3A_514 = tpu.vector_load_idx %arg13[%get3A_509] : memref<10240xf32, #tpu.memory_space<vmem>>[vector<16xi32>], vector<16xf32>,
      %gather3A_515 = tpu.vector_load_idx %arg14[%get3A_513] : memref<10240xf32, #tpu.memory_space<vmem>>[vector<16xi32>], vector<16xf32>,
      %add3A_516 = arith.addf %gather3A_514, %gather3A_515 : vector<16xf32>
      %mul3A_517 = arith.constant 2.000000e+00 : f32
      %mul3A_518 = vector.broadcast %mul3A_517 : f32 to vector<16xf32>
      %mul3A_519 = arith.mulf %add3A_516, %mul3A_518 : vector<16xf32>
      %exp3A_520 = math.exp %mul3A_519 : vector<16xf32>
      %add3A_521 = arith.constant 1.000000e+00 : f32
      %add3A_522 = vector.broadcast %add3A_521 : f32 to vector<16xf32>
      %add3A_523 = arith.addf %exp3A_520, %add3A_522 : vector<16xf32>
      %div3A_524 = arith.constant 2.000000e+00 : f32
      %div3A_525 = vector.broadcast %div3A_524 : f32 to vector<16xf32>
      %div3A_526 = arith.divf %div3A_525, %add3A_523 : vector<16xf32>
      %sub3A_527 = arith.constant 1.000000e+00 : f32
      %sub3A_528 = vector.broadcast %sub3A_527 : f32 to vector<16xf32>
      %sub3A_529 = arith.subf %sub3A_528, %div3A_526 : vector<16xf32>
      %swap3A_530 = arith.constant 16 : index
      %swap3A_531 = tpu.vector_load %arg11[%swap3A_530] {strides = array<i32>} : memref<96xf32, #tpu.memory_space<vmem>>, vector<16xf32>,
      tpu.vector_store %arg11[%swap3A_530], %sub3A_529 {strides = array<i32>} : memref<96xf32, #tpu.memory_space<vmem>>, vector<16xf32>,
      %swap3A_532 = arith.constant 1 : i32
      %swap3A_533 = arith.index_cast %swap3A_532 : i32 to index
      %swap3A_534 = arith.constant 16 : index
      %swap3A_535 = tpu.vector_load %arg10[%swap3A_533, %swap3A_534] {strides = array<i32>} : memref<2x96xi32, #tpu.memory_space<vmem>>, vector<16xi32>,
      tpu.vector_store %arg10[%swap3A_533, %swap3A_534], %get3A_513 {strides = array<i32>} : memref<2x96xi32, #tpu.memory_space<vmem>>, vector<16xi32>,
      %get3A_536 = arith.constant 1 : i32
      %get3A_537 = arith.index_cast %get3A_536 : i32 to index
      %get3A_538 = arith.constant 32 : index
      %get3A_539 = tpu.vector_load %arg8[%get3A_537, %get3A_538] {strides = array<i32>} : memref<2x96xi32, #tpu.memory_space<vmem>>, vector<16xi32>,
      %get3A_540 = arith.constant 1 : i32
      %get3A_541 = arith.index_cast %get3A_540 : i32 to index
      %get3A_542 = arith.constant 32 : index
      %get3A_543 = tpu.vector_load %arg9[%get3A_541, %get3A_542] {strides = array<i32>} : memref<2x96xi32, #tpu.memory_space<vmem>>, vector<16xi32>,
      %gather3A_544 = tpu.vector_load_idx %arg13[%get3A_539] : memref<10240xf32, #tpu.memory_space<vmem>>[vector<16xi32>], vector<16xf32>,
      %gather3A_545 = tpu.vector_load_idx %arg14[%get3A_543] : memref<10240xf32, #tpu.memory_space<vmem>>[vector<16xi32>], vector<16xf32>,
      %add3A_546 = arith.addf %gather3A_544, %gather3A_545 : vector<16xf32>
      %mul3A_547 = arith.constant 2.000000e+00 : f32
      %mul3A_548 = vector.broadcast %mul3A_547 : f32 to vector<16xf32>
      %mul3A_549 = arith.mulf %add3A_546, %mul3A_548 : vector<16xf32>
      %exp3A_550 = math.exp %mul3A_549 : vector<16xf32>
      %add3A_551 = arith.constant 1.000000e+00 : f32
      %add3A_552 = vector.broadcast %add3A_551 : f32 to vector<16xf32>
      %add3A_553 = arith.addf %exp3A_550, %add3A_552 : vector<16xf32>
      %div3A_554 = arith.constant 2.000000e+00 : f32
      %div3A_555 = vector.broadcast %div3A_554 : f32 to vector<16xf32>
      %div3A_556 = arith.divf %div3A_555, %add3A_553 : vector<16xf32>
      %sub3A_557 = arith.constant 1.000000e+00 : f32
      %sub3A_558 = vector.broadcast %sub3A_557 : f32 to vector<16xf32>
      %sub3A_559 = arith.subf %sub3A_558, %div3A_556 : vector<16xf32>
      %swap3A_560 = arith.constant 32 : index
      %swap3A_561 = tpu.vector_load %arg11[%swap3A_560] {strides = array<i32>} : memref<96xf32, #tpu.memory_space<vmem>>, vector<16xf32>,
      tpu.vector_store %arg11[%swap3A_560], %sub3A_559 {strides = array<i32>} : memref<96xf32, #tpu.memory_space<vmem>>, vector<16xf32>,
      %swap3A_562 = arith.constant 1 : i32
      %swap3A_563 = arith.index_cast %swap3A_562 : i32 to index
      %swap3A_564 = arith.constant 32 : index
      %swap3A_565 = tpu.vector_load %arg10[%swap3A_563, %swap3A_564] {strides = array<i32>} : memref<2x96xi32, #tpu.memory_space<vmem>>, vector<16xi32>,
      tpu.vector_store %arg10[%swap3A_563, %swap3A_564], %get3A_543 {strides = array<i32>} : memref<2x96xi32, #tpu.memory_space<vmem>>, vector<16xi32>,
      %get3A_566 = arith.constant 1 : i32
      %get3A_567 = arith.index_cast %get3A_566 : i32 to index
      %get3A_568 = arith.constant 48 : index
      %get3A_569 = tpu.vector_load %arg8[%get3A_567, %get3A_568] {strides = array<i32>} : memref<2x96xi32, #tpu.memory_space<vmem>>, vector<16xi32>,
      %get3A_570 = arith.constant 1 : i32
      %get3A_571 = arith.index_cast %get3A_570 : i32 to index
      %get3A_572 = arith.constant 48 : index
      %get3A_573 = tpu.vector_load %arg9[%get3A_571, %get3A_572] {strides = array<i32>} : memref<2x96xi32, #tpu.memory_space<vmem>>, vector<16xi32>,
      %gather3A_574 = tpu.vector_load_idx %arg13[%get3A_569] : memref<10240xf32, #tpu.memory_space<vmem>>[vector<16xi32>], vector<16xf32>,
      %gather3A_575 = tpu.vector_load_idx %arg14[%get3A_573] : memref<10240xf32, #tpu.memory_space<vmem>>[vector<16xi32>], vector<16xf32>,
      %add3A_576 = arith.addf %gather3A_574, %gather3A_575 : vector<16xf32>
      %mul3A_577 = arith.constant 2.000000e+00 : f32
      %mul3A_578 = vector.broadcast %mul3A_577 : f32 to vector<16xf32>
      %mul3A_579 = arith.mulf %add3A_576, %mul3A_578 : vector<16xf32>
      %exp3A_580 = math.exp %mul3A_579 : vector<16xf32>
      %add3A_581 = arith.constant 1.000000e+00 : f32
      %add3A_582 = vector.broadcast %add3A_581 : f32 to vector<16xf32>
      %add3A_583 = arith.addf %exp3A_580, %add3A_582 : vector<16xf32>
      %div3A_584 = arith.constant 2.000000e+00 : f32
      %div3A_585 = vector.broadcast %div3A_584 : f32 to vector<16xf32>
      %div3A_586 = arith.divf %div3A_585, %add3A_583 : vector<16xf32>
      %sub3A_587 = arith.constant 1.000000e+00 : f32
      %sub3A_588 = vector.broadcast %sub3A_587 : f32 to vector<16xf32>
      %sub3A_589 = arith.subf %sub3A_588, %div3A_586 : vector<16xf32>
      %swap3A_590 = arith.constant 48 : index
      %swap3A_591 = tpu.vector_load %arg11[%swap3A_590] {strides = array<i32>} : memref<96xf32, #tpu.memory_space<vmem>>, vector<16xf32>,
      tpu.vector_store %arg11[%swap3A_590], %sub3A_589 {strides = array<i32>} : memref<96xf32, #tpu.memory_space<vmem>>, vector<16xf32>,
      %swap3A_592 = arith.constant 1 : i32
      %swap3A_593 = arith.index_cast %swap3A_592 : i32 to index
      %swap3A_594 = arith.constant 48 : index
      %swap3A_595 = tpu.vector_load %arg10[%swap3A_593, %swap3A_594] {strides = array<i32>} : memref<2x96xi32, #tpu.memory_space<vmem>>, vector<16xi32>,
      tpu.vector_store %arg10[%swap3A_593, %swap3A_594], %get3A_573 {strides = array<i32>} : memref<2x96xi32, #tpu.memory_space<vmem>>, vector<16xi32>,
      %get3A_596 = arith.constant 1 : i32
      %get3A_597 = arith.index_cast %get3A_596 : i32 to index
      %get3A_598 = arith.constant 64 : index
      %get3A_599 = tpu.vector_load %arg8[%get3A_597, %get3A_598] {strides = array<i32>} : memref<2x96xi32, #tpu.memory_space<vmem>>, vector<16xi32>,
      %get3A_600 = arith.constant 1 : i32
      %get3A_601 = arith.index_cast %get3A_600 : i32 to index
      %get3A_602 = arith.constant 64 : index
      %get3A_603 = tpu.vector_load %arg9[%get3A_601, %get3A_602] {strides = array<i32>} : memref<2x96xi32, #tpu.memory_space<vmem>>, vector<16xi32>,
      %gather3A_604 = tpu.vector_load_idx %arg13[%get3A_599] : memref<10240xf32, #tpu.memory_space<vmem>>[vector<16xi32>], vector<16xf32>,
      %gather3A_605 = tpu.vector_load_idx %arg14[%get3A_603] : memref<10240xf32, #tpu.memory_space<vmem>>[vector<16xi32>], vector<16xf32>,
      %add3A_606 = arith.addf %gather3A_604, %gather3A_605 : vector<16xf32>
      %mul3A_607 = arith.constant 2.000000e+00 : f32
      %mul3A_608 = vector.broadcast %mul3A_607 : f32 to vector<16xf32>
      %mul3A_609 = arith.mulf %add3A_606, %mul3A_608 : vector<16xf32>
      %exp3A_610 = math.exp %mul3A_609 : vector<16xf32>
      %add3A_611 = arith.constant 1.000000e+00 : f32
      %add3A_612 = vector.broadcast %add3A_611 : f32 to vector<16xf32>
      %add3A_613 = arith.addf %exp3A_610, %add3A_612 : vector<16xf32>
      %div3A_614 = arith.constant 2.000000e+00 : f32
      %div3A_615 = vector.broadcast %div3A_614 : f32 to vector<16xf32>
      %div3A_616 = arith.divf %div3A_615, %add3A_613 : vector<16xf32>
      %sub3A_617 = arith.constant 1.000000e+00 : f32
      %sub3A_618 = vector.broadcast %sub3A_617 : f32 to vector<16xf32>
      %sub3A_619 = arith.subf %sub3A_618, %div3A_616 : vector<16xf32>
      %swap3A_620 = arith.constant 64 : index
      %swap3A_621 = tpu.vector_load %arg11[%swap3A_620] {strides = array<i32>} : memref<96xf32, #tpu.memory_space<vmem>>, vector<16xf32>,
      tpu.vector_store %arg11[%swap3A_620], %sub3A_619 {strides = array<i32>} : memref<96xf32, #tpu.memory_space<vmem>>, vector<16xf32>,
      %swap3A_622 = arith.constant 1 : i32
      %swap3A_623 = arith.index_cast %swap3A_622 : i32 to index
      %swap3A_624 = arith.constant 64 : index
      %swap3A_625 = tpu.vector_load %arg10[%swap3A_623, %swap3A_624] {strides = array<i32>} : memref<2x96xi32, #tpu.memory_space<vmem>>, vector<16xi32>,
      tpu.vector_store %arg10[%swap3A_623, %swap3A_624], %get3A_603 {strides = array<i32>} : memref<2x96xi32, #tpu.memory_space<vmem>>, vector<16xi32>,
      %get3A_626 = arith.constant 1 : i32
      %get3A_627 = arith.index_cast %get3A_626 : i32 to index
      %get3A_628 = arith.constant 80 : index
      %get3A_629 = tpu.vector_load %arg8[%get3A_627, %get3A_628] {strides = array<i32>} : memref<2x96xi32, #tpu.memory_space<vmem>>, vector<16xi32>,
      %get3A_630 = arith.constant 1 : i32
      %get3A_631 = arith.index_cast %get3A_630 : i32 to index
      %get3A_632 = arith.constant 80 : index
      %get3A_633 = tpu.vector_load %arg9[%get3A_631, %get3A_632] {strides = array<i32>} : memref<2x96xi32, #tpu.memory_space<vmem>>, vector<16xi32>,
      %gather3A_634 = tpu.vector_load_idx %arg13[%get3A_629] : memref<10240xf32, #tpu.memory_space<vmem>>[vector<16xi32>], vector<16xf32>,
      %gather3A_635 = tpu.vector_load_idx %arg14[%get3A_633] : memref<10240xf32, #tpu.memory_space<vmem>>[vector<16xi32>], vector<16xf32>,
      %add3A_636 = arith.addf %gather3A_634, %gather3A_635 : vector<16xf32>
      %mul3A_637 = arith.constant 2.000000e+00 : f32
      %mul3A_638 = vector.broadcast %mul3A_637 : f32 to vector<16xf32>
      %mul3A_639 = arith.mulf %add3A_636, %mul3A_638 : vector<16xf32>
      %exp3A_640 = math.exp %mul3A_639 : vector<16xf32>
      %add3A_641 = arith.constant 1.000000e+00 : f32
      %add3A_642 = vector.broadcast %add3A_641 : f32 to vector<16xf32>
      %add3A_643 = arith.addf %exp3A_640, %add3A_642 : vector<16xf32>
      %div3A_644 = arith.constant 2.000000e+00 : f32
      %div3A_645 = vector.broadcast %div3A_644 : f32 to vector<16xf32>
      %div3A_646 = arith.divf %div3A_645, %add3A_643 : vector<16xf32>
      %sub3A_647 = arith.constant 1.000000e+00 : f32
      %sub3A_648 = vector.broadcast %sub3A_647 : f32 to vector<16xf32>
      %sub3A_649 = arith.subf %sub3A_648, %div3A_646 : vector<16xf32>
      %swap3A_650 = arith.constant 80 : index
      %swap3A_651 = tpu.vector_load %arg11[%swap3A_650] {strides = array<i32>} : memref<96xf32, #tpu.memory_space<vmem>>, vector<16xf32>,
      tpu.vector_store %arg11[%swap3A_650], %sub3A_649 {strides = array<i32>} : memref<96xf32, #tpu.memory_space<vmem>>, vector<16xf32>,
      %swap3A_652 = arith.constant 1 : i32
      %swap3A_653 = arith.index_cast %swap3A_652 : i32 to index
      %swap3A_654 = arith.constant 80 : index
      %swap3A_655 = tpu.vector_load %arg10[%swap3A_653, %swap3A_654] {strides = array<i32>} : memref<2x96xi32, #tpu.memory_space<vmem>>, vector<16xi32>,
      tpu.vector_store %arg10[%swap3A_653, %swap3A_654], %get3A_633 {strides = array<i32>} : memref<2x96xi32, #tpu.memory_space<vmem>>, vector<16xi32>,
      %scan3A_656 = arith.constant 0 : i32
      %scan3A_657 = arith.constant 1 : i32
      %scan3A_658 = arith.constant 0 : i32
      %scan3A_659 = arith.constant 96 : i32
      %scan3A_660 = arith.addi %scan3A_658, %scan3A_659 : i32
      %scan3A_661 = arith.constant 1 : i32
      scf.for %scan3A_682 = %scan3A_658 to %scan3A_660 step %scan3A_661  : i32 {
        %broadcast_in_dim3A_683 = vector.broadcast %scan3A_682 : i32 to vector<16xi32>
        %gather3A_684 = tpu.vector_load_idx %arg11[%broadcast_in_dim3A_683] : memref<96xf32, #tpu.memory_space<vmem>>[vector<16xi32>], vector<16xf32>,
        %get3A_685 = arith.constant 0 : i32
        %get3A_686 = arith.constant 0 : i32
        %get3A_687 = tpu.memref_slice %arg12[%scan3A_657, %get3A_685, %get3A_686] : memref<2x96x128xf32, #tpu.memory_space<vmem>> -> memref<1x96x128xf32, #tpu.memory_space<vmem>>
        %get3A_688 = tpu.memref_squeeze %get3A_687 : memref<1x96x128xf32, #tpu.memory_space<vmem>> -> memref<96x128xf32, #tpu.memory_space<vmem>>
        %get3A_689 = arith.index_cast %scan3A_682 : i32 to index
        %get3A_690 = arith.constant 0 : index
        %get3A_691 = tpu.vector_load %get3A_688[%get3A_689, %get3A_690] {strides = array<i32>} : memref<96x128xf32, #tpu.memory_space<vmem>>, vector<16xf32>,
        %mul3A_692 = arith.mulf %get3A_691, %gather3A_684 : vector<16xf32>
        %swap3A_693 = arith.constant 0 : i32
        %swap3A_694 = arith.constant 0 : i32
        %swap3A_695 = tpu.memref_slice %arg12[%scan3A_657, %swap3A_693, %swap3A_694] : memref<2x96x128xf32, #tpu.memory_space<vmem>> -> memref<1x96x128xf32, #tpu.memory_space<vmem>>
        %swap3A_696 = tpu.memref_squeeze %swap3A_695 : memref<1x96x128xf32, #tpu.memory_space<vmem>> -> memref<96x128xf32, #tpu.memory_space<vmem>>
        %swap3A_697 = arith.index_cast %scan3A_682 : i32 to index
        %swap3A_698 = arith.constant 0 : index
        %swap3A_699 = tpu.vector_load %swap3A_696[%swap3A_697, %swap3A_698] {strides = array<i32>} : memref<96x128xf32, #tpu.memory_space<vmem>>, vector<16xf32>,
        tpu.vector_store %swap3A_696[%swap3A_697, %swap3A_698], %mul3A_692 {strides = array<i32>} : memref<96x128xf32, #tpu.memory_space<vmem>>, vector<16xf32>,
        %get3A_700 = arith.constant 0 : i32
        %get3A_701 = arith.constant 0 : i32
        %get3A_702 = tpu.memref_slice %arg12[%scan3A_657, %get3A_700, %get3A_701] : memref<2x96x128xf32, #tpu.memory_space<vmem>> -> memref<1x96x128xf32, #tpu.memory_space<vmem>>
        %get3A_703 = tpu.memref_squeeze %get3A_702 : memref<1x96x128xf32, #tpu.memory_space<vmem>> -> memref<96x128xf32, #tpu.memory_space<vmem>>
        %get3A_704 = arith.index_cast %scan3A_682 : i32 to index
        %get3A_705 = arith.constant 16 : index
        %get3A_706 = tpu.vector_load %get3A_703[%get3A_704, %get3A_705] {strides = array<i32>} : memref<96x128xf32, #tpu.memory_space<vmem>>, vector<16xf32>,
        %mul3A_707 = arith.mulf %get3A_706, %gather3A_684 : vector<16xf32>
        %swap3A_708 = arith.constant 0 : i32
        %swap3A_709 = arith.constant 0 : i32
        %swap3A_710 = tpu.memref_slice %arg12[%scan3A_657, %swap3A_708, %swap3A_709] : memref<2x96x128xf32, #tpu.memory_space<vmem>> -> memref<1x96x128xf32, #tpu.memory_space<vmem>>
        %swap3A_711 = tpu.memref_squeeze %swap3A_710 : memref<1x96x128xf32, #tpu.memory_space<vmem>> -> memref<96x128xf32, #tpu.memory_space<vmem>>
        %swap3A_712 = arith.index_cast %scan3A_682 : i32 to index
        %swap3A_713 = arith.constant 16 : index
        %swap3A_714 = tpu.vector_load %swap3A_711[%swap3A_712, %swap3A_713] {strides = array<i32>} : memref<96x128xf32, #tpu.memory_space<vmem>>, vector<16xf32>,
        tpu.vector_store %swap3A_711[%swap3A_712, %swap3A_713], %mul3A_707 {strides = array<i32>} : memref<96x128xf32, #tpu.memory_space<vmem>>, vector<16xf32>,
        %get3A_715 = arith.constant 0 : i32
        %get3A_716 = arith.constant 0 : i32
        %get3A_717 = tpu.memref_slice %arg12[%scan3A_657, %get3A_715, %get3A_716] : memref<2x96x128xf32, #tpu.memory_space<vmem>> -> memref<1x96x128xf32, #tpu.memory_space<vmem>>
        %get3A_718 = tpu.memref_squeeze %get3A_717 : memref<1x96x128xf32, #tpu.memory_space<vmem>> -> memref<96x128xf32, #tpu.memory_space<vmem>>
        %get3A_719 = arith.index_cast %scan3A_682 : i32 to index
        %get3A_720 = arith.constant 32 : index
        %get3A_721 = tpu.vector_load %get3A_718[%get3A_719, %get3A_720] {strides = array<i32>} : memref<96x128xf32, #tpu.memory_space<vmem>>, vector<16xf32>,
        %mul3A_722 = arith.mulf %get3A_721, %gather3A_684 : vector<16xf32>
        %swap3A_723 = arith.constant 0 : i32
        %swap3A_724 = arith.constant 0 : i32
        %swap3A_725 = tpu.memref_slice %arg12[%scan3A_657, %swap3A_723, %swap3A_724] : memref<2x96x128xf32, #tpu.memory_space<vmem>> -> memref<1x96x128xf32, #tpu.memory_space<vmem>>
        %swap3A_726 = tpu.memref_squeeze %swap3A_725 : memref<1x96x128xf32, #tpu.memory_space<vmem>> -> memref<96x128xf32, #tpu.memory_space<vmem>>
        %swap3A_727 = arith.index_cast %scan3A_682 : i32 to index
        %swap3A_728 = arith.constant 32 : index
        %swap3A_729 = tpu.vector_load %swap3A_726[%swap3A_727, %swap3A_728] {strides = array<i32>} : memref<96x128xf32, #tpu.memory_space<vmem>>, vector<16xf32>,
        tpu.vector_store %swap3A_726[%swap3A_727, %swap3A_728], %mul3A_722 {strides = array<i32>} : memref<96x128xf32, #tpu.memory_space<vmem>>, vector<16xf32>,
        %get3A_730 = arith.constant 0 : i32
        %get3A_731 = arith.constant 0 : i32
        %get3A_732 = tpu.memref_slice %arg12[%scan3A_657, %get3A_730, %get3A_731] : memref<2x96x128xf32, #tpu.memory_space<vmem>> -> memref<1x96x128xf32, #tpu.memory_space<vmem>>
        %get3A_733 = tpu.memref_squeeze %get3A_732 : memref<1x96x128xf32, #tpu.memory_space<vmem>> -> memref<96x128xf32, #tpu.memory_space<vmem>>
        %get3A_734 = arith.index_cast %scan3A_682 : i32 to index
        %get3A_735 = arith.constant 48 : index
        %get3A_736 = tpu.vector_load %get3A_733[%get3A_734, %get3A_735] {strides = array<i32>} : memref<96x128xf32, #tpu.memory_space<vmem>>, vector<16xf32>,
        %mul3A_737 = arith.mulf %get3A_736, %gather3A_684 : vector<16xf32>
        %swap3A_738 = arith.constant 0 : i32
        %swap3A_739 = arith.constant 0 : i32
        %swap3A_740 = tpu.memref_slice %arg12[%scan3A_657, %swap3A_738, %swap3A_739] : memref<2x96x128xf32, #tpu.memory_space<vmem>> -> memref<1x96x128xf32, #tpu.memory_space<vmem>>
        %swap3A_741 = tpu.memref_squeeze %swap3A_740 : memref<1x96x128xf32, #tpu.memory_space<vmem>> -> memref<96x128xf32, #tpu.memory_space<vmem>>
        %swap3A_742 = arith.index_cast %scan3A_682 : i32 to index
        %swap3A_743 = arith.constant 48 : index
        %swap3A_744 = tpu.vector_load %swap3A_741[%swap3A_742, %swap3A_743] {strides = array<i32>} : memref<96x128xf32, #tpu.memory_space<vmem>>, vector<16xf32>,
        tpu.vector_store %swap3A_741[%swap3A_742, %swap3A_743], %mul3A_737 {strides = array<i32>} : memref<96x128xf32, #tpu.memory_space<vmem>>, vector<16xf32>,
        %get3A_745 = arith.constant 0 : i32
        %get3A_746 = arith.constant 0 : i32
        %get3A_747 = tpu.memref_slice %arg12[%scan3A_657, %get3A_745, %get3A_746] : memref<2x96x128xf32, #tpu.memory_space<vmem>> -> memref<1x96x128xf32, #tpu.memory_space<vmem>>
        %get3A_748 = tpu.memref_squeeze %get3A_747 : memref<1x96x128xf32, #tpu.memory_space<vmem>> -> memref<96x128xf32, #tpu.memory_space<vmem>>
        %get3A_749 = arith.index_cast %scan3A_682 : i32 to index
        %get3A_750 = arith.constant 64 : index
        %get3A_751 = tpu.vector_load %get3A_748[%get3A_749, %get3A_750] {strides = array<i32>} : memref<96x128xf32, #tpu.memory_space<vmem>>, vector<16xf32>,
        %mul3A_752 = arith.mulf %get3A_751, %gather3A_684 : vector<16xf32>
        %swap3A_753 = arith.constant 0 : i32
        %swap3A_754 = arith.constant 0 : i32
        %swap3A_755 = tpu.memref_slice %arg12[%scan3A_657, %swap3A_753, %swap3A_754] : memref<2x96x128xf32, #tpu.memory_space<vmem>> -> memref<1x96x128xf32, #tpu.memory_space<vmem>>
        %swap3A_756 = tpu.memref_squeeze %swap3A_755 : memref<1x96x128xf32, #tpu.memory_space<vmem>> -> memref<96x128xf32, #tpu.memory_space<vmem>>
        %swap3A_757 = arith.index_cast %scan3A_682 : i32 to index
        %swap3A_758 = arith.constant 64 : index
        %swap3A_759 = tpu.vector_load %swap3A_756[%swap3A_757, %swap3A_758] {strides = array<i32>} : memref<96x128xf32, #tpu.memory_space<vmem>>, vector<16xf32>,
        tpu.vector_store %swap3A_756[%swap3A_757, %swap3A_758], %mul3A_752 {strides = array<i32>} : memref<96x128xf32, #tpu.memory_space<vmem>>, vector<16xf32>,
        %get3A_760 = arith.constant 0 : i32
        %get3A_761 = arith.constant 0 : i32
        %get3A_762 = tpu.memref_slice %arg12[%scan3A_657, %get3A_760, %get3A_761] : memref<2x96x128xf32, #tpu.memory_space<vmem>> -> memref<1x96x128xf32, #tpu.memory_space<vmem>>
        %get3A_763 = tpu.memref_squeeze %get3A_762 : memref<1x96x128xf32, #tpu.memory_space<vmem>> -> memref<96x128xf32, #tpu.memory_space<vmem>>
        %get3A_764 = arith.index_cast %scan3A_682 : i32 to index
        %get3A_765 = arith.constant 80 : index
        %get3A_766 = tpu.vector_load %get3A_763[%get3A_764, %get3A_765] {strides = array<i32>} : memref<96x128xf32, #tpu.memory_space<vmem>>, vector<16xf32>,
        %mul3A_767 = arith.mulf %get3A_766, %gather3A_684 : vector<16xf32>
        %swap3A_768 = arith.constant 0 : i32
        %swap3A_769 = arith.constant 0 : i32
        %swap3A_770 = tpu.memref_slice %arg12[%scan3A_657, %swap3A_768, %swap3A_769] : memref<2x96x128xf32, #tpu.memory_space<vmem>> -> memref<1x96x128xf32, #tpu.memory_space<vmem>>
        %swap3A_771 = tpu.memref_squeeze %swap3A_770 : memref<1x96x128xf32, #tpu.memory_space<vmem>> -> memref<96x128xf32, #tpu.memory_space<vmem>>
        %swap3A_772 = arith.index_cast %scan3A_682 : i32 to index
        %swap3A_773 = arith.constant 80 : index
        %swap3A_774 = tpu.vector_load %swap3A_771[%swap3A_772, %swap3A_773] {strides = array<i32>} : memref<96x128xf32, #tpu.memory_space<vmem>>, vector<16xf32>,
        tpu.vector_store %swap3A_771[%swap3A_772, %swap3A_773], %mul3A_767 {strides = array<i32>} : memref<96x128xf32, #tpu.memory_space<vmem>>, vector<16xf32>,
        %get3A_775 = arith.constant 0 : i32
        %get3A_776 = arith.constant 0 : i32
        %get3A_777 = tpu.memref_slice %arg12[%scan3A_657, %get3A_775, %get3A_776] : memref<2x96x128xf32, #tpu.memory_space<vmem>> -> memref<1x96x128xf32, #tpu.memory_space<vmem>>
        %get3A_778 = tpu.memref_squeeze %get3A_777 : memref<1x96x128xf32, #tpu.memory_space<vmem>> -> memref<96x128xf32, #tpu.memory_space<vmem>>
        %get3A_779 = arith.index_cast %scan3A_682 : i32 to index
        %get3A_780 = arith.constant 96 : index
        %get3A_781 = tpu.vector_load %get3A_778[%get3A_779, %get3A_780] {strides = array<i32>} : memref<96x128xf32, #tpu.memory_space<vmem>>, vector<16xf32>,
        %mul3A_782 = arith.mulf %get3A_781, %gather3A_684 : vector<16xf32>
        %swap3A_783 = arith.constant 0 : i32
        %swap3A_784 = arith.constant 0 : i32
        %swap3A_785 = tpu.memref_slice %arg12[%scan3A_657, %swap3A_783, %swap3A_784] : memref<2x96x128xf32, #tpu.memory_space<vmem>> -> memref<1x96x128xf32, #tpu.memory_space<vmem>>
        %swap3A_786 = tpu.memref_squeeze %swap3A_785 : memref<1x96x128xf32, #tpu.memory_space<vmem>> -> memref<96x128xf32, #tpu.memory_space<vmem>>
        %swap3A_787 = arith.index_cast %scan3A_682 : i32 to index
        %swap3A_788 = arith.constant 96 : index
        %swap3A_789 = tpu.vector_load %swap3A_786[%swap3A_787, %swap3A_788] {strides = array<i32>} : memref<96x128xf32, #tpu.memory_space<vmem>>, vector<16xf32>,
        tpu.vector_store %swap3A_786[%swap3A_787, %swap3A_788], %mul3A_782 {strides = array<i32>} : memref<96x128xf32, #tpu.memory_space<vmem>>, vector<16xf32>,
        %get3A_790 = arith.constant 0 : i32
        %get3A_791 = arith.constant 0 : i32
        %get3A_792 = tpu.memref_slice %arg12[%scan3A_657, %get3A_790, %get3A_791] : memref<2x96x128xf32, #tpu.memory_space<vmem>> -> memref<1x96x128xf32, #tpu.memory_space<vmem>>
        %get3A_793 = tpu.memref_squeeze %get3A_792 : memref<1x96x128xf32, #tpu.memory_space<vmem>> -> memref<96x128xf32, #tpu.memory_space<vmem>>
        %get3A_794 = arith.index_cast %scan3A_682 : i32 to index
        %get3A_795 = arith.constant 112 : index
        %get3A_796 = tpu.vector_load %get3A_793[%get3A_794, %get3A_795] {strides = array<i32>} : memref<96x128xf32, #tpu.memory_space<vmem>>, vector<16xf32>,
        %mul3A_797 = arith.mulf %get3A_796, %gather3A_684 : vector<16xf32>
        %swap3A_798 = arith.constant 0 : i32
        %swap3A_799 = arith.constant 0 : i32
        %swap3A_800 = tpu.memref_slice %arg12[%scan3A_657, %swap3A_798, %swap3A_799] : memref<2x96x128xf32, #tpu.memory_space<vmem>> -> memref<1x96x128xf32, #tpu.memory_space<vmem>>
        %swap3A_801 = tpu.memref_squeeze %swap3A_800 : memref<1x96x128xf32, #tpu.memory_space<vmem>> -> memref<96x128xf32, #tpu.memory_space<vmem>>
        %swap3A_802 = arith.index_cast %scan3A_682 : i32 to index
        %swap3A_803 = arith.constant 112 : index
        %swap3A_804 = tpu.vector_load %swap3A_801[%swap3A_802, %swap3A_803] {strides = array<i32>} : memref<96x128xf32, #tpu.memory_space<vmem>>, vector<16xf32>,
        tpu.vector_store %swap3A_801[%swap3A_802, %swap3A_803], %mul3A_797 {strides = array<i32>} : memref<96x128xf32, #tpu.memory_space<vmem>>, vector<16xf32>,
      }
      %scan3A_662 = arith.constant 96 : i32
      %dma_start3A_663 = arith.constant 1 : i32
      %dma_start3A_664 = arith.constant 1 : i32
      %dma_start3A_665 = arith.constant 0 : i32
      %dma_start3A_666 = arith.constant 0 : i32
      %dma_start3A_667 = tpu.memref_slice %arg12[%dma_start3A_663, %dma_start3A_665, %dma_start3A_666] : memref<2x96x128xf32, #tpu.memory_space<vmem>> -> memref<1x96x128xf32, #tpu.memory_space<vmem>>
      %dma_start3A_668 = tpu.memref_squeeze %dma_start3A_667 : memref<1x96x128xf32, #tpu.memory_space<vmem>> -> memref<96x128xf32, #tpu.memory_space<vmem>>
      %dma_start3A_669 = arith.constant 0 : i32
      %dma_start3A_670 = tpu.memref_slice %arg10[%dma_start3A_664, %dma_start3A_669] : memref<2x96xi32, #tpu.memory_space<vmem>> -> memref<1x96xi32, #tpu.memory_space<vmem>>
      %dma_start3A_671 = tpu.memref_squeeze %dma_start3A_670 : memref<1x96xi32, #tpu.memory_space<vmem>> -> memref<96xi32, #tpu.memory_space<vmem>>
      %dma_start3A_672 = arith.constant 0 : i32
      %dma_start3A_673 = arith.constant 0 : i32
      %dma_start3A_674 = tpu.memref_slice %arg15[%dma_start3A_672, %dma_start3A_673] : memref<10240x128xf32, #tpu.memory_space<vmem_shared>> -> memref<10240x128xf32, #tpu.memory_space<vmem_shared>>
      tpu.enqueue_indirect_dma source(%dma_start3A_668 : memref<96x128xf32, #tpu.memory_space<vmem>>) target(%dma_start3A_674 : memref<10240x128xf32, #tpu.memory_space<vmem_shared>>) offsets(%dma_start3A_671 : memref<96xi32, #tpu.memory_space<vmem>>) semaphore(%arg18 : memref<!tpu.dma_semaphore, #tpu.memory_space<semaphore_mem>>) {add = true}
      %add3A_675 = arith.constant 3 : i32
      %add3A_676 = arith.addi %mul3A_191, %add3A_675 : i32
      %lt3A_677 = arith.constant 106 : i32
      %lt3A_678 = arith.cmpi slt, %add3A_676, %lt3A_677 : i32
      %convert_element_type3A_679 = arith.extui %lt3A_678 : i1 to i32
      %cond3A_680 = arith.constant 0 : i32
      %cond3A_681 = arith.cmpi ne, %convert_element_type3A_679, %cond3A_680 : i32
      scf.if %cond3A_681 {
        %add3A_682 = arith.constant 3 : i32
        %add3A_683 = arith.addi %mul3A_191, %add3A_682 : i32
        %dma_start3A_684 = arith.constant 1 : i32
        %dma_start3A_685 = arith.constant 0 : i32
        %dma_start3A_686 = tpu.memref_slice %arg8[%dma_start3A_684, %dma_start3A_685] : memref<2x96xi32, #tpu.memory_space<vmem>> -> memref<1x96xi32, #tpu.memory_space<vmem>>
        %dma_start3A_687 = tpu.memref_squeeze %dma_start3A_686 : memref<1x96xi32, #tpu.memory_space<vmem>> -> memref<96xi32, #tpu.memory_space<vmem>>
        %dma_start3A_688 = arith.constant 0 : i32
        %dma_start3A_689 = tpu.memref_slice %arg5[%add3A, %add3A_683, %dma_start3A_688] : memref<32x106x96xi32, #tpu.memory_space<hbm>> -> memref<1x1x96xi32, #tpu.memory_space<hbm>>
        %dma_start3A_690 = tpu.memref_squeeze %dma_start3A_689 : memref<1x1x96xi32, #tpu.memory_space<hbm>> -> memref<96xi32, #tpu.memory_space<hbm>>
        %dma_start3A_691 = arith.constant 0 : i32
        %dma_start3A_692 = tpu.memref_slice %arg8[%dma_start3A_684, %dma_start3A_691] : memref<2x96xi32, #tpu.memory_space<vmem>> -> memref<1x96xi32, #tpu.memory_space<vmem>>
        %dma_start3A_693 = tpu.memref_squeeze %dma_start3A_692 : memref<1x96xi32, #tpu.memory_space<vmem>> -> memref<96xi32, #tpu.memory_space<vmem>>
        %dma_start3A_694 = arith.constant 0 : i32
        %dma_start3A_695 = tpu.memref_slice %arg5[%add3A, %add3A_683, %dma_start3A_694] : memref<32x106x96xi32, #tpu.memory_space<hbm>> -> memref<1x1x96xi32, #tpu.memory_space<hbm>>
        %dma_start3A_696 = tpu.memref_squeeze %dma_start3A_695 : memref<1x1x96xi32, #tpu.memory_space<hbm>> -> memref<96xi32, #tpu.memory_space<hbm>>
        tpu.enqueue_dma source(%dma_start3A_696 : memref<96xi32, #tpu.memory_space<hbm>>) target(%dma_start3A_693 : memref<96xi32, #tpu.memory_space<vmem>>) target_semaphore(%arg16 : memref<!tpu.dma_semaphore, #tpu.memory_space<semaphore_mem>>)
        %dma_start3A_697 = arith.constant 1 : i32
        %dma_start3A_698 = arith.constant 0 : i32
        %dma_start3A_699 = tpu.memref_slice %arg9[%dma_start3A_697, %dma_start3A_698] : memref<2x96xi32, #tpu.memory_space<vmem>> -> memref<1x96xi32, #tpu.memory_space<vmem>>
        %dma_start3A_700 = tpu.memref_squeeze %dma_start3A_699 : memref<1x96xi32, #tpu.memory_space<vmem>> -> memref<96xi32, #tpu.memory_space<vmem>>
        %dma_start3A_701 = arith.constant 0 : i32
        %dma_start3A_702 = tpu.memref_slice %arg6[%add3A, %add3A_683, %dma_start3A_701] : memref<32x106x96xi32, #tpu.memory_space<hbm>> -> memref<1x1x96xi32, #tpu.memory_space<hbm>>
        %dma_start3A_703 = tpu.memref_squeeze %dma_start3A_702 : memref<1x1x96xi32, #tpu.memory_space<hbm>> -> memref<96xi32, #tpu.memory_space<hbm>>
        %dma_start3A_704 = arith.constant 0 : i32
        %dma_start3A_705 = tpu.memref_slice %arg9[%dma_start3A_697, %dma_start3A_704] : memref<2x96xi32, #tpu.memory_space<vmem>> -> memref<1x96xi32, #tpu.memory_space<vmem>>
        %dma_start3A_706 = tpu.memref_squeeze %dma_start3A_705 : memref<1x96xi32, #tpu.memory_space<vmem>> -> memref<96xi32, #tpu.memory_space<vmem>>
        %dma_start3A_707 = arith.constant 0 : i32
        %dma_start3A_708 = tpu.memref_slice %arg6[%add3A, %add3A_683, %dma_start3A_707] : memref<32x106x96xi32, #tpu.memory_space<hbm>> -> memref<1x1x96xi32, #tpu.memory_space<hbm>>
        %dma_start3A_709 = tpu.memref_squeeze %dma_start3A_708 : memref<1x1x96xi32, #tpu.memory_space<hbm>> -> memref<96xi32, #tpu.memory_space<hbm>>
        tpu.enqueue_dma source(%dma_start3A_709 : memref<96xi32, #tpu.memory_space<hbm>>) target(%dma_start3A_706 : memref<96xi32, #tpu.memory_space<vmem>>) target_semaphore(%arg16 : memref<!tpu.dma_semaphore, #tpu.memory_space<semaphore_mem>>)
      } else {
      }
    }
    %scan3A_155 = arith.constant 53 : i32
    %dma_wait3A_156 = arith.constant 1 : i32
    %dma_wait3A_157 = arith.constant 1 : i32
    %dma_wait3A_158 = arith.constant 0 : i32
    %dma_wait3A_159 = arith.constant 0 : i32
    %dma_wait3A_160 = tpu.memref_slice %arg12[%dma_wait3A_156, %dma_wait3A_158, %dma_wait3A_159] : memref<2x96x128xf32, #tpu.memory_space<vmem>> -> memref<1x96x128xf32, #tpu.memory_space<vmem>>
    %dma_wait3A_161 = tpu.memref_squeeze %dma_wait3A_160 : memref<1x96x128xf32, #tpu.memory_space<vmem>> -> memref<96x128xf32, #tpu.memory_space<vmem>>
    %dma_wait3A_162 = arith.constant 0 : i32
    %dma_wait3A_163 = tpu.memref_slice %arg10[%dma_wait3A_157, %dma_wait3A_162] : memref<2x96xi32, #tpu.memory_space<vmem>> -> memref<1x96xi32, #tpu.memory_space<vmem>>
    %dma_wait3A_164 = tpu.memref_squeeze %dma_wait3A_163 : memref<1x96xi32, #tpu.memory_space<vmem>> -> memref<96xi32, #tpu.memory_space<vmem>>
    %dma_wait3A_165 = arith.constant 0 : i32
    %dma_wait3A_166 = arith.constant 0 : i32
    %dma_wait3A_167 = tpu.memref_slice %arg15[%dma_wait3A_165, %dma_wait3A_166] : memref<10240x128xf32, #tpu.memory_space<vmem_shared>> -> memref<10240x128xf32, #tpu.memory_space<vmem_shared>>
    tpu.wait_indirect_dma semaphore(%arg18 : memref<!tpu.dma_semaphore, #tpu.memory_space<semaphore_mem>>) src(%dma_wait3A_161 : memref<96x128xf32, #tpu.memory_space<vmem>>) dst(%dma_wait3A_167 : memref<10240x128xf32, #tpu.memory_space<vmem_shared>>)
    %barrier3A_168 = arith.constant 0 : index
    tpu.barrier barrier_id(%barrier3A_168)
    %mul3A_169 = arith.constant 640 : i32
    %mul3A_170 = arith.muli %arg1, %mul3A_169 : i32
    %add3A_171 = arith.constant 0 : i32
    %add3A_172 = arith.addi %mul3A_170, %add3A_171 : i32
    "tpu.region"() ({
      %run_scoped3A_189 = tpu.sem_alloc : memref<!tpu.dma_semaphore, #tpu.memory_space<semaphore_mem>>
      %dma_start3A_190 = arith.constant 0 : i32
      %dma_start3A_191 = tpu.memref_slice %arg7[%arg0, %add3A_172, %dma_start3A_190] : memref<2x10240x128xf32, #tpu.memory_space<hbm>> -> memref<1x128x128xf32, #tpu.memory_space<hbm>>
      %dma_start3A_192 = tpu.memref_squeeze %dma_start3A_191 : memref<1x128x128xf32, #tpu.memory_space<hbm>> -> memref<128x128xf32, #tpu.memory_space<hbm>>
      %dma_start3A_193 = arith.constant 0 : i32
      %dma_start3A_194 = tpu.memref_slice %arg15[%add3A_172, %dma_start3A_193] : memref<10240x128xf32, #tpu.memory_space<vmem_shared>> -> memref<128x128xf32, #tpu.memory_space<vmem_shared>>
      tpu.enqueue_dma source(%dma_start3A_194 : memref<128x128xf32, #tpu.memory_space<vmem_shared>>) target(%dma_start3A_192 : memref<128x128xf32, #tpu.memory_space<hbm>>) target_semaphore(%run_scoped3A_189 : memref<!tpu.dma_semaphore, #tpu.memory_space<semaphore_mem>>)
      %dma_wait3A_195 = arith.constant 0 : i32
      %dma_wait3A_196 = tpu.memref_slice %arg7[%arg0, %add3A_172, %dma_wait3A_195] : memref<2x10240x128xf32, #tpu.memory_space<hbm>> -> memref<1x128x128xf32, #tpu.memory_space<hbm>>
      %dma_wait3A_197 = tpu.memref_squeeze %dma_wait3A_196 : memref<1x128x128xf32, #tpu.memory_space<hbm>> -> memref<128x128xf32, #tpu.memory_space<hbm>>
      %dma_wait3A_198 = arith.constant 0 : i32
      %dma_wait3A_199 = tpu.memref_slice %arg15[%add3A_172, %dma_wait3A_198] : memref<10240x128xf32, #tpu.memory_space<vmem_shared>> -> memref<128x128xf32, #tpu.memory_space<vmem_shared>>
      tpu.wait_dma2 semaphore(%run_scoped3A_189 : memref<!tpu.dma_semaphore, #tpu.memory_space<semaphore_mem>>) src(%dma_wait3A_199 : memref<128x128xf32, #tpu.memory_space<vmem_shared>>) dst(%dma_wait3A_197 : memref<128x128xf32, #tpu.memory_space<hbm>>)
      tpu.yield
    }) : () -> ()
    %mul3A_173 = arith.constant 640 : i32
    %mul3A_174 = arith.muli %arg1, %mul3A_173 : i32
    %add3A_175 = arith.constant 128 : i32
    %add3A_176 = arith.addi %mul3A_174, %add3A_175 : i32
    "tpu.region"() ({
      %run_scoped3A_189 = tpu.sem_alloc : memref<!tpu.dma_semaphore, #tpu.memory_space<semaphore_mem>>
      %dma_start3A_190 = arith.constant 0 : i32
      %dma_start3A_191 = tpu.memref_slice %arg7[%arg0, %add3A_176, %dma_start3A_190] : memref<2x10240x128xf32, #tpu.memory_space<hbm>> -> memref<1x128x128xf32, #tpu.memory_space<hbm>>
      %dma_start3A_192 = tpu.memref_squeeze %dma_start3A_191 : memref<1x128x128xf32, #tpu.memory_space<hbm>> -> memref<128x128xf32, #tpu.memory_space<hbm>>
      %dma_start3A_193 = arith.constant 0 : i32
      %dma_start3A_194 = tpu.memref_slice %arg15[%add3A_176, %dma_start3A_193] : memref<10240x128xf32, #tpu.memory_space<vmem_shared>> -> memref<128x128xf32, #tpu.memory_space<vmem_shared>>
      tpu.enqueue_dma source(%dma_start3A_194 : memref<128x128xf32, #tpu.memory_space<vmem_shared>>) target(%dma_start3A_192 : memref<128x128xf32, #tpu.memory_space<hbm>>) target_semaphore(%run_scoped3A_189 : memref<!tpu.dma_semaphore, #tpu.memory_space<semaphore_mem>>)
      %dma_wait3A_195 = arith.constant 0 : i32
      %dma_wait3A_196 = tpu.memref_slice %arg7[%arg0, %add3A_176, %dma_wait3A_195] : memref<2x10240x128xf32, #tpu.memory_space<hbm>> -> memref<1x128x128xf32, #tpu.memory_space<hbm>>
      %dma_wait3A_197 = tpu.memref_squeeze %dma_wait3A_196 : memref<1x128x128xf32, #tpu.memory_space<hbm>> -> memref<128x128xf32, #tpu.memory_space<hbm>>
      %dma_wait3A_198 = arith.constant 0 : i32
      %dma_wait3A_199 = tpu.memref_slice %arg15[%add3A_176, %dma_wait3A_198] : memref<10240x128xf32, #tpu.memory_space<vmem_shared>> -> memref<128x128xf32, #tpu.memory_space<vmem_shared>>
      tpu.wait_dma2 semaphore(%run_scoped3A_189 : memref<!tpu.dma_semaphore, #tpu.memory_space<semaphore_mem>>) src(%dma_wait3A_199 : memref<128x128xf32, #tpu.memory_space<vmem_shared>>) dst(%dma_wait3A_197 : memref<128x128xf32, #tpu.memory_space<hbm>>)
      tpu.yield
    }) : () -> ()
    %mul3A_177 = arith.constant 640 : i32
    %mul3A_178 = arith.muli %arg1, %mul3A_177 : i32
    %add3A_179 = arith.constant 256 : i32
    %add3A_180 = arith.addi %mul3A_178, %add3A_179 : i32
    "tpu.region"() ({
      %run_scoped3A_189 = tpu.sem_alloc : memref<!tpu.dma_semaphore, #tpu.memory_space<semaphore_mem>>
      %dma_start3A_190 = arith.constant 0 : i32
      %dma_start3A_191 = tpu.memref_slice %arg7[%arg0, %add3A_180, %dma_start3A_190] : memref<2x10240x128xf32, #tpu.memory_space<hbm>> -> memref<1x128x128xf32, #tpu.memory_space<hbm>>
      %dma_start3A_192 = tpu.memref_squeeze %dma_start3A_191 : memref<1x128x128xf32, #tpu.memory_space<hbm>> -> memref<128x128xf32, #tpu.memory_space<hbm>>
      %dma_start3A_193 = arith.constant 0 : i32
      %dma_start3A_194 = tpu.memref_slice %arg15[%add3A_180, %dma_start3A_193] : memref<10240x128xf32, #tpu.memory_space<vmem_shared>> -> memref<128x128xf32, #tpu.memory_space<vmem_shared>>
      tpu.enqueue_dma source(%dma_start3A_194 : memref<128x128xf32, #tpu.memory_space<vmem_shared>>) target(%dma_start3A_192 : memref<128x128xf32, #tpu.memory_space<hbm>>) target_semaphore(%run_scoped3A_189 : memref<!tpu.dma_semaphore, #tpu.memory_space<semaphore_mem>>)
      %dma_wait3A_195 = arith.constant 0 : i32
      %dma_wait3A_196 = tpu.memref_slice %arg7[%arg0, %add3A_180, %dma_wait3A_195] : memref<2x10240x128xf32, #tpu.memory_space<hbm>> -> memref<1x128x128xf32, #tpu.memory_space<hbm>>
      %dma_wait3A_197 = tpu.memref_squeeze %dma_wait3A_196 : memref<1x128x128xf32, #tpu.memory_space<hbm>> -> memref<128x128xf32, #tpu.memory_space<hbm>>
      %dma_wait3A_198 = arith.constant 0 : i32
      %dma_wait3A_199 = tpu.memref_slice %arg15[%add3A_180, %dma_wait3A_198] : memref<10240x128xf32, #tpu.memory_space<vmem_shared>> -> memref<128x128xf32, #tpu.memory_space<vmem_shared>>
      tpu.wait_dma2 semaphore(%run_scoped3A_189 : memref<!tpu.dma_semaphore, #tpu.memory_space<semaphore_mem>>) src(%dma_wait3A_199 : memref<128x128xf32, #tpu.memory_space<vmem_shared>>) dst(%dma_wait3A_197 : memref<128x128xf32, #tpu.memory_space<hbm>>)
      tpu.yield
    }) : () -> ()
    %mul3A_181 = arith.constant 640 : i32
    %mul3A_182 = arith.muli %arg1, %mul3A_181 : i32
    %add3A_183 = arith.constant 384 : i32
    %add3A_184 = arith.addi %mul3A_182, %add3A_183 : i32
    "tpu.region"() ({
      %run_scoped3A_189 = tpu.sem_alloc : memref<!tpu.dma_semaphore, #tpu.memory_space<semaphore_mem>>
      %dma_start3A_190 = arith.constant 0 : i32
      %dma_start3A_191 = tpu.memref_slice %arg7[%arg0, %add3A_184, %dma_start3A_190] : memref<2x10240x128xf32, #tpu.memory_space<hbm>> -> memref<1x128x128xf32, #tpu.memory_space<hbm>>
      %dma_start3A_192 = tpu.memref_squeeze %dma_start3A_191 : memref<1x128x128xf32, #tpu.memory_space<hbm>> -> memref<128x128xf32, #tpu.memory_space<hbm>>
      %dma_start3A_193 = arith.constant 0 : i32
      %dma_start3A_194 = tpu.memref_slice %arg15[%add3A_184, %dma_start3A_193] : memref<10240x128xf32, #tpu.memory_space<vmem_shared>> -> memref<128x128xf32, #tpu.memory_space<vmem_shared>>
      tpu.enqueue_dma source(%dma_start3A_194 : memref<128x128xf32, #tpu.memory_space<vmem_shared>>) target(%dma_start3A_192 : memref<128x128xf32, #tpu.memory_space<hbm>>) target_semaphore(%run_scoped3A_189 : memref<!tpu.dma_semaphore, #tpu.memory_space<semaphore_mem>>)
      %dma_wait3A_195 = arith.constant 0 : i32
      %dma_wait3A_196 = tpu.memref_slice %arg7[%arg0, %add3A_184, %dma_wait3A_195] : memref<2x10240x128xf32, #tpu.memory_space<hbm>> -> memref<1x128x128xf32, #tpu.memory_space<hbm>>
      %dma_wait3A_197 = tpu.memref_squeeze %dma_wait3A_196 : memref<1x128x128xf32, #tpu.memory_space<hbm>> -> memref<128x128xf32, #tpu.memory_space<hbm>>
      %dma_wait3A_198 = arith.constant 0 : i32
      %dma_wait3A_199 = tpu.memref_slice %arg15[%add3A_184, %dma_wait3A_198] : memref<10240x128xf32, #tpu.memory_space<vmem_shared>> -> memref<128x128xf32, #tpu.memory_space<vmem_shared>>
      tpu.wait_dma2 semaphore(%run_scoped3A_189 : memref<!tpu.dma_semaphore, #tpu.memory_space<semaphore_mem>>) src(%dma_wait3A_199 : memref<128x128xf32, #tpu.memory_space<vmem_shared>>) dst(%dma_wait3A_197 : memref<128x128xf32, #tpu.memory_space<hbm>>)
      tpu.yield
    }) : () -> ()
    %mul3A_185 = arith.constant 640 : i32
    %mul3A_186 = arith.muli %arg1, %mul3A_185 : i32
    %add3A_187 = arith.constant 512 : i32
    %add3A_188 = arith.addi %mul3A_186, %add3A_187 : i32
    "tpu.region"() ({
      %run_scoped3A_189 = tpu.sem_alloc : memref<!tpu.dma_semaphore, #tpu.memory_space<semaphore_mem>>
      %dma_start3A_190 = arith.constant 0 : i32
      %dma_start3A_191 = tpu.memref_slice %arg7[%arg0, %add3A_188, %dma_start3A_190] : memref<2x10240x128xf32, #tpu.memory_space<hbm>> -> memref<1x128x128xf32, #tpu.memory_space<hbm>>
      %dma_start3A_192 = tpu.memref_squeeze %dma_start3A_191 : memref<1x128x128xf32, #tpu.memory_space<hbm>> -> memref<128x128xf32, #tpu.memory_space<hbm>>
      %dma_start3A_193 = arith.constant 0 : i32
      %dma_start3A_194 = tpu.memref_slice %arg15[%add3A_188, %dma_start3A_193] : memref<10240x128xf32, #tpu.memory_space<vmem_shared>> -> memref<128x128xf32, #tpu.memory_space<vmem_shared>>
      tpu.enqueue_dma source(%dma_start3A_194 : memref<128x128xf32, #tpu.memory_space<vmem_shared>>) target(%dma_start3A_192 : memref<128x128xf32, #tpu.memory_space<hbm>>) target_semaphore(%run_scoped3A_189 : memref<!tpu.dma_semaphore, #tpu.memory_space<semaphore_mem>>)
      %dma_wait3A_195 = arith.constant 0 : i32
      %dma_wait3A_196 = tpu.memref_slice %arg7[%arg0, %add3A_188, %dma_wait3A_195] : memref<2x10240x128xf32, #tpu.memory_space<hbm>> -> memref<1x128x128xf32, #tpu.memory_space<hbm>>
      %dma_wait3A_197 = tpu.memref_squeeze %dma_wait3A_196 : memref<1x128x128xf32, #tpu.memory_space<hbm>> -> memref<128x128xf32, #tpu.memory_space<hbm>>
      %dma_wait3A_198 = arith.constant 0 : i32
      %dma_wait3A_199 = tpu.memref_slice %arg15[%add3A_188, %dma_wait3A_198] : memref<10240x128xf32, #tpu.memory_space<vmem_shared>> -> memref<128x128xf32, #tpu.memory_space<vmem_shared>>
      tpu.wait_dma2 semaphore(%run_scoped3A_189 : memref<!tpu.dma_semaphore, #tpu.memory_space<semaphore_mem>>) src(%dma_wait3A_199 : memref<128x128xf32, #tpu.memory_space<vmem_shared>>) dst(%dma_wait3A_197 : memref<128x128xf32, #tpu.memory_space<hbm>>)
      tpu.yield
    }) : () -> ()
    return
  }
}

#map = affine_map<(d0, d1) -> (0, 0, 0)>
#map1 = affine_map<(d0, d1) -> (0, 0)>
module attributes {stable_mosaic.version = 14 : i64} {
  func.func @deg_kernel(%arg0: i32, %arg1: i32, %arg2: memref<32x106x96xi32, #tpu.memory_space<hbm>>, %arg3: memref<32x10240xf32, #tpu.memory_space<hbm>>, %arg4: memref<106x96xi32, #tpu.memory_space<vmem>>, %arg5: memref<10240xf32, #tpu.memory_space<vmem>>) attributes {dimension_semantics = [#tpu.dimension_semantics<core_parallel>, #tpu.dimension_semantics<subcore_parallel>], iteration_bounds = array<i64: 2, 16>, scalar_prefetch = 0 : i64, scratch_operands = 2 : i64, tpu.core_type = #tpu.core_type<sc_vector_subcore>, window_params = [{transform_indices = #map}, {transform_indices = #map1}]} {
    %mul3A = arith.constant 2 : i32
    %mul3A_0 = arith.muli %arg1, %mul3A : i32
    %add3A = arith.addi %mul3A_0, %arg0 : i32
    "tpu.region"() ({
      %run_scoped3A = tpu.sem_alloc : memref<!tpu.dma_semaphore, #tpu.memory_space<semaphore_mem>>
      %dma_start3A = arith.constant 0 : i32
      %dma_start3A_15 = arith.constant 0 : i32
      %dma_start3A_16 = tpu.memref_slice %arg2[%add3A, %dma_start3A, %dma_start3A_15] : memref<32x106x96xi32, #tpu.memory_space<hbm>> -> memref<1x106x96xi32, #tpu.memory_space<hbm>>
      %dma_start3A_17 = tpu.memref_squeeze %dma_start3A_16 : memref<1x106x96xi32, #tpu.memory_space<hbm>> -> memref<106x96xi32, #tpu.memory_space<hbm>>
      %dma_start3A_18 = arith.constant 0 : i32
      %dma_start3A_19 = arith.constant 0 : i32
      %dma_start3A_20 = tpu.memref_slice %arg2[%add3A, %dma_start3A_18, %dma_start3A_19] : memref<32x106x96xi32, #tpu.memory_space<hbm>> -> memref<1x106x96xi32, #tpu.memory_space<hbm>>
      %dma_start3A_21 = tpu.memref_squeeze %dma_start3A_20 : memref<1x106x96xi32, #tpu.memory_space<hbm>> -> memref<106x96xi32, #tpu.memory_space<hbm>>
      tpu.enqueue_dma source(%dma_start3A_21 : memref<106x96xi32, #tpu.memory_space<hbm>>) target(%arg4 : memref<106x96xi32, #tpu.memory_space<vmem>>) target_semaphore(%run_scoped3A : memref<!tpu.dma_semaphore, #tpu.memory_space<semaphore_mem>>)
      %dma_wait3A = arith.constant 0 : i32
      %dma_wait3A_22 = arith.constant 0 : i32
      %dma_wait3A_23 = tpu.memref_slice %arg2[%add3A, %dma_wait3A, %dma_wait3A_22] : memref<32x106x96xi32, #tpu.memory_space<hbm>> -> memref<1x106x96xi32, #tpu.memory_space<hbm>>
      %dma_wait3A_24 = tpu.memref_squeeze %dma_wait3A_23 : memref<1x106x96xi32, #tpu.memory_space<hbm>> -> memref<106x96xi32, #tpu.memory_space<hbm>>
      %dma_wait3A_25 = arith.constant 0 : i32
      %dma_wait3A_26 = arith.constant 0 : i32
      %dma_wait3A_27 = tpu.memref_slice %arg2[%add3A, %dma_wait3A_25, %dma_wait3A_26] : memref<32x106x96xi32, #tpu.memory_space<hbm>> -> memref<1x106x96xi32, #tpu.memory_space<hbm>>
      %dma_wait3A_28 = tpu.memref_squeeze %dma_wait3A_27 : memref<1x106x96xi32, #tpu.memory_space<hbm>> -> memref<106x96xi32, #tpu.memory_space<hbm>>
      tpu.wait_dma2 semaphore(%run_scoped3A : memref<!tpu.dma_semaphore, #tpu.memory_space<semaphore_mem>>) src(%dma_wait3A_28 : memref<106x96xi32, #tpu.memory_space<hbm>>) dst(%arg4 : memref<106x96xi32, #tpu.memory_space<vmem>>)
      tpu.yield
    }) : () -> ()
    %broadcast_in_dim3A = arith.constant 0.000000e+00 : f32
    %broadcast_in_dim3A_1 = vector.broadcast %broadcast_in_dim3A : f32 to vector<16xf32>
    %broadcast_in_dim3A_2 = arith.constant 1.000000e+00 : f32
    %broadcast_in_dim3A_3 = vector.broadcast %broadcast_in_dim3A_2 : f32 to vector<16xf32>
    %scan3A = arith.constant 0 : i32
    %scan3A_4 = arith.constant 0 : i32
    %scan3A_5 = arith.constant 640 : i32
    %scan3A_6 = arith.addi %scan3A_4, %scan3A_5 : i32
    %scan3A_7 = arith.constant 1 : i32
    scf.for %scan3A_15 = %scan3A_4 to %scan3A_6 step %scan3A_7  : i32 {
      %mul3A_16 = arith.constant 16 : i32
      %mul3A_17 = arith.muli %scan3A_15, %mul3A_16 : i32
      %swap3A = arith.index_cast %mul3A_17 : i32 to index
      %swap3A_18 = tpu.vector_load %arg5[%swap3A] {strides = array<i32>} : memref<10240xf32, #tpu.memory_space<vmem>>, vector<16xf32>,
      tpu.vector_store %arg5[%swap3A], %broadcast_in_dim3A_1 {strides = array<i32>} : memref<10240xf32, #tpu.memory_space<vmem>>, vector<16xf32>,
    }
    %scan3A_8 = arith.constant 640 : i32
    %scan3A_9 = arith.constant 0 : i32
    %scan3A_10 = arith.constant 0 : i32
    %scan3A_11 = arith.constant 106 : i32
    %scan3A_12 = arith.addi %scan3A_10, %scan3A_11 : i32
    %scan3A_13 = arith.constant 1 : i32
    scf.for %scan3A_15 = %scan3A_10 to %scan3A_12 step %scan3A_13  : i32 {
      %get3A = arith.index_cast %scan3A_15 : i32 to index
      %get3A_16 = arith.constant 0 : index
      %get3A_17 = tpu.vector_load %arg4[%get3A, %get3A_16] {strides = array<i32>} : memref<106x96xi32, #tpu.memory_space<vmem>>, vector<16xi32>,
      tpu.vector_store_idx %arg5[%get3A_17], %broadcast_in_dim3A_3 {add = true} : memref<10240xf32, #tpu.memory_space<vmem>>[vector<16xi32>], vector<16xf32>,
      %get3A_18 = arith.index_cast %scan3A_15 : i32 to index
      %get3A_19 = arith.constant 16 : index
      %get3A_20 = tpu.vector_load %arg4[%get3A_18, %get3A_19] {strides = array<i32>} : memref<106x96xi32, #tpu.memory_space<vmem>>, vector<16xi32>,
      tpu.vector_store_idx %arg5[%get3A_20], %broadcast_in_dim3A_3 {add = true} : memref<10240xf32, #tpu.memory_space<vmem>>[vector<16xi32>], vector<16xf32>,
      %get3A_21 = arith.index_cast %scan3A_15 : i32 to index
      %get3A_22 = arith.constant 32 : index
      %get3A_23 = tpu.vector_load %arg4[%get3A_21, %get3A_22] {strides = array<i32>} : memref<106x96xi32, #tpu.memory_space<vmem>>, vector<16xi32>,
      tpu.vector_store_idx %arg5[%get3A_23], %broadcast_in_dim3A_3 {add = true} : memref<10240xf32, #tpu.memory_space<vmem>>[vector<16xi32>], vector<16xf32>,
      %get3A_24 = arith.index_cast %scan3A_15 : i32 to index
      %get3A_25 = arith.constant 48 : index
      %get3A_26 = tpu.vector_load %arg4[%get3A_24, %get3A_25] {strides = array<i32>} : memref<106x96xi32, #tpu.memory_space<vmem>>, vector<16xi32>,
      tpu.vector_store_idx %arg5[%get3A_26], %broadcast_in_dim3A_3 {add = true} : memref<10240xf32, #tpu.memory_space<vmem>>[vector<16xi32>], vector<16xf32>,
      %get3A_27 = arith.index_cast %scan3A_15 : i32 to index
      %get3A_28 = arith.constant 64 : index
      %get3A_29 = tpu.vector_load %arg4[%get3A_27, %get3A_28] {strides = array<i32>} : memref<106x96xi32, #tpu.memory_space<vmem>>, vector<16xi32>,
      tpu.vector_store_idx %arg5[%get3A_29], %broadcast_in_dim3A_3 {add = true} : memref<10240xf32, #tpu.memory_space<vmem>>[vector<16xi32>], vector<16xf32>,
      %get3A_30 = arith.index_cast %scan3A_15 : i32 to index
      %get3A_31 = arith.constant 80 : index
      %get3A_32 = tpu.vector_load %arg4[%get3A_30, %get3A_31] {strides = array<i32>} : memref<106x96xi32, #tpu.memory_space<vmem>>, vector<16xi32>,
      tpu.vector_store_idx %arg5[%get3A_32], %broadcast_in_dim3A_3 {add = true} : memref<10240xf32, #tpu.memory_space<vmem>>[vector<16xi32>], vector<16xf32>,
    }
    %scan3A_14 = arith.constant 106 : i32
    "tpu.region"() ({
      %run_scoped3A = tpu.sem_alloc : memref<!tpu.dma_semaphore, #tpu.memory_space<semaphore_mem>>
      %dma_start3A = arith.constant 0 : i32
      %dma_start3A_15 = tpu.memref_slice %arg3[%add3A, %dma_start3A] : memref<32x10240xf32, #tpu.memory_space<hbm>> -> memref<1x10240xf32, #tpu.memory_space<hbm>>
      %dma_start3A_16 = tpu.memref_squeeze %dma_start3A_15 : memref<1x10240xf32, #tpu.memory_space<hbm>> -> memref<10240xf32, #tpu.memory_space<hbm>>
      %dma_start3A_17 = arith.constant 0 : i32
      %dma_start3A_18 = tpu.memref_slice %arg3[%add3A, %dma_start3A_17] : memref<32x10240xf32, #tpu.memory_space<hbm>> -> memref<1x10240xf32, #tpu.memory_space<hbm>>
      %dma_start3A_19 = tpu.memref_squeeze %dma_start3A_18 : memref<1x10240xf32, #tpu.memory_space<hbm>> -> memref<10240xf32, #tpu.memory_space<hbm>>
      tpu.enqueue_dma source(%arg5 : memref<10240xf32, #tpu.memory_space<vmem>>) target(%dma_start3A_19 : memref<10240xf32, #tpu.memory_space<hbm>>) target_semaphore(%run_scoped3A : memref<!tpu.dma_semaphore, #tpu.memory_space<semaphore_mem>>)
      %dma_wait3A = arith.constant 0 : i32
      %dma_wait3A_20 = tpu.memref_slice %arg3[%add3A, %dma_wait3A] : memref<32x10240xf32, #tpu.memory_space<hbm>> -> memref<1x10240xf32, #tpu.memory_space<hbm>>
      %dma_wait3A_21 = tpu.memref_squeeze %dma_wait3A_20 : memref<1x10240xf32, #tpu.memory_space<hbm>> -> memref<10240xf32, #tpu.memory_space<hbm>>
      %dma_wait3A_22 = arith.constant 0 : i32
      %dma_wait3A_23 = tpu.memref_slice %arg3[%add3A, %dma_wait3A_22] : memref<32x10240xf32, #tpu.memory_space<hbm>> -> memref<1x10240xf32, #tpu.memory_space<hbm>>
      %dma_wait3A_24 = tpu.memref_squeeze %dma_wait3A_23 : memref<1x10240xf32, #tpu.memory_space<hbm>> -> memref<10240xf32, #tpu.memory_space<hbm>>
      tpu.wait_dma2 semaphore(%run_scoped3A : memref<!tpu.dma_semaphore, #tpu.memory_space<semaphore_mem>>) src(%arg5 : memref<10240xf32, #tpu.memory_space<vmem>>) dst(%dma_wait3A_24 : memref<10240xf32, #tpu.memory_space<hbm>>)
      tpu.yield
    }) : () -> ()
    return
  }
}

#map = affine_map<(d0, d1) -> (0, 0)>
#map1 = affine_map<(d0, d1) -> (0)>
#map2 = affine_map<(d0, d1) -> (0, 0, 0)>
module attributes {stable_mosaic.version = 14 : i64} {
  func.func @edge_kernel(%arg0: i32, %arg1: i32, %arg2: memref<10240x128xf32, #tpu.memory_space<hbm>>, %arg3: memref<10240xf32, #tpu.memory_space<hbm>>, %arg4: memref<10240xf32, #tpu.memory_space<hbm>>, %arg5: memref<32x106x96xi32, #tpu.memory_space<hbm>>, %arg6: memref<32x106x96xi32, #tpu.memory_space<hbm>>, %arg7: memref<2x10240x128xf32, #tpu.memory_space<hbm>>, %arg8: memref<2x96xi32, #tpu.memory_space<vmem>>, %arg9: memref<2x96xi32, #tpu.memory_space<vmem>>, %arg10: memref<2x96xi32, #tpu.memory_space<vmem>>, %arg11: memref<96xf32, #tpu.memory_space<vmem>>, %arg12: memref<2x96x128xf32, #tpu.memory_space<vmem>>, %arg13: memref<10240xf32, #tpu.memory_space<vmem>>, %arg14: memref<10240xf32, #tpu.memory_space<vmem>>, %arg15: memref<10240x128xf32, #tpu.memory_space<vmem_shared>>, %arg16: memref<!tpu.dma_semaphore, #tpu.memory_space<semaphore_mem>>, %arg17: memref<!tpu.dma_semaphore, #tpu.memory_space<semaphore_mem>>, %arg18: memref<!tpu.dma_semaphore, #tpu.memory_space<semaphore_mem>>) attributes {dimension_semantics = [#tpu.dimension_semantics<core_parallel>, #tpu.dimension_semantics<subcore_parallel>], iteration_bounds = array<i64: 2, 16>, scalar_prefetch = 0 : i64, scratch_operands = 11 : i64, tpu.core_type = #tpu.core_type<sc_vector_subcore>, window_params = [{transform_indices = #map}, {transform_indices = #map1}, {transform_indices = #map1}, {transform_indices = #map2}, {transform_indices = #map2}, {transform_indices = #map2}]} {
    %mul3A = arith.constant 2 : i32
    %mul3A_0 = arith.muli %arg1, %mul3A : i32
    %add3A = arith.addi %mul3A_0, %arg0 : i32
    "tpu.region"() ({
      %run_scoped3A_189 = tpu.sem_alloc : memref<!tpu.dma_semaphore, #tpu.memory_space<semaphore_mem>>
      tpu.enqueue_dma source(%arg3 : memref<10240xf32, #tpu.memory_space<hbm>>) target(%arg13 : memref<10240xf32, #tpu.memory_space<vmem>>) target_semaphore(%run_scoped3A_189 : memref<!tpu.dma_semaphore, #tpu.memory_space<semaphore_mem>>)
      tpu.wait_dma2 semaphore(%run_scoped3A_189 : memref<!tpu.dma_semaphore, #tpu.memory_space<semaphore_mem>>) src(%arg3 : memref<10240xf32, #tpu.memory_space<hbm>>) dst(%arg13 : memref<10240xf32, #tpu.memory_space<vmem>>)
      tpu.yield
    }) : () -> ()
    "tpu.region"() ({
      %run_scoped3A_189 = tpu.sem_alloc : memref<!tpu.dma_semaphore, #tpu.memory_space<semaphore_mem>>
      tpu.enqueue_dma source(%arg4 : memref<10240xf32, #tpu.memory_space<hbm>>) target(%arg14 : memref<10240xf32, #tpu.memory_space<vmem>>) target_semaphore(%run_scoped3A_189 : memref<!tpu.dma_semaphore, #tpu.memory_space<semaphore_mem>>)
      tpu.wait_dma2 semaphore(%run_scoped3A_189 : memref<!tpu.dma_semaphore, #tpu.memory_space<semaphore_mem>>) src(%arg4 : memref<10240xf32, #tpu.memory_space<hbm>>) dst(%arg14 : memref<10240xf32, #tpu.memory_space<vmem>>)
      tpu.yield
    }) : () -> ()
    %broadcast_in_dim3A = arith.constant 0.000000e+00 : f32
    %broadcast_in_dim3A_1 = vector.broadcast %broadcast_in_dim3A : f32 to vector<16xf32>
    %scan3A = arith.constant 0 : i32
    %scan3A_2 = arith.constant 0 : i32
    %scan3A_3 = arith.constant 64 : i32
    %scan3A_4 = arith.addi %scan3A_2, %scan3A_3 : i32
    %scan3A_5 = arith.constant 1 : i32
    scf.for %scan3A_189 = %scan3A_2 to %scan3A_4 step %scan3A_5  : i32 {
      %swap3A = arith.constant 0 : i32
      %swap3A_190 = arith.index_cast %swap3A : i32 to index
      %swap3A_191 = arith.index_cast %scan3A_189 : i32 to index
      %swap3A_192 = arith.constant 0 : index
      %swap3A_193 = tpu.vector_load %arg12[%swap3A_190, %swap3A_191, %swap3A_192] {strides = array<i32>} : memref<2x96x128xf32, #tpu.memory_space<vmem>>, vector<16xf32>,
      tpu.vector_store %arg12[%swap3A_190, %swap3A_191, %swap3A_192], %broadcast_in_dim3A_1 {strides = array<i32>} : memref<2x96x128xf32, #tpu.memory_space<vmem>>, vector<16xf32>,
      %swap3A_194 = arith.constant 0 : i32
      %swap3A_195 = arith.index_cast %swap3A_194 : i32 to index
      %swap3A_196 = arith.index_cast %scan3A_189 : i32 to index
      %swap3A_197 = arith.constant 16 : index
      %swap3A_198 = tpu.vector_load %arg12[%swap3A_195, %swap3A_196, %swap3A_197] {strides = array<i32>} : memref<2x96x128xf32, #tpu.memory_space<vmem>>, vector<16xf32>,
      tpu.vector_store %arg12[%swap3A_195, %swap3A_196, %swap3A_197], %broadcast_in_dim3A_1 {strides = array<i32>} : memref<2x96x128xf32, #tpu.memory_space<vmem>>, vector<16xf32>,
      %swap3A_199 = arith.constant 0 : i32
      %swap3A_200 = arith.index_cast %swap3A_199 : i32 to index
      %swap3A_201 = arith.index_cast %scan3A_189 : i32 to index
      %swap3A_202 = arith.constant 32 : index
      %swap3A_203 = tpu.vector_load %arg12[%swap3A_200, %swap3A_201, %swap3A_202] {strides = array<i32>} : memref<2x96x128xf32, #tpu.memory_space<vmem>>, vector<16xf32>,
      tpu.vector_store %arg12[%swap3A_200, %swap3A_201, %swap3A_202], %broadcast_in_dim3A_1 {strides = array<i32>} : memref<2x96x128xf32, #tpu.memory_space<vmem>>, vector<16xf32>,
      %swap3A_204 = arith.constant 0 : i32
      %swap3A_205 = arith.index_cast %swap3A_204 : i32 to index
      %swap3A_206 = arith.index_cast %scan3A_189 : i32 to index
      %swap3A_207 = arith.constant 48 : index
      %swap3A_208 = tpu.vector_load %arg12[%swap3A_205, %swap3A_206, %swap3A_207] {strides = array<i32>} : memref<2x96x128xf32, #tpu.memory_space<vmem>>, vector<16xf32>,
      tpu.vector_store %arg12[%swap3A_205, %swap3A_206, %swap3A_207], %broadcast_in_dim3A_1 {strides = array<i32>} : memref<2x96x128xf32, #tpu.memory_space<vmem>>, vector<16xf32>,
      %swap3A_209 = arith.constant 0 : i32
      %swap3A_210 = arith.index_cast %swap3A_209 : i32 to index
      %swap3A_211 = arith.index_cast %scan3A_189 : i32 to index
      %swap3A_212 = arith.constant 64 : index
      %swap3A_213 = tpu.vector_load %arg12[%swap3A_210, %swap3A_211, %swap3A_212] {strides = array<i32>} : memref<2x96x128xf32, #tpu.memory_space<vmem>>, vector<16xf32>,
      tpu.vector_store %arg12[%swap3A_210, %swap3A_211, %swap3A_212], %broadcast_in_dim3A_1 {strides = array<i32>} : memref<2x96x128xf32, #tpu.memory_space<vmem>>, vector<16xf32>,
      %swap3A_214 = arith.constant 0 : i32
      %swap3A_215 = arith.index_cast %swap3A_214 : i32 to index
      %swap3A_216 = arith.index_cast %scan3A_189 : i32 to index
      %swap3A_217 = arith.constant 80 : index
      %swap3A_218 = tpu.vector_load %arg12[%swap3A_215, %swap3A_216, %swap3A_217] {strides = array<i32>} : memref<2x96x128xf32, #tpu.memory_space<vmem>>, vector<16xf32>,
      tpu.vector_store %arg12[%swap3A_215, %swap3A_216, %swap3A_217], %broadcast_in_dim3A_1 {strides = array<i32>} : memref<2x96x128xf32, #tpu.memory_space<vmem>>, vector<16xf32>,
      %swap3A_219 = arith.constant 0 : i32
      %swap3A_220 = arith.index_cast %swap3A_219 : i32 to index
      %swap3A_221 = arith.index_cast %scan3A_189 : i32 to index
      %swap3A_222 = arith.constant 96 : index
      %swap3A_223 = tpu.vector_load %arg12[%swap3A_220, %swap3A_221, %swap3A_222] {strides = array<i32>} : memref<2x96x128xf32, #tpu.memory_space<vmem>>, vector<16xf32>,
      tpu.vector_store %arg12[%swap3A_220, %swap3A_221, %swap3A_222], %broadcast_in_dim3A_1 {strides = array<i32>} : memref<2x96x128xf32, #tpu.memory_space<vmem>>, vector<16xf32>,
      %swap3A_224 = arith.constant 0 : i32
      %swap3A_225 = arith.index_cast %swap3A_224 : i32 to index
      %swap3A_226 = arith.index_cast %scan3A_189 : i32 to index
      %swap3A_227 = arith.constant 112 : index
      %swap3A_228 = tpu.vector_load %arg12[%swap3A_225, %swap3A_226, %swap3A_227] {strides = array<i32>} : memref<2x96x128xf32, #tpu.memory_space<vmem>>, vector<16xf32>,
      tpu.vector_store %arg12[%swap3A_225, %swap3A_226, %swap3A_227], %broadcast_in_dim3A_1 {strides = array<i32>} : memref<2x96x128xf32, #tpu.memory_space<vmem>>, vector<16xf32>,
    }
    %scan3A_6 = arith.constant 64 : i32
    %mul3A_7 = arith.constant 640 : i32
    %mul3A_8 = arith.muli %arg1, %mul3A_7 : i32
    %add3A_9 = arith.constant 0 : i32
    %add3A_10 = arith.addi %mul3A_8, %add3A_9 : i32
    %run_scoped3A = arith.constant 0 : i32
    "tpu.region"() ({
      %run_scoped3A_189 = tpu.sem_alloc : memref<!tpu.dma_semaphore, #tpu.memory_space<semaphore_mem>>
      %dma_start3A_190 = arith.constant 0 : i32
      %dma_start3A_191 = arith.constant 0 : i32
      %dma_start3A_192 = tpu.memref_slice %arg12[%run_scoped3A, %dma_start3A_190, %dma_start3A_191] : memref<2x96x128xf32, #tpu.memory_space<vmem>> -> memref<1x64x128xf32, #tpu.memory_space<vmem>>
      %dma_start3A_193 = tpu.memref_squeeze %dma_start3A_192 : memref<1x64x128xf32, #tpu.memory_space<vmem>> -> memref<64x128xf32, #tpu.memory_space<vmem>>
      %dma_start3A_194 = arith.constant 0 : i32
      %dma_start3A_195 = tpu.memref_slice %arg15[%add3A_10, %dma_start3A_194] : memref<10240x128xf32, #tpu.memory_space<vmem_shared>> -> memref<64x128xf32, #tpu.memory_space<vmem_shared>>
      %dma_start3A_196 = arith.constant 0 : i32
      %dma_start3A_197 = tpu.memref_slice %arg15[%add3A_10, %dma_start3A_196] : memref<10240x128xf32, #tpu.memory_space<vmem_shared>> -> memref<64x128xf32, #tpu.memory_space<vmem_shared>>
      %dma_start3A_198 = arith.constant 0 : i32
      %dma_start3A_199 = arith.constant 0 : i32
      %dma_start3A_200 = tpu.memref_slice %arg12[%run_scoped3A, %dma_start3A_198, %dma_start3A_199] : memref<2x96x128xf32, #tpu.memory_space<vmem>> -> memref<1x64x128xf32, #tpu.memory_space<vmem>>
      %dma_start3A_201 = tpu.memref_squeeze %dma_start3A_200 : memref<1x64x128xf32, #tpu.memory_space<vmem>> -> memref<64x128xf32, #tpu.memory_space<vmem>>
      tpu.enqueue_dma source(%dma_start3A_201 : memref<64x128xf32, #tpu.memory_space<vmem>>) target(%dma_start3A_197 : memref<64x128xf32, #tpu.memory_space<vmem_shared>>) target_semaphore(%run_scoped3A_189 : memref<!tpu.dma_semaphore, #tpu.memory_space<semaphore_mem>>)
      %dma_wait3A_202 = arith.constant 0 : i32
      %dma_wait3A_203 = arith.constant 0 : i32
      %dma_wait3A_204 = tpu.memref_slice %arg12[%run_scoped3A, %dma_wait3A_202, %dma_wait3A_203] : memref<2x96x128xf32, #tpu.memory_space<vmem>> -> memref<1x64x128xf32, #tpu.memory_space<vmem>>
      %dma_wait3A_205 = tpu.memref_squeeze %dma_wait3A_204 : memref<1x64x128xf32, #tpu.memory_space<vmem>> -> memref<64x128xf32, #tpu.memory_space<vmem>>
      %dma_wait3A_206 = arith.constant 0 : i32
      %dma_wait3A_207 = tpu.memref_slice %arg15[%add3A_10, %dma_wait3A_206] : memref<10240x128xf32, #tpu.memory_space<vmem_shared>> -> memref<64x128xf32, #tpu.memory_space<vmem_shared>>
      %dma_wait3A_208 = arith.constant 0 : i32
      %dma_wait3A_209 = tpu.memref_slice %arg15[%add3A_10, %dma_wait3A_208] : memref<10240x128xf32, #tpu.memory_space<vmem_shared>> -> memref<64x128xf32, #tpu.memory_space<vmem_shared>>
      %dma_wait3A_210 = arith.constant 0 : i32
      %dma_wait3A_211 = arith.constant 0 : i32
      %dma_wait3A_212 = tpu.memref_slice %arg12[%run_scoped3A, %dma_wait3A_210, %dma_wait3A_211] : memref<2x96x128xf32, #tpu.memory_space<vmem>> -> memref<1x64x128xf32, #tpu.memory_space<vmem>>
      %dma_wait3A_213 = tpu.memref_squeeze %dma_wait3A_212 : memref<1x64x128xf32, #tpu.memory_space<vmem>> -> memref<64x128xf32, #tpu.memory_space<vmem>>
      tpu.wait_dma2 semaphore(%run_scoped3A_189 : memref<!tpu.dma_semaphore, #tpu.memory_space<semaphore_mem>>) src(%dma_wait3A_213 : memref<64x128xf32, #tpu.memory_space<vmem>>) dst(%dma_wait3A_209 : memref<64x128xf32, #tpu.memory_space<vmem_shared>>)
      tpu.yield
    }) : () -> ()
    %mul3A_11 = arith.constant 640 : i32
    %mul3A_12 = arith.muli %arg1, %mul3A_11 : i32
    %add3A_13 = arith.constant 64 : i32
    %add3A_14 = arith.addi %mul3A_12, %add3A_13 : i32
    %run_scoped3A_15 = arith.constant 0 : i32
    "tpu.region"() ({
      %run_scoped3A_189 = tpu.sem_alloc : memref<!tpu.dma_semaphore, #tpu.memory_space<semaphore_mem>>
      %dma_start3A_190 = arith.constant 0 : i32
      %dma_start3A_191 = arith.constant 0 : i32
      %dma_start3A_192 = tpu.memref_slice %arg12[%run_scoped3A_15, %dma_start3A_190, %dma_start3A_191] : memref<2x96x128xf32, #tpu.memory_space<vmem>> -> memref<1x64x128xf32, #tpu.memory_space<vmem>>
      %dma_start3A_193 = tpu.memref_squeeze %dma_start3A_192 : memref<1x64x128xf32, #tpu.memory_space<vmem>> -> memref<64x128xf32, #tpu.memory_space<vmem>>
      %dma_start3A_194 = arith.constant 0 : i32
      %dma_start3A_195 = tpu.memref_slice %arg15[%add3A_14, %dma_start3A_194] : memref<10240x128xf32, #tpu.memory_space<vmem_shared>> -> memref<64x128xf32, #tpu.memory_space<vmem_shared>>
      %dma_start3A_196 = arith.constant 0 : i32
      %dma_start3A_197 = tpu.memref_slice %arg15[%add3A_14, %dma_start3A_196] : memref<10240x128xf32, #tpu.memory_space<vmem_shared>> -> memref<64x128xf32, #tpu.memory_space<vmem_shared>>
      %dma_start3A_198 = arith.constant 0 : i32
      %dma_start3A_199 = arith.constant 0 : i32
      %dma_start3A_200 = tpu.memref_slice %arg12[%run_scoped3A_15, %dma_start3A_198, %dma_start3A_199] : memref<2x96x128xf32, #tpu.memory_space<vmem>> -> memref<1x64x128xf32, #tpu.memory_space<vmem>>
      %dma_start3A_201 = tpu.memref_squeeze %dma_start3A_200 : memref<1x64x128xf32, #tpu.memory_space<vmem>> -> memref<64x128xf32, #tpu.memory_space<vmem>>
      tpu.enqueue_dma source(%dma_start3A_201 : memref<64x128xf32, #tpu.memory_space<vmem>>) target(%dma_start3A_197 : memref<64x128xf32, #tpu.memory_space<vmem_shared>>) target_semaphore(%run_scoped3A_189 : memref<!tpu.dma_semaphore, #tpu.memory_space<semaphore_mem>>)
      %dma_wait3A_202 = arith.constant 0 : i32
      %dma_wait3A_203 = arith.constant 0 : i32
      %dma_wait3A_204 = tpu.memref_slice %arg12[%run_scoped3A_15, %dma_wait3A_202, %dma_wait3A_203] : memref<2x96x128xf32, #tpu.memory_space<vmem>> -> memref<1x64x128xf32, #tpu.memory_space<vmem>>
      %dma_wait3A_205 = tpu.memref_squeeze %dma_wait3A_204 : memref<1x64x128xf32, #tpu.memory_space<vmem>> -> memref<64x128xf32, #tpu.memory_space<vmem>>
      %dma_wait3A_206 = arith.constant 0 : i32
      %dma_wait3A_207 = tpu.memref_slice %arg15[%add3A_14, %dma_wait3A_206] : memref<10240x128xf32, #tpu.memory_space<vmem_shared>> -> memref<64x128xf32, #tpu.memory_space<vmem_shared>>
      %dma_wait3A_208 = arith.constant 0 : i32
      %dma_wait3A_209 = tpu.memref_slice %arg15[%add3A_14, %dma_wait3A_208] : memref<10240x128xf32, #tpu.memory_space<vmem_shared>> -> memref<64x128xf32, #tpu.memory_space<vmem_shared>>
      %dma_wait3A_210 = arith.constant 0 : i32
      %dma_wait3A_211 = arith.constant 0 : i32
      %dma_wait3A_212 = tpu.memref_slice %arg12[%run_scoped3A_15, %dma_wait3A_210, %dma_wait3A_211] : memref<2x96x128xf32, #tpu.memory_space<vmem>> -> memref<1x64x128xf32, #tpu.memory_space<vmem>>
      %dma_wait3A_213 = tpu.memref_squeeze %dma_wait3A_212 : memref<1x64x128xf32, #tpu.memory_space<vmem>> -> memref<64x128xf32, #tpu.memory_space<vmem>>
      tpu.wait_dma2 semaphore(%run_scoped3A_189 : memref<!tpu.dma_semaphore, #tpu.memory_space<semaphore_mem>>) src(%dma_wait3A_213 : memref<64x128xf32, #tpu.memory_space<vmem>>) dst(%dma_wait3A_209 : memref<64x128xf32, #tpu.memory_space<vmem_shared>>)
      tpu.yield
    }) : () -> ()
    %mul3A_16 = arith.constant 640 : i32
    %mul3A_17 = arith.muli %arg1, %mul3A_16 : i32
    %add3A_18 = arith.constant 128 : i32
    %add3A_19 = arith.addi %mul3A_17, %add3A_18 : i32
    %run_scoped3A_20 = arith.constant 0 : i32
    "tpu.region"() ({
      %run_scoped3A_189 = tpu.sem_alloc : memref<!tpu.dma_semaphore, #tpu.memory_space<semaphore_mem>>
      %dma_start3A_190 = arith.constant 0 : i32
      %dma_start3A_191 = arith.constant 0 : i32
      %dma_start3A_192 = tpu.memref_slice %arg12[%run_scoped3A_20, %dma_start3A_190, %dma_start3A_191] : memref<2x96x128xf32, #tpu.memory_space<vmem>> -> memref<1x64x128xf32, #tpu.memory_space<vmem>>
      %dma_start3A_193 = tpu.memref_squeeze %dma_start3A_192 : memref<1x64x128xf32, #tpu.memory_space<vmem>> -> memref<64x128xf32, #tpu.memory_space<vmem>>
      %dma_start3A_194 = arith.constant 0 : i32
      %dma_start3A_195 = tpu.memref_slice %arg15[%add3A_19, %dma_start3A_194] : memref<10240x128xf32, #tpu.memory_space<vmem_shared>> -> memref<64x128xf32, #tpu.memory_space<vmem_shared>>
      %dma_start3A_196 = arith.constant 0 : i32
      %dma_start3A_197 = tpu.memref_slice %arg15[%add3A_19, %dma_start3A_196] : memref<10240x128xf32, #tpu.memory_space<vmem_shared>> -> memref<64x128xf32, #tpu.memory_space<vmem_shared>>
      %dma_start3A_198 = arith.constant 0 : i32
      %dma_start3A_199 = arith.constant 0 : i32
      %dma_start3A_200 = tpu.memref_slice %arg12[%run_scoped3A_20, %dma_start3A_198, %dma_start3A_199] : memref<2x96x128xf32, #tpu.memory_space<vmem>> -> memref<1x64x128xf32, #tpu.memory_space<vmem>>
      %dma_start3A_201 = tpu.memref_squeeze %dma_start3A_200 : memref<1x64x128xf32, #tpu.memory_space<vmem>> -> memref<64x128xf32, #tpu.memory_space<vmem>>
      tpu.enqueue_dma source(%dma_start3A_201 : memref<64x128xf32, #tpu.memory_space<vmem>>) target(%dma_start3A_197 : memref<64x128xf32, #tpu.memory_space<vmem_shared>>) target_semaphore(%run_scoped3A_189 : memref<!tpu.dma_semaphore, #tpu.memory_space<semaphore_mem>>)
      %dma_wait3A_202 = arith.constant 0 : i32
      %dma_wait3A_203 = arith.constant 0 : i32
      %dma_wait3A_204 = tpu.memref_slice %arg12[%run_scoped3A_20, %dma_wait3A_202, %dma_wait3A_203] : memref<2x96x128xf32, #tpu.memory_space<vmem>> -> memref<1x64x128xf32, #tpu.memory_space<vmem>>
      %dma_wait3A_205 = tpu.memref_squeeze %dma_wait3A_204 : memref<1x64x128xf32, #tpu.memory_space<vmem>> -> memref<64x128xf32, #tpu.memory_space<vmem>>
      %dma_wait3A_206 = arith.constant 0 : i32
      %dma_wait3A_207 = tpu.memref_slice %arg15[%add3A_19, %dma_wait3A_206] : memref<10240x128xf32, #tpu.memory_space<vmem_shared>> -> memref<64x128xf32, #tpu.memory_space<vmem_shared>>
      %dma_wait3A_208 = arith.constant 0 : i32
      %dma_wait3A_209 = tpu.memref_slice %arg15[%add3A_19, %dma_wait3A_208] : memref<10240x128xf32, #tpu.memory_space<vmem_shared>> -> memref<64x128xf32, #tpu.memory_space<vmem_shared>>
      %dma_wait3A_210 = arith.constant 0 : i32
      %dma_wait3A_211 = arith.constant 0 : i32
      %dma_wait3A_212 = tpu.memref_slice %arg12[%run_scoped3A_20, %dma_wait3A_210, %dma_wait3A_211] : memref<2x96x128xf32, #tpu.memory_space<vmem>> -> memref<1x64x128xf32, #tpu.memory_space<vmem>>
      %dma_wait3A_213 = tpu.memref_squeeze %dma_wait3A_212 : memref<1x64x128xf32, #tpu.memory_space<vmem>> -> memref<64x128xf32, #tpu.memory_space<vmem>>
      tpu.wait_dma2 semaphore(%run_scoped3A_189 : memref<!tpu.dma_semaphore, #tpu.memory_space<semaphore_mem>>) src(%dma_wait3A_213 : memref<64x128xf32, #tpu.memory_space<vmem>>) dst(%dma_wait3A_209 : memref<64x128xf32, #tpu.memory_space<vmem_shared>>)
      tpu.yield
    }) : () -> ()
    %mul3A_21 = arith.constant 640 : i32
    %mul3A_22 = arith.muli %arg1, %mul3A_21 : i32
    %add3A_23 = arith.constant 192 : i32
    %add3A_24 = arith.addi %mul3A_22, %add3A_23 : i32
    %run_scoped3A_25 = arith.constant 0 : i32
    "tpu.region"() ({
      %run_scoped3A_189 = tpu.sem_alloc : memref<!tpu.dma_semaphore, #tpu.memory_space<semaphore_mem>>
      %dma_start3A_190 = arith.constant 0 : i32
      %dma_start3A_191 = arith.constant 0 : i32
      %dma_start3A_192 = tpu.memref_slice %arg12[%run_scoped3A_25, %dma_start3A_190, %dma_start3A_191] : memref<2x96x128xf32, #tpu.memory_space<vmem>> -> memref<1x64x128xf32, #tpu.memory_space<vmem>>
      %dma_start3A_193 = tpu.memref_squeeze %dma_start3A_192 : memref<1x64x128xf32, #tpu.memory_space<vmem>> -> memref<64x128xf32, #tpu.memory_space<vmem>>
      %dma_start3A_194 = arith.constant 0 : i32
      %dma_start3A_195 = tpu.memref_slice %arg15[%add3A_24, %dma_start3A_194] : memref<10240x128xf32, #tpu.memory_space<vmem_shared>> -> memref<64x128xf32, #tpu.memory_space<vmem_shared>>
      %dma_start3A_196 = arith.constant 0 : i32
      %dma_start3A_197 = tpu.memref_slice %arg15[%add3A_24, %dma_start3A_196] : memref<10240x128xf32, #tpu.memory_space<vmem_shared>> -> memref<64x128xf32, #tpu.memory_space<vmem_shared>>
      %dma_start3A_198 = arith.constant 0 : i32
      %dma_start3A_199 = arith.constant 0 : i32
      %dma_start3A_200 = tpu.memref_slice %arg12[%run_scoped3A_25, %dma_start3A_198, %dma_start3A_199] : memref<2x96x128xf32, #tpu.memory_space<vmem>> -> memref<1x64x128xf32, #tpu.memory_space<vmem>>
      %dma_start3A_201 = tpu.memref_squeeze %dma_start3A_200 : memref<1x64x128xf32, #tpu.memory_space<vmem>> -> memref<64x128xf32, #tpu.memory_space<vmem>>
      tpu.enqueue_dma source(%dma_start3A_201 : memref<64x128xf32, #tpu.memory_space<vmem>>) target(%dma_start3A_197 : memref<64x128xf32, #tpu.memory_space<vmem_shared>>) target_semaphore(%run_scoped3A_189 : memref<!tpu.dma_semaphore, #tpu.memory_space<semaphore_mem>>)
      %dma_wait3A_202 = arith.constant 0 : i32
      %dma_wait3A_203 = arith.constant 0 : i32
      %dma_wait3A_204 = tpu.memref_slice %arg12[%run_scoped3A_25, %dma_wait3A_202, %dma_wait3A_203] : memref<2x96x128xf32, #tpu.memory_space<vmem>> -> memref<1x64x128xf32, #tpu.memory_space<vmem>>
      %dma_wait3A_205 = tpu.memref_squeeze %dma_wait3A_204 : memref<1x64x128xf32, #tpu.memory_space<vmem>> -> memref<64x128xf32, #tpu.memory_space<vmem>>
      %dma_wait3A_206 = arith.constant 0 : i32
      %dma_wait3A_207 = tpu.memref_slice %arg15[%add3A_24, %dma_wait3A_206] : memref<10240x128xf32, #tpu.memory_space<vmem_shared>> -> memref<64x128xf32, #tpu.memory_space<vmem_shared>>
      %dma_wait3A_208 = arith.constant 0 : i32
      %dma_wait3A_209 = tpu.memref_slice %arg15[%add3A_24, %dma_wait3A_208] : memref<10240x128xf32, #tpu.memory_space<vmem_shared>> -> memref<64x128xf32, #tpu.memory_space<vmem_shared>>
      %dma_wait3A_210 = arith.constant 0 : i32
      %dma_wait3A_211 = arith.constant 0 : i32
      %dma_wait3A_212 = tpu.memref_slice %arg12[%run_scoped3A_25, %dma_wait3A_210, %dma_wait3A_211] : memref<2x96x128xf32, #tpu.memory_space<vmem>> -> memref<1x64x128xf32, #tpu.memory_space<vmem>>
      %dma_wait3A_213 = tpu.memref_squeeze %dma_wait3A_212 : memref<1x64x128xf32, #tpu.memory_space<vmem>> -> memref<64x128xf32, #tpu.memory_space<vmem>>
      tpu.wait_dma2 semaphore(%run_scoped3A_189 : memref<!tpu.dma_semaphore, #tpu.memory_space<semaphore_mem>>) src(%dma_wait3A_213 : memref<64x128xf32, #tpu.memory_space<vmem>>) dst(%dma_wait3A_209 : memref<64x128xf32, #tpu.memory_space<vmem_shared>>)
      tpu.yield
    }) : () -> ()
    %mul3A_26 = arith.constant 640 : i32
    %mul3A_27 = arith.muli %arg1, %mul3A_26 : i32
    %add3A_28 = arith.constant 256 : i32
    %add3A_29 = arith.addi %mul3A_27, %add3A_28 : i32
    %run_scoped3A_30 = arith.constant 0 : i32
    "tpu.region"() ({
      %run_scoped3A_189 = tpu.sem_alloc : memref<!tpu.dma_semaphore, #tpu.memory_space<semaphore_mem>>
      %dma_start3A_190 = arith.constant 0 : i32
      %dma_start3A_191 = arith.constant 0 : i32
      %dma_start3A_192 = tpu.memref_slice %arg12[%run_scoped3A_30, %dma_start3A_190, %dma_start3A_191] : memref<2x96x128xf32, #tpu.memory_space<vmem>> -> memref<1x64x128xf32, #tpu.memory_space<vmem>>
      %dma_start3A_193 = tpu.memref_squeeze %dma_start3A_192 : memref<1x64x128xf32, #tpu.memory_space<vmem>> -> memref<64x128xf32, #tpu.memory_space<vmem>>
      %dma_start3A_194 = arith.constant 0 : i32
      %dma_start3A_195 = tpu.memref_slice %arg15[%add3A_29, %dma_start3A_194] : memref<10240x128xf32, #tpu.memory_space<vmem_shared>> -> memref<64x128xf32, #tpu.memory_space<vmem_shared>>
      %dma_start3A_196 = arith.constant 0 : i32
      %dma_start3A_197 = tpu.memref_slice %arg15[%add3A_29, %dma_start3A_196] : memref<10240x128xf32, #tpu.memory_space<vmem_shared>> -> memref<64x128xf32, #tpu.memory_space<vmem_shared>>
      %dma_start3A_198 = arith.constant 0 : i32
      %dma_start3A_199 = arith.constant 0 : i32
      %dma_start3A_200 = tpu.memref_slice %arg12[%run_scoped3A_30, %dma_start3A_198, %dma_start3A_199] : memref<2x96x128xf32, #tpu.memory_space<vmem>> -> memref<1x64x128xf32, #tpu.memory_space<vmem>>
      %dma_start3A_201 = tpu.memref_squeeze %dma_start3A_200 : memref<1x64x128xf32, #tpu.memory_space<vmem>> -> memref<64x128xf32, #tpu.memory_space<vmem>>
      tpu.enqueue_dma source(%dma_start3A_201 : memref<64x128xf32, #tpu.memory_space<vmem>>) target(%dma_start3A_197 : memref<64x128xf32, #tpu.memory_space<vmem_shared>>) target_semaphore(%run_scoped3A_189 : memref<!tpu.dma_semaphore, #tpu.memory_space<semaphore_mem>>)
      %dma_wait3A_202 = arith.constant 0 : i32
      %dma_wait3A_203 = arith.constant 0 : i32
      %dma_wait3A_204 = tpu.memref_slice %arg12[%run_scoped3A_30, %dma_wait3A_202, %dma_wait3A_203] : memref<2x96x128xf32, #tpu.memory_space<vmem>> -> memref<1x64x128xf32, #tpu.memory_space<vmem>>
      %dma_wait3A_205 = tpu.memref_squeeze %dma_wait3A_204 : memref<1x64x128xf32, #tpu.memory_space<vmem>> -> memref<64x128xf32, #tpu.memory_space<vmem>>
      %dma_wait3A_206 = arith.constant 0 : i32
      %dma_wait3A_207 = tpu.memref_slice %arg15[%add3A_29, %dma_wait3A_206] : memref<10240x128xf32, #tpu.memory_space<vmem_shared>> -> memref<64x128xf32, #tpu.memory_space<vmem_shared>>
      %dma_wait3A_208 = arith.constant 0 : i32
      %dma_wait3A_209 = tpu.memref_slice %arg15[%add3A_29, %dma_wait3A_208] : memref<10240x128xf32, #tpu.memory_space<vmem_shared>> -> memref<64x128xf32, #tpu.memory_space<vmem_shared>>
      %dma_wait3A_210 = arith.constant 0 : i32
      %dma_wait3A_211 = arith.constant 0 : i32
      %dma_wait3A_212 = tpu.memref_slice %arg12[%run_scoped3A_30, %dma_wait3A_210, %dma_wait3A_211] : memref<2x96x128xf32, #tpu.memory_space<vmem>> -> memref<1x64x128xf32, #tpu.memory_space<vmem>>
      %dma_wait3A_213 = tpu.memref_squeeze %dma_wait3A_212 : memref<1x64x128xf32, #tpu.memory_space<vmem>> -> memref<64x128xf32, #tpu.memory_space<vmem>>
      tpu.wait_dma2 semaphore(%run_scoped3A_189 : memref<!tpu.dma_semaphore, #tpu.memory_space<semaphore_mem>>) src(%dma_wait3A_213 : memref<64x128xf32, #tpu.memory_space<vmem>>) dst(%dma_wait3A_209 : memref<64x128xf32, #tpu.memory_space<vmem_shared>>)
      tpu.yield
    }) : () -> ()
    %mul3A_31 = arith.constant 640 : i32
    %mul3A_32 = arith.muli %arg1, %mul3A_31 : i32
    %add3A_33 = arith.constant 320 : i32
    %add3A_34 = arith.addi %mul3A_32, %add3A_33 : i32
    %run_scoped3A_35 = arith.constant 0 : i32
    "tpu.region"() ({
      %run_scoped3A_189 = tpu.sem_alloc : memref<!tpu.dma_semaphore, #tpu.memory_space<semaphore_mem>>
      %dma_start3A_190 = arith.constant 0 : i32
      %dma_start3A_191 = arith.constant 0 : i32
      %dma_start3A_192 = tpu.memref_slice %arg12[%run_scoped3A_35, %dma_start3A_190, %dma_start3A_191] : memref<2x96x128xf32, #tpu.memory_space<vmem>> -> memref<1x64x128xf32, #tpu.memory_space<vmem>>
      %dma_start3A_193 = tpu.memref_squeeze %dma_start3A_192 : memref<1x64x128xf32, #tpu.memory_space<vmem>> -> memref<64x128xf32, #tpu.memory_space<vmem>>
      %dma_start3A_194 = arith.constant 0 : i32
      %dma_start3A_195 = tpu.memref_slice %arg15[%add3A_34, %dma_start3A_194] : memref<10240x128xf32, #tpu.memory_space<vmem_shared>> -> memref<64x128xf32, #tpu.memory_space<vmem_shared>>
      %dma_start3A_196 = arith.constant 0 : i32
      %dma_start3A_197 = tpu.memref_slice %arg15[%add3A_34, %dma_start3A_196] : memref<10240x128xf32, #tpu.memory_space<vmem_shared>> -> memref<64x128xf32, #tpu.memory_space<vmem_shared>>
      %dma_start3A_198 = arith.constant 0 : i32
      %dma_start3A_199 = arith.constant 0 : i32
      %dma_start3A_200 = tpu.memref_slice %arg12[%run_scoped3A_35, %dma_start3A_198, %dma_start3A_199] : memref<2x96x128xf32, #tpu.memory_space<vmem>> -> memref<1x64x128xf32, #tpu.memory_space<vmem>>
      %dma_start3A_201 = tpu.memref_squeeze %dma_start3A_200 : memref<1x64x128xf32, #tpu.memory_space<vmem>> -> memref<64x128xf32, #tpu.memory_space<vmem>>
      tpu.enqueue_dma source(%dma_start3A_201 : memref<64x128xf32, #tpu.memory_space<vmem>>) target(%dma_start3A_197 : memref<64x128xf32, #tpu.memory_space<vmem_shared>>) target_semaphore(%run_scoped3A_189 : memref<!tpu.dma_semaphore, #tpu.memory_space<semaphore_mem>>)
      %dma_wait3A_202 = arith.constant 0 : i32
      %dma_wait3A_203 = arith.constant 0 : i32
      %dma_wait3A_204 = tpu.memref_slice %arg12[%run_scoped3A_35, %dma_wait3A_202, %dma_wait3A_203] : memref<2x96x128xf32, #tpu.memory_space<vmem>> -> memref<1x64x128xf32, #tpu.memory_space<vmem>>
      %dma_wait3A_205 = tpu.memref_squeeze %dma_wait3A_204 : memref<1x64x128xf32, #tpu.memory_space<vmem>> -> memref<64x128xf32, #tpu.memory_space<vmem>>
      %dma_wait3A_206 = arith.constant 0 : i32
      %dma_wait3A_207 = tpu.memref_slice %arg15[%add3A_34, %dma_wait3A_206] : memref<10240x128xf32, #tpu.memory_space<vmem_shared>> -> memref<64x128xf32, #tpu.memory_space<vmem_shared>>
      %dma_wait3A_208 = arith.constant 0 : i32
      %dma_wait3A_209 = tpu.memref_slice %arg15[%add3A_34, %dma_wait3A_208] : memref<10240x128xf32, #tpu.memory_space<vmem_shared>> -> memref<64x128xf32, #tpu.memory_space<vmem_shared>>
      %dma_wait3A_210 = arith.constant 0 : i32
      %dma_wait3A_211 = arith.constant 0 : i32
      %dma_wait3A_212 = tpu.memref_slice %arg12[%run_scoped3A_35, %dma_wait3A_210, %dma_wait3A_211] : memref<2x96x128xf32, #tpu.memory_space<vmem>> -> memref<1x64x128xf32, #tpu.memory_space<vmem>>
      %dma_wait3A_213 = tpu.memref_squeeze %dma_wait3A_212 : memref<1x64x128xf32, #tpu.memory_space<vmem>> -> memref<64x128xf32, #tpu.memory_space<vmem>>
      tpu.wait_dma2 semaphore(%run_scoped3A_189 : memref<!tpu.dma_semaphore, #tpu.memory_space<semaphore_mem>>) src(%dma_wait3A_213 : memref<64x128xf32, #tpu.memory_space<vmem>>) dst(%dma_wait3A_209 : memref<64x128xf32, #tpu.memory_space<vmem_shared>>)
      tpu.yield
    }) : () -> ()
    %mul3A_36 = arith.constant 640 : i32
    %mul3A_37 = arith.muli %arg1, %mul3A_36 : i32
    %add3A_38 = arith.constant 384 : i32
    %add3A_39 = arith.addi %mul3A_37, %add3A_38 : i32
    %run_scoped3A_40 = arith.constant 0 : i32
    "tpu.region"() ({
      %run_scoped3A_189 = tpu.sem_alloc : memref<!tpu.dma_semaphore, #tpu.memory_space<semaphore_mem>>
      %dma_start3A_190 = arith.constant 0 : i32
      %dma_start3A_191 = arith.constant 0 : i32
      %dma_start3A_192 = tpu.memref_slice %arg12[%run_scoped3A_40, %dma_start3A_190, %dma_start3A_191] : memref<2x96x128xf32, #tpu.memory_space<vmem>> -> memref<1x64x128xf32, #tpu.memory_space<vmem>>
      %dma_start3A_193 = tpu.memref_squeeze %dma_start3A_192 : memref<1x64x128xf32, #tpu.memory_space<vmem>> -> memref<64x128xf32, #tpu.memory_space<vmem>>
      %dma_start3A_194 = arith.constant 0 : i32
      %dma_start3A_195 = tpu.memref_slice %arg15[%add3A_39, %dma_start3A_194] : memref<10240x128xf32, #tpu.memory_space<vmem_shared>> -> memref<64x128xf32, #tpu.memory_space<vmem_shared>>
      %dma_start3A_196 = arith.constant 0 : i32
      %dma_start3A_197 = tpu.memref_slice %arg15[%add3A_39, %dma_start3A_196] : memref<10240x128xf32, #tpu.memory_space<vmem_shared>> -> memref<64x128xf32, #tpu.memory_space<vmem_shared>>
      %dma_start3A_198 = arith.constant 0 : i32
      %dma_start3A_199 = arith.constant 0 : i32
      %dma_start3A_200 = tpu.memref_slice %arg12[%run_scoped3A_40, %dma_start3A_198, %dma_start3A_199] : memref<2x96x128xf32, #tpu.memory_space<vmem>> -> memref<1x64x128xf32, #tpu.memory_space<vmem>>
      %dma_start3A_201 = tpu.memref_squeeze %dma_start3A_200 : memref<1x64x128xf32, #tpu.memory_space<vmem>> -> memref<64x128xf32, #tpu.memory_space<vmem>>
      tpu.enqueue_dma source(%dma_start3A_201 : memref<64x128xf32, #tpu.memory_space<vmem>>) target(%dma_start3A_197 : memref<64x128xf32, #tpu.memory_space<vmem_shared>>) target_semaphore(%run_scoped3A_189 : memref<!tpu.dma_semaphore, #tpu.memory_space<semaphore_mem>>)
      %dma_wait3A_202 = arith.constant 0 : i32
      %dma_wait3A_203 = arith.constant 0 : i32
      %dma_wait3A_204 = tpu.memref_slice %arg12[%run_scoped3A_40, %dma_wait3A_202, %dma_wait3A_203] : memref<2x96x128xf32, #tpu.memory_space<vmem>> -> memref<1x64x128xf32, #tpu.memory_space<vmem>>
      %dma_wait3A_205 = tpu.memref_squeeze %dma_wait3A_204 : memref<1x64x128xf32, #tpu.memory_space<vmem>> -> memref<64x128xf32, #tpu.memory_space<vmem>>
      %dma_wait3A_206 = arith.constant 0 : i32
      %dma_wait3A_207 = tpu.memref_slice %arg15[%add3A_39, %dma_wait3A_206] : memref<10240x128xf32, #tpu.memory_space<vmem_shared>> -> memref<64x128xf32, #tpu.memory_space<vmem_shared>>
      %dma_wait3A_208 = arith.constant 0 : i32
      %dma_wait3A_209 = tpu.memref_slice %arg15[%add3A_39, %dma_wait3A_208] : memref<10240x128xf32, #tpu.memory_space<vmem_shared>> -> memref<64x128xf32, #tpu.memory_space<vmem_shared>>
      %dma_wait3A_210 = arith.constant 0 : i32
      %dma_wait3A_211 = arith.constant 0 : i32
      %dma_wait3A_212 = tpu.memref_slice %arg12[%run_scoped3A_40, %dma_wait3A_210, %dma_wait3A_211] : memref<2x96x128xf32, #tpu.memory_space<vmem>> -> memref<1x64x128xf32, #tpu.memory_space<vmem>>
      %dma_wait3A_213 = tpu.memref_squeeze %dma_wait3A_212 : memref<1x64x128xf32, #tpu.memory_space<vmem>> -> memref<64x128xf32, #tpu.memory_space<vmem>>
      tpu.wait_dma2 semaphore(%run_scoped3A_189 : memref<!tpu.dma_semaphore, #tpu.memory_space<semaphore_mem>>) src(%dma_wait3A_213 : memref<64x128xf32, #tpu.memory_space<vmem>>) dst(%dma_wait3A_209 : memref<64x128xf32, #tpu.memory_space<vmem_shared>>)
      tpu.yield
    }) : () -> ()
    %mul3A_41 = arith.constant 640 : i32
    %mul3A_42 = arith.muli %arg1, %mul3A_41 : i32
    %add3A_43 = arith.constant 448 : i32
    %add3A_44 = arith.addi %mul3A_42, %add3A_43 : i32
    %run_scoped3A_45 = arith.constant 0 : i32
    "tpu.region"() ({
      %run_scoped3A_189 = tpu.sem_alloc : memref<!tpu.dma_semaphore, #tpu.memory_space<semaphore_mem>>
      %dma_start3A_190 = arith.constant 0 : i32
      %dma_start3A_191 = arith.constant 0 : i32
      %dma_start3A_192 = tpu.memref_slice %arg12[%run_scoped3A_45, %dma_start3A_190, %dma_start3A_191] : memref<2x96x128xf32, #tpu.memory_space<vmem>> -> memref<1x64x128xf32, #tpu.memory_space<vmem>>
      %dma_start3A_193 = tpu.memref_squeeze %dma_start3A_192 : memref<1x64x128xf32, #tpu.memory_space<vmem>> -> memref<64x128xf32, #tpu.memory_space<vmem>>
      %dma_start3A_194 = arith.constant 0 : i32
      %dma_start3A_195 = tpu.memref_slice %arg15[%add3A_44, %dma_start3A_194] : memref<10240x128xf32, #tpu.memory_space<vmem_shared>> -> memref<64x128xf32, #tpu.memory_space<vmem_shared>>
      %dma_start3A_196 = arith.constant 0 : i32
      %dma_start3A_197 = tpu.memref_slice %arg15[%add3A_44, %dma_start3A_196] : memref<10240x128xf32, #tpu.memory_space<vmem_shared>> -> memref<64x128xf32, #tpu.memory_space<vmem_shared>>
      %dma_start3A_198 = arith.constant 0 : i32
      %dma_start3A_199 = arith.constant 0 : i32
      %dma_start3A_200 = tpu.memref_slice %arg12[%run_scoped3A_45, %dma_start3A_198, %dma_start3A_199] : memref<2x96x128xf32, #tpu.memory_space<vmem>> -> memref<1x64x128xf32, #tpu.memory_space<vmem>>
      %dma_start3A_201 = tpu.memref_squeeze %dma_start3A_200 : memref<1x64x128xf32, #tpu.memory_space<vmem>> -> memref<64x128xf32, #tpu.memory_space<vmem>>
      tpu.enqueue_dma source(%dma_start3A_201 : memref<64x128xf32, #tpu.memory_space<vmem>>) target(%dma_start3A_197 : memref<64x128xf32, #tpu.memory_space<vmem_shared>>) target_semaphore(%run_scoped3A_189 : memref<!tpu.dma_semaphore, #tpu.memory_space<semaphore_mem>>)
      %dma_wait3A_202 = arith.constant 0 : i32
      %dma_wait3A_203 = arith.constant 0 : i32
      %dma_wait3A_204 = tpu.memref_slice %arg12[%run_scoped3A_45, %dma_wait3A_202, %dma_wait3A_203] : memref<2x96x128xf32, #tpu.memory_space<vmem>> -> memref<1x64x128xf32, #tpu.memory_space<vmem>>
      %dma_wait3A_205 = tpu.memref_squeeze %dma_wait3A_204 : memref<1x64x128xf32, #tpu.memory_space<vmem>> -> memref<64x128xf32, #tpu.memory_space<vmem>>
      %dma_wait3A_206 = arith.constant 0 : i32
      %dma_wait3A_207 = tpu.memref_slice %arg15[%add3A_44, %dma_wait3A_206] : memref<10240x128xf32, #tpu.memory_space<vmem_shared>> -> memref<64x128xf32, #tpu.memory_space<vmem_shared>>
      %dma_wait3A_208 = arith.constant 0 : i32
      %dma_wait3A_209 = tpu.memref_slice %arg15[%add3A_44, %dma_wait3A_208] : memref<10240x128xf32, #tpu.memory_space<vmem_shared>> -> memref<64x128xf32, #tpu.memory_space<vmem_shared>>
      %dma_wait3A_210 = arith.constant 0 : i32
      %dma_wait3A_211 = arith.constant 0 : i32
      %dma_wait3A_212 = tpu.memref_slice %arg12[%run_scoped3A_45, %dma_wait3A_210, %dma_wait3A_211] : memref<2x96x128xf32, #tpu.memory_space<vmem>> -> memref<1x64x128xf32, #tpu.memory_space<vmem>>
      %dma_wait3A_213 = tpu.memref_squeeze %dma_wait3A_212 : memref<1x64x128xf32, #tpu.memory_space<vmem>> -> memref<64x128xf32, #tpu.memory_space<vmem>>
      tpu.wait_dma2 semaphore(%run_scoped3A_189 : memref<!tpu.dma_semaphore, #tpu.memory_space<semaphore_mem>>) src(%dma_wait3A_213 : memref<64x128xf32, #tpu.memory_space<vmem>>) dst(%dma_wait3A_209 : memref<64x128xf32, #tpu.memory_space<vmem_shared>>)
      tpu.yield
    }) : () -> ()
    %mul3A_46 = arith.constant 640 : i32
    %mul3A_47 = arith.muli %arg1, %mul3A_46 : i32
    %add3A_48 = arith.constant 512 : i32
    %add3A_49 = arith.addi %mul3A_47, %add3A_48 : i32
    %run_scoped3A_50 = arith.constant 0 : i32
    "tpu.region"() ({
      %run_scoped3A_189 = tpu.sem_alloc : memref<!tpu.dma_semaphore, #tpu.memory_space<semaphore_mem>>
      %dma_start3A_190 = arith.constant 0 : i32
      %dma_start3A_191 = arith.constant 0 : i32
      %dma_start3A_192 = tpu.memref_slice %arg12[%run_scoped3A_50, %dma_start3A_190, %dma_start3A_191] : memref<2x96x128xf32, #tpu.memory_space<vmem>> -> memref<1x64x128xf32, #tpu.memory_space<vmem>>
      %dma_start3A_193 = tpu.memref_squeeze %dma_start3A_192 : memref<1x64x128xf32, #tpu.memory_space<vmem>> -> memref<64x128xf32, #tpu.memory_space<vmem>>
      %dma_start3A_194 = arith.constant 0 : i32
      %dma_start3A_195 = tpu.memref_slice %arg15[%add3A_49, %dma_start3A_194] : memref<10240x128xf32, #tpu.memory_space<vmem_shared>> -> memref<64x128xf32, #tpu.memory_space<vmem_shared>>
      %dma_start3A_196 = arith.constant 0 : i32
      %dma_start3A_197 = tpu.memref_slice %arg15[%add3A_49, %dma_start3A_196] : memref<10240x128xf32, #tpu.memory_space<vmem_shared>> -> memref<64x128xf32, #tpu.memory_space<vmem_shared>>
      %dma_start3A_198 = arith.constant 0 : i32
      %dma_start3A_199 = arith.constant 0 : i32
      %dma_start3A_200 = tpu.memref_slice %arg12[%run_scoped3A_50, %dma_start3A_198, %dma_start3A_199] : memref<2x96x128xf32, #tpu.memory_space<vmem>> -> memref<1x64x128xf32, #tpu.memory_space<vmem>>
      %dma_start3A_201 = tpu.memref_squeeze %dma_start3A_200 : memref<1x64x128xf32, #tpu.memory_space<vmem>> -> memref<64x128xf32, #tpu.memory_space<vmem>>
      tpu.enqueue_dma source(%dma_start3A_201 : memref<64x128xf32, #tpu.memory_space<vmem>>) target(%dma_start3A_197 : memref<64x128xf32, #tpu.memory_space<vmem_shared>>) target_semaphore(%run_scoped3A_189 : memref<!tpu.dma_semaphore, #tpu.memory_space<semaphore_mem>>)
      %dma_wait3A_202 = arith.constant 0 : i32
      %dma_wait3A_203 = arith.constant 0 : i32
      %dma_wait3A_204 = tpu.memref_slice %arg12[%run_scoped3A_50, %dma_wait3A_202, %dma_wait3A_203] : memref<2x96x128xf32, #tpu.memory_space<vmem>> -> memref<1x64x128xf32, #tpu.memory_space<vmem>>
      %dma_wait3A_205 = tpu.memref_squeeze %dma_wait3A_204 : memref<1x64x128xf32, #tpu.memory_space<vmem>> -> memref<64x128xf32, #tpu.memory_space<vmem>>
      %dma_wait3A_206 = arith.constant 0 : i32
      %dma_wait3A_207 = tpu.memref_slice %arg15[%add3A_49, %dma_wait3A_206] : memref<10240x128xf32, #tpu.memory_space<vmem_shared>> -> memref<64x128xf32, #tpu.memory_space<vmem_shared>>
      %dma_wait3A_208 = arith.constant 0 : i32
      %dma_wait3A_209 = tpu.memref_slice %arg15[%add3A_49, %dma_wait3A_208] : memref<10240x128xf32, #tpu.memory_space<vmem_shared>> -> memref<64x128xf32, #tpu.memory_space<vmem_shared>>
      %dma_wait3A_210 = arith.constant 0 : i32
      %dma_wait3A_211 = arith.constant 0 : i32
      %dma_wait3A_212 = tpu.memref_slice %arg12[%run_scoped3A_50, %dma_wait3A_210, %dma_wait3A_211] : memref<2x96x128xf32, #tpu.memory_space<vmem>> -> memref<1x64x128xf32, #tpu.memory_space<vmem>>
      %dma_wait3A_213 = tpu.memref_squeeze %dma_wait3A_212 : memref<1x64x128xf32, #tpu.memory_space<vmem>> -> memref<64x128xf32, #tpu.memory_space<vmem>>
      tpu.wait_dma2 semaphore(%run_scoped3A_189 : memref<!tpu.dma_semaphore, #tpu.memory_space<semaphore_mem>>) src(%dma_wait3A_213 : memref<64x128xf32, #tpu.memory_space<vmem>>) dst(%dma_wait3A_209 : memref<64x128xf32, #tpu.memory_space<vmem_shared>>)
      tpu.yield
    }) : () -> ()
    %mul3A_51 = arith.constant 640 : i32
    %mul3A_52 = arith.muli %arg1, %mul3A_51 : i32
    %add3A_53 = arith.constant 576 : i32
    %add3A_54 = arith.addi %mul3A_52, %add3A_53 : i32
    %run_scoped3A_55 = arith.constant 0 : i32
    "tpu.region"() ({
      %run_scoped3A_189 = tpu.sem_alloc : memref<!tpu.dma_semaphore, #tpu.memory_space<semaphore_mem>>
      %dma_start3A_190 = arith.constant 0 : i32
      %dma_start3A_191 = arith.constant 0 : i32
      %dma_start3A_192 = tpu.memref_slice %arg12[%run_scoped3A_55, %dma_start3A_190, %dma_start3A_191] : memref<2x96x128xf32, #tpu.memory_space<vmem>> -> memref<1x64x128xf32, #tpu.memory_space<vmem>>
      %dma_start3A_193 = tpu.memref_squeeze %dma_start3A_192 : memref<1x64x128xf32, #tpu.memory_space<vmem>> -> memref<64x128xf32, #tpu.memory_space<vmem>>
      %dma_start3A_194 = arith.constant 0 : i32
      %dma_start3A_195 = tpu.memref_slice %arg15[%add3A_54, %dma_start3A_194] : memref<10240x128xf32, #tpu.memory_space<vmem_shared>> -> memref<64x128xf32, #tpu.memory_space<vmem_shared>>
      %dma_start3A_196 = arith.constant 0 : i32
      %dma_start3A_197 = tpu.memref_slice %arg15[%add3A_54, %dma_start3A_196] : memref<10240x128xf32, #tpu.memory_space<vmem_shared>> -> memref<64x128xf32, #tpu.memory_space<vmem_shared>>
      %dma_start3A_198 = arith.constant 0 : i32
      %dma_start3A_199 = arith.constant 0 : i32
      %dma_start3A_200 = tpu.memref_slice %arg12[%run_scoped3A_55, %dma_start3A_198, %dma_start3A_199] : memref<2x96x128xf32, #tpu.memory_space<vmem>> -> memref<1x64x128xf32, #tpu.memory_space<vmem>>
      %dma_start3A_201 = tpu.memref_squeeze %dma_start3A_200 : memref<1x64x128xf32, #tpu.memory_space<vmem>> -> memref<64x128xf32, #tpu.memory_space<vmem>>
      tpu.enqueue_dma source(%dma_start3A_201 : memref<64x128xf32, #tpu.memory_space<vmem>>) target(%dma_start3A_197 : memref<64x128xf32, #tpu.memory_space<vmem_shared>>) target_semaphore(%run_scoped3A_189 : memref<!tpu.dma_semaphore, #tpu.memory_space<semaphore_mem>>)
      %dma_wait3A_202 = arith.constant 0 : i32
      %dma_wait3A_203 = arith.constant 0 : i32
      %dma_wait3A_204 = tpu.memref_slice %arg12[%run_scoped3A_55, %dma_wait3A_202, %dma_wait3A_203] : memref<2x96x128xf32, #tpu.memory_space<vmem>> -> memref<1x64x128xf32, #tpu.memory_space<vmem>>
      %dma_wait3A_205 = tpu.memref_squeeze %dma_wait3A_204 : memref<1x64x128xf32, #tpu.memory_space<vmem>> -> memref<64x128xf32, #tpu.memory_space<vmem>>
      %dma_wait3A_206 = arith.constant 0 : i32
      %dma_wait3A_207 = tpu.memref_slice %arg15[%add3A_54, %dma_wait3A_206] : memref<10240x128xf32, #tpu.memory_space<vmem_shared>> -> memref<64x128xf32, #tpu.memory_space<vmem_shared>>
      %dma_wait3A_208 = arith.constant 0 : i32
      %dma_wait3A_209 = tpu.memref_slice %arg15[%add3A_54, %dma_wait3A_208] : memref<10240x128xf32, #tpu.memory_space<vmem_shared>> -> memref<64x128xf32, #tpu.memory_space<vmem_shared>>
      %dma_wait3A_210 = arith.constant 0 : i32
      %dma_wait3A_211 = arith.constant 0 : i32
      %dma_wait3A_212 = tpu.memref_slice %arg12[%run_scoped3A_55, %dma_wait3A_210, %dma_wait3A_211] : memref<2x96x128xf32, #tpu.memory_space<vmem>> -> memref<1x64x128xf32, #tpu.memory_space<vmem>>
      %dma_wait3A_213 = tpu.memref_squeeze %dma_wait3A_212 : memref<1x64x128xf32, #tpu.memory_space<vmem>> -> memref<64x128xf32, #tpu.memory_space<vmem>>
      tpu.wait_dma2 semaphore(%run_scoped3A_189 : memref<!tpu.dma_semaphore, #tpu.memory_space<semaphore_mem>>) src(%dma_wait3A_213 : memref<64x128xf32, #tpu.memory_space<vmem>>) dst(%dma_wait3A_209 : memref<64x128xf32, #tpu.memory_space<vmem_shared>>)
      tpu.yield
    }) : () -> ()
    %barrier3A = arith.constant 0 : index
    tpu.barrier barrier_id(%barrier3A)
    %dma_start3A = arith.constant 0 : i32
    %dma_start3A_56 = arith.constant 0 : i32
    %dma_start3A_57 = arith.constant 0 : i32
    %dma_start3A_58 = tpu.memref_slice %arg8[%dma_start3A_56, %dma_start3A_57] : memref<2x96xi32, #tpu.memory_space<vmem>> -> memref<1x96xi32, #tpu.memory_space<vmem>>
    %dma_start3A_59 = tpu.memref_squeeze %dma_start3A_58 : memref<1x96xi32, #tpu.memory_space<vmem>> -> memref<96xi32, #tpu.memory_space<vmem>>
    %dma_start3A_60 = arith.constant 0 : i32
    %dma_start3A_61 = tpu.memref_slice %arg5[%add3A, %dma_start3A, %dma_start3A_60] : memref<32x106x96xi32, #tpu.memory_space<hbm>> -> memref<1x1x96xi32, #tpu.memory_space<hbm>>
    %dma_start3A_62 = tpu.memref_squeeze %dma_start3A_61 : memref<1x1x96xi32, #tpu.memory_space<hbm>> -> memref<96xi32, #tpu.memory_space<hbm>>
    %dma_start3A_63 = arith.constant 0 : i32
    %dma_start3A_64 = tpu.memref_slice %arg8[%dma_start3A_56, %dma_start3A_63] : memref<2x96xi32, #tpu.memory_space<vmem>> -> memref<1x96xi32, #tpu.memory_space<vmem>>
    %dma_start3A_65 = tpu.memref_squeeze %dma_start3A_64 : memref<1x96xi32, #tpu.memory_space<vmem>> -> memref<96xi32, #tpu.memory_space<vmem>>
    %dma_start3A_66 = arith.constant 0 : i32
    %dma_start3A_67 = tpu.memref_slice %arg5[%add3A, %dma_start3A, %dma_start3A_66] : memref<32x106x96xi32, #tpu.memory_space<hbm>> -> memref<1x1x96xi32, #tpu.memory_space<hbm>>
    %dma_start3A_68 = tpu.memref_squeeze %dma_start3A_67 : memref<1x1x96xi32, #tpu.memory_space<hbm>> -> memref<96xi32, #tpu.memory_space<hbm>>
    tpu.enqueue_dma source(%dma_start3A_68 : memref<96xi32, #tpu.memory_space<hbm>>) target(%dma_start3A_65 : memref<96xi32, #tpu.memory_space<vmem>>) target_semaphore(%arg16 : memref<!tpu.dma_semaphore, #tpu.memory_space<semaphore_mem>>)
    %dma_start3A_69 = arith.constant 0 : i32
    %dma_start3A_70 = arith.constant 0 : i32
    %dma_start3A_71 = arith.constant 0 : i32
    %dma_start3A_72 = tpu.memref_slice %arg9[%dma_start3A_70, %dma_start3A_71] : memref<2x96xi32, #tpu.memory_space<vmem>> -> memref<1x96xi32, #tpu.memory_space<vmem>>
    %dma_start3A_73 = tpu.memref_squeeze %dma_start3A_72 : memref<1x96xi32, #tpu.memory_space<vmem>> -> memref<96xi32, #tpu.memory_space<vmem>>
    %dma_start3A_74 = arith.constant 0 : i32
    %dma_start3A_75 = tpu.memref_slice %arg6[%add3A, %dma_start3A_69, %dma_start3A_74] : memref<32x106x96xi32, #tpu.memory_space<hbm>> -> memref<1x1x96xi32, #tpu.memory_space<hbm>>
    %dma_start3A_76 = tpu.memref_squeeze %dma_start3A_75 : memref<1x1x96xi32, #tpu.memory_space<hbm>> -> memref<96xi32, #tpu.memory_space<hbm>>
    %dma_start3A_77 = arith.constant 0 : i32
    %dma_start3A_78 = tpu.memref_slice %arg9[%dma_start3A_70, %dma_start3A_77] : memref<2x96xi32, #tpu.memory_space<vmem>> -> memref<1x96xi32, #tpu.memory_space<vmem>>
    %dma_start3A_79 = tpu.memref_squeeze %dma_start3A_78 : memref<1x96xi32, #tpu.memory_space<vmem>> -> memref<96xi32, #tpu.memory_space<vmem>>
    %dma_start3A_80 = arith.constant 0 : i32
    %dma_start3A_81 = tpu.memref_slice %arg6[%add3A, %dma_start3A_69, %dma_start3A_80] : memref<32x106x96xi32, #tpu.memory_space<hbm>> -> memref<1x1x96xi32, #tpu.memory_space<hbm>>
    %dma_start3A_82 = tpu.memref_squeeze %dma_start3A_81 : memref<1x1x96xi32, #tpu.memory_space<hbm>> -> memref<96xi32, #tpu.memory_space<hbm>>
    tpu.enqueue_dma source(%dma_start3A_82 : memref<96xi32, #tpu.memory_space<hbm>>) target(%dma_start3A_79 : memref<96xi32, #tpu.memory_space<vmem>>) target_semaphore(%arg16 : memref<!tpu.dma_semaphore, #tpu.memory_space<semaphore_mem>>)
    %dma_start3A_83 = arith.constant 1 : i32
    %dma_start3A_84 = arith.constant 1 : i32
    %dma_start3A_85 = arith.constant 0 : i32
    %dma_start3A_86 = tpu.memref_slice %arg8[%dma_start3A_84, %dma_start3A_85] : memref<2x96xi32, #tpu.memory_space<vmem>> -> memref<1x96xi32, #tpu.memory_space<vmem>>
    %dma_start3A_87 = tpu.memref_squeeze %dma_start3A_86 : memref<1x96xi32, #tpu.memory_space<vmem>> -> memref<96xi32, #tpu.memory_space<vmem>>
    %dma_start3A_88 = arith.constant 0 : i32
    %dma_start3A_89 = tpu.memref_slice %arg5[%add3A, %dma_start3A_83, %dma_start3A_88] : memref<32x106x96xi32, #tpu.memory_space<hbm>> -> memref<1x1x96xi32, #tpu.memory_space<hbm>>
    %dma_start3A_90 = tpu.memref_squeeze %dma_start3A_89 : memref<1x1x96xi32, #tpu.memory_space<hbm>> -> memref<96xi32, #tpu.memory_space<hbm>>
    %dma_start3A_91 = arith.constant 0 : i32
    %dma_start3A_92 = tpu.memref_slice %arg8[%dma_start3A_84, %dma_start3A_91] : memref<2x96xi32, #tpu.memory_space<vmem>> -> memref<1x96xi32, #tpu.memory_space<vmem>>
    %dma_start3A_93 = tpu.memref_squeeze %dma_start3A_92 : memref<1x96xi32, #tpu.memory_space<vmem>> -> memref<96xi32, #tpu.memory_space<vmem>>
    %dma_start3A_94 = arith.constant 0 : i32
    %dma_start3A_95 = tpu.memref_slice %arg5[%add3A, %dma_start3A_83, %dma_start3A_94] : memref<32x106x96xi32, #tpu.memory_space<hbm>> -> memref<1x1x96xi32, #tpu.memory_space<hbm>>
    %dma_start3A_96 = tpu.memref_squeeze %dma_start3A_95 : memref<1x1x96xi32, #tpu.memory_space<hbm>> -> memref<96xi32, #tpu.memory_space<hbm>>
    tpu.enqueue_dma source(%dma_start3A_96 : memref<96xi32, #tpu.memory_space<hbm>>) target(%dma_start3A_93 : memref<96xi32, #tpu.memory_space<vmem>>) target_semaphore(%arg16 : memref<!tpu.dma_semaphore, #tpu.memory_space<semaphore_mem>>)
    %dma_start3A_97 = arith.constant 1 : i32
    %dma_start3A_98 = arith.constant 1 : i32
    %dma_start3A_99 = arith.constant 0 : i32
    %dma_start3A_100 = tpu.memref_slice %arg9[%dma_start3A_98, %dma_start3A_99] : memref<2x96xi32, #tpu.memory_space<vmem>> -> memref<1x96xi32, #tpu.memory_space<vmem>>
    %dma_start3A_101 = tpu.memref_squeeze %dma_start3A_100 : memref<1x96xi32, #tpu.memory_space<vmem>> -> memref<96xi32, #tpu.memory_space<vmem>>
    %dma_start3A_102 = arith.constant 0 : i32
    %dma_start3A_103 = tpu.memref_slice %arg6[%add3A, %dma_start3A_97, %dma_start3A_102] : memref<32x106x96xi32, #tpu.memory_space<hbm>> -> memref<1x1x96xi32, #tpu.memory_space<hbm>>
    %dma_start3A_104 = tpu.memref_squeeze %dma_start3A_103 : memref<1x1x96xi32, #tpu.memory_space<hbm>> -> memref<96xi32, #tpu.memory_space<hbm>>
    %dma_start3A_105 = arith.constant 0 : i32
    %dma_start3A_106 = tpu.memref_slice %arg9[%dma_start3A_98, %dma_start3A_105] : memref<2x96xi32, #tpu.memory_space<vmem>> -> memref<1x96xi32, #tpu.memory_space<vmem>>
    %dma_start3A_107 = tpu.memref_squeeze %dma_start3A_106 : memref<1x96xi32, #tpu.memory_space<vmem>> -> memref<96xi32, #tpu.memory_space<vmem>>
    %dma_start3A_108 = arith.constant 0 : i32
    %dma_start3A_109 = tpu.memref_slice %arg6[%add3A, %dma_start3A_97, %dma_start3A_108] : memref<32x106x96xi32, #tpu.memory_space<hbm>> -> memref<1x1x96xi32, #tpu.memory_space<hbm>>
    %dma_start3A_110 = tpu.memref_squeeze %dma_start3A_109 : memref<1x1x96xi32, #tpu.memory_space<hbm>> -> memref<96xi32, #tpu.memory_space<hbm>>
    tpu.enqueue_dma source(%dma_start3A_110 : memref<96xi32, #tpu.memory_space<hbm>>) target(%dma_start3A_107 : memref<96xi32, #tpu.memory_space<vmem>>) target_semaphore(%arg16 : memref<!tpu.dma_semaphore, #tpu.memory_space<semaphore_mem>>)
    %dma_wait3A = arith.constant 0 : i32
    %dma_wait3A_111 = arith.constant 0 : i32
    %dma_wait3A_112 = arith.constant 0 : i32
    %dma_wait3A_113 = tpu.memref_slice %arg8[%dma_wait3A_111, %dma_wait3A_112] : memref<2x96xi32, #tpu.memory_space<vmem>> -> memref<1x96xi32, #tpu.memory_space<vmem>>
    %dma_wait3A_114 = tpu.memref_squeeze %dma_wait3A_113 : memref<1x96xi32, #tpu.memory_space<vmem>> -> memref<96xi32, #tpu.memory_space<vmem>>
    %dma_wait3A_115 = arith.constant 0 : i32
    %dma_wait3A_116 = tpu.memref_slice %arg5[%add3A, %dma_wait3A, %dma_wait3A_115] : memref<32x106x96xi32, #tpu.memory_space<hbm>> -> memref<1x1x96xi32, #tpu.memory_space<hbm>>
    %dma_wait3A_117 = tpu.memref_squeeze %dma_wait3A_116 : memref<1x1x96xi32, #tpu.memory_space<hbm>> -> memref<96xi32, #tpu.memory_space<hbm>>
    %dma_wait3A_118 = arith.constant 0 : i32
    %dma_wait3A_119 = tpu.memref_slice %arg8[%dma_wait3A_111, %dma_wait3A_118] : memref<2x96xi32, #tpu.memory_space<vmem>> -> memref<1x96xi32, #tpu.memory_space<vmem>>
    %dma_wait3A_120 = tpu.memref_squeeze %dma_wait3A_119 : memref<1x96xi32, #tpu.memory_space<vmem>> -> memref<96xi32, #tpu.memory_space<vmem>>
    %dma_wait3A_121 = arith.constant 0 : i32
    %dma_wait3A_122 = tpu.memref_slice %arg5[%add3A, %dma_wait3A, %dma_wait3A_121] : memref<32x106x96xi32, #tpu.memory_space<hbm>> -> memref<1x1x96xi32, #tpu.memory_space<hbm>>
    %dma_wait3A_123 = tpu.memref_squeeze %dma_wait3A_122 : memref<1x1x96xi32, #tpu.memory_space<hbm>> -> memref<96xi32, #tpu.memory_space<hbm>>
    tpu.wait_dma2 semaphore(%arg16 : memref<!tpu.dma_semaphore, #tpu.memory_space<semaphore_mem>>) src(%dma_wait3A_123 : memref<96xi32, #tpu.memory_space<hbm>>) dst(%dma_wait3A_120 : memref<96xi32, #tpu.memory_space<vmem>>)
    %dma_wait3A_124 = arith.constant 0 : i32
    %dma_wait3A_125 = arith.constant 0 : i32
    %dma_wait3A_126 = arith.constant 0 : i32
    %dma_wait3A_127 = tpu.memref_slice %arg9[%dma_wait3A_125, %dma_wait3A_126] : memref<2x96xi32, #tpu.memory_space<vmem>> -> memref<1x96xi32, #tpu.memory_space<vmem>>
    %dma_wait3A_128 = tpu.memref_squeeze %dma_wait3A_127 : memref<1x96xi32, #tpu.memory_space<vmem>> -> memref<96xi32, #tpu.memory_space<vmem>>
    %dma_wait3A_129 = arith.constant 0 : i32
    %dma_wait3A_130 = tpu.memref_slice %arg6[%add3A, %dma_wait3A_124, %dma_wait3A_129] : memref<32x106x96xi32, #tpu.memory_space<hbm>> -> memref<1x1x96xi32, #tpu.memory_space<hbm>>
    %dma_wait3A_131 = tpu.memref_squeeze %dma_wait3A_130 : memref<1x1x96xi32, #tpu.memory_space<hbm>> -> memref<96xi32, #tpu.memory_space<hbm>>
    %dma_wait3A_132 = arith.constant 0 : i32
    %dma_wait3A_133 = tpu.memref_slice %arg9[%dma_wait3A_125, %dma_wait3A_132] : memref<2x96xi32, #tpu.memory_space<vmem>> -> memref<1x96xi32, #tpu.memory_space<vmem>>
    %dma_wait3A_134 = tpu.memref_squeeze %dma_wait3A_133 : memref<1x96xi32, #tpu.memory_space<vmem>> -> memref<96xi32, #tpu.memory_space<vmem>>
    %dma_wait3A_135 = arith.constant 0 : i32
    %dma_wait3A_136 = tpu.memref_slice %arg6[%add3A, %dma_wait3A_124, %dma_wait3A_135] : memref<32x106x96xi32, #tpu.memory_space<hbm>> -> memref<1x1x96xi32, #tpu.memory_space<hbm>>
    %dma_wait3A_137 = tpu.memref_squeeze %dma_wait3A_136 : memref<1x1x96xi32, #tpu.memory_space<hbm>> -> memref<96xi32, #tpu.memory_space<hbm>>
    tpu.wait_dma2 semaphore(%arg16 : memref<!tpu.dma_semaphore, #tpu.memory_space<semaphore_mem>>) src(%dma_wait3A_137 : memref<96xi32, #tpu.memory_space<hbm>>) dst(%dma_wait3A_134 : memref<96xi32, #tpu.memory_space<vmem>>)
    %dma_start3A_138 = arith.constant 0 : i32
    %dma_start3A_139 = arith.constant 0 : i32
    %dma_start3A_140 = arith.constant 0 : i32
    %dma_start3A_141 = arith.constant 0 : i32
    %dma_start3A_142 = tpu.memref_slice %arg12[%dma_start3A_139, %dma_start3A_140, %dma_start3A_141] : memref<2x96x128xf32, #tpu.memory_space<vmem>> -> memref<1x96x128xf32, #tpu.memory_space<vmem>>
    %dma_start3A_143 = tpu.memref_squeeze %dma_start3A_142 : memref<1x96x128xf32, #tpu.memory_space<vmem>> -> memref<96x128xf32, #tpu.memory_space<vmem>>
    %dma_start3A_144 = arith.constant 0 : i32
    %dma_start3A_145 = tpu.memref_slice %arg8[%dma_start3A_138, %dma_start3A_144] : memref<2x96xi32, #tpu.memory_space<vmem>> -> memref<1x96xi32, #tpu.memory_space<vmem>>
    %dma_start3A_146 = tpu.memref_squeeze %dma_start3A_145 : memref<1x96xi32, #tpu.memory_space<vmem>> -> memref<96xi32, #tpu.memory_space<vmem>>
    %dma_start3A_147 = arith.constant 0 : i32
    %dma_start3A_148 = arith.constant 0 : i32
    %dma_start3A_149 = tpu.memref_slice %arg2[%dma_start3A_147, %dma_start3A_148] : memref<10240x128xf32, #tpu.memory_space<hbm>> -> memref<10240x128xf32, #tpu.memory_space<hbm>>
    tpu.enqueue_indirect_dma source(%dma_start3A_149 : memref<10240x128xf32, #tpu.memory_space<hbm>>) target(%dma_start3A_143 : memref<96x128xf32, #tpu.memory_space<vmem>>) offsets(%dma_start3A_146 : memref<96xi32, #tpu.memory_space<vmem>>) semaphore(%arg17 : memref<!tpu.dma_semaphore, #tpu.memory_space<semaphore_mem>>)
    %scan3A_150 = arith.constant 0 : i32
    %scan3A_151 = arith.constant 0 : i32
    %scan3A_152 = arith.constant 53 : i32
    %scan3A_153 = arith.addi %scan3A_151, %scan3A_152 : i32
    %scan3A_154 = arith.constant 1 : i32
    scf.for %scan3A_189 = %scan3A_151 to %scan3A_153 step %scan3A_154  : i32 {
      %mul3A_190 = arith.constant 2 : i32
      %mul3A_191 = arith.muli %scan3A_189, %mul3A_190 : i32
      %gt3A = arith.constant 0 : i32
      %gt3A_192 = arith.cmpi sgt, %mul3A_191, %gt3A : i32
      %convert_element_type3A = arith.extui %gt3A_192 : i1 to i32
      %cond3A = arith.constant 0 : i32
      %cond3A_193 = arith.cmpi ne, %convert_element_type3A, %cond3A : i32
      scf.if %cond3A_193 {
        %dma_wait3A_682 = arith.constant 1 : i32
        %dma_wait3A_683 = arith.constant 1 : i32
        %dma_wait3A_684 = arith.constant 0 : i32
        %dma_wait3A_685 = arith.constant 0 : i32
        %dma_wait3A_686 = tpu.memref_slice %arg12[%dma_wait3A_682, %dma_wait3A_684, %dma_wait3A_685] : memref<2x96x128xf32, #tpu.memory_space<vmem>> -> memref<1x96x128xf32, #tpu.memory_space<vmem>>
        %dma_wait3A_687 = tpu.memref_squeeze %dma_wait3A_686 : memref<1x96x128xf32, #tpu.memory_space<vmem>> -> memref<96x128xf32, #tpu.memory_space<vmem>>
        %dma_wait3A_688 = arith.constant 0 : i32
        %dma_wait3A_689 = tpu.memref_slice %arg10[%dma_wait3A_683, %dma_wait3A_688] : memref<2x96xi32, #tpu.memory_space<vmem>> -> memref<1x96xi32, #tpu.memory_space<vmem>>
        %dma_wait3A_690 = tpu.memref_squeeze %dma_wait3A_689 : memref<1x96xi32, #tpu.memory_space<vmem>> -> memref<96xi32, #tpu.memory_space<vmem>>
        %dma_wait3A_691 = arith.constant 0 : i32
        %dma_wait3A_692 = arith.constant 0 : i32
        %dma_wait3A_693 = tpu.memref_slice %arg15[%dma_wait3A_691, %dma_wait3A_692] : memref<10240x128xf32, #tpu.memory_space<vmem_shared>> -> memref<10240x128xf32, #tpu.memory_space<vmem_shared>>
        tpu.wait_indirect_dma semaphore(%arg18 : memref<!tpu.dma_semaphore, #tpu.memory_space<semaphore_mem>>) src(%dma_wait3A_687 : memref<96x128xf32, #tpu.memory_space<vmem>>) dst(%dma_wait3A_693 : memref<10240x128xf32, #tpu.memory_space<vmem_shared>>)
      } else {
      }
      %add3A_194 = arith.constant 1 : i32
      %add3A_195 = arith.addi %mul3A_191, %add3A_194 : i32
      %dma_wait3A_196 = arith.constant 1 : i32
      %dma_wait3A_197 = arith.constant 0 : i32
      %dma_wait3A_198 = tpu.memref_slice %arg8[%dma_wait3A_196, %dma_wait3A_197] : memref<2x96xi32, #tpu.memory_space<vmem>> -> memref<1x96xi32, #tpu.memory_space<vmem>>
      %dma_wait3A_199 = tpu.memref_squeeze %dma_wait3A_198 : memref<1x96xi32, #tpu.memory_space<vmem>> -> memref<96xi32, #tpu.memory_space<vmem>>
      %dma_wait3A_200 = arith.constant 0 : i32
      %dma_wait3A_201 = tpu.memref_slice %arg5[%add3A, %add3A_195, %dma_wait3A_200] : memref<32x106x96xi32, #tpu.memory_space<hbm>> -> memref<1x1x96xi32, #tpu.memory_space<hbm>>
      %dma_wait3A_202 = tpu.memref_squeeze %dma_wait3A_201 : memref<1x1x96xi32, #tpu.memory_space<hbm>> -> memref<96xi32, #tpu.memory_space<hbm>>
      %dma_wait3A_203 = arith.constant 0 : i32
      %dma_wait3A_204 = tpu.memref_slice %arg8[%dma_wait3A_196, %dma_wait3A_203] : memref<2x96xi32, #tpu.memory_space<vmem>> -> memref<1x96xi32, #tpu.memory_space<vmem>>
      %dma_wait3A_205 = tpu.memref_squeeze %dma_wait3A_204 : memref<1x96xi32, #tpu.memory_space<vmem>> -> memref<96xi32, #tpu.memory_space<vmem>>
      %dma_wait3A_206 = arith.constant 0 : i32
      %dma_wait3A_207 = tpu.memref_slice %arg5[%add3A, %add3A_195, %dma_wait3A_206] : memref<32x106x96xi32, #tpu.memory_space<hbm>> -> memref<1x1x96xi32, #tpu.memory_space<hbm>>
      %dma_wait3A_208 = tpu.memref_squeeze %dma_wait3A_207 : memref<1x1x96xi32, #tpu.memory_space<hbm>> -> memref<96xi32, #tpu.memory_space<hbm>>
      tpu.wait_dma2 semaphore(%arg16 : memref<!tpu.dma_semaphore, #tpu.memory_space<semaphore_mem>>) src(%dma_wait3A_208 : memref<96xi32, #tpu.memory_space<hbm>>) dst(%dma_wait3A_205 : memref<96xi32, #tpu.memory_space<vmem>>)
      %dma_wait3A_209 = arith.constant 1 : i32
      %dma_wait3A_210 = arith.constant 0 : i32
      %dma_wait3A_211 = tpu.memref_slice %arg9[%dma_wait3A_209, %dma_wait3A_210] : memref<2x96xi32, #tpu.memory_space<vmem>> -> memref<1x96xi32, #tpu.memory_space<vmem>>
      %dma_wait3A_212 = tpu.memref_squeeze %dma_wait3A_211 : memref<1x96xi32, #tpu.memory_space<vmem>> -> memref<96xi32, #tpu.memory_space<vmem>>
      %dma_wait3A_213 = arith.constant 0 : i32
      %dma_wait3A_214 = tpu.memref_slice %arg6[%add3A, %add3A_195, %dma_wait3A_213] : memref<32x106x96xi32, #tpu.memory_space<hbm>> -> memref<1x1x96xi32, #tpu.memory_space<hbm>>
      %dma_wait3A_215 = tpu.memref_squeeze %dma_wait3A_214 : memref<1x1x96xi32, #tpu.memory_space<hbm>> -> memref<96xi32, #tpu.memory_space<hbm>>
      %dma_wait3A_216 = arith.constant 0 : i32
      %dma_wait3A_217 = tpu.memref_slice %arg9[%dma_wait3A_209, %dma_wait3A_216] : memref<2x96xi32, #tpu.memory_space<vmem>> -> memref<1x96xi32, #tpu.memory_space<vmem>>
      %dma_wait3A_218 = tpu.memref_squeeze %dma_wait3A_217 : memref<1x96xi32, #tpu.memory_space<vmem>> -> memref<96xi32, #tpu.memory_space<vmem>>
      %dma_wait3A_219 = arith.constant 0 : i32
      %dma_wait3A_220 = tpu.memref_slice %arg6[%add3A, %add3A_195, %dma_wait3A_219] : memref<32x106x96xi32, #tpu.memory_space<hbm>> -> memref<1x1x96xi32, #tpu.memory_space<hbm>>
      %dma_wait3A_221 = tpu.memref_squeeze %dma_wait3A_220 : memref<1x1x96xi32, #tpu.memory_space<hbm>> -> memref<96xi32, #tpu.memory_space<hbm>>
      tpu.wait_dma2 semaphore(%arg16 : memref<!tpu.dma_semaphore, #tpu.memory_space<semaphore_mem>>) src(%dma_wait3A_221 : memref<96xi32, #tpu.memory_space<hbm>>) dst(%dma_wait3A_218 : memref<96xi32, #tpu.memory_space<vmem>>)
      %dma_start3A_222 = arith.constant 1 : i32
      %dma_start3A_223 = arith.constant 1 : i32
      %dma_start3A_224 = arith.constant 0 : i32
      %dma_start3A_225 = arith.constant 0 : i32
      %dma_start3A_226 = tpu.memref_slice %arg12[%dma_start3A_223, %dma_start3A_224, %dma_start3A_225] : memref<2x96x128xf32, #tpu.memory_space<vmem>> -> memref<1x96x128xf32, #tpu.memory_space<vmem>>
      %dma_start3A_227 = tpu.memref_squeeze %dma_start3A_226 : memref<1x96x128xf32, #tpu.memory_space<vmem>> -> memref<96x128xf32, #tpu.memory_space<vmem>>
      %dma_start3A_228 = arith.constant 0 : i32
      %dma_start3A_229 = tpu.memref_slice %arg8[%dma_start3A_222, %dma_start3A_228] : memref<2x96xi32, #tpu.memory_space<vmem>> -> memref<1x96xi32, #tpu.memory_space<vmem>>
      %dma_start3A_230 = tpu.memref_squeeze %dma_start3A_229 : memref<1x96xi32, #tpu.memory_space<vmem>> -> memref<96xi32, #tpu.memory_space<vmem>>
      %dma_start3A_231 = arith.constant 0 : i32
      %dma_start3A_232 = arith.constant 0 : i32
      %dma_start3A_233 = tpu.memref_slice %arg2[%dma_start3A_231, %dma_start3A_232] : memref<10240x128xf32, #tpu.memory_space<hbm>> -> memref<10240x128xf32, #tpu.memory_space<hbm>>
      tpu.enqueue_indirect_dma source(%dma_start3A_233 : memref<10240x128xf32, #tpu.memory_space<hbm>>) target(%dma_start3A_227 : memref<96x128xf32, #tpu.memory_space<vmem>>) offsets(%dma_start3A_230 : memref<96xi32, #tpu.memory_space<vmem>>) semaphore(%arg17 : memref<!tpu.dma_semaphore, #tpu.memory_space<semaphore_mem>>)
      %dma_wait3A_234 = arith.constant 0 : i32
      %dma_wait3A_235 = arith.constant 0 : i32
      %dma_wait3A_236 = arith.constant 0 : i32
      %dma_wait3A_237 = arith.constant 0 : i32
      %dma_wait3A_238 = tpu.memref_slice %arg12[%dma_wait3A_235, %dma_wait3A_236, %dma_wait3A_237] : memref<2x96x128xf32, #tpu.memory_space<vmem>> -> memref<1x96x128xf32, #tpu.memory_space<vmem>>
      %dma_wait3A_239 = tpu.memref_squeeze %dma_wait3A_238 : memref<1x96x128xf32, #tpu.memory_space<vmem>> -> memref<96x128xf32, #tpu.memory_space<vmem>>
      %dma_wait3A_240 = arith.constant 0 : i32
      %dma_wait3A_241 = tpu.memref_slice %arg8[%dma_wait3A_234, %dma_wait3A_240] : memref<2x96xi32, #tpu.memory_space<vmem>> -> memref<1x96xi32, #tpu.memory_space<vmem>>
      %dma_wait3A_242 = tpu.memref_squeeze %dma_wait3A_241 : memref<1x96xi32, #tpu.memory_space<vmem>> -> memref<96xi32, #tpu.memory_space<vmem>>
      %dma_wait3A_243 = arith.constant 0 : i32
      %dma_wait3A_244 = arith.constant 0 : i32
      %dma_wait3A_245 = tpu.memref_slice %arg2[%dma_wait3A_243, %dma_wait3A_244] : memref<10240x128xf32, #tpu.memory_space<hbm>> -> memref<10240x128xf32, #tpu.memory_space<hbm>>
      tpu.wait_indirect_dma semaphore(%arg17 : memref<!tpu.dma_semaphore, #tpu.memory_space<semaphore_mem>>) src(%dma_wait3A_245 : memref<10240x128xf32, #tpu.memory_space<hbm>>) dst(%dma_wait3A_239 : memref<96x128xf32, #tpu.memory_space<vmem>>)
      %get3A = arith.constant 0 : i32
      %get3A_246 = arith.index_cast %get3A : i32 to index
      %get3A_247 = arith.constant 0 : index
      %get3A_248 = tpu.vector_load %arg8[%get3A_246, %get3A_247] {strides = array<i32>} : memref<2x96xi32, #tpu.memory_space<vmem>>, vector<16xi32>,
      %get3A_249 = arith.constant 0 : i32
      %get3A_250 = arith.index_cast %get3A_249 : i32 to index
      %get3A_251 = arith.constant 0 : index
      %get3A_252 = tpu.vector_load %arg9[%get3A_250, %get3A_251] {strides = array<i32>} : memref<2x96xi32, #tpu.memory_space<vmem>>, vector<16xi32>,
      %gather3A = tpu.vector_load_idx %arg13[%get3A_248] : memref<10240xf32, #tpu.memory_space<vmem>>[vector<16xi32>], vector<16xf32>,
      %gather3A_253 = tpu.vector_load_idx %arg14[%get3A_252] : memref<10240xf32, #tpu.memory_space<vmem>>[vector<16xi32>], vector<16xf32>,
      %add3A_254 = arith.addf %gather3A, %gather3A_253 : vector<16xf32>
      %mul3A_255 = arith.constant 2.000000e+00 : f32
      %mul3A_256 = vector.broadcast %mul3A_255 : f32 to vector<16xf32>
      %mul3A_257 = arith.mulf %add3A_254, %mul3A_256 : vector<16xf32>
      %exp3A = math.exp %mul3A_257 : vector<16xf32>
      %add3A_258 = arith.constant 1.000000e+00 : f32
      %add3A_259 = vector.broadcast %add3A_258 : f32 to vector<16xf32>
      %add3A_260 = arith.addf %exp3A, %add3A_259 : vector<16xf32>
      %div3A = arith.constant 2.000000e+00 : f32
      %div3A_261 = vector.broadcast %div3A : f32 to vector<16xf32>
      %div3A_262 = arith.divf %div3A_261, %add3A_260 : vector<16xf32>
      %sub3A = arith.constant 1.000000e+00 : f32
      %sub3A_263 = vector.broadcast %sub3A : f32 to vector<16xf32>
      %sub3A_264 = arith.subf %sub3A_263, %div3A_262 : vector<16xf32>
      %swap3A = arith.constant 0 : index
      %swap3A_265 = tpu.vector_load %arg11[%swap3A] {strides = array<i32>} : memref<96xf32, #tpu.memory_space<vmem>>, vector<16xf32>,
      tpu.vector_store %arg11[%swap3A], %sub3A_264 {strides = array<i32>} : memref<96xf32, #tpu.memory_space<vmem>>, vector<16xf32>,
      %swap3A_266 = arith.constant 0 : i32
      %swap3A_267 = arith.index_cast %swap3A_266 : i32 to index
      %swap3A_268 = arith.constant 0 : index
      %swap3A_269 = tpu.vector_load %arg10[%swap3A_267, %swap3A_268] {strides = array<i32>} : memref<2x96xi32, #tpu.memory_space<vmem>>, vector<16xi32>,
      tpu.vector_store %arg10[%swap3A_267, %swap3A_268], %get3A_252 {strides = array<i32>} : memref<2x96xi32, #tpu.memory_space<vmem>>, vector<16xi32>,
      %get3A_270 = arith.constant 0 : i32
      %get3A_271 = arith.index_cast %get3A_270 : i32 to index
      %get3A_272 = arith.constant 16 : index
      %get3A_273 = tpu.vector_load %arg8[%get3A_271, %get3A_272] {strides = array<i32>} : memref<2x96xi32, #tpu.memory_space<vmem>>, vector<16xi32>,
      %get3A_274 = arith.constant 0 : i32
      %get3A_275 = arith.index_cast %get3A_274 : i32 to index
      %get3A_276 = arith.constant 16 : index
      %get3A_277 = tpu.vector_load %arg9[%get3A_275, %get3A_276] {strides = array<i32>} : memref<2x96xi32, #tpu.memory_space<vmem>>, vector<16xi32>,
      %gather3A_278 = tpu.vector_load_idx %arg13[%get3A_273] : memref<10240xf32, #tpu.memory_space<vmem>>[vector<16xi32>], vector<16xf32>,
      %gather3A_279 = tpu.vector_load_idx %arg14[%get3A_277] : memref<10240xf32, #tpu.memory_space<vmem>>[vector<16xi32>], vector<16xf32>,
      %add3A_280 = arith.addf %gather3A_278, %gather3A_279 : vector<16xf32>
      %mul3A_281 = arith.constant 2.000000e+00 : f32
      %mul3A_282 = vector.broadcast %mul3A_281 : f32 to vector<16xf32>
      %mul3A_283 = arith.mulf %add3A_280, %mul3A_282 : vector<16xf32>
      %exp3A_284 = math.exp %mul3A_283 : vector<16xf32>
      %add3A_285 = arith.constant 1.000000e+00 : f32
      %add3A_286 = vector.broadcast %add3A_285 : f32 to vector<16xf32>
      %add3A_287 = arith.addf %exp3A_284, %add3A_286 : vector<16xf32>
      %div3A_288 = arith.constant 2.000000e+00 : f32
      %div3A_289 = vector.broadcast %div3A_288 : f32 to vector<16xf32>
      %div3A_290 = arith.divf %div3A_289, %add3A_287 : vector<16xf32>
      %sub3A_291 = arith.constant 1.000000e+00 : f32
      %sub3A_292 = vector.broadcast %sub3A_291 : f32 to vector<16xf32>
      %sub3A_293 = arith.subf %sub3A_292, %div3A_290 : vector<16xf32>
      %swap3A_294 = arith.constant 16 : index
      %swap3A_295 = tpu.vector_load %arg11[%swap3A_294] {strides = array<i32>} : memref<96xf32, #tpu.memory_space<vmem>>, vector<16xf32>,
      tpu.vector_store %arg11[%swap3A_294], %sub3A_293 {strides = array<i32>} : memref<96xf32, #tpu.memory_space<vmem>>, vector<16xf32>,
      %swap3A_296 = arith.constant 0 : i32
      %swap3A_297 = arith.index_cast %swap3A_296 : i32 to index
      %swap3A_298 = arith.constant 16 : index
      %swap3A_299 = tpu.vector_load %arg10[%swap3A_297, %swap3A_298] {strides = array<i32>} : memref<2x96xi32, #tpu.memory_space<vmem>>, vector<16xi32>,
      tpu.vector_store %arg10[%swap3A_297, %swap3A_298], %get3A_277 {strides = array<i32>} : memref<2x96xi32, #tpu.memory_space<vmem>>, vector<16xi32>,
      %get3A_300 = arith.constant 0 : i32
      %get3A_301 = arith.index_cast %get3A_300 : i32 to index
      %get3A_302 = arith.constant 32 : index
      %get3A_303 = tpu.vector_load %arg8[%get3A_301, %get3A_302] {strides = array<i32>} : memref<2x96xi32, #tpu.memory_space<vmem>>, vector<16xi32>,
      %get3A_304 = arith.constant 0 : i32
      %get3A_305 = arith.index_cast %get3A_304 : i32 to index
      %get3A_306 = arith.constant 32 : index
      %get3A_307 = tpu.vector_load %arg9[%get3A_305, %get3A_306] {strides = array<i32>} : memref<2x96xi32, #tpu.memory_space<vmem>>, vector<16xi32>,
      %gather3A_308 = tpu.vector_load_idx %arg13[%get3A_303] : memref<10240xf32, #tpu.memory_space<vmem>>[vector<16xi32>], vector<16xf32>,
      %gather3A_309 = tpu.vector_load_idx %arg14[%get3A_307] : memref<10240xf32, #tpu.memory_space<vmem>>[vector<16xi32>], vector<16xf32>,
      %add3A_310 = arith.addf %gather3A_308, %gather3A_309 : vector<16xf32>
      %mul3A_311 = arith.constant 2.000000e+00 : f32
      %mul3A_312 = vector.broadcast %mul3A_311 : f32 to vector<16xf32>
      %mul3A_313 = arith.mulf %add3A_310, %mul3A_312 : vector<16xf32>
      %exp3A_314 = math.exp %mul3A_313 : vector<16xf32>
      %add3A_315 = arith.constant 1.000000e+00 : f32
      %add3A_316 = vector.broadcast %add3A_315 : f32 to vector<16xf32>
      %add3A_317 = arith.addf %exp3A_314, %add3A_316 : vector<16xf32>
      %div3A_318 = arith.constant 2.000000e+00 : f32
      %div3A_319 = vector.broadcast %div3A_318 : f32 to vector<16xf32>
      %div3A_320 = arith.divf %div3A_319, %add3A_317 : vector<16xf32>
      %sub3A_321 = arith.constant 1.000000e+00 : f32
      %sub3A_322 = vector.broadcast %sub3A_321 : f32 to vector<16xf32>
      %sub3A_323 = arith.subf %sub3A_322, %div3A_320 : vector<16xf32>
      %swap3A_324 = arith.constant 32 : index
      %swap3A_325 = tpu.vector_load %arg11[%swap3A_324] {strides = array<i32>} : memref<96xf32, #tpu.memory_space<vmem>>, vector<16xf32>,
      tpu.vector_store %arg11[%swap3A_324], %sub3A_323 {strides = array<i32>} : memref<96xf32, #tpu.memory_space<vmem>>, vector<16xf32>,
      %swap3A_326 = arith.constant 0 : i32
      %swap3A_327 = arith.index_cast %swap3A_326 : i32 to index
      %swap3A_328 = arith.constant 32 : index
      %swap3A_329 = tpu.vector_load %arg10[%swap3A_327, %swap3A_328] {strides = array<i32>} : memref<2x96xi32, #tpu.memory_space<vmem>>, vector<16xi32>,
      tpu.vector_store %arg10[%swap3A_327, %swap3A_328], %get3A_307 {strides = array<i32>} : memref<2x96xi32, #tpu.memory_space<vmem>>, vector<16xi32>,
      %get3A_330 = arith.constant 0 : i32
      %get3A_331 = arith.index_cast %get3A_330 : i32 to index
      %get3A_332 = arith.constant 48 : index
      %get3A_333 = tpu.vector_load %arg8[%get3A_331, %get3A_332] {strides = array<i32>} : memref<2x96xi32, #tpu.memory_space<vmem>>, vector<16xi32>,
      %get3A_334 = arith.constant 0 : i32
      %get3A_335 = arith.index_cast %get3A_334 : i32 to index
      %get3A_336 = arith.constant 48 : index
      %get3A_337 = tpu.vector_load %arg9[%get3A_335, %get3A_336] {strides = array<i32>} : memref<2x96xi32, #tpu.memory_space<vmem>>, vector<16xi32>,
      %gather3A_338 = tpu.vector_load_idx %arg13[%get3A_333] : memref<10240xf32, #tpu.memory_space<vmem>>[vector<16xi32>], vector<16xf32>,
      %gather3A_339 = tpu.vector_load_idx %arg14[%get3A_337] : memref<10240xf32, #tpu.memory_space<vmem>>[vector<16xi32>], vector<16xf32>,
      %add3A_340 = arith.addf %gather3A_338, %gather3A_339 : vector<16xf32>
      %mul3A_341 = arith.constant 2.000000e+00 : f32
      %mul3A_342 = vector.broadcast %mul3A_341 : f32 to vector<16xf32>
      %mul3A_343 = arith.mulf %add3A_340, %mul3A_342 : vector<16xf32>
      %exp3A_344 = math.exp %mul3A_343 : vector<16xf32>
      %add3A_345 = arith.constant 1.000000e+00 : f32
      %add3A_346 = vector.broadcast %add3A_345 : f32 to vector<16xf32>
      %add3A_347 = arith.addf %exp3A_344, %add3A_346 : vector<16xf32>
      %div3A_348 = arith.constant 2.000000e+00 : f32
      %div3A_349 = vector.broadcast %div3A_348 : f32 to vector<16xf32>
      %div3A_350 = arith.divf %div3A_349, %add3A_347 : vector<16xf32>
      %sub3A_351 = arith.constant 1.000000e+00 : f32
      %sub3A_352 = vector.broadcast %sub3A_351 : f32 to vector<16xf32>
      %sub3A_353 = arith.subf %sub3A_352, %div3A_350 : vector<16xf32>
      %swap3A_354 = arith.constant 48 : index
      %swap3A_355 = tpu.vector_load %arg11[%swap3A_354] {strides = array<i32>} : memref<96xf32, #tpu.memory_space<vmem>>, vector<16xf32>,
      tpu.vector_store %arg11[%swap3A_354], %sub3A_353 {strides = array<i32>} : memref<96xf32, #tpu.memory_space<vmem>>, vector<16xf32>,
      %swap3A_356 = arith.constant 0 : i32
      %swap3A_357 = arith.index_cast %swap3A_356 : i32 to index
      %swap3A_358 = arith.constant 48 : index
      %swap3A_359 = tpu.vector_load %arg10[%swap3A_357, %swap3A_358] {strides = array<i32>} : memref<2x96xi32, #tpu.memory_space<vmem>>, vector<16xi32>,
      tpu.vector_store %arg10[%swap3A_357, %swap3A_358], %get3A_337 {strides = array<i32>} : memref<2x96xi32, #tpu.memory_space<vmem>>, vector<16xi32>,
      %get3A_360 = arith.constant 0 : i32
      %get3A_361 = arith.index_cast %get3A_360 : i32 to index
      %get3A_362 = arith.constant 64 : index
      %get3A_363 = tpu.vector_load %arg8[%get3A_361, %get3A_362] {strides = array<i32>} : memref<2x96xi32, #tpu.memory_space<vmem>>, vector<16xi32>,
      %get3A_364 = arith.constant 0 : i32
      %get3A_365 = arith.index_cast %get3A_364 : i32 to index
      %get3A_366 = arith.constant 64 : index
      %get3A_367 = tpu.vector_load %arg9[%get3A_365, %get3A_366] {strides = array<i32>} : memref<2x96xi32, #tpu.memory_space<vmem>>, vector<16xi32>,
      %gather3A_368 = tpu.vector_load_idx %arg13[%get3A_363] : memref<10240xf32, #tpu.memory_space<vmem>>[vector<16xi32>], vector<16xf32>,
      %gather3A_369 = tpu.vector_load_idx %arg14[%get3A_367] : memref<10240xf32, #tpu.memory_space<vmem>>[vector<16xi32>], vector<16xf32>,
      %add3A_370 = arith.addf %gather3A_368, %gather3A_369 : vector<16xf32>
      %mul3A_371 = arith.constant 2.000000e+00 : f32
      %mul3A_372 = vector.broadcast %mul3A_371 : f32 to vector<16xf32>
      %mul3A_373 = arith.mulf %add3A_370, %mul3A_372 : vector<16xf32>
      %exp3A_374 = math.exp %mul3A_373 : vector<16xf32>
      %add3A_375 = arith.constant 1.000000e+00 : f32
      %add3A_376 = vector.broadcast %add3A_375 : f32 to vector<16xf32>
      %add3A_377 = arith.addf %exp3A_374, %add3A_376 : vector<16xf32>
      %div3A_378 = arith.constant 2.000000e+00 : f32
      %div3A_379 = vector.broadcast %div3A_378 : f32 to vector<16xf32>
      %div3A_380 = arith.divf %div3A_379, %add3A_377 : vector<16xf32>
      %sub3A_381 = arith.constant 1.000000e+00 : f32
      %sub3A_382 = vector.broadcast %sub3A_381 : f32 to vector<16xf32>
      %sub3A_383 = arith.subf %sub3A_382, %div3A_380 : vector<16xf32>
      %swap3A_384 = arith.constant 64 : index
      %swap3A_385 = tpu.vector_load %arg11[%swap3A_384] {strides = array<i32>} : memref<96xf32, #tpu.memory_space<vmem>>, vector<16xf32>,
      tpu.vector_store %arg11[%swap3A_384], %sub3A_383 {strides = array<i32>} : memref<96xf32, #tpu.memory_space<vmem>>, vector<16xf32>,
      %swap3A_386 = arith.constant 0 : i32
      %swap3A_387 = arith.index_cast %swap3A_386 : i32 to index
      %swap3A_388 = arith.constant 64 : index
      %swap3A_389 = tpu.vector_load %arg10[%swap3A_387, %swap3A_388] {strides = array<i32>} : memref<2x96xi32, #tpu.memory_space<vmem>>, vector<16xi32>,
      tpu.vector_store %arg10[%swap3A_387, %swap3A_388], %get3A_367 {strides = array<i32>} : memref<2x96xi32, #tpu.memory_space<vmem>>, vector<16xi32>,
      %get3A_390 = arith.constant 0 : i32
      %get3A_391 = arith.index_cast %get3A_390 : i32 to index
      %get3A_392 = arith.constant 80 : index
      %get3A_393 = tpu.vector_load %arg8[%get3A_391, %get3A_392] {strides = array<i32>} : memref<2x96xi32, #tpu.memory_space<vmem>>, vector<16xi32>,
      %get3A_394 = arith.constant 0 : i32
      %get3A_395 = arith.index_cast %get3A_394 : i32 to index
      %get3A_396 = arith.constant 80 : index
      %get3A_397 = tpu.vector_load %arg9[%get3A_395, %get3A_396] {strides = array<i32>} : memref<2x96xi32, #tpu.memory_space<vmem>>, vector<16xi32>,
      %gather3A_398 = tpu.vector_load_idx %arg13[%get3A_393] : memref<10240xf32, #tpu.memory_space<vmem>>[vector<16xi32>], vector<16xf32>,
      %gather3A_399 = tpu.vector_load_idx %arg14[%get3A_397] : memref<10240xf32, #tpu.memory_space<vmem>>[vector<16xi32>], vector<16xf32>,
      %add3A_400 = arith.addf %gather3A_398, %gather3A_399 : vector<16xf32>
      %mul3A_401 = arith.constant 2.000000e+00 : f32
      %mul3A_402 = vector.broadcast %mul3A_401 : f32 to vector<16xf32>
      %mul3A_403 = arith.mulf %add3A_400, %mul3A_402 : vector<16xf32>
      %exp3A_404 = math.exp %mul3A_403 : vector<16xf32>
      %add3A_405 = arith.constant 1.000000e+00 : f32
      %add3A_406 = vector.broadcast %add3A_405 : f32 to vector<16xf32>
      %add3A_407 = arith.addf %exp3A_404, %add3A_406 : vector<16xf32>
      %div3A_408 = arith.constant 2.000000e+00 : f32
      %div3A_409 = vector.broadcast %div3A_408 : f32 to vector<16xf32>
      %div3A_410 = arith.divf %div3A_409, %add3A_407 : vector<16xf32>
      %sub3A_411 = arith.constant 1.000000e+00 : f32
      %sub3A_412 = vector.broadcast %sub3A_411 : f32 to vector<16xf32>
      %sub3A_413 = arith.subf %sub3A_412, %div3A_410 : vector<16xf32>
      %swap3A_414 = arith.constant 80 : index
      %swap3A_415 = tpu.vector_load %arg11[%swap3A_414] {strides = array<i32>} : memref<96xf32, #tpu.memory_space<vmem>>, vector<16xf32>,
      tpu.vector_store %arg11[%swap3A_414], %sub3A_413 {strides = array<i32>} : memref<96xf32, #tpu.memory_space<vmem>>, vector<16xf32>,
      %swap3A_416 = arith.constant 0 : i32
      %swap3A_417 = arith.index_cast %swap3A_416 : i32 to index
      %swap3A_418 = arith.constant 80 : index
      %swap3A_419 = tpu.vector_load %arg10[%swap3A_417, %swap3A_418] {strides = array<i32>} : memref<2x96xi32, #tpu.memory_space<vmem>>, vector<16xi32>,
      tpu.vector_store %arg10[%swap3A_417, %swap3A_418], %get3A_397 {strides = array<i32>} : memref<2x96xi32, #tpu.memory_space<vmem>>, vector<16xi32>,
      %scan3A_420 = arith.constant 0 : i32
      %scan3A_421 = arith.constant 0 : i32
      %scan3A_422 = arith.constant 0 : i32
      %scan3A_423 = arith.constant 96 : i32
      %scan3A_424 = arith.addi %scan3A_422, %scan3A_423 : i32
      %scan3A_425 = arith.constant 1 : i32
      scf.for %scan3A_682 = %scan3A_422 to %scan3A_424 step %scan3A_425  : i32 {
        %broadcast_in_dim3A_683 = vector.broadcast %scan3A_682 : i32 to vector<16xi32>
        %gather3A_684 = tpu.vector_load_idx %arg11[%broadcast_in_dim3A_683] : memref<96xf32, #tpu.memory_space<vmem>>[vector<16xi32>], vector<16xf32>,
        %get3A_685 = arith.constant 0 : i32
        %get3A_686 = arith.constant 0 : i32
        %get3A_687 = tpu.memref_slice %arg12[%scan3A_421, %get3A_685, %get3A_686] : memref<2x96x128xf32, #tpu.memory_space<vmem>> -> memref<1x96x128xf32, #tpu.memory_space<vmem>>
        %get3A_688 = tpu.memref_squeeze %get3A_687 : memref<1x96x128xf32, #tpu.memory_space<vmem>> -> memref<96x128xf32, #tpu.memory_space<vmem>>
        %get3A_689 = arith.index_cast %scan3A_682 : i32 to index
        %get3A_690 = arith.constant 0 : index
        %get3A_691 = tpu.vector_load %get3A_688[%get3A_689, %get3A_690] {strides = array<i32>} : memref<96x128xf32, #tpu.memory_space<vmem>>, vector<16xf32>,
        %mul3A_692 = arith.mulf %get3A_691, %gather3A_684 : vector<16xf32>
        %swap3A_693 = arith.constant 0 : i32
        %swap3A_694 = arith.constant 0 : i32
        %swap3A_695 = tpu.memref_slice %arg12[%scan3A_421, %swap3A_693, %swap3A_694] : memref<2x96x128xf32, #tpu.memory_space<vmem>> -> memref<1x96x128xf32, #tpu.memory_space<vmem>>
        %swap3A_696 = tpu.memref_squeeze %swap3A_695 : memref<1x96x128xf32, #tpu.memory_space<vmem>> -> memref<96x128xf32, #tpu.memory_space<vmem>>
        %swap3A_697 = arith.index_cast %scan3A_682 : i32 to index
        %swap3A_698 = arith.constant 0 : index
        %swap3A_699 = tpu.vector_load %swap3A_696[%swap3A_697, %swap3A_698] {strides = array<i32>} : memref<96x128xf32, #tpu.memory_space<vmem>>, vector<16xf32>,
        tpu.vector_store %swap3A_696[%swap3A_697, %swap3A_698], %mul3A_692 {strides = array<i32>} : memref<96x128xf32, #tpu.memory_space<vmem>>, vector<16xf32>,
        %get3A_700 = arith.constant 0 : i32
        %get3A_701 = arith.constant 0 : i32
        %get3A_702 = tpu.memref_slice %arg12[%scan3A_421, %get3A_700, %get3A_701] : memref<2x96x128xf32, #tpu.memory_space<vmem>> -> memref<1x96x128xf32, #tpu.memory_space<vmem>>
        %get3A_703 = tpu.memref_squeeze %get3A_702 : memref<1x96x128xf32, #tpu.memory_space<vmem>> -> memref<96x128xf32, #tpu.memory_space<vmem>>
        %get3A_704 = arith.index_cast %scan3A_682 : i32 to index
        %get3A_705 = arith.constant 16 : index
        %get3A_706 = tpu.vector_load %get3A_703[%get3A_704, %get3A_705] {strides = array<i32>} : memref<96x128xf32, #tpu.memory_space<vmem>>, vector<16xf32>,
        %mul3A_707 = arith.mulf %get3A_706, %gather3A_684 : vector<16xf32>
        %swap3A_708 = arith.constant 0 : i32
        %swap3A_709 = arith.constant 0 : i32
        %swap3A_710 = tpu.memref_slice %arg12[%scan3A_421, %swap3A_708, %swap3A_709] : memref<2x96x128xf32, #tpu.memory_space<vmem>> -> memref<1x96x128xf32, #tpu.memory_space<vmem>>
        %swap3A_711 = tpu.memref_squeeze %swap3A_710 : memref<1x96x128xf32, #tpu.memory_space<vmem>> -> memref<96x128xf32, #tpu.memory_space<vmem>>
        %swap3A_712 = arith.index_cast %scan3A_682 : i32 to index
        %swap3A_713 = arith.constant 16 : index
        %swap3A_714 = tpu.vector_load %swap3A_711[%swap3A_712, %swap3A_713] {strides = array<i32>} : memref<96x128xf32, #tpu.memory_space<vmem>>, vector<16xf32>,
        tpu.vector_store %swap3A_711[%swap3A_712, %swap3A_713], %mul3A_707 {strides = array<i32>} : memref<96x128xf32, #tpu.memory_space<vmem>>, vector<16xf32>,
        %get3A_715 = arith.constant 0 : i32
        %get3A_716 = arith.constant 0 : i32
        %get3A_717 = tpu.memref_slice %arg12[%scan3A_421, %get3A_715, %get3A_716] : memref<2x96x128xf32, #tpu.memory_space<vmem>> -> memref<1x96x128xf32, #tpu.memory_space<vmem>>
        %get3A_718 = tpu.memref_squeeze %get3A_717 : memref<1x96x128xf32, #tpu.memory_space<vmem>> -> memref<96x128xf32, #tpu.memory_space<vmem>>
        %get3A_719 = arith.index_cast %scan3A_682 : i32 to index
        %get3A_720 = arith.constant 32 : index
        %get3A_721 = tpu.vector_load %get3A_718[%get3A_719, %get3A_720] {strides = array<i32>} : memref<96x128xf32, #tpu.memory_space<vmem>>, vector<16xf32>,
        %mul3A_722 = arith.mulf %get3A_721, %gather3A_684 : vector<16xf32>
        %swap3A_723 = arith.constant 0 : i32
        %swap3A_724 = arith.constant 0 : i32
        %swap3A_725 = tpu.memref_slice %arg12[%scan3A_421, %swap3A_723, %swap3A_724] : memref<2x96x128xf32, #tpu.memory_space<vmem>> -> memref<1x96x128xf32, #tpu.memory_space<vmem>>
        %swap3A_726 = tpu.memref_squeeze %swap3A_725 : memref<1x96x128xf32, #tpu.memory_space<vmem>> -> memref<96x128xf32, #tpu.memory_space<vmem>>
        %swap3A_727 = arith.index_cast %scan3A_682 : i32 to index
        %swap3A_728 = arith.constant 32 : index
        %swap3A_729 = tpu.vector_load %swap3A_726[%swap3A_727, %swap3A_728] {strides = array<i32>} : memref<96x128xf32, #tpu.memory_space<vmem>>, vector<16xf32>,
        tpu.vector_store %swap3A_726[%swap3A_727, %swap3A_728], %mul3A_722 {strides = array<i32>} : memref<96x128xf32, #tpu.memory_space<vmem>>, vector<16xf32>,
        %get3A_730 = arith.constant 0 : i32
        %get3A_731 = arith.constant 0 : i32
        %get3A_732 = tpu.memref_slice %arg12[%scan3A_421, %get3A_730, %get3A_731] : memref<2x96x128xf32, #tpu.memory_space<vmem>> -> memref<1x96x128xf32, #tpu.memory_space<vmem>>
        %get3A_733 = tpu.memref_squeeze %get3A_732 : memref<1x96x128xf32, #tpu.memory_space<vmem>> -> memref<96x128xf32, #tpu.memory_space<vmem>>
        %get3A_734 = arith.index_cast %scan3A_682 : i32 to index
        %get3A_735 = arith.constant 48 : index
        %get3A_736 = tpu.vector_load %get3A_733[%get3A_734, %get3A_735] {strides = array<i32>} : memref<96x128xf32, #tpu.memory_space<vmem>>, vector<16xf32>,
        %mul3A_737 = arith.mulf %get3A_736, %gather3A_684 : vector<16xf32>
        %swap3A_738 = arith.constant 0 : i32
        %swap3A_739 = arith.constant 0 : i32
        %swap3A_740 = tpu.memref_slice %arg12[%scan3A_421, %swap3A_738, %swap3A_739] : memref<2x96x128xf32, #tpu.memory_space<vmem>> -> memref<1x96x128xf32, #tpu.memory_space<vmem>>
        %swap3A_741 = tpu.memref_squeeze %swap3A_740 : memref<1x96x128xf32, #tpu.memory_space<vmem>> -> memref<96x128xf32, #tpu.memory_space<vmem>>
        %swap3A_742 = arith.index_cast %scan3A_682 : i32 to index
        %swap3A_743 = arith.constant 48 : index
        %swap3A_744 = tpu.vector_load %swap3A_741[%swap3A_742, %swap3A_743] {strides = array<i32>} : memref<96x128xf32, #tpu.memory_space<vmem>>, vector<16xf32>,
        tpu.vector_store %swap3A_741[%swap3A_742, %swap3A_743], %mul3A_737 {strides = array<i32>} : memref<96x128xf32, #tpu.memory_space<vmem>>, vector<16xf32>,
        %get3A_745 = arith.constant 0 : i32
        %get3A_746 = arith.constant 0 : i32
        %get3A_747 = tpu.memref_slice %arg12[%scan3A_421, %get3A_745, %get3A_746] : memref<2x96x128xf32, #tpu.memory_space<vmem>> -> memref<1x96x128xf32, #tpu.memory_space<vmem>>
        %get3A_748 = tpu.memref_squeeze %get3A_747 : memref<1x96x128xf32, #tpu.memory_space<vmem>> -> memref<96x128xf32, #tpu.memory_space<vmem>>
        %get3A_749 = arith.index_cast %scan3A_682 : i32 to index
        %get3A_750 = arith.constant 64 : index
        %get3A_751 = tpu.vector_load %get3A_748[%get3A_749, %get3A_750] {strides = array<i32>} : memref<96x128xf32, #tpu.memory_space<vmem>>, vector<16xf32>,
        %mul3A_752 = arith.mulf %get3A_751, %gather3A_684 : vector<16xf32>
        %swap3A_753 = arith.constant 0 : i32
        %swap3A_754 = arith.constant 0 : i32
        %swap3A_755 = tpu.memref_slice %arg12[%scan3A_421, %swap3A_753, %swap3A_754] : memref<2x96x128xf32, #tpu.memory_space<vmem>> -> memref<1x96x128xf32, #tpu.memory_space<vmem>>
        %swap3A_756 = tpu.memref_squeeze %swap3A_755 : memref<1x96x128xf32, #tpu.memory_space<vmem>> -> memref<96x128xf32, #tpu.memory_space<vmem>>
        %swap3A_757 = arith.index_cast %scan3A_682 : i32 to index
        %swap3A_758 = arith.constant 64 : index
        %swap3A_759 = tpu.vector_load %swap3A_756[%swap3A_757, %swap3A_758] {strides = array<i32>} : memref<96x128xf32, #tpu.memory_space<vmem>>, vector<16xf32>,
        tpu.vector_store %swap3A_756[%swap3A_757, %swap3A_758], %mul3A_752 {strides = array<i32>} : memref<96x128xf32, #tpu.memory_space<vmem>>, vector<16xf32>,
        %get3A_760 = arith.constant 0 : i32
        %get3A_761 = arith.constant 0 : i32
        %get3A_762 = tpu.memref_slice %arg12[%scan3A_421, %get3A_760, %get3A_761] : memref<2x96x128xf32, #tpu.memory_space<vmem>> -> memref<1x96x128xf32, #tpu.memory_space<vmem>>
        %get3A_763 = tpu.memref_squeeze %get3A_762 : memref<1x96x128xf32, #tpu.memory_space<vmem>> -> memref<96x128xf32, #tpu.memory_space<vmem>>
        %get3A_764 = arith.index_cast %scan3A_682 : i32 to index
        %get3A_765 = arith.constant 80 : index
        %get3A_766 = tpu.vector_load %get3A_763[%get3A_764, %get3A_765] {strides = array<i32>} : memref<96x128xf32, #tpu.memory_space<vmem>>, vector<16xf32>,
        %mul3A_767 = arith.mulf %get3A_766, %gather3A_684 : vector<16xf32>
        %swap3A_768 = arith.constant 0 : i32
        %swap3A_769 = arith.constant 0 : i32
        %swap3A_770 = tpu.memref_slice %arg12[%scan3A_421, %swap3A_768, %swap3A_769] : memref<2x96x128xf32, #tpu.memory_space<vmem>> -> memref<1x96x128xf32, #tpu.memory_space<vmem>>
        %swap3A_771 = tpu.memref_squeeze %swap3A_770 : memref<1x96x128xf32, #tpu.memory_space<vmem>> -> memref<96x128xf32, #tpu.memory_space<vmem>>
        %swap3A_772 = arith.index_cast %scan3A_682 : i32 to index
        %swap3A_773 = arith.constant 80 : index
        %swap3A_774 = tpu.vector_load %swap3A_771[%swap3A_772, %swap3A_773] {strides = array<i32>} : memref<96x128xf32, #tpu.memory_space<vmem>>, vector<16xf32>,
        tpu.vector_store %swap3A_771[%swap3A_772, %swap3A_773], %mul3A_767 {strides = array<i32>} : memref<96x128xf32, #tpu.memory_space<vmem>>, vector<16xf32>,
        %get3A_775 = arith.constant 0 : i32
        %get3A_776 = arith.constant 0 : i32
        %get3A_777 = tpu.memref_slice %arg12[%scan3A_421, %get3A_775, %get3A_776] : memref<2x96x128xf32, #tpu.memory_space<vmem>> -> memref<1x96x128xf32, #tpu.memory_space<vmem>>
        %get3A_778 = tpu.memref_squeeze %get3A_777 : memref<1x96x128xf32, #tpu.memory_space<vmem>> -> memref<96x128xf32, #tpu.memory_space<vmem>>
        %get3A_779 = arith.index_cast %scan3A_682 : i32 to index
        %get3A_780 = arith.constant 96 : index
        %get3A_781 = tpu.vector_load %get3A_778[%get3A_779, %get3A_780] {strides = array<i32>} : memref<96x128xf32, #tpu.memory_space<vmem>>, vector<16xf32>,
        %mul3A_782 = arith.mulf %get3A_781, %gather3A_684 : vector<16xf32>
        %swap3A_783 = arith.constant 0 : i32
        %swap3A_784 = arith.constant 0 : i32
        %swap3A_785 = tpu.memref_slice %arg12[%scan3A_421, %swap3A_783, %swap3A_784] : memref<2x96x128xf32, #tpu.memory_space<vmem>> -> memref<1x96x128xf32, #tpu.memory_space<vmem>>
        %swap3A_786 = tpu.memref_squeeze %swap3A_785 : memref<1x96x128xf32, #tpu.memory_space<vmem>> -> memref<96x128xf32, #tpu.memory_space<vmem>>
        %swap3A_787 = arith.index_cast %scan3A_682 : i32 to index
        %swap3A_788 = arith.constant 96 : index
        %swap3A_789 = tpu.vector_load %swap3A_786[%swap3A_787, %swap3A_788] {strides = array<i32>} : memref<96x128xf32, #tpu.memory_space<vmem>>, vector<16xf32>,
        tpu.vector_store %swap3A_786[%swap3A_787, %swap3A_788], %mul3A_782 {strides = array<i32>} : memref<96x128xf32, #tpu.memory_space<vmem>>, vector<16xf32>,
        %get3A_790 = arith.constant 0 : i32
        %get3A_791 = arith.constant 0 : i32
        %get3A_792 = tpu.memref_slice %arg12[%scan3A_421, %get3A_790, %get3A_791] : memref<2x96x128xf32, #tpu.memory_space<vmem>> -> memref<1x96x128xf32, #tpu.memory_space<vmem>>
        %get3A_793 = tpu.memref_squeeze %get3A_792 : memref<1x96x128xf32, #tpu.memory_space<vmem>> -> memref<96x128xf32, #tpu.memory_space<vmem>>
        %get3A_794 = arith.index_cast %scan3A_682 : i32 to index
        %get3A_795 = arith.constant 112 : index
        %get3A_796 = tpu.vector_load %get3A_793[%get3A_794, %get3A_795] {strides = array<i32>} : memref<96x128xf32, #tpu.memory_space<vmem>>, vector<16xf32>,
        %mul3A_797 = arith.mulf %get3A_796, %gather3A_684 : vector<16xf32>
        %swap3A_798 = arith.constant 0 : i32
        %swap3A_799 = arith.constant 0 : i32
        %swap3A_800 = tpu.memref_slice %arg12[%scan3A_421, %swap3A_798, %swap3A_799] : memref<2x96x128xf32, #tpu.memory_space<vmem>> -> memref<1x96x128xf32, #tpu.memory_space<vmem>>
        %swap3A_801 = tpu.memref_squeeze %swap3A_800 : memref<1x96x128xf32, #tpu.memory_space<vmem>> -> memref<96x128xf32, #tpu.memory_space<vmem>>
        %swap3A_802 = arith.index_cast %scan3A_682 : i32 to index
        %swap3A_803 = arith.constant 112 : index
        %swap3A_804 = tpu.vector_load %swap3A_801[%swap3A_802, %swap3A_803] {strides = array<i32>} : memref<96x128xf32, #tpu.memory_space<vmem>>, vector<16xf32>,
        tpu.vector_store %swap3A_801[%swap3A_802, %swap3A_803], %mul3A_797 {strides = array<i32>} : memref<96x128xf32, #tpu.memory_space<vmem>>, vector<16xf32>,
      }
      %scan3A_426 = arith.constant 96 : i32
      %dma_start3A_427 = arith.constant 0 : i32
      %dma_start3A_428 = arith.constant 0 : i32
      %dma_start3A_429 = arith.constant 0 : i32
      %dma_start3A_430 = arith.constant 0 : i32
      %dma_start3A_431 = tpu.memref_slice %arg12[%dma_start3A_427, %dma_start3A_429, %dma_start3A_430] : memref<2x96x128xf32, #tpu.memory_space<vmem>> -> memref<1x96x128xf32, #tpu.memory_space<vmem>>
      %dma_start3A_432 = tpu.memref_squeeze %dma_start3A_431 : memref<1x96x128xf32, #tpu.memory_space<vmem>> -> memref<96x128xf32, #tpu.memory_space<vmem>>
      %dma_start3A_433 = arith.constant 0 : i32
      %dma_start3A_434 = tpu.memref_slice %arg10[%dma_start3A_428, %dma_start3A_433] : memref<2x96xi32, #tpu.memory_space<vmem>> -> memref<1x96xi32, #tpu.memory_space<vmem>>
      %dma_start3A_435 = tpu.memref_squeeze %dma_start3A_434 : memref<1x96xi32, #tpu.memory_space<vmem>> -> memref<96xi32, #tpu.memory_space<vmem>>
      %dma_start3A_436 = arith.constant 0 : i32
      %dma_start3A_437 = arith.constant 0 : i32
      %dma_start3A_438 = tpu.memref_slice %arg15[%dma_start3A_436, %dma_start3A_437] : memref<10240x128xf32, #tpu.memory_space<vmem_shared>> -> memref<10240x128xf32, #tpu.memory_space<vmem_shared>>
      tpu.enqueue_indirect_dma source(%dma_start3A_432 : memref<96x128xf32, #tpu.memory_space<vmem>>) target(%dma_start3A_438 : memref<10240x128xf32, #tpu.memory_space<vmem_shared>>) offsets(%dma_start3A_435 : memref<96xi32, #tpu.memory_space<vmem>>) semaphore(%arg18 : memref<!tpu.dma_semaphore, #tpu.memory_space<semaphore_mem>>) {add = true}
      %add3A_439 = arith.constant 2 : i32
      %add3A_440 = arith.addi %mul3A_191, %add3A_439 : i32
      %lt3A = arith.constant 106 : i32
      %lt3A_441 = arith.cmpi slt, %add3A_440, %lt3A : i32
      %convert_element_type3A_442 = arith.extui %lt3A_441 : i1 to i32
      %cond3A_443 = arith.constant 0 : i32
      %cond3A_444 = arith.cmpi ne, %convert_element_type3A_442, %cond3A_443 : i32
      scf.if %cond3A_444 {
        %add3A_682 = arith.constant 2 : i32
        %add3A_683 = arith.addi %mul3A_191, %add3A_682 : i32
        %dma_start3A_684 = arith.constant 0 : i32
        %dma_start3A_685 = arith.constant 0 : i32
        %dma_start3A_686 = tpu.memref_slice %arg8[%dma_start3A_684, %dma_start3A_685] : memref<2x96xi32, #tpu.memory_space<vmem>> -> memref<1x96xi32, #tpu.memory_space<vmem>>
        %dma_start3A_687 = tpu.memref_squeeze %dma_start3A_686 : memref<1x96xi32, #tpu.memory_space<vmem>> -> memref<96xi32, #tpu.memory_space<vmem>>
        %dma_start3A_688 = arith.constant 0 : i32
        %dma_start3A_689 = tpu.memref_slice %arg5[%add3A, %add3A_683, %dma_start3A_688] : memref<32x106x96xi32, #tpu.memory_space<hbm>> -> memref<1x1x96xi32, #tpu.memory_space<hbm>>
        %dma_start3A_690 = tpu.memref_squeeze %dma_start3A_689 : memref<1x1x96xi32, #tpu.memory_space<hbm>> -> memref<96xi32, #tpu.memory_space<hbm>>
        %dma_start3A_691 = arith.constant 0 : i32
        %dma_start3A_692 = tpu.memref_slice %arg8[%dma_start3A_684, %dma_start3A_691] : memref<2x96xi32, #tpu.memory_space<vmem>> -> memref<1x96xi32, #tpu.memory_space<vmem>>
        %dma_start3A_693 = tpu.memref_squeeze %dma_start3A_692 : memref<1x96xi32, #tpu.memory_space<vmem>> -> memref<96xi32, #tpu.memory_space<vmem>>
        %dma_start3A_694 = arith.constant 0 : i32
        %dma_start3A_695 = tpu.memref_slice %arg5[%add3A, %add3A_683, %dma_start3A_694] : memref<32x106x96xi32, #tpu.memory_space<hbm>> -> memref<1x1x96xi32, #tpu.memory_space<hbm>>
        %dma_start3A_696 = tpu.memref_squeeze %dma_start3A_695 : memref<1x1x96xi32, #tpu.memory_space<hbm>> -> memref<96xi32, #tpu.memory_space<hbm>>
        tpu.enqueue_dma source(%dma_start3A_696 : memref<96xi32, #tpu.memory_space<hbm>>) target(%dma_start3A_693 : memref<96xi32, #tpu.memory_space<vmem>>) target_semaphore(%arg16 : memref<!tpu.dma_semaphore, #tpu.memory_space<semaphore_mem>>)
        %dma_start3A_697 = arith.constant 0 : i32
        %dma_start3A_698 = arith.constant 0 : i32
        %dma_start3A_699 = tpu.memref_slice %arg9[%dma_start3A_697, %dma_start3A_698] : memref<2x96xi32, #tpu.memory_space<vmem>> -> memref<1x96xi32, #tpu.memory_space<vmem>>
        %dma_start3A_700 = tpu.memref_squeeze %dma_start3A_699 : memref<1x96xi32, #tpu.memory_space<vmem>> -> memref<96xi32, #tpu.memory_space<vmem>>
        %dma_start3A_701 = arith.constant 0 : i32
        %dma_start3A_702 = tpu.memref_slice %arg6[%add3A, %add3A_683, %dma_start3A_701] : memref<32x106x96xi32, #tpu.memory_space<hbm>> -> memref<1x1x96xi32, #tpu.memory_space<hbm>>
        %dma_start3A_703 = tpu.memref_squeeze %dma_start3A_702 : memref<1x1x96xi32, #tpu.memory_space<hbm>> -> memref<96xi32, #tpu.memory_space<hbm>>
        %dma_start3A_704 = arith.constant 0 : i32
        %dma_start3A_705 = tpu.memref_slice %arg9[%dma_start3A_697, %dma_start3A_704] : memref<2x96xi32, #tpu.memory_space<vmem>> -> memref<1x96xi32, #tpu.memory_space<vmem>>
        %dma_start3A_706 = tpu.memref_squeeze %dma_start3A_705 : memref<1x96xi32, #tpu.memory_space<vmem>> -> memref<96xi32, #tpu.memory_space<vmem>>
        %dma_start3A_707 = arith.constant 0 : i32
        %dma_start3A_708 = tpu.memref_slice %arg6[%add3A, %add3A_683, %dma_start3A_707] : memref<32x106x96xi32, #tpu.memory_space<hbm>> -> memref<1x1x96xi32, #tpu.memory_space<hbm>>
        %dma_start3A_709 = tpu.memref_squeeze %dma_start3A_708 : memref<1x1x96xi32, #tpu.memory_space<hbm>> -> memref<96xi32, #tpu.memory_space<hbm>>
        tpu.enqueue_dma source(%dma_start3A_709 : memref<96xi32, #tpu.memory_space<hbm>>) target(%dma_start3A_706 : memref<96xi32, #tpu.memory_space<vmem>>) target_semaphore(%arg16 : memref<!tpu.dma_semaphore, #tpu.memory_space<semaphore_mem>>)
      } else {
      }
      %dma_wait3A_445 = arith.constant 0 : i32
      %dma_wait3A_446 = arith.constant 0 : i32
      %dma_wait3A_447 = arith.constant 0 : i32
      %dma_wait3A_448 = arith.constant 0 : i32
      %dma_wait3A_449 = tpu.memref_slice %arg12[%dma_wait3A_445, %dma_wait3A_447, %dma_wait3A_448] : memref<2x96x128xf32, #tpu.memory_space<vmem>> -> memref<1x96x128xf32, #tpu.memory_space<vmem>>
      %dma_wait3A_450 = tpu.memref_squeeze %dma_wait3A_449 : memref<1x96x128xf32, #tpu.memory_space<vmem>> -> memref<96x128xf32, #tpu.memory_space<vmem>>
      %dma_wait3A_451 = arith.constant 0 : i32
      %dma_wait3A_452 = tpu.memref_slice %arg10[%dma_wait3A_446, %dma_wait3A_451] : memref<2x96xi32, #tpu.memory_space<vmem>> -> memref<1x96xi32, #tpu.memory_space<vmem>>
      %dma_wait3A_453 = tpu.memref_squeeze %dma_wait3A_452 : memref<1x96xi32, #tpu.memory_space<vmem>> -> memref<96xi32, #tpu.memory_space<vmem>>
      %dma_wait3A_454 = arith.constant 0 : i32
      %dma_wait3A_455 = arith.constant 0 : i32
      %dma_wait3A_456 = tpu.memref_slice %arg15[%dma_wait3A_454, %dma_wait3A_455] : memref<10240x128xf32, #tpu.memory_space<vmem_shared>> -> memref<10240x128xf32, #tpu.memory_space<vmem_shared>>
      tpu.wait_indirect_dma semaphore(%arg18 : memref<!tpu.dma_semaphore, #tpu.memory_space<semaphore_mem>>) src(%dma_wait3A_450 : memref<96x128xf32, #tpu.memory_space<vmem>>) dst(%dma_wait3A_456 : memref<10240x128xf32, #tpu.memory_space<vmem_shared>>)
      %add3A_457 = arith.constant 2 : i32
      %add3A_458 = arith.addi %mul3A_191, %add3A_457 : i32
      %lt3A_459 = arith.constant 106 : i32
      %lt3A_460 = arith.cmpi slt, %add3A_458, %lt3A_459 : i32
      %convert_element_type3A_461 = arith.extui %lt3A_460 : i1 to i32
      %cond3A_462 = arith.constant 0 : i32
      %cond3A_463 = arith.cmpi ne, %convert_element_type3A_461, %cond3A_462 : i32
      scf.if %cond3A_463 {
        %add3A_682 = arith.constant 2 : i32
        %add3A_683 = arith.addi %mul3A_191, %add3A_682 : i32
        %dma_wait3A_684 = arith.constant 0 : i32
        %dma_wait3A_685 = arith.constant 0 : i32
        %dma_wait3A_686 = tpu.memref_slice %arg8[%dma_wait3A_684, %dma_wait3A_685] : memref<2x96xi32, #tpu.memory_space<vmem>> -> memref<1x96xi32, #tpu.memory_space<vmem>>
        %dma_wait3A_687 = tpu.memref_squeeze %dma_wait3A_686 : memref<1x96xi32, #tpu.memory_space<vmem>> -> memref<96xi32, #tpu.memory_space<vmem>>
        %dma_wait3A_688 = arith.constant 0 : i32
        %dma_wait3A_689 = tpu.memref_slice %arg5[%add3A, %add3A_683, %dma_wait3A_688] : memref<32x106x96xi32, #tpu.memory_space<hbm>> -> memref<1x1x96xi32, #tpu.memory_space<hbm>>
        %dma_wait3A_690 = tpu.memref_squeeze %dma_wait3A_689 : memref<1x1x96xi32, #tpu.memory_space<hbm>> -> memref<96xi32, #tpu.memory_space<hbm>>
        %dma_wait3A_691 = arith.constant 0 : i32
        %dma_wait3A_692 = tpu.memref_slice %arg8[%dma_wait3A_684, %dma_wait3A_691] : memref<2x96xi32, #tpu.memory_space<vmem>> -> memref<1x96xi32, #tpu.memory_space<vmem>>
        %dma_wait3A_693 = tpu.memref_squeeze %dma_wait3A_692 : memref<1x96xi32, #tpu.memory_space<vmem>> -> memref<96xi32, #tpu.memory_space<vmem>>
        %dma_wait3A_694 = arith.constant 0 : i32
        %dma_wait3A_695 = tpu.memref_slice %arg5[%add3A, %add3A_683, %dma_wait3A_694] : memref<32x106x96xi32, #tpu.memory_space<hbm>> -> memref<1x1x96xi32, #tpu.memory_space<hbm>>
        %dma_wait3A_696 = tpu.memref_squeeze %dma_wait3A_695 : memref<1x1x96xi32, #tpu.memory_space<hbm>> -> memref<96xi32, #tpu.memory_space<hbm>>
        tpu.wait_dma2 semaphore(%arg16 : memref<!tpu.dma_semaphore, #tpu.memory_space<semaphore_mem>>) src(%dma_wait3A_696 : memref<96xi32, #tpu.memory_space<hbm>>) dst(%dma_wait3A_693 : memref<96xi32, #tpu.memory_space<vmem>>)
        %dma_wait3A_697 = arith.constant 0 : i32
        %dma_wait3A_698 = arith.constant 0 : i32
        %dma_wait3A_699 = tpu.memref_slice %arg9[%dma_wait3A_697, %dma_wait3A_698] : memref<2x96xi32, #tpu.memory_space<vmem>> -> memref<1x96xi32, #tpu.memory_space<vmem>>
        %dma_wait3A_700 = tpu.memref_squeeze %dma_wait3A_699 : memref<1x96xi32, #tpu.memory_space<vmem>> -> memref<96xi32, #tpu.memory_space<vmem>>
        %dma_wait3A_701 = arith.constant 0 : i32
        %dma_wait3A_702 = tpu.memref_slice %arg6[%add3A, %add3A_683, %dma_wait3A_701] : memref<32x106x96xi32, #tpu.memory_space<hbm>> -> memref<1x1x96xi32, #tpu.memory_space<hbm>>
        %dma_wait3A_703 = tpu.memref_squeeze %dma_wait3A_702 : memref<1x1x96xi32, #tpu.memory_space<hbm>> -> memref<96xi32, #tpu.memory_space<hbm>>
        %dma_wait3A_704 = arith.constant 0 : i32
        %dma_wait3A_705 = tpu.memref_slice %arg9[%dma_wait3A_697, %dma_wait3A_704] : memref<2x96xi32, #tpu.memory_space<vmem>> -> memref<1x96xi32, #tpu.memory_space<vmem>>
        %dma_wait3A_706 = tpu.memref_squeeze %dma_wait3A_705 : memref<1x96xi32, #tpu.memory_space<vmem>> -> memref<96xi32, #tpu.memory_space<vmem>>
        %dma_wait3A_707 = arith.constant 0 : i32
        %dma_wait3A_708 = tpu.memref_slice %arg6[%add3A, %add3A_683, %dma_wait3A_707] : memref<32x106x96xi32, #tpu.memory_space<hbm>> -> memref<1x1x96xi32, #tpu.memory_space<hbm>>
        %dma_wait3A_709 = tpu.memref_squeeze %dma_wait3A_708 : memref<1x1x96xi32, #tpu.memory_space<hbm>> -> memref<96xi32, #tpu.memory_space<hbm>>
        tpu.wait_dma2 semaphore(%arg16 : memref<!tpu.dma_semaphore, #tpu.memory_space<semaphore_mem>>) src(%dma_wait3A_709 : memref<96xi32, #tpu.memory_space<hbm>>) dst(%dma_wait3A_706 : memref<96xi32, #tpu.memory_space<vmem>>)
        %dma_start3A_710 = arith.constant 0 : i32
        %dma_start3A_711 = arith.constant 0 : i32
        %dma_start3A_712 = arith.constant 0 : i32
        %dma_start3A_713 = arith.constant 0 : i32
        %dma_start3A_714 = tpu.memref_slice %arg12[%dma_start3A_711, %dma_start3A_712, %dma_start3A_713] : memref<2x96x128xf32, #tpu.memory_space<vmem>> -> memref<1x96x128xf32, #tpu.memory_space<vmem>>
        %dma_start3A_715 = tpu.memref_squeeze %dma_start3A_714 : memref<1x96x128xf32, #tpu.memory_space<vmem>> -> memref<96x128xf32, #tpu.memory_space<vmem>>
        %dma_start3A_716 = arith.constant 0 : i32
        %dma_start3A_717 = tpu.memref_slice %arg8[%dma_start3A_710, %dma_start3A_716] : memref<2x96xi32, #tpu.memory_space<vmem>> -> memref<1x96xi32, #tpu.memory_space<vmem>>
        %dma_start3A_718 = tpu.memref_squeeze %dma_start3A_717 : memref<1x96xi32, #tpu.memory_space<vmem>> -> memref<96xi32, #tpu.memory_space<vmem>>
        %dma_start3A_719 = arith.constant 0 : i32
        %dma_start3A_720 = arith.constant 0 : i32
        %dma_start3A_721 = tpu.memref_slice %arg2[%dma_start3A_719, %dma_start3A_720] : memref<10240x128xf32, #tpu.memory_space<hbm>> -> memref<10240x128xf32, #tpu.memory_space<hbm>>
        tpu.enqueue_indirect_dma source(%dma_start3A_721 : memref<10240x128xf32, #tpu.memory_space<hbm>>) target(%dma_start3A_715 : memref<96x128xf32, #tpu.memory_space<vmem>>) offsets(%dma_start3A_718 : memref<96xi32, #tpu.memory_space<vmem>>) semaphore(%arg17 : memref<!tpu.dma_semaphore, #tpu.memory_space<semaphore_mem>>)
      } else {
      }
      %dma_wait3A_464 = arith.constant 1 : i32
      %dma_wait3A_465 = arith.constant 1 : i32
      %dma_wait3A_466 = arith.constant 0 : i32
      %dma_wait3A_467 = arith.constant 0 : i32
      %dma_wait3A_468 = tpu.memref_slice %arg12[%dma_wait3A_465, %dma_wait3A_466, %dma_wait3A_467] : memref<2x96x128xf32, #tpu.memory_space<vmem>> -> memref<1x96x128xf32, #tpu.memory_space<vmem>>
      %dma_wait3A_469 = tpu.memref_squeeze %dma_wait3A_468 : memref<1x96x128xf32, #tpu.memory_space<vmem>> -> memref<96x128xf32, #tpu.memory_space<vmem>>
      %dma_wait3A_470 = arith.constant 0 : i32
      %dma_wait3A_471 = tpu.memref_slice %arg8[%dma_wait3A_464, %dma_wait3A_470] : memref<2x96xi32, #tpu.memory_space<vmem>> -> memref<1x96xi32, #tpu.memory_space<vmem>>
      %dma_wait3A_472 = tpu.memref_squeeze %dma_wait3A_471 : memref<1x96xi32, #tpu.memory_space<vmem>> -> memref<96xi32, #tpu.memory_space<vmem>>
      %dma_wait3A_473 = arith.constant 0 : i32
      %dma_wait3A_474 = arith.constant 0 : i32
      %dma_wait3A_475 = tpu.memref_slice %arg2[%dma_wait3A_473, %dma_wait3A_474] : memref<10240x128xf32, #tpu.memory_space<hbm>> -> memref<10240x128xf32, #tpu.memory_space<hbm>>
      tpu.wait_indirect_dma semaphore(%arg17 : memref<!tpu.dma_semaphore, #tpu.memory_space<semaphore_mem>>) src(%dma_wait3A_475 : memref<10240x128xf32, #tpu.memory_space<hbm>>) dst(%dma_wait3A_469 : memref<96x128xf32, #tpu.memory_space<vmem>>)
      %get3A_476 = arith.constant 1 : i32
      %get3A_477 = arith.index_cast %get3A_476 : i32 to index
      %get3A_478 = arith.constant 0 : index
      %get3A_479 = tpu.vector_load %arg8[%get3A_477, %get3A_478] {strides = array<i32>} : memref<2x96xi32, #tpu.memory_space<vmem>>, vector<16xi32>,
      %get3A_480 = arith.constant 1 : i32
      %get3A_481 = arith.index_cast %get3A_480 : i32 to index
      %get3A_482 = arith.constant 0 : index
      %get3A_483 = tpu.vector_load %arg9[%get3A_481, %get3A_482] {strides = array<i32>} : memref<2x96xi32, #tpu.memory_space<vmem>>, vector<16xi32>,
      %gather3A_484 = tpu.vector_load_idx %arg13[%get3A_479] : memref<10240xf32, #tpu.memory_space<vmem>>[vector<16xi32>], vector<16xf32>,
      %gather3A_485 = tpu.vector_load_idx %arg14[%get3A_483] : memref<10240xf32, #tpu.memory_space<vmem>>[vector<16xi32>], vector<16xf32>,
      %add3A_486 = arith.addf %gather3A_484, %gather3A_485 : vector<16xf32>
      %mul3A_487 = arith.constant 2.000000e+00 : f32
      %mul3A_488 = vector.broadcast %mul3A_487 : f32 to vector<16xf32>
      %mul3A_489 = arith.mulf %add3A_486, %mul3A_488 : vector<16xf32>
      %exp3A_490 = math.exp %mul3A_489 : vector<16xf32>
      %add3A_491 = arith.constant 1.000000e+00 : f32
      %add3A_492 = vector.broadcast %add3A_491 : f32 to vector<16xf32>
      %add3A_493 = arith.addf %exp3A_490, %add3A_492 : vector<16xf32>
      %div3A_494 = arith.constant 2.000000e+00 : f32
      %div3A_495 = vector.broadcast %div3A_494 : f32 to vector<16xf32>
      %div3A_496 = arith.divf %div3A_495, %add3A_493 : vector<16xf32>
      %sub3A_497 = arith.constant 1.000000e+00 : f32
      %sub3A_498 = vector.broadcast %sub3A_497 : f32 to vector<16xf32>
      %sub3A_499 = arith.subf %sub3A_498, %div3A_496 : vector<16xf32>
      %swap3A_500 = arith.constant 0 : index
      %swap3A_501 = tpu.vector_load %arg11[%swap3A_500] {strides = array<i32>} : memref<96xf32, #tpu.memory_space<vmem>>, vector<16xf32>,
      tpu.vector_store %arg11[%swap3A_500], %sub3A_499 {strides = array<i32>} : memref<96xf32, #tpu.memory_space<vmem>>, vector<16xf32>,
      %swap3A_502 = arith.constant 1 : i32
      %swap3A_503 = arith.index_cast %swap3A_502 : i32 to index
      %swap3A_504 = arith.constant 0 : index
      %swap3A_505 = tpu.vector_load %arg10[%swap3A_503, %swap3A_504] {strides = array<i32>} : memref<2x96xi32, #tpu.memory_space<vmem>>, vector<16xi32>,
      tpu.vector_store %arg10[%swap3A_503, %swap3A_504], %get3A_483 {strides = array<i32>} : memref<2x96xi32, #tpu.memory_space<vmem>>, vector<16xi32>,
      %get3A_506 = arith.constant 1 : i32
      %get3A_507 = arith.index_cast %get3A_506 : i32 to index
      %get3A_508 = arith.constant 16 : index
      %get3A_509 = tpu.vector_load %arg8[%get3A_507, %get3A_508] {strides = array<i32>} : memref<2x96xi32, #tpu.memory_space<vmem>>, vector<16xi32>,
      %get3A_510 = arith.constant 1 : i32
      %get3A_511 = arith.index_cast %get3A_510 : i32 to index
      %get3A_512 = arith.constant 16 : index
      %get3A_513 = tpu.vector_load %arg9[%get3A_511, %get3A_512] {strides = array<i32>} : memref<2x96xi32, #tpu.memory_space<vmem>>, vector<16xi32>,
      %gather3A_514 = tpu.vector_load_idx %arg13[%get3A_509] : memref<10240xf32, #tpu.memory_space<vmem>>[vector<16xi32>], vector<16xf32>,
      %gather3A_515 = tpu.vector_load_idx %arg14[%get3A_513] : memref<10240xf32, #tpu.memory_space<vmem>>[vector<16xi32>], vector<16xf32>,
      %add3A_516 = arith.addf %gather3A_514, %gather3A_515 : vector<16xf32>
      %mul3A_517 = arith.constant 2.000000e+00 : f32
      %mul3A_518 = vector.broadcast %mul3A_517 : f32 to vector<16xf32>
      %mul3A_519 = arith.mulf %add3A_516, %mul3A_518 : vector<16xf32>
      %exp3A_520 = math.exp %mul3A_519 : vector<16xf32>
      %add3A_521 = arith.constant 1.000000e+00 : f32
      %add3A_522 = vector.broadcast %add3A_521 : f32 to vector<16xf32>
      %add3A_523 = arith.addf %exp3A_520, %add3A_522 : vector<16xf32>
      %div3A_524 = arith.constant 2.000000e+00 : f32
      %div3A_525 = vector.broadcast %div3A_524 : f32 to vector<16xf32>
      %div3A_526 = arith.divf %div3A_525, %add3A_523 : vector<16xf32>
      %sub3A_527 = arith.constant 1.000000e+00 : f32
      %sub3A_528 = vector.broadcast %sub3A_527 : f32 to vector<16xf32>
      %sub3A_529 = arith.subf %sub3A_528, %div3A_526 : vector<16xf32>
      %swap3A_530 = arith.constant 16 : index
      %swap3A_531 = tpu.vector_load %arg11[%swap3A_530] {strides = array<i32>} : memref<96xf32, #tpu.memory_space<vmem>>, vector<16xf32>,
      tpu.vector_store %arg11[%swap3A_530], %sub3A_529 {strides = array<i32>} : memref<96xf32, #tpu.memory_space<vmem>>, vector<16xf32>,
      %swap3A_532 = arith.constant 1 : i32
      %swap3A_533 = arith.index_cast %swap3A_532 : i32 to index
      %swap3A_534 = arith.constant 16 : index
      %swap3A_535 = tpu.vector_load %arg10[%swap3A_533, %swap3A_534] {strides = array<i32>} : memref<2x96xi32, #tpu.memory_space<vmem>>, vector<16xi32>,
      tpu.vector_store %arg10[%swap3A_533, %swap3A_534], %get3A_513 {strides = array<i32>} : memref<2x96xi32, #tpu.memory_space<vmem>>, vector<16xi32>,
      %get3A_536 = arith.constant 1 : i32
      %get3A_537 = arith.index_cast %get3A_536 : i32 to index
      %get3A_538 = arith.constant 32 : index
      %get3A_539 = tpu.vector_load %arg8[%get3A_537, %get3A_538] {strides = array<i32>} : memref<2x96xi32, #tpu.memory_space<vmem>>, vector<16xi32>,
      %get3A_540 = arith.constant 1 : i32
      %get3A_541 = arith.index_cast %get3A_540 : i32 to index
      %get3A_542 = arith.constant 32 : index
      %get3A_543 = tpu.vector_load %arg9[%get3A_541, %get3A_542] {strides = array<i32>} : memref<2x96xi32, #tpu.memory_space<vmem>>, vector<16xi32>,
      %gather3A_544 = tpu.vector_load_idx %arg13[%get3A_539] : memref<10240xf32, #tpu.memory_space<vmem>>[vector<16xi32>], vector<16xf32>,
      %gather3A_545 = tpu.vector_load_idx %arg14[%get3A_543] : memref<10240xf32, #tpu.memory_space<vmem>>[vector<16xi32>], vector<16xf32>,
      %add3A_546 = arith.addf %gather3A_544, %gather3A_545 : vector<16xf32>
      %mul3A_547 = arith.constant 2.000000e+00 : f32
      %mul3A_548 = vector.broadcast %mul3A_547 : f32 to vector<16xf32>
      %mul3A_549 = arith.mulf %add3A_546, %mul3A_548 : vector<16xf32>
      %exp3A_550 = math.exp %mul3A_549 : vector<16xf32>
      %add3A_551 = arith.constant 1.000000e+00 : f32
      %add3A_552 = vector.broadcast %add3A_551 : f32 to vector<16xf32>
      %add3A_553 = arith.addf %exp3A_550, %add3A_552 : vector<16xf32>
      %div3A_554 = arith.constant 2.000000e+00 : f32
      %div3A_555 = vector.broadcast %div3A_554 : f32 to vector<16xf32>
      %div3A_556 = arith.divf %div3A_555, %add3A_553 : vector<16xf32>
      %sub3A_557 = arith.constant 1.000000e+00 : f32
      %sub3A_558 = vector.broadcast %sub3A_557 : f32 to vector<16xf32>
      %sub3A_559 = arith.subf %sub3A_558, %div3A_556 : vector<16xf32>
      %swap3A_560 = arith.constant 32 : index
      %swap3A_561 = tpu.vector_load %arg11[%swap3A_560] {strides = array<i32>} : memref<96xf32, #tpu.memory_space<vmem>>, vector<16xf32>,
      tpu.vector_store %arg11[%swap3A_560], %sub3A_559 {strides = array<i32>} : memref<96xf32, #tpu.memory_space<vmem>>, vector<16xf32>,
      %swap3A_562 = arith.constant 1 : i32
      %swap3A_563 = arith.index_cast %swap3A_562 : i32 to index
      %swap3A_564 = arith.constant 32 : index
      %swap3A_565 = tpu.vector_load %arg10[%swap3A_563, %swap3A_564] {strides = array<i32>} : memref<2x96xi32, #tpu.memory_space<vmem>>, vector<16xi32>,
      tpu.vector_store %arg10[%swap3A_563, %swap3A_564], %get3A_543 {strides = array<i32>} : memref<2x96xi32, #tpu.memory_space<vmem>>, vector<16xi32>,
      %get3A_566 = arith.constant 1 : i32
      %get3A_567 = arith.index_cast %get3A_566 : i32 to index
      %get3A_568 = arith.constant 48 : index
      %get3A_569 = tpu.vector_load %arg8[%get3A_567, %get3A_568] {strides = array<i32>} : memref<2x96xi32, #tpu.memory_space<vmem>>, vector<16xi32>,
      %get3A_570 = arith.constant 1 : i32
      %get3A_571 = arith.index_cast %get3A_570 : i32 to index
      %get3A_572 = arith.constant 48 : index
      %get3A_573 = tpu.vector_load %arg9[%get3A_571, %get3A_572] {strides = array<i32>} : memref<2x96xi32, #tpu.memory_space<vmem>>, vector<16xi32>,
      %gather3A_574 = tpu.vector_load_idx %arg13[%get3A_569] : memref<10240xf32, #tpu.memory_space<vmem>>[vector<16xi32>], vector<16xf32>,
      %gather3A_575 = tpu.vector_load_idx %arg14[%get3A_573] : memref<10240xf32, #tpu.memory_space<vmem>>[vector<16xi32>], vector<16xf32>,
      %add3A_576 = arith.addf %gather3A_574, %gather3A_575 : vector<16xf32>
      %mul3A_577 = arith.constant 2.000000e+00 : f32
      %mul3A_578 = vector.broadcast %mul3A_577 : f32 to vector<16xf32>
      %mul3A_579 = arith.mulf %add3A_576, %mul3A_578 : vector<16xf32>
      %exp3A_580 = math.exp %mul3A_579 : vector<16xf32>
      %add3A_581 = arith.constant 1.000000e+00 : f32
      %add3A_582 = vector.broadcast %add3A_581 : f32 to vector<16xf32>
      %add3A_583 = arith.addf %exp3A_580, %add3A_582 : vector<16xf32>
      %div3A_584 = arith.constant 2.000000e+00 : f32
      %div3A_585 = vector.broadcast %div3A_584 : f32 to vector<16xf32>
      %div3A_586 = arith.divf %div3A_585, %add3A_583 : vector<16xf32>
      %sub3A_587 = arith.constant 1.000000e+00 : f32
      %sub3A_588 = vector.broadcast %sub3A_587 : f32 to vector<16xf32>
      %sub3A_589 = arith.subf %sub3A_588, %div3A_586 : vector<16xf32>
      %swap3A_590 = arith.constant 48 : index
      %swap3A_591 = tpu.vector_load %arg11[%swap3A_590] {strides = array<i32>} : memref<96xf32, #tpu.memory_space<vmem>>, vector<16xf32>,
      tpu.vector_store %arg11[%swap3A_590], %sub3A_589 {strides = array<i32>} : memref<96xf32, #tpu.memory_space<vmem>>, vector<16xf32>,
      %swap3A_592 = arith.constant 1 : i32
      %swap3A_593 = arith.index_cast %swap3A_592 : i32 to index
      %swap3A_594 = arith.constant 48 : index
      %swap3A_595 = tpu.vector_load %arg10[%swap3A_593, %swap3A_594] {strides = array<i32>} : memref<2x96xi32, #tpu.memory_space<vmem>>, vector<16xi32>,
      tpu.vector_store %arg10[%swap3A_593, %swap3A_594], %get3A_573 {strides = array<i32>} : memref<2x96xi32, #tpu.memory_space<vmem>>, vector<16xi32>,
      %get3A_596 = arith.constant 1 : i32
      %get3A_597 = arith.index_cast %get3A_596 : i32 to index
      %get3A_598 = arith.constant 64 : index
      %get3A_599 = tpu.vector_load %arg8[%get3A_597, %get3A_598] {strides = array<i32>} : memref<2x96xi32, #tpu.memory_space<vmem>>, vector<16xi32>,
      %get3A_600 = arith.constant 1 : i32
      %get3A_601 = arith.index_cast %get3A_600 : i32 to index
      %get3A_602 = arith.constant 64 : index
      %get3A_603 = tpu.vector_load %arg9[%get3A_601, %get3A_602] {strides = array<i32>} : memref<2x96xi32, #tpu.memory_space<vmem>>, vector<16xi32>,
      %gather3A_604 = tpu.vector_load_idx %arg13[%get3A_599] : memref<10240xf32, #tpu.memory_space<vmem>>[vector<16xi32>], vector<16xf32>,
      %gather3A_605 = tpu.vector_load_idx %arg14[%get3A_603] : memref<10240xf32, #tpu.memory_space<vmem>>[vector<16xi32>], vector<16xf32>,
      %add3A_606 = arith.addf %gather3A_604, %gather3A_605 : vector<16xf32>
      %mul3A_607 = arith.constant 2.000000e+00 : f32
      %mul3A_608 = vector.broadcast %mul3A_607 : f32 to vector<16xf32>
      %mul3A_609 = arith.mulf %add3A_606, %mul3A_608 : vector<16xf32>
      %exp3A_610 = math.exp %mul3A_609 : vector<16xf32>
      %add3A_611 = arith.constant 1.000000e+00 : f32
      %add3A_612 = vector.broadcast %add3A_611 : f32 to vector<16xf32>
      %add3A_613 = arith.addf %exp3A_610, %add3A_612 : vector<16xf32>
      %div3A_614 = arith.constant 2.000000e+00 : f32
      %div3A_615 = vector.broadcast %div3A_614 : f32 to vector<16xf32>
      %div3A_616 = arith.divf %div3A_615, %add3A_613 : vector<16xf32>
      %sub3A_617 = arith.constant 1.000000e+00 : f32
      %sub3A_618 = vector.broadcast %sub3A_617 : f32 to vector<16xf32>
      %sub3A_619 = arith.subf %sub3A_618, %div3A_616 : vector<16xf32>
      %swap3A_620 = arith.constant 64 : index
      %swap3A_621 = tpu.vector_load %arg11[%swap3A_620] {strides = array<i32>} : memref<96xf32, #tpu.memory_space<vmem>>, vector<16xf32>,
      tpu.vector_store %arg11[%swap3A_620], %sub3A_619 {strides = array<i32>} : memref<96xf32, #tpu.memory_space<vmem>>, vector<16xf32>,
      %swap3A_622 = arith.constant 1 : i32
      %swap3A_623 = arith.index_cast %swap3A_622 : i32 to index
      %swap3A_624 = arith.constant 64 : index
      %swap3A_625 = tpu.vector_load %arg10[%swap3A_623, %swap3A_624] {strides = array<i32>} : memref<2x96xi32, #tpu.memory_space<vmem>>, vector<16xi32>,
      tpu.vector_store %arg10[%swap3A_623, %swap3A_624], %get3A_603 {strides = array<i32>} : memref<2x96xi32, #tpu.memory_space<vmem>>, vector<16xi32>,
      %get3A_626 = arith.constant 1 : i32
      %get3A_627 = arith.index_cast %get3A_626 : i32 to index
      %get3A_628 = arith.constant 80 : index
      %get3A_629 = tpu.vector_load %arg8[%get3A_627, %get3A_628] {strides = array<i32>} : memref<2x96xi32, #tpu.memory_space<vmem>>, vector<16xi32>,
      %get3A_630 = arith.constant 1 : i32
      %get3A_631 = arith.index_cast %get3A_630 : i32 to index
      %get3A_632 = arith.constant 80 : index
      %get3A_633 = tpu.vector_load %arg9[%get3A_631, %get3A_632] {strides = array<i32>} : memref<2x96xi32, #tpu.memory_space<vmem>>, vector<16xi32>,
      %gather3A_634 = tpu.vector_load_idx %arg13[%get3A_629] : memref<10240xf32, #tpu.memory_space<vmem>>[vector<16xi32>], vector<16xf32>,
      %gather3A_635 = tpu.vector_load_idx %arg14[%get3A_633] : memref<10240xf32, #tpu.memory_space<vmem>>[vector<16xi32>], vector<16xf32>,
      %add3A_636 = arith.addf %gather3A_634, %gather3A_635 : vector<16xf32>
      %mul3A_637 = arith.constant 2.000000e+00 : f32
      %mul3A_638 = vector.broadcast %mul3A_637 : f32 to vector<16xf32>
      %mul3A_639 = arith.mulf %add3A_636, %mul3A_638 : vector<16xf32>
      %exp3A_640 = math.exp %mul3A_639 : vector<16xf32>
      %add3A_641 = arith.constant 1.000000e+00 : f32
      %add3A_642 = vector.broadcast %add3A_641 : f32 to vector<16xf32>
      %add3A_643 = arith.addf %exp3A_640, %add3A_642 : vector<16xf32>
      %div3A_644 = arith.constant 2.000000e+00 : f32
      %div3A_645 = vector.broadcast %div3A_644 : f32 to vector<16xf32>
      %div3A_646 = arith.divf %div3A_645, %add3A_643 : vector<16xf32>
      %sub3A_647 = arith.constant 1.000000e+00 : f32
      %sub3A_648 = vector.broadcast %sub3A_647 : f32 to vector<16xf32>
      %sub3A_649 = arith.subf %sub3A_648, %div3A_646 : vector<16xf32>
      %swap3A_650 = arith.constant 80 : index
      %swap3A_651 = tpu.vector_load %arg11[%swap3A_650] {strides = array<i32>} : memref<96xf32, #tpu.memory_space<vmem>>, vector<16xf32>,
      tpu.vector_store %arg11[%swap3A_650], %sub3A_649 {strides = array<i32>} : memref<96xf32, #tpu.memory_space<vmem>>, vector<16xf32>,
      %swap3A_652 = arith.constant 1 : i32
      %swap3A_653 = arith.index_cast %swap3A_652 : i32 to index
      %swap3A_654 = arith.constant 80 : index
      %swap3A_655 = tpu.vector_load %arg10[%swap3A_653, %swap3A_654] {strides = array<i32>} : memref<2x96xi32, #tpu.memory_space<vmem>>, vector<16xi32>,
      tpu.vector_store %arg10[%swap3A_653, %swap3A_654], %get3A_633 {strides = array<i32>} : memref<2x96xi32, #tpu.memory_space<vmem>>, vector<16xi32>,
      %scan3A_656 = arith.constant 0 : i32
      %scan3A_657 = arith.constant 1 : i32
      %scan3A_658 = arith.constant 0 : i32
      %scan3A_659 = arith.constant 96 : i32
      %scan3A_660 = arith.addi %scan3A_658, %scan3A_659 : i32
      %scan3A_661 = arith.constant 1 : i32
      scf.for %scan3A_682 = %scan3A_658 to %scan3A_660 step %scan3A_661  : i32 {
        %broadcast_in_dim3A_683 = vector.broadcast %scan3A_682 : i32 to vector<16xi32>
        %gather3A_684 = tpu.vector_load_idx %arg11[%broadcast_in_dim3A_683] : memref<96xf32, #tpu.memory_space<vmem>>[vector<16xi32>], vector<16xf32>,
        %get3A_685 = arith.constant 0 : i32
        %get3A_686 = arith.constant 0 : i32
        %get3A_687 = tpu.memref_slice %arg12[%scan3A_657, %get3A_685, %get3A_686] : memref<2x96x128xf32, #tpu.memory_space<vmem>> -> memref<1x96x128xf32, #tpu.memory_space<vmem>>
        %get3A_688 = tpu.memref_squeeze %get3A_687 : memref<1x96x128xf32, #tpu.memory_space<vmem>> -> memref<96x128xf32, #tpu.memory_space<vmem>>
        %get3A_689 = arith.index_cast %scan3A_682 : i32 to index
        %get3A_690 = arith.constant 0 : index
        %get3A_691 = tpu.vector_load %get3A_688[%get3A_689, %get3A_690] {strides = array<i32>} : memref<96x128xf32, #tpu.memory_space<vmem>>, vector<16xf32>,
        %mul3A_692 = arith.mulf %get3A_691, %gather3A_684 : vector<16xf32>
        %swap3A_693 = arith.constant 0 : i32
        %swap3A_694 = arith.constant 0 : i32
        %swap3A_695 = tpu.memref_slice %arg12[%scan3A_657, %swap3A_693, %swap3A_694] : memref<2x96x128xf32, #tpu.memory_space<vmem>> -> memref<1x96x128xf32, #tpu.memory_space<vmem>>
        %swap3A_696 = tpu.memref_squeeze %swap3A_695 : memref<1x96x128xf32, #tpu.memory_space<vmem>> -> memref<96x128xf32, #tpu.memory_space<vmem>>
        %swap3A_697 = arith.index_cast %scan3A_682 : i32 to index
        %swap3A_698 = arith.constant 0 : index
        %swap3A_699 = tpu.vector_load %swap3A_696[%swap3A_697, %swap3A_698] {strides = array<i32>} : memref<96x128xf32, #tpu.memory_space<vmem>>, vector<16xf32>,
        tpu.vector_store %swap3A_696[%swap3A_697, %swap3A_698], %mul3A_692 {strides = array<i32>} : memref<96x128xf32, #tpu.memory_space<vmem>>, vector<16xf32>,
        %get3A_700 = arith.constant 0 : i32
        %get3A_701 = arith.constant 0 : i32
        %get3A_702 = tpu.memref_slice %arg12[%scan3A_657, %get3A_700, %get3A_701] : memref<2x96x128xf32, #tpu.memory_space<vmem>> -> memref<1x96x128xf32, #tpu.memory_space<vmem>>
        %get3A_703 = tpu.memref_squeeze %get3A_702 : memref<1x96x128xf32, #tpu.memory_space<vmem>> -> memref<96x128xf32, #tpu.memory_space<vmem>>
        %get3A_704 = arith.index_cast %scan3A_682 : i32 to index
        %get3A_705 = arith.constant 16 : index
        %get3A_706 = tpu.vector_load %get3A_703[%get3A_704, %get3A_705] {strides = array<i32>} : memref<96x128xf32, #tpu.memory_space<vmem>>, vector<16xf32>,
        %mul3A_707 = arith.mulf %get3A_706, %gather3A_684 : vector<16xf32>
        %swap3A_708 = arith.constant 0 : i32
        %swap3A_709 = arith.constant 0 : i32
        %swap3A_710 = tpu.memref_slice %arg12[%scan3A_657, %swap3A_708, %swap3A_709] : memref<2x96x128xf32, #tpu.memory_space<vmem>> -> memref<1x96x128xf32, #tpu.memory_space<vmem>>
        %swap3A_711 = tpu.memref_squeeze %swap3A_710 : memref<1x96x128xf32, #tpu.memory_space<vmem>> -> memref<96x128xf32, #tpu.memory_space<vmem>>
        %swap3A_712 = arith.index_cast %scan3A_682 : i32 to index
        %swap3A_713 = arith.constant 16 : index
        %swap3A_714 = tpu.vector_load %swap3A_711[%swap3A_712, %swap3A_713] {strides = array<i32>} : memref<96x128xf32, #tpu.memory_space<vmem>>, vector<16xf32>,
        tpu.vector_store %swap3A_711[%swap3A_712, %swap3A_713], %mul3A_707 {strides = array<i32>} : memref<96x128xf32, #tpu.memory_space<vmem>>, vector<16xf32>,
        %get3A_715 = arith.constant 0 : i32
        %get3A_716 = arith.constant 0 : i32
        %get3A_717 = tpu.memref_slice %arg12[%scan3A_657, %get3A_715, %get3A_716] : memref<2x96x128xf32, #tpu.memory_space<vmem>> -> memref<1x96x128xf32, #tpu.memory_space<vmem>>
        %get3A_718 = tpu.memref_squeeze %get3A_717 : memref<1x96x128xf32, #tpu.memory_space<vmem>> -> memref<96x128xf32, #tpu.memory_space<vmem>>
        %get3A_719 = arith.index_cast %scan3A_682 : i32 to index
        %get3A_720 = arith.constant 32 : index
        %get3A_721 = tpu.vector_load %get3A_718[%get3A_719, %get3A_720] {strides = array<i32>} : memref<96x128xf32, #tpu.memory_space<vmem>>, vector<16xf32>,
        %mul3A_722 = arith.mulf %get3A_721, %gather3A_684 : vector<16xf32>
        %swap3A_723 = arith.constant 0 : i32
        %swap3A_724 = arith.constant 0 : i32
        %swap3A_725 = tpu.memref_slice %arg12[%scan3A_657, %swap3A_723, %swap3A_724] : memref<2x96x128xf32, #tpu.memory_space<vmem>> -> memref<1x96x128xf32, #tpu.memory_space<vmem>>
        %swap3A_726 = tpu.memref_squeeze %swap3A_725 : memref<1x96x128xf32, #tpu.memory_space<vmem>> -> memref<96x128xf32, #tpu.memory_space<vmem>>
        %swap3A_727 = arith.index_cast %scan3A_682 : i32 to index
        %swap3A_728 = arith.constant 32 : index
        %swap3A_729 = tpu.vector_load %swap3A_726[%swap3A_727, %swap3A_728] {strides = array<i32>} : memref<96x128xf32, #tpu.memory_space<vmem>>, vector<16xf32>,
        tpu.vector_store %swap3A_726[%swap3A_727, %swap3A_728], %mul3A_722 {strides = array<i32>} : memref<96x128xf32, #tpu.memory_space<vmem>>, vector<16xf32>,
        %get3A_730 = arith.constant 0 : i32
        %get3A_731 = arith.constant 0 : i32
        %get3A_732 = tpu.memref_slice %arg12[%scan3A_657, %get3A_730, %get3A_731] : memref<2x96x128xf32, #tpu.memory_space<vmem>> -> memref<1x96x128xf32, #tpu.memory_space<vmem>>
        %get3A_733 = tpu.memref_squeeze %get3A_732 : memref<1x96x128xf32, #tpu.memory_space<vmem>> -> memref<96x128xf32, #tpu.memory_space<vmem>>
        %get3A_734 = arith.index_cast %scan3A_682 : i32 to index
        %get3A_735 = arith.constant 48 : index
        %get3A_736 = tpu.vector_load %get3A_733[%get3A_734, %get3A_735] {strides = array<i32>} : memref<96x128xf32, #tpu.memory_space<vmem>>, vector<16xf32>,
        %mul3A_737 = arith.mulf %get3A_736, %gather3A_684 : vector<16xf32>
        %swap3A_738 = arith.constant 0 : i32
        %swap3A_739 = arith.constant 0 : i32
        %swap3A_740 = tpu.memref_slice %arg12[%scan3A_657, %swap3A_738, %swap3A_739] : memref<2x96x128xf32, #tpu.memory_space<vmem>> -> memref<1x96x128xf32, #tpu.memory_space<vmem>>
        %swap3A_741 = tpu.memref_squeeze %swap3A_740 : memref<1x96x128xf32, #tpu.memory_space<vmem>> -> memref<96x128xf32, #tpu.memory_space<vmem>>
        %swap3A_742 = arith.index_cast %scan3A_682 : i32 to index
        %swap3A_743 = arith.constant 48 : index
        %swap3A_744 = tpu.vector_load %swap3A_741[%swap3A_742, %swap3A_743] {strides = array<i32>} : memref<96x128xf32, #tpu.memory_space<vmem>>, vector<16xf32>,
        tpu.vector_store %swap3A_741[%swap3A_742, %swap3A_743], %mul3A_737 {strides = array<i32>} : memref<96x128xf32, #tpu.memory_space<vmem>>, vector<16xf32>,
        %get3A_745 = arith.constant 0 : i32
        %get3A_746 = arith.constant 0 : i32
        %get3A_747 = tpu.memref_slice %arg12[%scan3A_657, %get3A_745, %get3A_746] : memref<2x96x128xf32, #tpu.memory_space<vmem>> -> memref<1x96x128xf32, #tpu.memory_space<vmem>>
        %get3A_748 = tpu.memref_squeeze %get3A_747 : memref<1x96x128xf32, #tpu.memory_space<vmem>> -> memref<96x128xf32, #tpu.memory_space<vmem>>
        %get3A_749 = arith.index_cast %scan3A_682 : i32 to index
        %get3A_750 = arith.constant 64 : index
        %get3A_751 = tpu.vector_load %get3A_748[%get3A_749, %get3A_750] {strides = array<i32>} : memref<96x128xf32, #tpu.memory_space<vmem>>, vector<16xf32>,
        %mul3A_752 = arith.mulf %get3A_751, %gather3A_684 : vector<16xf32>
        %swap3A_753 = arith.constant 0 : i32
        %swap3A_754 = arith.constant 0 : i32
        %swap3A_755 = tpu.memref_slice %arg12[%scan3A_657, %swap3A_753, %swap3A_754] : memref<2x96x128xf32, #tpu.memory_space<vmem>> -> memref<1x96x128xf32, #tpu.memory_space<vmem>>
        %swap3A_756 = tpu.memref_squeeze %swap3A_755 : memref<1x96x128xf32, #tpu.memory_space<vmem>> -> memref<96x128xf32, #tpu.memory_space<vmem>>
        %swap3A_757 = arith.index_cast %scan3A_682 : i32 to index
        %swap3A_758 = arith.constant 64 : index
        %swap3A_759 = tpu.vector_load %swap3A_756[%swap3A_757, %swap3A_758] {strides = array<i32>} : memref<96x128xf32, #tpu.memory_space<vmem>>, vector<16xf32>,
        tpu.vector_store %swap3A_756[%swap3A_757, %swap3A_758], %mul3A_752 {strides = array<i32>} : memref<96x128xf32, #tpu.memory_space<vmem>>, vector<16xf32>,
        %get3A_760 = arith.constant 0 : i32
        %get3A_761 = arith.constant 0 : i32
        %get3A_762 = tpu.memref_slice %arg12[%scan3A_657, %get3A_760, %get3A_761] : memref<2x96x128xf32, #tpu.memory_space<vmem>> -> memref<1x96x128xf32, #tpu.memory_space<vmem>>
        %get3A_763 = tpu.memref_squeeze %get3A_762 : memref<1x96x128xf32, #tpu.memory_space<vmem>> -> memref<96x128xf32, #tpu.memory_space<vmem>>
        %get3A_764 = arith.index_cast %scan3A_682 : i32 to index
        %get3A_765 = arith.constant 80 : index
        %get3A_766 = tpu.vector_load %get3A_763[%get3A_764, %get3A_765] {strides = array<i32>} : memref<96x128xf32, #tpu.memory_space<vmem>>, vector<16xf32>,
        %mul3A_767 = arith.mulf %get3A_766, %gather3A_684 : vector<16xf32>
        %swap3A_768 = arith.constant 0 : i32
        %swap3A_769 = arith.constant 0 : i32
        %swap3A_770 = tpu.memref_slice %arg12[%scan3A_657, %swap3A_768, %swap3A_769] : memref<2x96x128xf32, #tpu.memory_space<vmem>> -> memref<1x96x128xf32, #tpu.memory_space<vmem>>
        %swap3A_771 = tpu.memref_squeeze %swap3A_770 : memref<1x96x128xf32, #tpu.memory_space<vmem>> -> memref<96x128xf32, #tpu.memory_space<vmem>>
        %swap3A_772 = arith.index_cast %scan3A_682 : i32 to index
        %swap3A_773 = arith.constant 80 : index
        %swap3A_774 = tpu.vector_load %swap3A_771[%swap3A_772, %swap3A_773] {strides = array<i32>} : memref<96x128xf32, #tpu.memory_space<vmem>>, vector<16xf32>,
        tpu.vector_store %swap3A_771[%swap3A_772, %swap3A_773], %mul3A_767 {strides = array<i32>} : memref<96x128xf32, #tpu.memory_space<vmem>>, vector<16xf32>,
        %get3A_775 = arith.constant 0 : i32
        %get3A_776 = arith.constant 0 : i32
        %get3A_777 = tpu.memref_slice %arg12[%scan3A_657, %get3A_775, %get3A_776] : memref<2x96x128xf32, #tpu.memory_space<vmem>> -> memref<1x96x128xf32, #tpu.memory_space<vmem>>
        %get3A_778 = tpu.memref_squeeze %get3A_777 : memref<1x96x128xf32, #tpu.memory_space<vmem>> -> memref<96x128xf32, #tpu.memory_space<vmem>>
        %get3A_779 = arith.index_cast %scan3A_682 : i32 to index
        %get3A_780 = arith.constant 96 : index
        %get3A_781 = tpu.vector_load %get3A_778[%get3A_779, %get3A_780] {strides = array<i32>} : memref<96x128xf32, #tpu.memory_space<vmem>>, vector<16xf32>,
        %mul3A_782 = arith.mulf %get3A_781, %gather3A_684 : vector<16xf32>
        %swap3A_783 = arith.constant 0 : i32
        %swap3A_784 = arith.constant 0 : i32
        %swap3A_785 = tpu.memref_slice %arg12[%scan3A_657, %swap3A_783, %swap3A_784] : memref<2x96x128xf32, #tpu.memory_space<vmem>> -> memref<1x96x128xf32, #tpu.memory_space<vmem>>
        %swap3A_786 = tpu.memref_squeeze %swap3A_785 : memref<1x96x128xf32, #tpu.memory_space<vmem>> -> memref<96x128xf32, #tpu.memory_space<vmem>>
        %swap3A_787 = arith.index_cast %scan3A_682 : i32 to index
        %swap3A_788 = arith.constant 96 : index
        %swap3A_789 = tpu.vector_load %swap3A_786[%swap3A_787, %swap3A_788] {strides = array<i32>} : memref<96x128xf32, #tpu.memory_space<vmem>>, vector<16xf32>,
        tpu.vector_store %swap3A_786[%swap3A_787, %swap3A_788], %mul3A_782 {strides = array<i32>} : memref<96x128xf32, #tpu.memory_space<vmem>>, vector<16xf32>,
        %get3A_790 = arith.constant 0 : i32
        %get3A_791 = arith.constant 0 : i32
        %get3A_792 = tpu.memref_slice %arg12[%scan3A_657, %get3A_790, %get3A_791] : memref<2x96x128xf32, #tpu.memory_space<vmem>> -> memref<1x96x128xf32, #tpu.memory_space<vmem>>
        %get3A_793 = tpu.memref_squeeze %get3A_792 : memref<1x96x128xf32, #tpu.memory_space<vmem>> -> memref<96x128xf32, #tpu.memory_space<vmem>>
        %get3A_794 = arith.index_cast %scan3A_682 : i32 to index
        %get3A_795 = arith.constant 112 : index
        %get3A_796 = tpu.vector_load %get3A_793[%get3A_794, %get3A_795] {strides = array<i32>} : memref<96x128xf32, #tpu.memory_space<vmem>>, vector<16xf32>,
        %mul3A_797 = arith.mulf %get3A_796, %gather3A_684 : vector<16xf32>
        %swap3A_798 = arith.constant 0 : i32
        %swap3A_799 = arith.constant 0 : i32
        %swap3A_800 = tpu.memref_slice %arg12[%scan3A_657, %swap3A_798, %swap3A_799] : memref<2x96x128xf32, #tpu.memory_space<vmem>> -> memref<1x96x128xf32, #tpu.memory_space<vmem>>
        %swap3A_801 = tpu.memref_squeeze %swap3A_800 : memref<1x96x128xf32, #tpu.memory_space<vmem>> -> memref<96x128xf32, #tpu.memory_space<vmem>>
        %swap3A_802 = arith.index_cast %scan3A_682 : i32 to index
        %swap3A_803 = arith.constant 112 : index
        %swap3A_804 = tpu.vector_load %swap3A_801[%swap3A_802, %swap3A_803] {strides = array<i32>} : memref<96x128xf32, #tpu.memory_space<vmem>>, vector<16xf32>,
        tpu.vector_store %swap3A_801[%swap3A_802, %swap3A_803], %mul3A_797 {strides = array<i32>} : memref<96x128xf32, #tpu.memory_space<vmem>>, vector<16xf32>,
      }
      %scan3A_662 = arith.constant 96 : i32
      %dma_start3A_663 = arith.constant 1 : i32
      %dma_start3A_664 = arith.constant 1 : i32
      %dma_start3A_665 = arith.constant 0 : i32
      %dma_start3A_666 = arith.constant 0 : i32
      %dma_start3A_667 = tpu.memref_slice %arg12[%dma_start3A_663, %dma_start3A_665, %dma_start3A_666] : memref<2x96x128xf32, #tpu.memory_space<vmem>> -> memref<1x96x128xf32, #tpu.memory_space<vmem>>
      %dma_start3A_668 = tpu.memref_squeeze %dma_start3A_667 : memref<1x96x128xf32, #tpu.memory_space<vmem>> -> memref<96x128xf32, #tpu.memory_space<vmem>>
      %dma_start3A_669 = arith.constant 0 : i32
      %dma_start3A_670 = tpu.memref_slice %arg10[%dma_start3A_664, %dma_start3A_669] : memref<2x96xi32, #tpu.memory_space<vmem>> -> memref<1x96xi32, #tpu.memory_space<vmem>>
      %dma_start3A_671 = tpu.memref_squeeze %dma_start3A_670 : memref<1x96xi32, #tpu.memory_space<vmem>> -> memref<96xi32, #tpu.memory_space<vmem>>
      %dma_start3A_672 = arith.constant 0 : i32
      %dma_start3A_673 = arith.constant 0 : i32
      %dma_start3A_674 = tpu.memref_slice %arg15[%dma_start3A_672, %dma_start3A_673] : memref<10240x128xf32, #tpu.memory_space<vmem_shared>> -> memref<10240x128xf32, #tpu.memory_space<vmem_shared>>
      tpu.enqueue_indirect_dma source(%dma_start3A_668 : memref<96x128xf32, #tpu.memory_space<vmem>>) target(%dma_start3A_674 : memref<10240x128xf32, #tpu.memory_space<vmem_shared>>) offsets(%dma_start3A_671 : memref<96xi32, #tpu.memory_space<vmem>>) semaphore(%arg18 : memref<!tpu.dma_semaphore, #tpu.memory_space<semaphore_mem>>) {add = true}
      %add3A_675 = arith.constant 3 : i32
      %add3A_676 = arith.addi %mul3A_191, %add3A_675 : i32
      %lt3A_677 = arith.constant 106 : i32
      %lt3A_678 = arith.cmpi slt, %add3A_676, %lt3A_677 : i32
      %convert_element_type3A_679 = arith.extui %lt3A_678 : i1 to i32
      %cond3A_680 = arith.constant 0 : i32
      %cond3A_681 = arith.cmpi ne, %convert_element_type3A_679, %cond3A_680 : i32
      scf.if %cond3A_681 {
        %add3A_682 = arith.constant 3 : i32
        %add3A_683 = arith.addi %mul3A_191, %add3A_682 : i32
        %dma_start3A_684 = arith.constant 1 : i32
        %dma_start3A_685 = arith.constant 0 : i32
        %dma_start3A_686 = tpu.memref_slice %arg8[%dma_start3A_684, %dma_start3A_685] : memref<2x96xi32, #tpu.memory_space<vmem>> -> memref<1x96xi32, #tpu.memory_space<vmem>>
        %dma_start3A_687 = tpu.memref_squeeze %dma_start3A_686 : memref<1x96xi32, #tpu.memory_space<vmem>> -> memref<96xi32, #tpu.memory_space<vmem>>
        %dma_start3A_688 = arith.constant 0 : i32
        %dma_start3A_689 = tpu.memref_slice %arg5[%add3A, %add3A_683, %dma_start3A_688] : memref<32x106x96xi32, #tpu.memory_space<hbm>> -> memref<1x1x96xi32, #tpu.memory_space<hbm>>
        %dma_start3A_690 = tpu.memref_squeeze %dma_start3A_689 : memref<1x1x96xi32, #tpu.memory_space<hbm>> -> memref<96xi32, #tpu.memory_space<hbm>>
        %dma_start3A_691 = arith.constant 0 : i32
        %dma_start3A_692 = tpu.memref_slice %arg8[%dma_start3A_684, %dma_start3A_691] : memref<2x96xi32, #tpu.memory_space<vmem>> -> memref<1x96xi32, #tpu.memory_space<vmem>>
        %dma_start3A_693 = tpu.memref_squeeze %dma_start3A_692 : memref<1x96xi32, #tpu.memory_space<vmem>> -> memref<96xi32, #tpu.memory_space<vmem>>
        %dma_start3A_694 = arith.constant 0 : i32
        %dma_start3A_695 = tpu.memref_slice %arg5[%add3A, %add3A_683, %dma_start3A_694] : memref<32x106x96xi32, #tpu.memory_space<hbm>> -> memref<1x1x96xi32, #tpu.memory_space<hbm>>
        %dma_start3A_696 = tpu.memref_squeeze %dma_start3A_695 : memref<1x1x96xi32, #tpu.memory_space<hbm>> -> memref<96xi32, #tpu.memory_space<hbm>>
        tpu.enqueue_dma source(%dma_start3A_696 : memref<96xi32, #tpu.memory_space<hbm>>) target(%dma_start3A_693 : memref<96xi32, #tpu.memory_space<vmem>>) target_semaphore(%arg16 : memref<!tpu.dma_semaphore, #tpu.memory_space<semaphore_mem>>)
        %dma_start3A_697 = arith.constant 1 : i32
        %dma_start3A_698 = arith.constant 0 : i32
        %dma_start3A_699 = tpu.memref_slice %arg9[%dma_start3A_697, %dma_start3A_698] : memref<2x96xi32, #tpu.memory_space<vmem>> -> memref<1x96xi32, #tpu.memory_space<vmem>>
        %dma_start3A_700 = tpu.memref_squeeze %dma_start3A_699 : memref<1x96xi32, #tpu.memory_space<vmem>> -> memref<96xi32, #tpu.memory_space<vmem>>
        %dma_start3A_701 = arith.constant 0 : i32
        %dma_start3A_702 = tpu.memref_slice %arg6[%add3A, %add3A_683, %dma_start3A_701] : memref<32x106x96xi32, #tpu.memory_space<hbm>> -> memref<1x1x96xi32, #tpu.memory_space<hbm>>
        %dma_start3A_703 = tpu.memref_squeeze %dma_start3A_702 : memref<1x1x96xi32, #tpu.memory_space<hbm>> -> memref<96xi32, #tpu.memory_space<hbm>>
        %dma_start3A_704 = arith.constant 0 : i32
        %dma_start3A_705 = tpu.memref_slice %arg9[%dma_start3A_697, %dma_start3A_704] : memref<2x96xi32, #tpu.memory_space<vmem>> -> memref<1x96xi32, #tpu.memory_space<vmem>>
        %dma_start3A_706 = tpu.memref_squeeze %dma_start3A_705 : memref<1x96xi32, #tpu.memory_space<vmem>> -> memref<96xi32, #tpu.memory_space<vmem>>
        %dma_start3A_707 = arith.constant 0 : i32
        %dma_start3A_708 = tpu.memref_slice %arg6[%add3A, %add3A_683, %dma_start3A_707] : memref<32x106x96xi32, #tpu.memory_space<hbm>> -> memref<1x1x96xi32, #tpu.memory_space<hbm>>
        %dma_start3A_709 = tpu.memref_squeeze %dma_start3A_708 : memref<1x1x96xi32, #tpu.memory_space<hbm>> -> memref<96xi32, #tpu.memory_space<hbm>>
        tpu.enqueue_dma source(%dma_start3A_709 : memref<96xi32, #tpu.memory_space<hbm>>) target(%dma_start3A_706 : memref<96xi32, #tpu.memory_space<vmem>>) target_semaphore(%arg16 : memref<!tpu.dma_semaphore, #tpu.memory_space<semaphore_mem>>)
      } else {
      }
    }
    %scan3A_155 = arith.constant 53 : i32
    %dma_wait3A_156 = arith.constant 1 : i32
    %dma_wait3A_157 = arith.constant 1 : i32
    %dma_wait3A_158 = arith.constant 0 : i32
    %dma_wait3A_159 = arith.constant 0 : i32
    %dma_wait3A_160 = tpu.memref_slice %arg12[%dma_wait3A_156, %dma_wait3A_158, %dma_wait3A_159] : memref<2x96x128xf32, #tpu.memory_space<vmem>> -> memref<1x96x128xf32, #tpu.memory_space<vmem>>
    %dma_wait3A_161 = tpu.memref_squeeze %dma_wait3A_160 : memref<1x96x128xf32, #tpu.memory_space<vmem>> -> memref<96x128xf32, #tpu.memory_space<vmem>>
    %dma_wait3A_162 = arith.constant 0 : i32
    %dma_wait3A_163 = tpu.memref_slice %arg10[%dma_wait3A_157, %dma_wait3A_162] : memref<2x96xi32, #tpu.memory_space<vmem>> -> memref<1x96xi32, #tpu.memory_space<vmem>>
    %dma_wait3A_164 = tpu.memref_squeeze %dma_wait3A_163 : memref<1x96xi32, #tpu.memory_space<vmem>> -> memref<96xi32, #tpu.memory_space<vmem>>
    %dma_wait3A_165 = arith.constant 0 : i32
    %dma_wait3A_166 = arith.constant 0 : i32
    %dma_wait3A_167 = tpu.memref_slice %arg15[%dma_wait3A_165, %dma_wait3A_166] : memref<10240x128xf32, #tpu.memory_space<vmem_shared>> -> memref<10240x128xf32, #tpu.memory_space<vmem_shared>>
    tpu.wait_indirect_dma semaphore(%arg18 : memref<!tpu.dma_semaphore, #tpu.memory_space<semaphore_mem>>) src(%dma_wait3A_161 : memref<96x128xf32, #tpu.memory_space<vmem>>) dst(%dma_wait3A_167 : memref<10240x128xf32, #tpu.memory_space<vmem_shared>>)
    %barrier3A_168 = arith.constant 0 : index
    tpu.barrier barrier_id(%barrier3A_168)
    %mul3A_169 = arith.constant 640 : i32
    %mul3A_170 = arith.muli %arg1, %mul3A_169 : i32
    %add3A_171 = arith.constant 0 : i32
    %add3A_172 = arith.addi %mul3A_170, %add3A_171 : i32
    "tpu.region"() ({
      %run_scoped3A_189 = tpu.sem_alloc : memref<!tpu.dma_semaphore, #tpu.memory_space<semaphore_mem>>
      %dma_start3A_190 = arith.constant 0 : i32
      %dma_start3A_191 = tpu.memref_slice %arg7[%arg0, %add3A_172, %dma_start3A_190] : memref<2x10240x128xf32, #tpu.memory_space<hbm>> -> memref<1x128x128xf32, #tpu.memory_space<hbm>>
      %dma_start3A_192 = tpu.memref_squeeze %dma_start3A_191 : memref<1x128x128xf32, #tpu.memory_space<hbm>> -> memref<128x128xf32, #tpu.memory_space<hbm>>
      %dma_start3A_193 = arith.constant 0 : i32
      %dma_start3A_194 = tpu.memref_slice %arg15[%add3A_172, %dma_start3A_193] : memref<10240x128xf32, #tpu.memory_space<vmem_shared>> -> memref<128x128xf32, #tpu.memory_space<vmem_shared>>
      tpu.enqueue_dma source(%dma_start3A_194 : memref<128x128xf32, #tpu.memory_space<vmem_shared>>) target(%dma_start3A_192 : memref<128x128xf32, #tpu.memory_space<hbm>>) target_semaphore(%run_scoped3A_189 : memref<!tpu.dma_semaphore, #tpu.memory_space<semaphore_mem>>)
      %dma_wait3A_195 = arith.constant 0 : i32
      %dma_wait3A_196 = tpu.memref_slice %arg7[%arg0, %add3A_172, %dma_wait3A_195] : memref<2x10240x128xf32, #tpu.memory_space<hbm>> -> memref<1x128x128xf32, #tpu.memory_space<hbm>>
      %dma_wait3A_197 = tpu.memref_squeeze %dma_wait3A_196 : memref<1x128x128xf32, #tpu.memory_space<hbm>> -> memref<128x128xf32, #tpu.memory_space<hbm>>
      %dma_wait3A_198 = arith.constant 0 : i32
      %dma_wait3A_199 = tpu.memref_slice %arg15[%add3A_172, %dma_wait3A_198] : memref<10240x128xf32, #tpu.memory_space<vmem_shared>> -> memref<128x128xf32, #tpu.memory_space<vmem_shared>>
      tpu.wait_dma2 semaphore(%run_scoped3A_189 : memref<!tpu.dma_semaphore, #tpu.memory_space<semaphore_mem>>) src(%dma_wait3A_199 : memref<128x128xf32, #tpu.memory_space<vmem_shared>>) dst(%dma_wait3A_197 : memref<128x128xf32, #tpu.memory_space<hbm>>)
      tpu.yield
    }) : () -> ()
    %mul3A_173 = arith.constant 640 : i32
    %mul3A_174 = arith.muli %arg1, %mul3A_173 : i32
    %add3A_175 = arith.constant 128 : i32
    %add3A_176 = arith.addi %mul3A_174, %add3A_175 : i32
    "tpu.region"() ({
      %run_scoped3A_189 = tpu.sem_alloc : memref<!tpu.dma_semaphore, #tpu.memory_space<semaphore_mem>>
      %dma_start3A_190 = arith.constant 0 : i32
      %dma_start3A_191 = tpu.memref_slice %arg7[%arg0, %add3A_176, %dma_start3A_190] : memref<2x10240x128xf32, #tpu.memory_space<hbm>> -> memref<1x128x128xf32, #tpu.memory_space<hbm>>
      %dma_start3A_192 = tpu.memref_squeeze %dma_start3A_191 : memref<1x128x128xf32, #tpu.memory_space<hbm>> -> memref<128x128xf32, #tpu.memory_space<hbm>>
      %dma_start3A_193 = arith.constant 0 : i32
      %dma_start3A_194 = tpu.memref_slice %arg15[%add3A_176, %dma_start3A_193] : memref<10240x128xf32, #tpu.memory_space<vmem_shared>> -> memref<128x128xf32, #tpu.memory_space<vmem_shared>>
      tpu.enqueue_dma source(%dma_start3A_194 : memref<128x128xf32, #tpu.memory_space<vmem_shared>>) target(%dma_start3A_192 : memref<128x128xf32, #tpu.memory_space<hbm>>) target_semaphore(%run_scoped3A_189 : memref<!tpu.dma_semaphore, #tpu.memory_space<semaphore_mem>>)
      %dma_wait3A_195 = arith.constant 0 : i32
      %dma_wait3A_196 = tpu.memref_slice %arg7[%arg0, %add3A_176, %dma_wait3A_195] : memref<2x10240x128xf32, #tpu.memory_space<hbm>> -> memref<1x128x128xf32, #tpu.memory_space<hbm>>
      %dma_wait3A_197 = tpu.memref_squeeze %dma_wait3A_196 : memref<1x128x128xf32, #tpu.memory_space<hbm>> -> memref<128x128xf32, #tpu.memory_space<hbm>>
      %dma_wait3A_198 = arith.constant 0 : i32
      %dma_wait3A_199 = tpu.memref_slice %arg15[%add3A_176, %dma_wait3A_198] : memref<10240x128xf32, #tpu.memory_space<vmem_shared>> -> memref<128x128xf32, #tpu.memory_space<vmem_shared>>
      tpu.wait_dma2 semaphore(%run_scoped3A_189 : memref<!tpu.dma_semaphore, #tpu.memory_space<semaphore_mem>>) src(%dma_wait3A_199 : memref<128x128xf32, #tpu.memory_space<vmem_shared>>) dst(%dma_wait3A_197 : memref<128x128xf32, #tpu.memory_space<hbm>>)
      tpu.yield
    }) : () -> ()
    %mul3A_177 = arith.constant 640 : i32
    %mul3A_178 = arith.muli %arg1, %mul3A_177 : i32
    %add3A_179 = arith.constant 256 : i32
    %add3A_180 = arith.addi %mul3A_178, %add3A_179 : i32
    "tpu.region"() ({
      %run_scoped3A_189 = tpu.sem_alloc : memref<!tpu.dma_semaphore, #tpu.memory_space<semaphore_mem>>
      %dma_start3A_190 = arith.constant 0 : i32
      %dma_start3A_191 = tpu.memref_slice %arg7[%arg0, %add3A_180, %dma_start3A_190] : memref<2x10240x128xf32, #tpu.memory_space<hbm>> -> memref<1x128x128xf32, #tpu.memory_space<hbm>>
      %dma_start3A_192 = tpu.memref_squeeze %dma_start3A_191 : memref<1x128x128xf32, #tpu.memory_space<hbm>> -> memref<128x128xf32, #tpu.memory_space<hbm>>
      %dma_start3A_193 = arith.constant 0 : i32
      %dma_start3A_194 = tpu.memref_slice %arg15[%add3A_180, %dma_start3A_193] : memref<10240x128xf32, #tpu.memory_space<vmem_shared>> -> memref<128x128xf32, #tpu.memory_space<vmem_shared>>
      tpu.enqueue_dma source(%dma_start3A_194 : memref<128x128xf32, #tpu.memory_space<vmem_shared>>) target(%dma_start3A_192 : memref<128x128xf32, #tpu.memory_space<hbm>>) target_semaphore(%run_scoped3A_189 : memref<!tpu.dma_semaphore, #tpu.memory_space<semaphore_mem>>)
      %dma_wait3A_195 = arith.constant 0 : i32
      %dma_wait3A_196 = tpu.memref_slice %arg7[%arg0, %add3A_180, %dma_wait3A_195] : memref<2x10240x128xf32, #tpu.memory_space<hbm>> -> memref<1x128x128xf32, #tpu.memory_space<hbm>>
      %dma_wait3A_197 = tpu.memref_squeeze %dma_wait3A_196 : memref<1x128x128xf32, #tpu.memory_space<hbm>> -> memref<128x128xf32, #tpu.memory_space<hbm>>
      %dma_wait3A_198 = arith.constant 0 : i32
      %dma_wait3A_199 = tpu.memref_slice %arg15[%add3A_180, %dma_wait3A_198] : memref<10240x128xf32, #tpu.memory_space<vmem_shared>> -> memref<128x128xf32, #tpu.memory_space<vmem_shared>>
      tpu.wait_dma2 semaphore(%run_scoped3A_189 : memref<!tpu.dma_semaphore, #tpu.memory_space<semaphore_mem>>) src(%dma_wait3A_199 : memref<128x128xf32, #tpu.memory_space<vmem_shared>>) dst(%dma_wait3A_197 : memref<128x128xf32, #tpu.memory_space<hbm>>)
      tpu.yield
    }) : () -> ()
    %mul3A_181 = arith.constant 640 : i32
    %mul3A_182 = arith.muli %arg1, %mul3A_181 : i32
    %add3A_183 = arith.constant 384 : i32
    %add3A_184 = arith.addi %mul3A_182, %add3A_183 : i32
    "tpu.region"() ({
      %run_scoped3A_189 = tpu.sem_alloc : memref<!tpu.dma_semaphore, #tpu.memory_space<semaphore_mem>>
      %dma_start3A_190 = arith.constant 0 : i32
      %dma_start3A_191 = tpu.memref_slice %arg7[%arg0, %add3A_184, %dma_start3A_190] : memref<2x10240x128xf32, #tpu.memory_space<hbm>> -> memref<1x128x128xf32, #tpu.memory_space<hbm>>
      %dma_start3A_192 = tpu.memref_squeeze %dma_start3A_191 : memref<1x128x128xf32, #tpu.memory_space<hbm>> -> memref<128x128xf32, #tpu.memory_space<hbm>>
      %dma_start3A_193 = arith.constant 0 : i32
      %dma_start3A_194 = tpu.memref_slice %arg15[%add3A_184, %dma_start3A_193] : memref<10240x128xf32, #tpu.memory_space<vmem_shared>> -> memref<128x128xf32, #tpu.memory_space<vmem_shared>>
      tpu.enqueue_dma source(%dma_start3A_194 : memref<128x128xf32, #tpu.memory_space<vmem_shared>>) target(%dma_start3A_192 : memref<128x128xf32, #tpu.memory_space<hbm>>) target_semaphore(%run_scoped3A_189 : memref<!tpu.dma_semaphore, #tpu.memory_space<semaphore_mem>>)
      %dma_wait3A_195 = arith.constant 0 : i32
      %dma_wait3A_196 = tpu.memref_slice %arg7[%arg0, %add3A_184, %dma_wait3A_195] : memref<2x10240x128xf32, #tpu.memory_space<hbm>> -> memref<1x128x128xf32, #tpu.memory_space<hbm>>
      %dma_wait3A_197 = tpu.memref_squeeze %dma_wait3A_196 : memref<1x128x128xf32, #tpu.memory_space<hbm>> -> memref<128x128xf32, #tpu.memory_space<hbm>>
      %dma_wait3A_198 = arith.constant 0 : i32
      %dma_wait3A_199 = tpu.memref_slice %arg15[%add3A_184, %dma_wait3A_198] : memref<10240x128xf32, #tpu.memory_space<vmem_shared>> -> memref<128x128xf32, #tpu.memory_space<vmem_shared>>
      tpu.wait_dma2 semaphore(%run_scoped3A_189 : memref<!tpu.dma_semaphore, #tpu.memory_space<semaphore_mem>>) src(%dma_wait3A_199 : memref<128x128xf32, #tpu.memory_space<vmem_shared>>) dst(%dma_wait3A_197 : memref<128x128xf32, #tpu.memory_space<hbm>>)
      tpu.yield
    }) : () -> ()
    %mul3A_185 = arith.constant 640 : i32
    %mul3A_186 = arith.muli %arg1, %mul3A_185 : i32
    %add3A_187 = arith.constant 512 : i32
    %add3A_188 = arith.addi %mul3A_186, %add3A_187 : i32
    "tpu.region"() ({
      %run_scoped3A_189 = tpu.sem_alloc : memref<!tpu.dma_semaphore, #tpu.memory_space<semaphore_mem>>
      %dma_start3A_190 = arith.constant 0 : i32
      %dma_start3A_191 = tpu.memref_slice %arg7[%arg0, %add3A_188, %dma_start3A_190] : memref<2x10240x128xf32, #tpu.memory_space<hbm>> -> memref<1x128x128xf32, #tpu.memory_space<hbm>>
      %dma_start3A_192 = tpu.memref_squeeze %dma_start3A_191 : memref<1x128x128xf32, #tpu.memory_space<hbm>> -> memref<128x128xf32, #tpu.memory_space<hbm>>
      %dma_start3A_193 = arith.constant 0 : i32
      %dma_start3A_194 = tpu.memref_slice %arg15[%add3A_188, %dma_start3A_193] : memref<10240x128xf32, #tpu.memory_space<vmem_shared>> -> memref<128x128xf32, #tpu.memory_space<vmem_shared>>
      tpu.enqueue_dma source(%dma_start3A_194 : memref<128x128xf32, #tpu.memory_space<vmem_shared>>) target(%dma_start3A_192 : memref<128x128xf32, #tpu.memory_space<hbm>>) target_semaphore(%run_scoped3A_189 : memref<!tpu.dma_semaphore, #tpu.memory_space<semaphore_mem>>)
      %dma_wait3A_195 = arith.constant 0 : i32
      %dma_wait3A_196 = tpu.memref_slice %arg7[%arg0, %add3A_188, %dma_wait3A_195] : memref<2x10240x128xf32, #tpu.memory_space<hbm>> -> memref<1x128x128xf32, #tpu.memory_space<hbm>>
      %dma_wait3A_197 = tpu.memref_squeeze %dma_wait3A_196 : memref<1x128x128xf32, #tpu.memory_space<hbm>> -> memref<128x128xf32, #tpu.memory_space<hbm>>
      %dma_wait3A_198 = arith.constant 0 : i32
      %dma_wait3A_199 = tpu.memref_slice %arg15[%add3A_188, %dma_wait3A_198] : memref<10240x128xf32, #tpu.memory_space<vmem_shared>> -> memref<128x128xf32, #tpu.memory_space<vmem_shared>>
      tpu.wait_dma2 semaphore(%run_scoped3A_189 : memref<!tpu.dma_semaphore, #tpu.memory_space<semaphore_mem>>) src(%dma_wait3A_199 : memref<128x128xf32, #tpu.memory_space<vmem_shared>>) dst(%dma_wait3A_197 : memref<128x128xf32, #tpu.memory_space<hbm>>)
      tpu.yield
    }) : () -> ()
    return
  }
}

module attributes {stable_mosaic.version = 14 : i64} {
  func.func @body(%arg0: i32, %arg1: memref<32x512xf32, #tpu.memory_space<vmem>>, %arg2: memref<512x128xf32, #tpu.memory_space<vmem>>, %arg3: memref<512x1xf32, #tpu.memory_space<vmem>>, %arg4: memref<512x128xf32, #tpu.memory_space<vmem>>) attributes {dimension_semantics = [#tpu.dimension_semantics<arbitrary>], iteration_bounds = array<i64: 20>, scalar_prefetch = 0 : i64, scratch_operands = 0 : i64, tpu.core_type = #tpu.core_type<tc>, window_params = [{transform_indices = @transform_0, window_bounds = array<i64: 32, 512>}, {transform_indices = @transform_1, window_bounds = array<i64: 512, 128>}, {transform_indices = @transform_2, window_bounds = array<i64: 512, 1>}, {transform_indices = @transform_3, window_bounds = array<i64: 512, 128>}]} {
    %broadcast_in_dim3A = arith.constant 1.000000e+00 : f32
    %broadcast_in_dim3A_0 = vector.broadcast %broadcast_in_dim3A : f32 to vector<32x1xf32>
    %get3A = arith.constant 0 : index
    %get3A_1 = arith.constant 0 : index
    %get3A_2 = vector.load %arg1[%get3A, %get3A_1] : memref<32x512xf32, #tpu.memory_space<vmem>>, vector<32x512xf32>
    %dot_general3A = arith.constant dense<0.000000e+00> : vector<512x1xf32>
    %dot_general3A_3 = tpu.matmul %get3A_2, %broadcast_in_dim3A_0, %dot_general3A {dimension_numbers = #tpu.dot_dimension_numbers<[0], [0], [1], [1], [0, 1, 1, 1], [], []>, transpose_lhs_hint = false} : vector<32x512xf32>, vector<32x1xf32>, vector<512x1xf32> -> vector<512x1xf32>
    %iota3A = tpu.iota {dimensions = array<i32: 0>} : vector<512x1xi32>
    %mul3A = arith.constant 512 : i32
    %mul3A_4 = arith.muli %arg0, %mul3A : i32
    %add3A = vector.broadcast %mul3A_4 : i32 to vector<512x1xi32>
    %add3A_5 = arith.addi %iota3A, %add3A : vector<512x1xi32>
    %gt3A = arith.constant 0.000000e+00 : f32
    %gt3A_6 = vector.broadcast %gt3A : f32 to vector<512x1xf32>
    %gt3A_7 = arith.cmpf ogt, %dot_general3A_3, %gt3A_6 : vector<512x1xf32>
    %max3A = arith.constant 1.000000e+00 : f32
    %max3A_8 = vector.broadcast %max3A : f32 to vector<512x1xf32>
    %max3A_9 = arith.maximumf %dot_general3A_3, %max3A_8 : vector<512x1xf32>
    %rsqrt3A = math.rsqrt %max3A_9 : vector<512x1xf32>
    %jit3A = arith.constant 0.000000e+00 : f32
    %broadcast_in_dim3A_10 = vector.broadcast %jit3A : f32 to vector<512x1xf32>
    %select_n3A = arith.select %gt3A_7, %rsqrt3A, %broadcast_in_dim3A_10 : vector<512x1xi1>, vector<512x1xf32>
    %lt3A = arith.constant 10000 : i32
    %lt3A_11 = vector.broadcast %lt3A : i32 to vector<512x1xi32>
    %lt3A_12 = arith.cmpi slt, %add3A_5, %lt3A_11 : vector<512x1xi32>
    %jit3A_13 = arith.constant 0.000000e+00 : f32
    %broadcast_in_dim3A_14 = vector.broadcast %jit3A_13 : f32 to vector<512x1xf32>
    %select_n3A_15 = arith.select %lt3A_12, %select_n3A, %broadcast_in_dim3A_14 : vector<512x1xi1>, vector<512x1xf32>
    %swap3A = arith.constant 0 : index
    %swap3A_16 = arith.constant 0 : index
    %swap3A_17 = vector.load %arg3[%swap3A, %swap3A_16] : memref<512x1xf32, #tpu.memory_space<vmem>>, vector<512x1xf32>
    tpu.vector_store %arg3[%swap3A, %swap3A_16], %select_n3A_15 {strides = array<i32>} : memref<512x1xf32, #tpu.memory_space<vmem>>, vector<512x1xf32>,
    %get3A_18 = arith.constant 0 : index
    %get3A_19 = arith.constant 0 : index
    %get3A_20 = vector.load %arg2[%get3A_18, %get3A_19] : memref<512x128xf32, #tpu.memory_space<vmem>>, vector<512x128xf32>
    %mul3A_21 = vector.broadcast %select_n3A_15 : vector<512x1xf32> to vector<512x128xf32>
    %mul3A_22 = arith.mulf %get3A_20, %mul3A_21 : vector<512x128xf32>
    %swap3A_23 = arith.constant 0 : index
    %swap3A_24 = arith.constant 0 : index
    %swap3A_25 = vector.load %arg4[%swap3A_23, %swap3A_24] : memref<512x128xf32, #tpu.memory_space<vmem>>, vector<512x128xf32>
    tpu.vector_store %arg4[%swap3A_23, %swap3A_24], %mul3A_22 {strides = array<i32>} : memref<512x128xf32, #tpu.memory_space<vmem>>, vector<512x128xf32>,
    return
  }
  func.func @transform_0(%arg0: i32) -> (i32, i32) {
    %c0_i32 = arith.constant 0 : i32
    %c0_i32_0 = arith.constant 0 : i32
    return %c0_i32, %arg0 : i32, i32
  }
  func.func @transform_1(%arg0: i32) -> (i32, i32) {
    %c0_i32 = arith.constant 0 : i32
    %c0_i32_0 = arith.constant 0 : i32
    return %arg0, %c0_i32 : i32, i32
  }
  func.func @transform_2(%arg0: i32) -> (i32, i32) {
    %c0_i32 = arith.constant 0 : i32
    %c0_i32_0 = arith.constant 0 : i32
    return %arg0, %c0_i32 : i32, i32
  }
  func.func @transform_3(%arg0: i32) -> (i32, i32) {
    %c0_i32 = arith.constant 0 : i32
    %c0_i32_0 = arith.constant 0 : i32
    return %arg0, %c0_i32 : i32, i32
  }
}

module attributes {stable_mosaic.version = 14 : i64} {
  func.func @body(%arg0: i32, %arg1: memref<512x128xf32, #tpu.memory_space<vmem>>, %arg2: memref<128x128xf32, #tpu.memory_space<vmem>>, %arg3: memref<1x128xf32, #tpu.memory_space<vmem>>, %arg4: memref<1x128xf32, #tpu.memory_space<vmem>>, %arg5: memref<1x128xf32, #tpu.memory_space<vmem>>, %arg6: memref<2xf32, #tpu.memory_space<smem>>, %arg7: memref<512x128xf32, #tpu.memory_space<vmem>>, %arg8: memref<8x512xf32, #tpu.memory_space<vmem>>) attributes {dimension_semantics = [#tpu.dimension_semantics<arbitrary>], iteration_bounds = array<i64: 20>, scalar_prefetch = 0 : i64, scratch_operands = 0 : i64, tpu.core_type = #tpu.core_type<tc>, window_params = [{transform_indices = @transform_0, window_bounds = array<i64: 512, 128>}, {pipeline_mode = #tpu.pipeline_mode<synchronous>, transform_indices = @transform_1, window_bounds = array<i64: 128, 128>}, {pipeline_mode = #tpu.pipeline_mode<synchronous>, transform_indices = @transform_2, window_bounds = array<i64: 1, 128>}, {pipeline_mode = #tpu.pipeline_mode<synchronous>, transform_indices = @transform_3, window_bounds = array<i64: 1, 128>}, {pipeline_mode = #tpu.pipeline_mode<synchronous>, transform_indices = @transform_4, window_bounds = array<i64: 1, 128>}, {transform_indices = @transform_5, window_bounds = array<i64: 2>}, {transform_indices = @transform_6, window_bounds = array<i64: 512, 128>}, {transform_indices = @transform_7, window_bounds = array<i64: 8, 512>}]} {
    %get3A = arith.constant 0 : index
    %get3A_0 = arith.constant 0 : index
    %get3A_1 = vector.load %arg1[%get3A, %get3A_0] : memref<512x128xf32, #tpu.memory_space<vmem>>, vector<512x128xf32>
    %get3A_2 = arith.constant 0 : index
    %get3A_3 = arith.constant 0 : index
    %get3A_4 = vector.load %arg2[%get3A_2, %get3A_3] : memref<128x128xf32, #tpu.memory_space<vmem>>, vector<128x128xf32>
    %dot_general3A = arith.constant dense<0.000000e+00> : vector<512x128xf32>
    %dot_general3A_5 = tpu.matmul %get3A_1, %get3A_4, %dot_general3A {dimension_numbers = #tpu.dot_dimension_numbers<[1], [1], [0], [0], [0, 0, 1, 0], [], []>, transpose_lhs_hint = false} : vector<512x128xf32>, vector<128x128xf32>, vector<512x128xf32> -> vector<512x128xf32>
    %get3A_6 = arith.constant 0 : index
    %get3A_7 = arith.constant 0 : index
    %get3A_8 = vector.load %arg3[%get3A_6, %get3A_7] : memref<1x128xf32, #tpu.memory_space<vmem>>, vector<1x128xf32>
    %add3A = vector.broadcast %get3A_8 : vector<1x128xf32> to vector<512x128xf32>
    %add3A_9 = arith.addf %dot_general3A_5, %add3A : vector<512x128xf32>
    %swap3A = arith.constant 0 : index
    %swap3A_10 = arith.constant 0 : index
    %swap3A_11 = vector.load %arg7[%swap3A, %swap3A_10] : memref<512x128xf32, #tpu.memory_space<vmem>>, vector<512x128xf32>
    tpu.vector_store %arg7[%swap3A, %swap3A_10], %add3A_9 {strides = array<i32>} : memref<512x128xf32, #tpu.memory_space<vmem>>, vector<512x128xf32>,
    %get3A_12 = arith.constant 0 : index
    %get3A_13 = arith.constant 0 : index
    %get3A_14 = vector.load %arg4[%get3A_12, %get3A_13] : memref<1x128xf32, #tpu.memory_space<vmem>>, vector<1x128xf32>
    %dot_general3A_15 = arith.constant dense<0.000000e+00> : vector<1x512xf32>
    %dot_general3A_16 = tpu.matmul %get3A_14, %add3A_9, %dot_general3A_15 {dimension_numbers = #tpu.dot_dimension_numbers<[1], [1], [0], [0], [0, 0, 1, 0], [], []>, transpose_lhs_hint = false} : vector<1x128xf32>, vector<512x128xf32>, vector<1x512xf32> -> vector<1x512xf32>
    %get3A_17 = arith.constant 0 : index
    %get3A_18 = memref.load %arg6[%get3A_17] : memref<2xf32, #tpu.memory_space<smem>>
    %add3A_19 = vector.broadcast %get3A_18 : f32 to vector<1x512xf32>
    %add3A_20 = arith.addf %dot_general3A_16, %add3A_19 : vector<1x512xf32>
    %get3A_21 = arith.constant 0 : index
    %get3A_22 = arith.constant 0 : index
    %get3A_23 = vector.load %arg5[%get3A_21, %get3A_22] : memref<1x128xf32, #tpu.memory_space<vmem>>, vector<1x128xf32>
    %dot_general3A_24 = arith.constant dense<0.000000e+00> : vector<1x512xf32>
    %dot_general3A_25 = tpu.matmul %get3A_23, %add3A_9, %dot_general3A_24 {dimension_numbers = #tpu.dot_dimension_numbers<[1], [1], [0], [0], [0, 0, 1, 0], [], []>, transpose_lhs_hint = false} : vector<1x128xf32>, vector<512x128xf32>, vector<1x512xf32> -> vector<1x512xf32>
    %get3A_26 = arith.constant 1 : index
    %get3A_27 = memref.load %arg6[%get3A_26] : memref<2xf32, #tpu.memory_space<smem>>
    %add3A_28 = vector.broadcast %get3A_27 : f32 to vector<1x512xf32>
    %add3A_29 = arith.addf %dot_general3A_25, %add3A_28 : vector<1x512xf32>
    %broadcast_in_dim3A = arith.constant 0.000000e+00 : f32
    %broadcast_in_dim3A_30 = vector.broadcast %broadcast_in_dim3A : f32 to vector<6x512xf32>
    %concatenate3A = tpu.concatenate %add3A_20, %add3A_29, %broadcast_in_dim3A_30 in 0 : vector<1x512xf32>, vector<1x512xf32>, vector<6x512xf32> -> vector<8x512xf32>
    %swap3A_31 = arith.constant 0 : index
    %swap3A_32 = arith.constant 0 : index
    %swap3A_33 = vector.load %arg8[%swap3A_31, %swap3A_32] : memref<8x512xf32, #tpu.memory_space<vmem>>, vector<8x512xf32>
    tpu.vector_store %arg8[%swap3A_31, %swap3A_32], %concatenate3A {strides = array<i32>} : memref<8x512xf32, #tpu.memory_space<vmem>>, vector<8x512xf32>,
    return
  }
  func.func @transform_0(%arg0: i32) -> (i32, i32) {
    %c0_i32 = arith.constant 0 : i32
    %c0_i32_0 = arith.constant 0 : i32
    return %arg0, %c0_i32 : i32, i32
  }
  func.func @transform_1(%arg0: i32) -> (i32, i32) {
    %c0_i32 = arith.constant 0 : i32
    %c0_i32_0 = arith.constant 0 : i32
    %c0_i32_1 = arith.constant 0 : i32
    return %c0_i32, %c0_i32_0 : i32, i32
  }
  func.func @transform_2(%arg0: i32) -> (i32, i32) {
    %c0_i32 = arith.constant 0 : i32
    %c0_i32_0 = arith.constant 0 : i32
    %c0_i32_1 = arith.constant 0 : i32
    return %c0_i32, %c0_i32_0 : i32, i32
  }
  func.func @transform_3(%arg0: i32) -> (i32, i32) {
    %c0_i32 = arith.constant 0 : i32
    %c0_i32_0 = arith.constant 0 : i32
    %c0_i32_1 = arith.constant 0 : i32
    return %c0_i32, %c0_i32_0 : i32, i32
  }
  func.func @transform_4(%arg0: i32) -> (i32, i32) {
    %c0_i32 = arith.constant 0 : i32
    %c0_i32_0 = arith.constant 0 : i32
    %c0_i32_1 = arith.constant 0 : i32
    return %c0_i32, %c0_i32_0 : i32, i32
  }
  func.func @transform_5(%arg0: i32) -> i32 {
    %c0_i32 = arith.constant 0 : i32
    %c0_i32_0 = arith.constant 0 : i32
    return %c0_i32 : i32
  }
  func.func @transform_6(%arg0: i32) -> (i32, i32) {
    %c0_i32 = arith.constant 0 : i32
    %c0_i32_0 = arith.constant 0 : i32
    return %arg0, %c0_i32 : i32, i32
  }
  func.func @transform_7(%arg0: i32) -> (i32, i32) {
    %c0_i32 = arith.constant 0 : i32
    %c0_i32_0 = arith.constant 0 : i32
    return %c0_i32, %arg0 : i32, i32
  }
}

module attributes {stable_mosaic.version = 14 : i64} {
  func.func @body(%arg0: i32, %arg1: memref<2x512x128xf32, #tpu.memory_space<vmem>>, %arg2: memref<512x128xf32, #tpu.memory_space<vmem>>, %arg3: memref<512x1xf32, #tpu.memory_space<vmem>>, %arg4: memref<128x128xf32, #tpu.memory_space<vmem>>, %arg5: memref<1x128xf32, #tpu.memory_space<vmem>>, %arg6: memref<512x128xf32, #tpu.memory_space<vmem>>) attributes {dimension_semantics = [#tpu.dimension_semantics<arbitrary>], iteration_bounds = array<i64: 20>, scalar_prefetch = 0 : i64, scratch_operands = 0 : i64, tpu.core_type = #tpu.core_type<tc>, window_params = [{transform_indices = @transform_0, window_bounds = array<i64: 2, 512, 128>}, {transform_indices = @transform_1, window_bounds = array<i64: 512, 128>}, {transform_indices = @transform_2, window_bounds = array<i64: 512, 1>}, {pipeline_mode = #tpu.pipeline_mode<synchronous>, transform_indices = @transform_3, window_bounds = array<i64: 128, 128>}, {pipeline_mode = #tpu.pipeline_mode<synchronous>, transform_indices = @transform_4, window_bounds = array<i64: 1, 128>}, {transform_indices = @transform_5, window_bounds = array<i64: 512, 128>}]} {
    %get3A = arith.constant 0 : index
    %get3A_0 = arith.constant 0 : index
    %get3A_1 = arith.constant 0 : index
    %get3A_2 = vector.load %arg1[%get3A, %get3A_0, %get3A_1] : memref<2x512x128xf32, #tpu.memory_space<vmem>>, vector<1x512x128xf32>
    %get3A_3 = vector.shape_cast %get3A_2 : vector<1x512x128xf32> to vector<512x128xf32>
    %get3A_4 = arith.constant 1 : index
    %get3A_5 = arith.constant 0 : index
    %get3A_6 = arith.constant 0 : index
    %get3A_7 = vector.load %arg1[%get3A_4, %get3A_5, %get3A_6] : memref<2x512x128xf32, #tpu.memory_space<vmem>>, vector<1x512x128xf32>
    %get3A_8 = vector.shape_cast %get3A_7 : vector<1x512x128xf32> to vector<512x128xf32>
    %add3A = arith.addf %get3A_3, %get3A_8 : vector<512x128xf32>
    %get3A_9 = arith.constant 0 : index
    %get3A_10 = arith.constant 0 : index
    %get3A_11 = vector.load %arg3[%get3A_9, %get3A_10] : memref<512x1xf32, #tpu.memory_space<vmem>>, vector<512x1xf32>
    %mul3A = vector.broadcast %get3A_11 : vector<512x1xf32> to vector<512x128xf32>
    %mul3A_12 = arith.mulf %add3A, %mul3A : vector<512x128xf32>
    %get3A_13 = arith.constant 0 : index
    %get3A_14 = arith.constant 0 : index
    %get3A_15 = vector.load %arg2[%get3A_13, %get3A_14] : memref<512x128xf32, #tpu.memory_space<vmem>>, vector<512x128xf32>
    %mul3A_16 = arith.constant 1.000000e-01 : f32
    %mul3A_17 = vector.broadcast %mul3A_16 : f32 to vector<512x128xf32>
    %mul3A_18 = arith.mulf %mul3A_17, %get3A_15 : vector<512x128xf32>
    %add3A_19 = arith.addf %mul3A_12, %mul3A_18 : vector<512x128xf32>
    %get3A_20 = arith.constant 0 : index
    %get3A_21 = arith.constant 0 : index
    %get3A_22 = vector.load %arg4[%get3A_20, %get3A_21] : memref<128x128xf32, #tpu.memory_space<vmem>>, vector<128x128xf32>
    %dot_general3A = arith.constant dense<0.000000e+00> : vector<512x128xf32>
    %dot_general3A_23 = tpu.matmul %add3A_19, %get3A_22, %dot_general3A {dimension_numbers = #tpu.dot_dimension_numbers<[1], [1], [0], [0], [0, 0, 1, 0], [], []>, transpose_lhs_hint = false} : vector<512x128xf32>, vector<128x128xf32>, vector<512x128xf32> -> vector<512x128xf32>
    %get3A_24 = arith.constant 0 : index
    %get3A_25 = arith.constant 0 : index
    %get3A_26 = vector.load %arg5[%get3A_24, %get3A_25] : memref<1x128xf32, #tpu.memory_space<vmem>>, vector<1x128xf32>
    %add3A_27 = vector.broadcast %get3A_26 : vector<1x128xf32> to vector<512x128xf32>
    %add3A_28 = arith.addf %dot_general3A_23, %add3A_27 : vector<512x128xf32>
    %swap3A = arith.constant 0 : index
    %swap3A_29 = arith.constant 0 : index
    %swap3A_30 = vector.load %arg6[%swap3A, %swap3A_29] : memref<512x128xf32, #tpu.memory_space<vmem>>, vector<512x128xf32>
    tpu.vector_store %arg6[%swap3A, %swap3A_29], %add3A_28 {strides = array<i32>} : memref<512x128xf32, #tpu.memory_space<vmem>>, vector<512x128xf32>,
    return
  }
  func.func @transform_0(%arg0: i32) -> (i32, i32, i32) {
    %c0_i32 = arith.constant 0 : i32
    %c0_i32_0 = arith.constant 0 : i32
    %c0_i32_1 = arith.constant 0 : i32
    return %c0_i32, %arg0, %c0_i32_0 : i32, i32, i32
  }
  func.func @transform_1(%arg0: i32) -> (i32, i32) {
    %c0_i32 = arith.constant 0 : i32
    %c0_i32_0 = arith.constant 0 : i32
    return %arg0, %c0_i32 : i32, i32
  }
  func.func @transform_2(%arg0: i32) -> (i32, i32) {
    %c0_i32 = arith.constant 0 : i32
    %c0_i32_0 = arith.constant 0 : i32
    return %arg0, %c0_i32 : i32, i32
  }
  func.func @transform_3(%arg0: i32) -> (i32, i32) {
    %c0_i32 = arith.constant 0 : i32
    %c0_i32_0 = arith.constant 0 : i32
    %c0_i32_1 = arith.constant 0 : i32
    return %c0_i32, %c0_i32_0 : i32, i32
  }
  func.func @transform_4(%arg0: i32) -> (i32, i32) {
    %c0_i32 = arith.constant 0 : i32
    %c0_i32_0 = arith.constant 0 : i32
    %c0_i32_1 = arith.constant 0 : i32
    return %c0_i32, %c0_i32_0 : i32, i32
  }
  func.func @transform_5(%arg0: i32) -> (i32, i32) {
    %c0_i32 = arith.constant 0 : i32
    %c0_i32_0 = arith.constant 0 : i32
    return %arg0, %c0_i32 : i32, i32
  }
}

module attributes {stable_mosaic.version = 14 : i64} {
  func.func @body(%arg0: i32, %arg1: memref<2x512x128xf32, #tpu.memory_space<vmem>>, %arg2: memref<512x128xf32, #tpu.memory_space<vmem>>, %arg3: memref<512x1xf32, #tpu.memory_space<vmem>>, %arg4: memref<1x128xf32, #tpu.memory_space<vmem>>, %arg5: memref<1x128xf32, #tpu.memory_space<vmem>>, %arg6: memref<2xf32, #tpu.memory_space<smem>>, %arg7: memref<512x128xf32, #tpu.memory_space<vmem>>, %arg8: memref<8x512xf32, #tpu.memory_space<vmem>>) attributes {dimension_semantics = [#tpu.dimension_semantics<arbitrary>], iteration_bounds = array<i64: 20>, scalar_prefetch = 0 : i64, scratch_operands = 0 : i64, tpu.core_type = #tpu.core_type<tc>, window_params = [{transform_indices = @transform_0, window_bounds = array<i64: 2, 512, 128>}, {transform_indices = @transform_1, window_bounds = array<i64: 512, 128>}, {transform_indices = @transform_2, window_bounds = array<i64: 512, 1>}, {pipeline_mode = #tpu.pipeline_mode<synchronous>, transform_indices = @transform_3, window_bounds = array<i64: 1, 128>}, {pipeline_mode = #tpu.pipeline_mode<synchronous>, transform_indices = @transform_4, window_bounds = array<i64: 1, 128>}, {transform_indices = @transform_5, window_bounds = array<i64: 2>}, {transform_indices = @transform_6, window_bounds = array<i64: 512, 128>}, {transform_indices = @transform_7, window_bounds = array<i64: 8, 512>}]} {
    %get3A = arith.constant 0 : index
    %get3A_0 = arith.constant 0 : index
    %get3A_1 = vector.load %arg3[%get3A, %get3A_0] : memref<512x1xf32, #tpu.memory_space<vmem>>, vector<512x1xf32>
    %get3A_2 = arith.constant 0 : index
    %get3A_3 = arith.constant 0 : index
    %get3A_4 = arith.constant 0 : index
    %get3A_5 = vector.load %arg1[%get3A_2, %get3A_3, %get3A_4] : memref<2x512x128xf32, #tpu.memory_space<vmem>>, vector<1x512x128xf32>
    %get3A_6 = vector.shape_cast %get3A_5 : vector<1x512x128xf32> to vector<512x128xf32>
    %get3A_7 = arith.constant 1 : index
    %get3A_8 = arith.constant 0 : index
    %get3A_9 = arith.constant 0 : index
    %get3A_10 = vector.load %arg1[%get3A_7, %get3A_8, %get3A_9] : memref<2x512x128xf32, #tpu.memory_space<vmem>>, vector<1x512x128xf32>
    %get3A_11 = vector.shape_cast %get3A_10 : vector<1x512x128xf32> to vector<512x128xf32>
    %add3A = arith.addf %get3A_6, %get3A_11 : vector<512x128xf32>
    %mul3A = vector.broadcast %get3A_1 : vector<512x1xf32> to vector<512x128xf32>
    %mul3A_12 = arith.mulf %add3A, %mul3A : vector<512x128xf32>
    %get3A_13 = arith.constant 0 : index
    %get3A_14 = arith.constant 0 : index
    %get3A_15 = vector.load %arg2[%get3A_13, %get3A_14] : memref<512x128xf32, #tpu.memory_space<vmem>>, vector<512x128xf32>
    %mul3A_16 = arith.constant 1.000000e-01 : f32
    %mul3A_17 = vector.broadcast %mul3A_16 : f32 to vector<512x128xf32>
    %mul3A_18 = arith.mulf %mul3A_17, %get3A_15 : vector<512x128xf32>
    %add3A_19 = arith.addf %mul3A_12, %mul3A_18 : vector<512x128xf32>
    %max3A = arith.constant 0.000000e+00 : f32
    %max3A_20 = vector.broadcast %max3A : f32 to vector<512x128xf32>
    %max3A_21 = arith.maximumf %add3A_19, %max3A_20 : vector<512x128xf32>
    %get3A_22 = arith.constant 0 : index
    %get3A_23 = arith.constant 0 : index
    %get3A_24 = vector.load %arg4[%get3A_22, %get3A_23] : memref<1x128xf32, #tpu.memory_space<vmem>>, vector<1x128xf32>
    %dot_general3A = arith.constant dense<0.000000e+00> : vector<1x512xf32>
    %dot_general3A_25 = tpu.matmul %get3A_24, %max3A_21, %dot_general3A {dimension_numbers = #tpu.dot_dimension_numbers<[1], [1], [0], [0], [0, 0, 1, 0], [], []>, transpose_lhs_hint = false} : vector<1x128xf32>, vector<512x128xf32>, vector<1x512xf32> -> vector<1x512xf32>
    %get3A_26 = arith.constant 0 : index
    %get3A_27 = memref.load %arg6[%get3A_26] : memref<2xf32, #tpu.memory_space<smem>>
    %add3A_28 = vector.broadcast %get3A_27 : f32 to vector<1x512xf32>
    %add3A_29 = arith.addf %dot_general3A_25, %add3A_28 : vector<1x512xf32>
    %get3A_30 = arith.constant 0 : index
    %get3A_31 = arith.constant 0 : index
    %get3A_32 = vector.load %arg5[%get3A_30, %get3A_31] : memref<1x128xf32, #tpu.memory_space<vmem>>, vector<1x128xf32>
    %dot_general3A_33 = arith.constant dense<0.000000e+00> : vector<1x512xf32>
    %dot_general3A_34 = tpu.matmul %get3A_32, %max3A_21, %dot_general3A_33 {dimension_numbers = #tpu.dot_dimension_numbers<[1], [1], [0], [0], [0, 0, 1, 0], [], []>, transpose_lhs_hint = false} : vector<1x128xf32>, vector<512x128xf32>, vector<1x512xf32> -> vector<1x512xf32>
    %get3A_35 = arith.constant 1 : index
    %get3A_36 = memref.load %arg6[%get3A_35] : memref<2xf32, #tpu.memory_space<smem>>
    %add3A_37 = vector.broadcast %get3A_36 : f32 to vector<1x512xf32>
    %add3A_38 = arith.addf %dot_general3A_34, %add3A_37 : vector<1x512xf32>
    %broadcast_in_dim3A = arith.constant 0.000000e+00 : f32
    %broadcast_in_dim3A_39 = vector.broadcast %broadcast_in_dim3A : f32 to vector<6x512xf32>
    %concatenate3A = tpu.concatenate %add3A_29, %add3A_38, %broadcast_in_dim3A_39 in 0 : vector<1x512xf32>, vector<1x512xf32>, vector<6x512xf32> -> vector<8x512xf32>
    %swap3A = arith.constant 0 : index
    %swap3A_40 = arith.constant 0 : index
    %swap3A_41 = vector.load %arg8[%swap3A, %swap3A_40] : memref<8x512xf32, #tpu.memory_space<vmem>>, vector<8x512xf32>
    tpu.vector_store %arg8[%swap3A, %swap3A_40], %concatenate3A {strides = array<i32>} : memref<8x512xf32, #tpu.memory_space<vmem>>, vector<8x512xf32>,
    %mul3A_42 = vector.broadcast %get3A_1 : vector<512x1xf32> to vector<512x128xf32>
    %mul3A_43 = arith.mulf %max3A_21, %mul3A_42 : vector<512x128xf32>
    %swap3A_44 = arith.constant 0 : index
    %swap3A_45 = arith.constant 0 : index
    %swap3A_46 = vector.load %arg7[%swap3A_44, %swap3A_45] : memref<512x128xf32, #tpu.memory_space<vmem>>, vector<512x128xf32>
    tpu.vector_store %arg7[%swap3A_44, %swap3A_45], %mul3A_43 {strides = array<i32>} : memref<512x128xf32, #tpu.memory_space<vmem>>, vector<512x128xf32>,
    return
  }
  func.func @transform_0(%arg0: i32) -> (i32, i32, i32) {
    %c0_i32 = arith.constant 0 : i32
    %c0_i32_0 = arith.constant 0 : i32
    %c0_i32_1 = arith.constant 0 : i32
    return %c0_i32, %arg0, %c0_i32_0 : i32, i32, i32
  }
  func.func @transform_1(%arg0: i32) -> (i32, i32) {
    %c0_i32 = arith.constant 0 : i32
    %c0_i32_0 = arith.constant 0 : i32
    return %arg0, %c0_i32 : i32, i32
  }
  func.func @transform_2(%arg0: i32) -> (i32, i32) {
    %c0_i32 = arith.constant 0 : i32
    %c0_i32_0 = arith.constant 0 : i32
    return %arg0, %c0_i32 : i32, i32
  }
  func.func @transform_3(%arg0: i32) -> (i32, i32) {
    %c0_i32 = arith.constant 0 : i32
    %c0_i32_0 = arith.constant 0 : i32
    %c0_i32_1 = arith.constant 0 : i32
    return %c0_i32, %c0_i32_0 : i32, i32
  }
  func.func @transform_4(%arg0: i32) -> (i32, i32) {
    %c0_i32 = arith.constant 0 : i32
    %c0_i32_0 = arith.constant 0 : i32
    %c0_i32_1 = arith.constant 0 : i32
    return %c0_i32, %c0_i32_0 : i32, i32
  }
  func.func @transform_5(%arg0: i32) -> i32 {
    %c0_i32 = arith.constant 0 : i32
    %c0_i32_0 = arith.constant 0 : i32
    return %c0_i32 : i32
  }
  func.func @transform_6(%arg0: i32) -> (i32, i32) {
    %c0_i32 = arith.constant 0 : i32
    %c0_i32_0 = arith.constant 0 : i32
    return %arg0, %c0_i32 : i32, i32
  }
  func.func @transform_7(%arg0: i32) -> (i32, i32) {
    %c0_i32 = arith.constant 0 : i32
    %c0_i32_0 = arith.constant 0 : i32
    return %c0_i32, %arg0 : i32, i32
  }
}

</mosaic_0001>

<sc_bundles>
// kernel: kernel.12.cloned.1.call-start
scs
__scs_entry_jumppad:
0x0: {  	(pc) =	sbr.rel $0x88, $3  }
0x1: {  	(tag) =	ssettag $0x0;
	lr =	simm.s32 $0x1  }
0x2: {  	[smem:$0x3F97] =	sst lr;
	_ =	strace $0xD0000000  }
0x3: {  	_ = 	snop  }
0x4: {  	_ = 	snop  }
0x5: {  	_ = 	snop  }
0x6: {  	_ = 	snop  }
0x7: {  	_ = 	snop  }
__scs_overlays_trampoline_lowered:
0x8: {  	[smem:$0x3FA6] =	sst s0  }
0x9: {  	[smem:$0x3FA7] =	sst s1  }
0xa: {  	[smem:$0x3FA8] =	sst s2  }
0xb: {  	[smem:$0x3FA9] =	sst s3  }
0xc: {  	[smem:$0x3FAA] =	sst s4  }
0xd: {  	[smem:$0x3FAB] =	sst s5  }
0xe: {  	[smem:$0x3FAC] =	sst s6  }
0xf: {  	[smem:$0x3FAD] =	sst s7  }
0x10: {  	[smem:$0x3FAE] =	sst s8  }
0x11: {  	[smem:$0x3FAF] =	sst s9;
	s0 =	simm.s32 @!p0 $0x0  }
0x12: {  	s1 =	sld [smem:$0x3F95];
	s0 =	simm.s32 @p0 $0x1  }
0x13: {  	[smem:$0x3FB0] =	sst s0;
	s0 =	simm.s32 @!p1 $0x0  }
0x14: {  	s2 =	sld [smem:$0x3F94];
	s0 =	simm.s32 @p1 $0x1  }
0x15: {  	[smem:$0x3FB1] =	sst s0;
	s0 =	simm.s32 @!p2 $0x0  }
0x16: {  	s3 =	sld [smem:$0x3FDB];
	s0 =	simm.s32 @p2 $0x1  }
0x17: {  	s4 =	simm.s32 $0x1BF5;
	[smem:$0x3FB3] =	sst s0  }
0x18: {  	s0 =	sld [smem:$0x3F96];
	_ =	swait.ge [sflag:s4], $0x0  }
0x19: {  	s7 =	sld [smem:$0x3F97]  }
0x1a: {  	s8 =	sadd.s32 $0xFFFFE003, lr  }
0x1b: {  	s9 =	sadd.s32 $0xFFFFFEF7, lr;
	s5 =	simm.s32 $0xFFFFFFFF;
	p2 =	slt.u32 s8, $0xFFFFF086  }
0x1c: {  	p1 =	slt.u32 s9, $0xF7A;
	s5 =	simm.s32 @!p2 $0x0  }
0x1d: {  	s5 =	simm.s32 @p1 $0x1;
	p0 =	seq.s32 s7, s2  }
0x1e: {  	s7 =	smul.u32 @!p0 $0xF7A, s2;
	p2 =	seq.s32 @!p0 s5, $0x0  }
0x1f: {  	s9 =	smul.u32 $0xF7A, s1;
	s8 =	simm.s32 @!p0 $0x1BF5;
	p2 =	por !p2, p0  }
0x20: {  	[sflag:s8] =	ssyncset.s32 @!p0 $0xFFFFF086;
	s6 =	sadd.s32 @!p0 s3, s7;
	s7 =	simm.s32 @!p0 $0x108  }
0x21: {  	s3 =	sadd.s32 s3, s9;
	s6 =	sadd.s32 @!p0 $0x88, s6;
	s7 =	simm.s32 @p2 $0x1082  }
0x22: {  	[simem:s7], [sflag:s8] =	dma.local @!p0 [hbm:s6], $0xF7A  }
0x23: {  	s9 =	sor.u32 $0xD0000000, s2;
	s6 =	simm.s32 $0x108;
	_ =	swait.ge @!p0 [sflag:s8], $0x0  }
0x24: {  	s3 =	sadd.s32 $0x88, s3;
	s6 =	simm.s32 @!p1 $0x1082;
	[sflag:s4] =	ssyncset.s32 $0xFFFFF086  }
0x25: {  	[simem:s6], [sflag:s4] =	dma.local [hbm:s3], $0xF7A  }
0x26: {  	[smem:$0x3F97] =	sst s1;
	(tag) =	ssettag s2;
	_ =	strace s9  }
0x27: {  	s1 =	sld [smem:$0x3FA7]  }
0x28: {  	s2 =	sld [smem:$0x3FA8]  }
0x29: {  	s4 =	sld [smem:$0x3FAA]  }
0x2a: {  	p0 =	seq.s32 s5, $0x0;
	s5 =	sld [smem:$0x3FAB]  }
0x2b: {  	s6 =	sld [smem:$0x3FAC]  }
0x2c: {  	s7 =	sld [smem:$0x3FAD]  }
0x2d: {  	s3 =	simm.s32 $0x108;
	s8 =	sld [smem:$0x3FAE]  }
0x2e: {  	s3 =	simm.s32 @!p0 $0x1082;
	s9 =	sld [smem:$0x3FAF]  }
0x2f: {  	lr =	sadd.s32 s0, s3;
	s0 =	sld [smem:$0x3FA6]  }
0x30: {  	s3 =	sld [smem:$0x3FA9]  }
0x31: {  	[smem:$0x3FB2] =	sst s10  }
0x32: {  	s10 =	sld [smem:$0x3FB0];
	_ =	sdelay $0x3  }
0x33: {  	p0 =	seq.s32 s10, $0x1;
	s10 =	sld [smem:$0x3FB2];
	_ =	sdelay $0x3  }
0x34: {  	[smem:$0x3FB2] =	sst s10  }
0x35: {  	s10 =	sld [smem:$0x3FB1];
	_ =	sdelay $0x3  }
0x36: {  	p1 =	seq.s32 s10, $0x1;
	s10 =	sld [smem:$0x3FB2];
	_ =	sdelay $0x3  }
0x37: {  	[smem:$0x3FB2] =	sst s10  }
0x38: {  	s10 =	sld [smem:$0x3FB3]  }
0x39: {  	_ = 	snop;
	(pc) =	sbr.ind lr, $3  }
0x3a: {  	_ = 	snop  }
0x3b: {  	_ = 	snop  }
0x3c: {  	p2 =	seq.s32 s10, $0x1;
	s10 =	sld [smem:$0x3FB2]  }
0x3d: {  	_ =	shalt  }
0x3e: {  	_ =	shalt  }
0x3f: {  	_ =	shalt  }
0x40: {  	_ =	shalt  }
0x41: {  	_ =	shalt  }
0x42: {  	_ =	shalt  }
0x43: {  	_ =	shalt  }
0x44: {  	_ =	shalt  }
0x45: {  	_ =	shalt  }
0x46: {  	_ =	shalt  }
0x47: {  	_ =	shalt  }
0x48: {  	_ =	shalt  }
0x49: {  	_ =	shalt  }
0x4a: {  	_ =	shalt  }
0x4b: {  	_ =	shalt  }
0x4c: {  	_ =	shalt  }
0x4d: {  	_ =	shalt  }
0x4e: {  	_ =	shalt  }
0x4f: {  	_ =	shalt  }
0x50: {  	_ =	shalt  }
0x51: {  	_ =	shalt  }
0x52: {  	_ =	shalt  }
0x53: {  	_ =	shalt  }
0x54: {  	_ =	shalt  }
0x55: {  	_ =	shalt  }
0x56: {  	_ =	shalt  }
0x57: {  	_ =	shalt  }
0x58: {  	_ =	shalt  }
0x59: {  	_ =	shalt  }
0x5a: {  	_ =	shalt  }
0x5b: {  	_ =	shalt  }
0x5c: {  	_ =	shalt  }
0x5d: {  	_ =	shalt  }
0x5e: {  	_ =	shalt  }
0x5f: {  	_ =	shalt  }
0x60: {  	_ =	shalt  }
0x61: {  	_ =	shalt  }
0x62: {  	_ =	shalt  }
0x63: {  	_ =	shalt  }
0x64: {  	_ =	shalt  }
0x65: {  	_ =	shalt  }
0x66: {  	_ =	shalt  }
0x67: {  	_ =	shalt  }
0x68: {  	_ =	shalt  }
0x69: {  	_ =	shalt  }
0x6a: {  	_ =	shalt  }
0x6b: {  	_ =	shalt  }
0x6c: {  	_ =	shalt  }
0x6d: {  	_ =	shalt  }
0x6e: {  	_ =	shalt  }
0x6f: {  	_ =	shalt  }
0x70: {  	_ =	shalt  }
0x71: {  	_ =	shalt  }
0x72: {  	_ =	shalt  }
0x73: {  	_ =	shalt  }
0x74: {  	_ =	shalt  }
0x75: {  	_ =	shalt  }
0x76: {  	_ =	shalt  }
0x77: {  	_ =	shalt  }
0x78: {  	_ =	shalt  }
0x79: {  	_ =	shalt  }
0x7a: {  	_ =	shalt  }
0x7b: {  	_ =	shalt  }
0x7c: {  	_ =	shalt  }
0x7d: {  	_ =	shalt  }
0x7e: {  	_ =	shalt  }
0x7f: {  	_ =	shalt  }
0x80: {  	_ =	shalt  }
0x81: {  	_ =	shalt  }
0x82: {  	_ =	shalt  }
0x83: {  	_ =	shalt  }
0x84: {  	_ =	shalt  }
0x85: {  	_ =	shalt  }
0x86: {  	_ =	shalt  }
0x87: {  	_ =	shalt  }
.Lfunc_end0:
.L_simem_size_0:
called_computation.1_lowered:
.L_overlay_start_0:
0x88: {  	s2 =	sld [smem:$0x3FD9]  }
0x89: {  	s3 =	sld [smem:$0x3FFE];
	_ =	sdelay $0x1  }
0x8a: {  	s1 =	srdreg.scid  }
0x8b: {  	s0 =	sand.u32 $0x1, s1  }
0x8c: {  	s17 =	sshll.u32 s0, $0xA;
	s2 =	sadd.s32 s3, s2  }
0x8d: {  	s2 =	sadd.s32 s2, s17  }
0x8e: {  	[smem:$0x3FBE] =	sst s2  }
0x8f: {  	_ = 	snop  }
0x90: {  	s2 =	sld [smem:$0x3FD0];
	(tm) =	ssettm $0x1  }
0x91: {  	s18 =	sld [smem:$0x3FFB];
	_ =	sdelay $0x3  }
0x92: {  	_ =	strace s18  }
0x93: {  	s3 =	sld [smem:$0x3FFC];
	_ =	sdelay $0x3  }
0x94: {  	_ =	strace s3  }
0x95: {  	s3 =	sld [smem:$0x3FFD];
	_ =	sdelay $0x3  }
0x96: {  	_ =	strace s3  }
0x97: {  	_ =	strace $0x8FFFFFFF  }
0x98: {  	s19 =	sld [smem:$0x3FDB];
	_ =	sdelay $0x1  }
0x99: {  	s4 =	simm.s32 $_scs_section_size  }
0x9a: {  	s5 =	simm.s32 $_size__tile_overlayer_lowered;
	s6 =	simm.s32 $_tile_overlayer_lowered  }
0x9b: {  	s22 =	simm.s32 $0x1BFF;
	s21 =	sshll.u32 s6, $0x1;
	s3 =	sadd.s32 s4, s19  }
0x9c: {  	s7 =	simm.s32 $0x0;
	s20 =	sshll.u32 s5, $0x1;
	s5 =	sadd.s32 s21, s3  }
0x9d: {  	[timem:s7], [sflag:s22] =	dma.local [hbm:s5], s20  }
0x9e: {  	_ =	swait.ge [sflag:s22], s20  }
0x9f: {  	s4 =	ssub.s32 $0x0, s20;
	[sflag:s22] =	ssyncset.done $0x0  }
0xa0: {  	[sflag:s22] =	ssyncadd.s32 s4;
	_ =	sdelay $0x1  }
0xa1: {  	s23 =	simm.s32 $0x1B8B  }
0xa2: {  	_ =	swait.ge [sflag:s23], $0x1  }
0xa3: {  	[sflag:s23] =	ssyncset.done $0x0  }
0xa4: {  	s25 =	simm.s32 $0x1B8E;
	s24 =	sld [smem:$0x3FFE];
	[sflag:s23] =	ssyncadd.s32 $0xFFFFFFFF  }
0xa5: {  	s26 =	simm.s32 $execute0_lowered;
	[smem:$0x3FD2] =	sst s25  }
0xa6: {  	s5 =	sshll.u32 s26, $0x1;
	_ =	strace $0x80000049;
	[dreg:$0x1] =	wrdreg $0xFFFFFFFF  }
0xa7: {  	s28 =	simm.s32 $_size_execute0_lowered;
	s3 =	sadd.s32 s3, s5;
	[dreg:$0x0] =	wrdreg $0x0  }
0xa8: {  	s5 =	sshll.u32 s28, $0x1;
	[dreg:$0x2] =	wrdreg s3  }
0xa9: {  	[dreg:$0x3] =	wrdreg s5  }
0xaa: {  	[dreg:$0x4] =	wrdreg $0xC0  }
0xab: {  	_ =	task [dreg:s7], $0x5FFFF  }
0xac: {  	[dreg:$0x1] =	wrdreg $0xFFFFFFFF  }
0xad: {  	[dreg:$0x0] =	wrdreg $0x60  }
0xae: {  	[dreg:$0x2] =	wrdreg s24  }
0xaf: {  	[dreg:$0x3] =	wrdreg s2  }
0xb0: {  	[dreg:$0x4] =	wrdreg $0xB3800  }
0xb1: {  	[dreg:$0x5] =	wrdreg $0x9  }
0xb2: {  	_ =	task.clear_ibuf [dreg:s7], $0x6FFFF;
	_ =	strace $0x90000049  }
0xb3: {  	s29 =	simm.s32 $0x9;
	_ =	strace $0x8000004B  }
0xb4: {  	_ =	swait.ge [sflag:s29], $0x1  }
0xb5: {  	[sflag:s29] =	ssyncadd.s32 $0xFFFFFFFF  }
0xb6: {  	_ =	strace $0x9000004B  }
0xb7: {  	_ =	sfence  }
0xb8: {  	s30 =	sld [smem:$0x0];
	_ =	sdelay $0x2  }
0xb9: {  	s31 =	sshll.u32 s1, $0xD;
	s1 =	sshrl.u32 s1, $0x2  }
0xba: {  	s3 =	sand.u32 $0x4000, s31;
	s1 =	sadd.s32 s1, s30  }
0xbb: {  	s0 =	sor.u32 s3, s0;
	s1 =	sshll.u32 s1, $0x11  }
0xbc: {  	s0 =	sor.u32 s1, s0  }
0xbd: {  	s0 =	sadd.s32 $0x8F2B, s0  }
0xbe: {  	[sflag:s0] =	ssyncadd.remote.s32 $0x1  }
0xbf: {  	_ =	sfence.sel $0xFFFF  }
0xc0: {  	[dreg:$0x0] =	wrdreg $0xFFFFFFFF;
	(pc) =	sbr.abs _section_cstart, $3  }
0xc1: {  	[dreg:$0x1] =	wrdreg $0xFFFFFFFF  }
0xc2: {  	_ =	task.clear_ibuf [dreg:s7], $0x2FFFF;
	_ =	strace $0x9FFFFFFF  }
0xc3: {  	(tm) =	ssettm $0x7FFFFFFF  }
tec
execute0_lowered:
.L_overlay_start_1:
0x0: {  	(tag) =	ssettag $0x1  }
0x1: {  	s0 =	rddreg [dreg:$0x0]  }
0x2: {  	s1 =	rddreg [dreg:$0x1]  }
0x3: {  	s2 =	rddreg [dreg:$0x2]  }
0x4: {  	s3 =	simm.s32 $0x0;
	s21 =	srdreg.scid;
	s11 =	stileid.u32  }
0x5: {  	s31 =	simm.s32 $0x6380;
	[smem:$0x7FF] =	sst s3;
	s5 =	sadd.s32 $0x1C000, s0  }
0x6: {  	s4 =	sadd.s32 $0x1BA00, s0;
	s6 =	sadd.s32 $0x1B400, s0;
	s22 =	smul.u32 $0x50000, s11  }
0x7: {  	s8 =	sadd.s32 $0xD400, s0;
	s0 =	sadd.s32 $0x44000, s0;
	s10 =	smul.u32 $0x14000, s11  }
0x8: {  	_ =	strace $0x8000004A;
	[dreg:$0x4] =	wrdreg s4;
	s4 =	sand.u32 $0x1, s21  }
0x9: {  	s11 =	sshll.u32 s11, $0x1;
	[dreg:$0x5] =	wrdreg s6;
	s7 =	ssub.s32 $0x2, s4  }
0xa: {  	s6 =	sshrl.u32 s22, $0x2;
	s23 =	sor.u32 s4, s11;
	s16 =	sadd.s32 $0x4000, s10  }
0xb: {  	s17 =	sadd.s32 $0x8000, s10;
	s25 =	sadd.s32 $0xC000, s10;
	s4 =	smul.u32 $0x140000, s4  }
0xc: {  	s18 =	sadd.s32 $0x10000, s10;
	s9 =	sshrl.u32 s7, $0x1;
	s26 =	sadd.s32 s16, s2  }
0xd: {  	s12 =	smul.u32 $0x3800, s23;
	s28 =	sadd.s32 s17, s2;
	s29 =	sadd.s32 s25, s2  }
0xe: {  	s30 =	sadd.s32 s18, s2;
	s7 =	ssub.s32 s7, s9;
	s9 =	sadd.s32 s6, s2  }
0xf: {  	s10 =	sadd.s32 s10, s4;
	s16 =	sadd.s32 s4, s16;
	s17 =	sadd.s32 s4, s17  }
0x10: {  	s6 =	sadd.s32 s4, s25;
	s4 =	sadd.s32 s4, s18;
	s18 =	simm.s32 $0x3380  }
0x11: {  	s24 =	sadd.s32 $0x2000, s9;
	s19 =	sshrl.u32 s12, $0x3;
	s10 =	sshrl.u32 s10, $0x3  }
0x12: {  	s16 =	sshrl.u32 s16, $0x3;
	s17 =	sshrl.u32 s17, $0x3;
	[dreg:$0x7] =	wrdreg s9  }
0x13: {  	s6 =	sshrl.u32 s6, $0x3;
	s21 =	smax.u32 s7, $0x1;
	[dreg:$0x6] =	wrdreg s24  }
0x14: {  	s4 =	sshrl.u32 s4, $0x3;
	s22 =	sadd.s32 $0x6000, s9;
	[dreg:$0x11] =	wrdreg s21  }
0x15: {  	s23 =	sadd.s32 $0xA000, s9;
	s25 =	sadd.s32 $0x12000, s9;
	[dreg:$0x12] =	wrdreg s22  }
0x16: {  	s7 =	simm.s32 $0x80;
	s13 =	sadd.s32 s8, s19;
	[dreg:$0x13] =	wrdreg s23  }
0x17: {  	s14 =	sadd.s32 s1, s19;
	s15 =	sor.u32 $0x10, s19;
	[dreg:$0x15] =	wrdreg s25  }
0x18: {  	s10 =	sadd.s32 s0, s10;
	s6 =	sadd.s32 s0, s6;
	[dreg:$0x8] =	wrdreg s13  }
0x19: {  	s24 =	sadd.s32 $0xE000, s9;
	s21 =	simm.s32 $0x200;
	[dreg:$0x9] =	wrdreg s14  }
0x1a: {  	s22 =	simm.s32 $0x280;
	[dreg:$0xa] =	wrdreg s10;
	s10 =	sadd.s32 s0, s16  }
0x1b: {  	[dreg:$0xd] =	wrdreg s6;
	s19 =	sadd.s32 s8, s15;
	s20 =	sadd.s32 s1, s15  }
0x1c: {  	[dreg:$0x14] =	wrdreg s24;
	s6 =	simm.s32 $0x380;
	s16 =	simm.s32 $0x1  }
.Ltmp0:
0x1d: {  	s24 =	simm.s32 $0x0;
	[dreg:$0xb] =	wrdreg s10;
	(pc) =	sbr.rel .LBB2_1-.Ltmp0, $4  }
0x1e: {  	s10 =	sadd.s32 s0, s17;
	s0 =	sadd.s32 s0, s4;
	[dreg:$0xf] =	wrdreg s19  }
0x1f: {  	[dreg:$0x10] =	wrdreg s20;
	s4 =	simm.s32 $0x8B80;
	s17 =	simm.s32 $0x60  }
0x20: {  	s19 =	simm.s32 $0x2;
	s20 =	simm.s32 $0x300;
	[dreg:$0xc] =	wrdreg s10  }
0x21: {  	v0 =	vimm.f32 $0.0e+00;
	[dreg:$0xe] =	wrdreg s0;
	s0 =	simm.s32 $0x4;
	s10 =	simm.s32 $0x180  }
.LBB2_10:
0x22: {  	s11 =	simm.s32 $0x3  }
0x23: {  	_ =	swait.ge [sflag:s11], $0x3000  }
0x24: {  	[sflag:s11] =	ssyncset.done $0x0  }
0x25: {  	[sflag:s11] =	ssyncadd.s32 $0xFFFFD000  }
0x26: {  	s26 =	stileid.u32;
	[bflag:$0x0] =	sbarrier.arrive $0xFFFF  }
0x27: {  	s11 =	sshll.u32 s26, $0x6;
	s23 =	rddreg [dreg:$0x7]  }
0x28: {  	s11 =	sor.u32 $0x1C04, s11;
	s25 =	rddreg [dreg:$0xa];
	s23 =	sshrl.u32 s23, $0x3  }
0x29: {  	[hbm:s25], [sflag:s11] =	dma.local [spmem:s23], $0x800  }
0x2a: {  	_ =	swait.ge [sflag:s0], $0x800  }
0x2b: {  	s26 =	smov.u32 s13;
	[sflag:s0] =	ssyncset.done $0x0  }
0x2c: {  	s13 =	sshrl.u32 s13, $0x3;
	s25 =	rddreg [dreg:$0xb];
	[sflag:s0] =	ssyncadd.s32 $0xFFFFF800  }
0x2d: {  	[hbm:s25], [sflag:s11] =	dma.local [spmem:s13], $0x800  }
0x2e: {  	_ =	swait.ge [sflag:s0], $0x800  }
0x2f: {  	s28 =	smov.u32 s14;
	[sflag:s0] =	ssyncset.done $0x0  }
0x30: {  	s13 =	sshrl.u32 s14, $0x3;
	s14 =	rddreg [dreg:$0xc];
	[sflag:s0] =	ssyncadd.s32 $0xFFFFF800  }
0x31: {  	[hbm:s14], [sflag:s11] =	dma.local [spmem:s13], $0x800  }
0x32: {  	_ =	swait.ge [sflag:s0], $0x800  }
0x33: {  	s29 =	smov.u32 s15;
	[sflag:s0] =	ssyncset.done $0x0  }
0x34: {  	s15 =	sshrl.u32 s15, $0x3;
	s25 =	rddreg [dreg:$0xd];
	[sflag:s0] =	ssyncadd.s32 $0xFFFFF800  }
0x35: {  	[hbm:s25], [sflag:s11] =	dma.local [spmem:s15], $0x800  }
0x36: {  	_ =	swait.ge [sflag:s0], $0x800  }
0x37: {  	[sflag:s0] =	ssyncset.done $0x0  }
0x38: {  	s14 =	sshrl.u32 s9, $0x3;
	s15 =	rddreg [dreg:$0xe];
	[sflag:s0] =	ssyncadd.s32 $0xFFFFF800  }
0x39: {  	[hbm:s15], [sflag:s11] =	dma.local [spmem:s14], $0x800  }
0x3a: {  	_ =	swait.ge [sflag:s0], $0x800  }
0x3b: {  	s24 =	sadd.s32 $0x1, s24;
	s25 =	rddreg [dreg:$0x11]  }
0x3c: {  	p0 =	sne.s32 s24, s25  }
.Ltmp1:
0x3d: {  	_ = 	snop;
	(pc) =	sbr.rel @!p0 .LBB2_11-.Ltmp1, $3  }
0x3e: {  	_ =	sdelay $0x1  }
0x3f: {  	[sflag:s0] =	ssyncset.done $0x0  }
0x40: {  	s30 =	smov.u32 s9;
	[sflag:s0] =	ssyncadd.s32 $0xFFFFF800  }
.LBB2_1:
0x41: {  	s11 =	rddreg [dreg:$0x4]  }
0x42: {  	[tilespmem:s31], [sflag:$0x4] =	stream.linear.gather [hbm4b:s11+s3], $0x2800, $0x38;
	[tilespmem:$0x1F380] =	vst v63  }
0x43: {  	_ =	swait.ge [sflag:s0], $0x2800  }
0x44: {  	[sflag:s0] =	ssyncset.done $0x0  }
0x45: {  	s25 =	rddreg [dreg:$0x5];
	[sflag:s0] =	ssyncadd.s32 $0xFFFFD800  }
0x46: {  	[tilespmem:s4], [sflag:$0x4] =	stream.linear.gather [hbm4b:s25+s3], $0x2800, $0x38;
	[tilespmem:$0x1F380] =	vst v63  }
0x47: {  	_ =	swait.ge [sflag:s0], $0x2800  }
0x48: {  	[sflag:s0] =	ssyncset.done $0x0  }
0x49: {  	s23 =	simm.s32 $0x0;
	s25 =	simm.s32 $0x200;
	[sflag:s0] =	ssyncadd.s32 $0xFFFFD800  }
.LBB2_2:
0x4a: {  	p0 =	sne.s32 s25, $0x7E00;
	[tilespmem:s23+$0x3F0] =	vst v0  }
0x4b: {  	[tilespmem:s23+$0x380] =	vst v0  }
0x4c: {  	[tilespmem:s23+$0x390] =	vst v0  }
.Ltmp2:
0x4d: {  	[tilespmem:s23+$0x3A0] =	vst v0;
	(pc) =	sbr.rel @p0 .LBB2_2-.Ltmp2, $4  }
0x4e: {  	[tilespmem:s23+$0x3B0] =	vst v0  }
0x4f: {  	[tilespmem:s23+$0x3C0] =	vst v0  }
0x50: {  	[tilespmem:s23+$0x3D0] =	vst v0  }
0x51: {  	[tilespmem:s23+$0x3E0] =	vst v0;
	s23 =	sshra.s32 s25, $0x2;
	s25 =	sadd.s32 $0x200, s25  }
0x52: {  	[tilespmem:s23+$0x3F0] =	vst v0  }
0x53: {  	[tilespmem:s23+$0x380] =	vst v0  }
0x54: {  	[tilespmem:s23+$0x390] =	vst v0  }
0x55: {  	[tilespmem:s23+$0x3A0] =	vst v0  }
0x56: {  	[tilespmem:s23+$0x3B0] =	vst v0  }
0x57: {  	[tilespmem:s23+$0x3C0] =	vst v0  }
0x58: {  	[tilespmem:s23+$0x3D0] =	vst v0  }
0x59: {  	[tilespmem:s23+$0x3E0] =	vst v0;
	s9 =	rddreg [dreg:$0x7]  }
0x5a: {  	[spmem:s9] =	stream.linear.scatter [tilespmem:s6], [sflag:$0x4], $0x2000, $0x38;
	[tilespmem:$0x1F380] =	vst v63  }
0x5b: {  	_ =	swait.ge [sflag:s0], $0x2000  }
0x5c: {  	[sflag:s0] =	ssyncset.done $0x0  }
0x5d: {  	s11 =	rddreg [dreg:$0x6];
	[sflag:s0] =	ssyncadd.s32 $0xFFFFE000  }
0x5e: {  	[spmem:s11] =	stream.linear.scatter [tilespmem:s6], [sflag:$0x4], $0x2000, $0x38;
	[tilespmem:$0x1F380] =	vst v63  }
0x5f: {  	_ =	swait.ge [sflag:s0], $0x2000  }
0x60: {  	[sflag:s0] =	ssyncset.done $0x0  }
0x61: {  	[sflag:s0] =	ssyncadd.s32 $0xFFFFE000  }
0x62: {  	[spmem:s26] =	stream.linear.scatter [tilespmem:s6], [sflag:$0x4], $0x2000, $0x38;
	[tilespmem:$0x1F380] =	vst v63  }
0x63: {  	_ =	swait.ge [sflag:s0], $0x2000  }
0x64: {  	[sflag:s0] =	ssyncset.done $0x0  }
0x65: {  	s13 =	smov.u32 s26;
	s26 =	rddreg [dreg:$0x12];
	[sflag:s0] =	ssyncadd.s32 $0xFFFFE000  }
0x66: {  	[spmem:s26] =	stream.linear.scatter [tilespmem:s6], [sflag:$0x4], $0x2000, $0x38;
	[tilespmem:$0x1F380] =	vst v63  }
0x67: {  	_ =	swait.ge [sflag:s0], $0x2000  }
0x68: {  	[sflag:s0] =	ssyncset.done $0x0  }
0x69: {  	[sflag:s0] =	ssyncadd.s32 $0xFFFFE000  }
0x6a: {  	[spmem:s28] =	stream.linear.scatter [tilespmem:s6], [sflag:$0x4], $0x2000, $0x38;
	[tilespmem:$0x1F380] =	vst v63  }
0x6b: {  	_ =	swait.ge [sflag:s0], $0x2000  }
0x6c: {  	[sflag:s0] =	ssyncset.done $0x0  }
0x6d: {  	s14 =	smov.u32 s28;
	s28 =	rddreg [dreg:$0x13];
	[sflag:s0] =	ssyncadd.s32 $0xFFFFE000  }
0x6e: {  	[spmem:s28] =	stream.linear.scatter [tilespmem:s6], [sflag:$0x4], $0x2000, $0x38;
	[tilespmem:$0x1F380] =	vst v63  }
0x6f: {  	_ =	swait.ge [sflag:s0], $0x2000  }
0x70: {  	[sflag:s0] =	ssyncset.done $0x0  }
0x71: {  	[sflag:s0] =	ssyncadd.s32 $0xFFFFE000  }
0x72: {  	[spmem:s29] =	stream.linear.scatter [tilespmem:s6], [sflag:$0x4], $0x2000, $0x38;
	[tilespmem:$0x1F380] =	vst v63  }
0x73: {  	_ =	swait.ge [sflag:s0], $0x2000  }
0x74: {  	[sflag:s0] =	ssyncset.done $0x0  }
0x75: {  	s15 =	smov.u32 s29;
	s29 =	rddreg [dreg:$0x14];
	[sflag:s0] =	ssyncadd.s32 $0xFFFFE000  }
0x76: {  	[spmem:s29] =	stream.linear.scatter [tilespmem:s6], [sflag:$0x4], $0x2000, $0x38;
	[tilespmem:$0x1F380] =	vst v63  }
0x77: {  	_ =	swait.ge [sflag:s0], $0x2000  }
0x78: {  	[sflag:s0] =	ssyncset.done $0x0  }
0x79: {  	[sflag:s0] =	ssyncadd.s32 $0xFFFFE000  }
0x7a: {  	[spmem:s30] =	stream.linear.scatter [tilespmem:s6], [sflag:$0x4], $0x2000, $0x38;
	[tilespmem:$0x1F380] =	vst v63  }
0x7b: {  	_ =	swait.ge [sflag:s0], $0x2000  }
0x7c: {  	[sflag:s0] =	ssyncset.done $0x0  }
0x7d: {  	s9 =	smov.u32 s30;
	s30 =	rddreg [dreg:$0x15];
	[sflag:s0] =	ssyncadd.s32 $0xFFFFE000  }
0x7e: {  	[spmem:s30] =	stream.linear.scatter [tilespmem:s6], [sflag:$0x4], $0x2000, $0x38;
	[tilespmem:$0x1F380] =	vst v63  }
0x7f: {  	_ =	swait.ge [sflag:s0], $0x2000  }
0x80: {  	[sflag:s0] =	ssyncset.done $0x0  }
0x81: {  	[sflag:s0] =	ssyncadd.s32 $0xFFFFE000  }
0x82: {  	[bflag:$0x0] =	sbarrier.arrive $0xFFFF  }
0x83: {  	s25 =	simm.s32 $0x0;
	s23 =	rddreg [dreg:$0x8]  }
0x84: {  	[tilespmem:s25], [sflag:$0x1] =	stream.linear.gather [hbm4b:s23+s25], $0x80, $0x38;
	[tilespmem:$0x1F380] =	vst v63  }
0x85: {  	s28 =	simm.s32 $0x100;
	s26 =	rddreg [dreg:$0x9]  }
0x86: {  	[tilespmem:s28], [sflag:$0x1] =	stream.linear.gather [hbm4b:s26+s25], $0x80, $0x38;
	[tilespmem:$0x1F380] =	vst v63  }
0x87: {  	s29 =	rddreg [dreg:$0xf]  }
0x88: {  	[tilespmem:s7], [sflag:$0x1] =	stream.linear.gather [hbm4b:s29+s25], $0x80, $0x38;
	[tilespmem:$0x1F380] =	vst v63  }
0x89: {  	s30 =	rddreg [dreg:$0x10]  }
0x8a: {  	[tilespmem:s10], [sflag:$0x1] =	stream.linear.gather [hbm4b:s30+s25], $0x80, $0x38;
	[tilespmem:$0x1F380] =	vst v63  }
0x8b: {  	_ =	swait.ge [sflag:s16], $0x80  }
0x8c: {  	[sflag:s16] =	ssyncset.done $0x0  }
0x8d: {  	[sflag:s16] =	ssyncadd.s32 $0xFFFFFF80  }
0x8e: {  	_ =	swait.ge [sflag:s16], $0x80  }
0x8f: {  	[sflag:s16] =	ssyncset.done $0x0  }
0x90: {  	s26 =	simm.s32 $0x0;
	[sflag:s16] =	ssyncadd.s32 $0xFFFFFF80  }
0x91: {  	[tilespmem:s6], [sflag:$0x2] =	stream.indirect.gather [hbm4b:s5+s17], $0x80, s25, s17, $0xb8;
	[tilespmem:$0x1F380] =	vst v63  }
.LBB2_4:
0x92: {  	p0 =	seq.s32 s26, $0x0  }
0x93: {  	s23 =	simm.s32 @!p0 $0x3  }
0x94: {  	_ =	swait.ge @!p0 [sflag:s23], $0x3000  }
0x95: {  	[sflag:s23] =	ssyncset.done @!p0 $0x0  }
0x96: {  	[sflag:s23] =	ssyncadd.s32 @!p0 $0xFFFFD000  }
0x97: {  	_ =	swait.ge [sflag:s16], $0x80  }
0x98: {  	[sflag:s16] =	ssyncset.done $0x0  }
0x99: {  	[sflag:s16] =	ssyncadd.s32 $0xFFFFFF80  }
0x9a: {  	_ =	swait.ge [sflag:s16], $0x80  }
0x9b: {  	[sflag:s16] =	ssyncset.done $0x0  }
0x9c: {  	[sflag:s16] =	ssyncadd.s32 $0xFFFFFF80  }
0x9d: {  	[tilespmem:s18], [sflag:$0x2] =	stream.indirect.gather [hbm4b:s5+s17], $0x80, s7, s17, $0xb8;
	[tilespmem:$0x1F380] =	vst v63  }
0x9e: {  	_ =	swait.ge [sflag:s19], $0x3000  }
0x9f: {  	[sflag:s19] =	ssyncset.done $0x0  }
0xa0: {  	[sflag:s19] =	ssyncadd.s32 $0xFFFFD000  }
0xa1: {  	v1 =	vld [tilespmem:$0x0]  }
0xa2: {  	v2 =	vld [tilespmem:$0x100];
	_ =	sdelay $0x6  }
0xa3: {  	v1 =	vld.idx.msk [tilespmem:v1+s31+$0x0], $0xffff  }
0xa4: {  	v3 =	vld.idx.msk [tilespmem:v2+s4+$0x0], $0xffff;
	_ =	sdelay $0x4  }
0xa5: {  	v1 =	vadd.f32 v3, v1;
	_ =	sdelay $0x1  }
0xa6: {  	v1 =	vadd.f32 v1, v1;
	_ =	sdelay $0x1  }
0xa7: {  	v1 =	vmul.f32 $1.442695020e+00, v1;
	_ =	sdelay $0x1  }
0xa8: {  	(erf) = vpow2.f32 v1;
	_ =	sdelay $0x8  }
0xa9: {  	v1 =	vpop (erf)  }
0xaa: {  	v1 =	vadd.f32 $1.000000000e+00, v1;
	_ =	sdelay $0x1  }
0xab: {  	(erf) = vrcp.f32 v1;
	_ =	sdelay $0x6  }
0xac: {  	v1 =	vld [tilespmem:$0x10]  }
0xad: {  	v4 =	vld [tilespmem:$0x110]  }
0xae: {  	v3 =	vpop (erf)  }
0xaf: {  	v3 =	vadd.f32 v3, v3;
	_ =	sdelay $0x1  }
0xb0: {  	v3 =	vsub.f32 $1.000000000e+00, v3  }
0xb1: {  	[tilespmem:$0x200] =	vst v2  }
0xb2: {  	[tilespmem:$0x300] =	vst v3  }
0xb3: {  	v1 =	vld.idx.msk [tilespmem:v1+s31+$0x0], $0xffff  }
0xb4: {  	v2 =	vld.idx.msk [tilespmem:v4+s4+$0x0], $0xffff;
	_ =	sdelay $0x4  }
0xb5: {  	v1 =	vadd.f32 v2, v1;
	_ =	sdelay $0x1  }
0xb6: {  	v1 =	vadd.f32 v1, v1;
	_ =	sdelay $0x1  }
0xb7: {  	v1 =	vmul.f32 $1.442695020e+00, v1;
	_ =	sdelay $0x1  }
0xb8: {  	(erf) = vpow2.f32 v1;
	_ =	sdelay $0x8  }
0xb9: {  	v1 =	vpop (erf)  }
0xba: {  	v1 =	vadd.f32 $1.000000000e+00, v1;
	_ =	sdelay $0x1  }
0xbb: {  	(erf) = vrcp.f32 v1;
	_ =	sdelay $0x6  }
0xbc: {  	v1 =	vld [tilespmem:$0x20]  }
0xbd: {  	v3 =	vld [tilespmem:$0x120]  }
0xbe: {  	v2 =	vpop (erf)  }
0xbf: {  	v2 =	vadd.f32 v2, v2;
	_ =	sdelay $0x1  }
0xc0: {  	v2 =	vsub.f32 $1.000000000e+00, v2  }
0xc1: {  	[tilespmem:$0x210] =	vst v4  }
0xc2: {  	[tilespmem:$0x310] =	vst v2  }
0xc3: {  	v1 =	vld.idx.msk [tilespmem:v1+s31+$0x0], $0xffff  }
0xc4: {  	v2 =	vld.idx.msk [tilespmem:v3+s4+$0x0], $0xffff;
	_ =	sdelay $0x4  }
0xc5: {  	v1 =	vadd.f32 v2, v1;
	_ =	sdelay $0x1  }
0xc6: {  	v1 =	vadd.f32 v1, v1;
	_ =	sdelay $0x1  }
0xc7: {  	v1 =	vmul.f32 $1.442695020e+00, v1;
	_ =	sdelay $0x1  }
0xc8: {  	(erf) = vpow2.f32 v1;
	_ =	sdelay $0x8  }
0xc9: {  	v1 =	vpop (erf)  }
0xca: {  	v1 =	vadd.f32 $1.000000000e+00, v1;
	_ =	sdelay $0x1  }
0xcb: {  	(erf) = vrcp.f32 v1;
	_ =	sdelay $0x6  }
0xcc: {  	v1 =	vld [tilespmem:$0x30]  }
0xcd: {  	v4 =	vld [tilespmem:$0x130]  }
0xce: {  	v2 =	vpop (erf)  }
0xcf: {  	v2 =	vadd.f32 v2, v2;
	_ =	sdelay $0x1  }
0xd0: {  	v2 =	vsub.f32 $1.000000000e+00, v2  }
0xd1: {  	[tilespmem:$0x220] =	vst v3  }
0xd2: {  	[tilespmem:$0x320] =	vst v2  }
0xd3: {  	v1 =	vld.idx.msk [tilespmem:v1+s31+$0x0], $0xffff  }
0xd4: {  	v2 =	vld.idx.msk [tilespmem:v4+s4+$0x0], $0xffff;
	_ =	sdelay $0x4  }
0xd5: {  	v1 =	vadd.f32 v2, v1;
	_ =	sdelay $0x1  }
0xd6: {  	v1 =	vadd.f32 v1, v1;
	_ =	sdelay $0x1  }
0xd7: {  	v1 =	vmul.f32 $1.442695020e+00, v1;
	_ =	sdelay $0x1  }
0xd8: {  	(erf) = vpow2.f32 v1;
	_ =	sdelay $0x8  }
0xd9: {  	v1 =	vpop (erf)  }
0xda: {  	v1 =	vadd.f32 $1.000000000e+00, v1;
	_ =	sdelay $0x1  }
0xdb: {  	(erf) = vrcp.f32 v1;
	_ =	sdelay $0x6  }
0xdc: {  	v1 =	vld [tilespmem:$0x40]  }
0xdd: {  	v3 =	vld [tilespmem:$0x140]  }
0xde: {  	v2 =	vpop (erf)  }
0xdf: {  	v2 =	vadd.f32 v2, v2;
	_ =	sdelay $0x1  }
0xe0: {  	v2 =	vsub.f32 $1.000000000e+00, v2  }
0xe1: {  	[tilespmem:$0x230] =	vst v4  }
0xe2: {  	[tilespmem:$0x330] =	vst v2  }
0xe3: {  	v1 =	vld.idx.msk [tilespmem:v1+s31+$0x0], $0xffff  }
0xe4: {  	v2 =	vld.idx.msk [tilespmem:v3+s4+$0x0], $0xffff;
	_ =	sdelay $0x4  }
0xe5: {  	v1 =	vadd.f32 v2, v1;
	_ =	sdelay $0x1  }
0xe6: {  	v1 =	vadd.f32 v1, v1;
	_ =	sdelay $0x1  }
0xe7: {  	v1 =	vmul.f32 $1.442695020e+00, v1;
	_ =	sdelay $0x1  }
0xe8: {  	(erf) = vpow2.f32 v1;
	_ =	sdelay $0x8  }
0xe9: {  	v1 =	vpop (erf)  }
0xea: {  	v1 =	vadd.f32 $1.000000000e+00, v1;
	_ =	sdelay $0x1  }
0xeb: {  	(erf) = vrcp.f32 v1;
	_ =	sdelay $0x6  }
0xec: {  	v1 =	vld [tilespmem:$0x50]  }
0xed: {  	v4 =	vld [tilespmem:$0x150]  }
0xee: {  	v2 =	vpop (erf)  }
0xef: {  	v2 =	vadd.f32 v2, v2;
	_ =	sdelay $0x1  }
0xf0: {  	v2 =	vsub.f32 $1.000000000e+00, v2  }
0xf1: {  	[tilespmem:$0x240] =	vst v3  }
0xf2: {  	[tilespmem:$0x340] =	vst v2  }
0xf3: {  	v1 =	vld.idx.msk [tilespmem:v1+s31+$0x0], $0xffff  }
0xf4: {  	v2 =	vld.idx.msk [tilespmem:v4+s4+$0x0], $0xffff;
	_ =	sdelay $0x4  }
0xf5: {  	v1 =	vadd.f32 v2, v1;
	_ =	sdelay $0x1  }
0xf6: {  	v1 =	vadd.f32 v1, v1;
	_ =	sdelay $0x1  }
0xf7: {  	v1 =	vmul.f32 $1.442695020e+00, v1;
	_ =	sdelay $0x1  }
0xf8: {  	(erf) = vpow2.f32 v1;
	_ =	sdelay $0x8  }
0xf9: {  	v1 =	vpop (erf)  }
0xfa: {  	v1 =	vadd.f32 $1.000000000e+00, v1;
	_ =	sdelay $0x1  }
0xfb: {  	(erf) = vrcp.f32 v1;
	_ =	sdelay $0x8  }
0xfc: {  	v1 =	vpop (erf)  }
0xfd: {  	v1 =	vadd.f32 v1, v1;
	_ =	sdelay $0x1  }
0xfe: {  	v1 =	vsub.f32 $1.000000000e+00, v1;
	_ =	sdelay $0x1  }
0xff: {  	[tilespmem:$0x350] =	vst v1;
	v1 =	vmov s25  }
0x100: {  	s29 =	simm.s32 $0x3C0;
	[tilespmem:$0x250] =	vst v4  }
0x101: {  	v5 =	vld [tilespmem:s29+$0x30]  }
0x102: {  	v8 =	vld [tilespmem:s29+$0x10]  }
0x103: {  	v6 =	vld [tilespmem:s29+$0xFFFFFFC0]  }
0x104: {  	v2 =	vld.idx.msk [tilespmem:v1+s20+$0x0], $0xffff  }
0x105: {  	v10 =	vld [tilespmem:s29+$0xFFFFFFE0]  }
0x106: {  	v3 =	vld [tilespmem:s29+$0x20]  }
0x107: {  	v4 =	vld [tilespmem:s29+$0xFFFFFFD0]  }
0x108: {  	v1 =	vld [tilespmem:s29+$0xFFFFFFF0]  }
0x109: {  	v9 =	vmul.f32 v5, v2;
	v5 =	vld [tilespmem:s29+$0x0]  }
0x10a: {  	v7 =	vmul.f32 v6, v2  }
0x10b: {  	s28 =	sshll.u32 s26, $0x8;
	s30 =	simm.s32 $0x1;
	s23 =	simm.s32 $0x3C0;
	v6 =	vmul.f32 v10, v2;
	v8 =	vmul.f32 v8, v2  }
.LBB2_5:
0x10c: {  	p0 =	sne.s32 s30, $0x5F  }
0x10d: {  	v4 =	vmul.f32 v4, v2;
	v3 =	vmul.f32 v3, v2;
	[tilespmem:s29+$0x30] =	vst v9;
	s23 =	sadd.s32 $0x80, s23;
	s11 =	smov.u32 s30;
	s30 =	sadd.s32 $0x1, s30  }
0x10e: {  	[tilespmem:s29+$0xFFFFFFC0] =	vst v7;
	v7 =	vmul.f32 v1, v2;
	v2 =	vmul.f32 v5, v2  }
0x10f: {  	[tilespmem:s29+$0x10] =	vst v8  }
0x110: {  	v5 =	vmov s11;
	[tilespmem:s29+$0xFFFFFFE0] =	vst v6  }
0x111: {  	v1 =	vld [tilespmem:s23+$0xFFFFFFF0];
	[tilespmem:s29+$0xFFFFFFF0] =	vst v7  }
0x112: {  	v6 =	vld [tilespmem:s23+$0x30];
	[tilespmem:s29+$0x0] =	vst v2  }
0x113: {  	v8 =	vld [tilespmem:s23+$0x10];
	[tilespmem:s29+$0x20] =	vst v3  }
0x114: {  	v7 =	vld [tilespmem:s23+$0xFFFFFFC0];
	[tilespmem:s29+$0xFFFFFFD0] =	vst v4;
	s29 =	smov.u32 s23  }
0x115: {  	v2 =	vld.idx.msk [tilespmem:v5+s20+$0x0], $0xffff  }
0x116: {  	v10 =	vld [tilespmem:s23+$0xFFFFFFE0]  }
0x117: {  	v3 =	vld [tilespmem:s23+$0x20]  }
.Ltmp3:
0x118: {  	v4 =	vld [tilespmem:s23+$0xFFFFFFD0];
	(pc) =	sbr.rel @p0 .LBB2_5-.Ltmp3, $3  }
0x119: {  	v5 =	vld [tilespmem:s23+$0x0];
	_ =	sdelay $0x1  }
0x11a: {  	v7 =	vmul.f32 v7, v2;
	v9 =	vmul.f32 v6, v2  }
0x11b: {  	v8 =	vmul.f32 v8, v2;
	v6 =	vmul.f32 v10, v2  }
0x11c: {  	[tilespmem:s29+$0x30] =	vst v9  }
0x11d: {  	[tilespmem:s29+$0xFFFFFFC0] =	vst v7  }
0x11e: {  	v1 =	vmul.f32 v1, v2;
	[tilespmem:s29+$0x10] =	vst v8  }
0x11f: {  	v3 =	vmul.f32 v3, v2;
	[tilespmem:s29+$0xFFFFFFE0] =	vst v6  }
0x120: {  	p0 =	seq.s32 s26, $0x34;
	v5 =	vmul.f32 v5, v2;
	[tilespmem:s29+$0xFFFFFFF0] =	vst v1  }
0x121: {  	s11 =	sadd.s32 @!p0 $0x100, s28;
	v1 =	vmul.f32 v4, v2;
	[tilespmem:s29+$0x20] =	vst v3  }
0x122: {  	s23 =	sand.u32 @!p0 $0x7C00, s11;
	[tilespmem:s29+$0x0] =	vst v5  }
0x123: {  	s11 =	sand.u32 @!p0 $0x300, s11;
	s23 =	sadd.s32 @!p0 s12, s23;
	[tilespmem:s29+$0xFFFFFFD0] =	vst v1;
	s29 =	simm.s32 @p0 $0x3  }
0x124: {  	[spmem:s2] =	stream.indirect.scatter.add.f32 [tilespmem:s6], [sflag:$0x3], $0x80, s21, s17, $0xb8;
	[tilespmem:$0x1F380] =	vst v63  }
0x125: {  	s11 =	sor.u32 @!p0 s11, s23;
	_ =	swait.ge @p0 [sflag:s29], $0x3000  }
0x126: {  	s11 =	sshrl.u32 @!p0 s11, $0x3;
	[sflag:s29] =	ssyncset.done @p0 $0x0  }
0x127: {  	s23 =	sadd.s32 @!p0 s8, s11;
	[sflag:s29] =	ssyncadd.s32 @p0 $0xFFFFD000;
	s29 =	simm.s32 @!p0 $0x0  }
0x128: {  	[tilespmem:s29], [sflag:$0x1] =	stream.linear.gather @!p0 [hbm4b:s23+s29], $0x80, $0x38;
	[tilespmem:$0x1F380] =	vst v63  }
0x129: {  	s11 =	sadd.s32 @!p0 s1, s11;
	s23 =	simm.s32 @!p0 $0x100  }
0x12a: {  	[tilespmem:s23], [sflag:$0x1] =	stream.linear.gather @!p0 [hbm4b:s11+s29], $0x80, $0x38;
	[tilespmem:$0x1F380] =	vst v63  }
0x12b: {  	s11 =	simm.s32 @!p0 $0x3  }
0x12c: {  	_ =	swait.ge @!p0 [sflag:s11], $0x3000  }
0x12d: {  	[sflag:s11] =	ssyncset.done @!p0 $0x0  }
0x12e: {  	[sflag:s11] =	ssyncadd.s32 @!p0 $0xFFFFD000;
	s11 =	simm.s32 @!p0 $0x1  }
0x12f: {  	_ =	swait.ge @!p0 [sflag:s11], $0x80  }
0x130: {  	[sflag:s11] =	ssyncset.done @!p0 $0x0  }
0x131: {  	[sflag:s11] =	ssyncadd.s32 @!p0 $0xFFFFFF80  }
0x132: {  	_ =	swait.ge @!p0 [sflag:s11], $0x80  }
0x133: {  	[sflag:s11] =	ssyncset.done @!p0 $0x0  }
0x134: {  	s23 =	simm.s32 @!p0 $0x380;
	[sflag:s11] =	ssyncadd.s32 @!p0 $0xFFFFFF80;
	s11 =	simm.s32 @!p0 $0x60  }
0x135: {  	[tilespmem:s23], [sflag:$0x2] =	stream.indirect.gather @!p0 [hbm4b:s5+s11], $0x80, s29, s11, $0xb8;
	[tilespmem:$0x1F380] =	vst v63  }
0x136: {  	_ =	swait.ge [sflag:s19], $0x3000  }
0x137: {  	[sflag:s19] =	ssyncset.done $0x0  }
0x138: {  	[sflag:s19] =	ssyncadd.s32 $0xFFFFD000  }
0x139: {  	v1 =	vld [tilespmem:$0x80]  }
0x13a: {  	v2 =	vld [tilespmem:$0x180];
	_ =	sdelay $0x6  }
0x13b: {  	v1 =	vld.idx.msk [tilespmem:v1+s31+$0x0], $0xffff  }
0x13c: {  	v3 =	vld.idx.msk [tilespmem:v2+s4+$0x0], $0xffff;
	_ =	sdelay $0x4  }
0x13d: {  	v1 =	vadd.f32 v3, v1;
	_ =	sdelay $0x1  }
0x13e: {  	v1 =	vadd.f32 v1, v1;
	_ =	sdelay $0x1  }
0x13f: {  	v1 =	vmul.f32 $1.442695020e+00, v1;
	_ =	sdelay $0x1  }
0x140: {  	(erf) = vpow2.f32 v1;
	_ =	sdelay $0x8  }
0x141: {  	v1 =	vpop (erf)  }
0x142: {  	v1 =	vadd.f32 $1.000000000e+00, v1;
	_ =	sdelay $0x1  }
0x143: {  	(erf) = vrcp.f32 v1;
	_ =	sdelay $0x6  }
0x144: {  	v1 =	vld [tilespmem:$0x90]  }
0x145: {  	v4 =	vld [tilespmem:$0x190]  }
0x146: {  	v3 =	vpop (erf)  }
0x147: {  	v3 =	vadd.f32 v3, v3;
	_ =	sdelay $0x1  }
0x148: {  	v3 =	vsub.f32 $1.000000000e+00, v3  }
0x149: {  	[tilespmem:$0x280] =	vst v2  }
0x14a: {  	[tilespmem:$0x300] =	vst v3  }
0x14b: {  	v1 =	vld.idx.msk [tilespmem:v1+s31+$0x0], $0xffff  }
0x14c: {  	v2 =	vld.idx.msk [tilespmem:v4+s4+$0x0], $0xffff;
	_ =	sdelay $0x4  }
0x14d: {  	v1 =	vadd.f32 v2, v1;
	_ =	sdelay $0x1  }
0x14e: {  	v1 =	vadd.f32 v1, v1;
	_ =	sdelay $0x1  }
0x14f: {  	v1 =	vmul.f32 $1.442695020e+00, v1;
	_ =	sdelay $0x1  }
0x150: {  	(erf) = vpow2.f32 v1;
	_ =	sdelay $0x8  }
0x151: {  	v1 =	vpop (erf)  }
0x152: {  	v1 =	vadd.f32 $1.000000000e+00, v1;
	_ =	sdelay $0x1  }
0x153: {  	(erf) = vrcp.f32 v1;
	_ =	sdelay $0x6  }
0x154: {  	v1 =	vld [tilespmem:$0xA0]  }
0x155: {  	v3 =	vld [tilespmem:$0x1A0]  }
0x156: {  	v2 =	vpop (erf)  }
0x157: {  	v2 =	vadd.f32 v2, v2;
	_ =	sdelay $0x1  }
0x158: {  	v2 =	vsub.f32 $1.000000000e+00, v2  }
0x159: {  	[tilespmem:$0x290] =	vst v4  }
0x15a: {  	[tilespmem:$0x310] =	vst v2  }
0x15b: {  	v1 =	vld.idx.msk [tilespmem:v1+s31+$0x0], $0xffff  }
0x15c: {  	v2 =	vld.idx.msk [tilespmem:v3+s4+$0x0], $0xffff;
	_ =	sdelay $0x4  }
0x15d: {  	v1 =	vadd.f32 v2, v1;
	_ =	sdelay $0x1  }
0x15e: {  	v1 =	vadd.f32 v1, v1;
	_ =	sdelay $0x1  }
0x15f: {  	v1 =	vmul.f32 $1.442695020e+00, v1;
	_ =	sdelay $0x1  }
0x160: {  	(erf) = vpow2.f32 v1;
	_ =	sdelay $0x8  }
0x161: {  	v1 =	vpop (erf)  }
0x162: {  	v1 =	vadd.f32 $1.000000000e+00, v1;
	_ =	sdelay $0x1  }
0x163: {  	(erf) = vrcp.f32 v1;
	_ =	sdelay $0x6  }
0x164: {  	v1 =	vld [tilespmem:$0xB0]  }
0x165: {  	v4 =	vld [tilespmem:$0x1B0]  }
0x166: {  	v2 =	vpop (erf)  }
0x167: {  	v2 =	vadd.f32 v2, v2;
	_ =	sdelay $0x1  }
0x168: {  	v2 =	vsub.f32 $1.000000000e+00, v2  }
0x169: {  	[tilespmem:$0x2A0] =	vst v3  }
0x16a: {  	[tilespmem:$0x320] =	vst v2  }
0x16b: {  	v1 =	vld.idx.msk [tilespmem:v1+s31+$0x0], $0xffff  }
0x16c: {  	v2 =	vld.idx.msk [tilespmem:v4+s4+$0x0], $0xffff;
	_ =	sdelay $0x4  }
0x16d: {  	v1 =	vadd.f32 v2, v1;
	_ =	sdelay $0x1  }
0x16e: {  	v1 =	vadd.f32 v1, v1;
	_ =	sdelay $0x1  }
0x16f: {  	v1 =	vmul.f32 $1.442695020e+00, v1;
	_ =	sdelay $0x1  }
0x170: {  	(erf) = vpow2.f32 v1;
	_ =	sdelay $0x8  }
0x171: {  	v1 =	vpop (erf)  }
0x172: {  	v1 =	vadd.f32 $1.000000000e+00, v1;
	_ =	sdelay $0x1  }
0x173: {  	(erf) = vrcp.f32 v1;
	_ =	sdelay $0x6  }
0x174: {  	v1 =	vld [tilespmem:$0xC0]  }
0x175: {  	v3 =	vld [tilespmem:$0x1C0]  }
0x176: {  	v2 =	vpop (erf)  }
0x177: {  	v2 =	vadd.f32 v2, v2;
	_ =	sdelay $0x1  }
0x178: {  	v2 =	vsub.f32 $1.000000000e+00, v2  }
0x179: {  	[tilespmem:$0x2B0] =	vst v4  }
0x17a: {  	[tilespmem:$0x330] =	vst v2  }
0x17b: {  	v1 =	vld.idx.msk [tilespmem:v1+s31+$0x0], $0xffff  }
0x17c: {  	v2 =	vld.idx.msk [tilespmem:v3+s4+$0x0], $0xffff;
	_ =	sdelay $0x4  }
0x17d: {  	v1 =	vadd.f32 v2, v1;
	_ =	sdelay $0x1  }
0x17e: {  	v1 =	vadd.f32 v1, v1;
	_ =	sdelay $0x1  }
0x17f: {  	v1 =	vmul.f32 $1.442695020e+00, v1;
	_ =	sdelay $0x1  }
0x180: {  	(erf) = vpow2.f32 v1;
	_ =	sdelay $0x8  }
0x181: {  	v1 =	vpop (erf)  }
0x182: {  	v1 =	vadd.f32 $1.000000000e+00, v1;
	_ =	sdelay $0x1  }
0x183: {  	(erf) = vrcp.f32 v1;
	_ =	sdelay $0x6  }
0x184: {  	v1 =	vld [tilespmem:$0xD0]  }
0x185: {  	v4 =	vld [tilespmem:$0x1D0]  }
0x186: {  	v2 =	vpop (erf)  }
0x187: {  	v2 =	vadd.f32 v2, v2;
	_ =	sdelay $0x1  }
0x188: {  	v2 =	vsub.f32 $1.000000000e+00, v2  }
0x189: {  	[tilespmem:$0x2C0] =	vst v3  }
0x18a: {  	[tilespmem:$0x340] =	vst v2  }
0x18b: {  	v1 =	vld.idx.msk [tilespmem:v1+s31+$0x0], $0xffff  }
0x18c: {  	v2 =	vld.idx.msk [tilespmem:v4+s4+$0x0], $0xffff;
	_ =	sdelay $0x4  }
0x18d: {  	v1 =	vadd.f32 v2, v1;
	_ =	sdelay $0x1  }
0x18e: {  	v1 =	vadd.f32 v1, v1;
	_ =	sdelay $0x1  }
0x18f: {  	v1 =	vmul.f32 $1.442695020e+00, v1;
	_ =	sdelay $0x1  }
0x190: {  	(erf) = vpow2.f32 v1;
	_ =	sdelay $0x8  }
0x191: {  	v1 =	vpop (erf)  }
0x192: {  	v1 =	vadd.f32 $1.000000000e+00, v1;
	_ =	sdelay $0x1  }
0x193: {  	(erf) = vrcp.f32 v1;
	_ =	sdelay $0x8  }
0x194: {  	v1 =	vpop (erf)  }
0x195: {  	v1 =	vadd.f32 v1, v1  }
0x196: {  	s23 =	simm.s32 $0x0  }
0x197: {  	v2 =	vmov s23;
	v1 =	vsub.f32 $1.000000000e+00, v1  }
0x198: {  	[tilespmem:$0x2D0] =	vst v4  }
0x199: {  	s29 =	simm.s32 $0x33F0;
	[tilespmem:$0x350] =	vst v1  }
0x19a: {  	v5 =	vld [tilespmem:s29+$0x0]  }
0x19b: {  	v8 =	vld [tilespmem:s29+$0xFFFFFFE0]  }
0x19c: {  	v1 =	vld.idx.msk [tilespmem:v2+s20+$0x0], $0xffff  }
0x19d: {  	v6 =	vld [tilespmem:s29+$0xFFFFFF90]  }
0x19e: {  	v10 =	vld [tilespmem:s29+$0xFFFFFFB0]  }
0x19f: {  	v2 =	vld [tilespmem:s29+$0xFFFFFFF0]  }
0x1a0: {  	v3 =	vld [tilespmem:s29+$0xFFFFFFC0]  }
0x1a1: {  	v4 =	vld [tilespmem:s29+$0xFFFFFFA0]  }
0x1a2: {  	v9 =	vmul.f32 v5, v1;
	v5 =	vld [tilespmem:s29+$0xFFFFFFD0]  }
0x1a3: {  	v7 =	vmul.f32 v6, v1  }
0x1a4: {  	s30 =	simm.s32 $0x1;
	s23 =	simm.s32 $0x33F0;
	v6 =	vmul.f32 v10, v1;
	v8 =	vmul.f32 v8, v1  }
.LBB2_7:
0x1a5: {  	p1 =	sne.s32 s30, $0x5F  }
0x1a6: {  	v4 =	vmul.f32 v4, v1;
	v10 =	vmul.f32 v2, v1;
	[tilespmem:s29+$0x0] =	vst v9;
	s23 =	sadd.s32 $0x80, s23;
	s11 =	smov.u32 s30;
	s30 =	sadd.s32 $0x1, s30  }
0x1a7: {  	v3 =	vmul.f32 v3, v1;
	[tilespmem:s29+$0xFFFFFF90] =	vst v7;
	v1 =	vmul.f32 v5, v1  }
0x1a8: {  	[tilespmem:s29+$0xFFFFFFE0] =	vst v8  }
0x1a9: {  	v5 =	vmov s11;
	[tilespmem:s29+$0xFFFFFFB0] =	vst v6  }
0x1aa: {  	v2 =	vld [tilespmem:s23+$0xFFFFFFF0];
	[tilespmem:s29+$0xFFFFFFC0] =	vst v3  }
0x1ab: {  	v6 =	vld [tilespmem:s23+$0x0];
	[tilespmem:s29+$0xFFFFFFD0] =	vst v1  }
0x1ac: {  	v3 =	vld [tilespmem:s23+$0xFFFFFFC0];
	[tilespmem:s29+$0xFFFFFFF0] =	vst v10  }
0x1ad: {  	v8 =	vld [tilespmem:s23+$0xFFFFFFE0];
	[tilespmem:s29+$0xFFFFFFA0] =	vst v4;
	s29 =	smov.u32 s23  }
0x1ae: {  	v1 =	vld.idx.msk [tilespmem:v5+s20+$0x0], $0xffff  }
0x1af: {  	v7 =	vld [tilespmem:s23+$0xFFFFFF90]  }
0x1b0: {  	v10 =	vld [tilespmem:s23+$0xFFFFFFB0]  }
.Ltmp4:
0x1b1: {  	v4 =	vld [tilespmem:s23+$0xFFFFFFA0];
	(pc) =	sbr.rel @p1 .LBB2_7-.Ltmp4, $3  }
0x1b2: {  	v5 =	vld [tilespmem:s23+$0xFFFFFFD0];
	_ =	sdelay $0x1  }
0x1b3: {  	v9 =	vmul.f32 v6, v1;
	v7 =	vmul.f32 v7, v1  }
0x1b4: {  	v8 =	vmul.f32 v8, v1;
	v6 =	vmul.f32 v10, v1  }
0x1b5: {  	[tilespmem:s29+$0x0] =	vst v9  }
0x1b6: {  	[tilespmem:s29+$0xFFFFFF90] =	vst v7  }
0x1b7: {  	v3 =	vmul.f32 v3, v1;
	[tilespmem:s29+$0xFFFFFFE0] =	vst v8  }
0x1b8: {  	v2 =	vmul.f32 v2, v1;
	[tilespmem:s29+$0xFFFFFFB0] =	vst v6  }
.Ltmp5:
0x1b9: {  	v5 =	vmul.f32 v5, v1;
	[tilespmem:s29+$0xFFFFFFC0] =	vst v3;
	(pc) =	sbr.rel @p0 .LBB2_10-.Ltmp5, $4  }
0x1ba: {  	v1 =	vmul.f32 v4, v1;
	[tilespmem:s29+$0xFFFFFFF0] =	vst v2  }
0x1bb: {  	[tilespmem:s29+$0xFFFFFFD0] =	vst v5  }
0x1bc: {  	[tilespmem:s29+$0xFFFFFFA0] =	vst v1  }
0x1bd: {  	[spmem:s2] =	stream.indirect.scatter.add.f32 [tilespmem:s18], [sflag:$0x3], $0x80, s22, s17, $0xb8;
	[tilespmem:$0x1F380] =	vst v63  }
0x1be: {  	s11 =	sadd.s32 $0x180, s28  }
0x1bf: {  	s23 =	sand.u32 $0x7C00, s11  }
0x1c0: {  	s11 =	sand.u32 $0x380, s11;
	s23 =	sadd.s32 s12, s23  }
0x1c1: {  	s11 =	sor.u32 s11, s23  }
.Ltmp6:
0x1c2: {  	s11 =	sshrl.u32 s11, $0x3;
	(pc) =	sbr.rel .LBB2_4-.Ltmp6, $4  }
0x1c3: {  	s30 =	sadd.s32 s8, s11  }
0x1c4: {  	[tilespmem:s7], [sflag:$0x1] =	stream.linear.gather [hbm4b:s30+s3], $0x80, $0x38;
	[tilespmem:$0x1F380] =	vst v63  }
0x1c5: {  	s26 =	sadd.s32 $0x1, s26;
	s11 =	sadd.s32 s1, s11  }
0x1c6: {  	[tilespmem:s10], [sflag:$0x1] =	stream.linear.gather [hbm4b:s11+s3], $0x80, $0x38;
	[tilespmem:$0x1F380] =	vst v63  }
.LBB2_11:
0x1c7: {  	_ =	sfence.sel $0x180000  }
0x1c8: {  	[bflag:$0x0] =	sbarrier.arrive $0xFFFF  }
0x1c9: {  	_ =	strace $0x9000004A  }
0x1ca: {  	s0 =	stileid.u32;
	[bflag:$0x2] =	sbarrier.arrive $0xFFFF  }
0x1cb: {  	p0 =	sne.s32 s0, $0x0;
	s0 =	rddreg [dreg:$0x3]  }
0x1cc: {  	s0 =	sadd.s32 @!p0 $0x100000, s0  }
0x1cd: {  	[sflag:s0] =	ssyncadd.tile.s32 @!p0 $0x1;
	_ =	shalt  }
.Lfunc_end2:
_tile_overlayer_lowered:
.L_overlay_start_2:
0x1ce: {  	(tag) =	ssettag $0x2  }
0x1cf: {  	s0 =	rddreg [dreg:$0x0];
	s2 =	stileid.u32  }
0x1d0: {  	s1 =	rddreg [dreg:$0x1];
	p0 =	sne.s32 s2, $0x0  }
0x1d1: {  	s3 =	rddreg [dreg:$0x2];
	[bflag:$0x3] =	sbarrier.arrive $0xFFFF;
	s2 =	simm.s32 @!p0 $0x1C04  }
0x1d2: {  	[timem:s3], [sflag:s2] =	dma.local @!p0 [hbm:s0], s1  }
0x1d3: {  	s0 =	simm.s32 @!p0 $0x4  }
0x1d4: {  	_ =	swait.ge @!p0 [sflag:s0], s1  }
0x1d5: {  	s1 =	ssub.s32 @!p0 $0x0, s1;
	[sflag:s0] =	ssyncset.done @!p0 $0x0  }
0x1d6: {  	[sflag:s0] =	ssyncadd.s32 @!p0 s1  }
0x1d7: {  	[bflag:$0x3] =	sbarrier.arrive $0xFFFF  }
0x1d8: {  	_ =	shalt  }

// kernel: kernel.15.cloned.1.call-start
scs
__scs_entry_jumppad:
0x0: {  	(pc) =	sbr.rel $0x88, $3  }
0x1: {  	(tag) =	ssettag $0x0;
	lr =	simm.s32 $0x1  }
0x2: {  	[smem:$0x3F97] =	sst lr;
	_ =	strace $0xD0000000  }
0x3: {  	_ = 	snop  }
0x4: {  	_ = 	snop  }
0x5: {  	_ = 	snop  }
0x6: {  	_ = 	snop  }
0x7: {  	_ = 	snop  }
__scs_overlays_trampoline_lowered:
0x8: {  	[smem:$0x3FA6] =	sst s0  }
0x9: {  	[smem:$0x3FA7] =	sst s1  }
0xa: {  	[smem:$0x3FA8] =	sst s2  }
0xb: {  	[smem:$0x3FA9] =	sst s3  }
0xc: {  	[smem:$0x3FAA] =	sst s4  }
0xd: {  	[smem:$0x3FAB] =	sst s5  }
0xe: {  	[smem:$0x3FAC] =	sst s6  }
0xf: {  	[smem:$0x3FAD] =	sst s7  }
0x10: {  	[smem:$0x3FAE] =	sst s8  }
0x11: {  	[smem:$0x3FAF] =	sst s9;
	s0 =	simm.s32 @!p0 $0x0  }
0x12: {  	s1 =	sld [smem:$0x3F95];
	s0 =	simm.s32 @p0 $0x1  }
0x13: {  	[smem:$0x3FB0] =	sst s0;
	s0 =	simm.s32 @!p1 $0x0  }
0x14: {  	s2 =	sld [smem:$0x3F94];
	s0 =	simm.s32 @p1 $0x1  }
0x15: {  	[smem:$0x3FB1] =	sst s0;
	s0 =	simm.s32 @!p2 $0x0  }
0x16: {  	s3 =	sld [smem:$0x3FDB];
	s0 =	simm.s32 @p2 $0x1  }
0x17: {  	s4 =	simm.s32 $0x1BF5;
	[smem:$0x3FB3] =	sst s0  }
0x18: {  	s0 =	sld [smem:$0x3F96];
	_ =	swait.ge [sflag:s4], $0x0  }
0x19: {  	s7 =	sld [smem:$0x3F97]  }
0x1a: {  	s8 =	sadd.s32 $0xFFFFE003, lr  }
0x1b: {  	s9 =	sadd.s32 $0xFFFFFEF7, lr;
	s5 =	simm.s32 $0xFFFFFFFF;
	p2 =	slt.u32 s8, $0xFFFFF086  }
0x1c: {  	p1 =	slt.u32 s9, $0xF7A;
	s5 =	simm.s32 @!p2 $0x0  }
0x1d: {  	s5 =	simm.s32 @p1 $0x1;
	p0 =	seq.s32 s7, s2  }
0x1e: {  	s7 =	smul.u32 @!p0 $0xF7A, s2;
	p2 =	seq.s32 @!p0 s5, $0x0  }
0x1f: {  	s9 =	smul.u32 $0xF7A, s1;
	s8 =	simm.s32 @!p0 $0x1BF5;
	p2 =	por !p2, p0  }
0x20: {  	[sflag:s8] =	ssyncset.s32 @!p0 $0xFFFFF086;
	s6 =	sadd.s32 @!p0 s3, s7;
	s7 =	simm.s32 @!p0 $0x108  }
0x21: {  	s3 =	sadd.s32 s3, s9;
	s6 =	sadd.s32 @!p0 $0x88, s6;
	s7 =	simm.s32 @p2 $0x1082  }
0x22: {  	[simem:s7], [sflag:s8] =	dma.local @!p0 [hbm:s6], $0xF7A  }
0x23: {  	s9 =	sor.u32 $0xD0000000, s2;
	s6 =	simm.s32 $0x108;
	_ =	swait.ge @!p0 [sflag:s8], $0x0  }
0x24: {  	s3 =	sadd.s32 $0x88, s3;
	s6 =	simm.s32 @!p1 $0x1082;
	[sflag:s4] =	ssyncset.s32 $0xFFFFF086  }
0x25: {  	[simem:s6], [sflag:s4] =	dma.local [hbm:s3], $0xF7A  }
0x26: {  	[smem:$0x3F97] =	sst s1;
	(tag) =	ssettag s2;
	_ =	strace s9  }
0x27: {  	s1 =	sld [smem:$0x3FA7]  }
0x28: {  	s2 =	sld [smem:$0x3FA8]  }
0x29: {  	s4 =	sld [smem:$0x3FAA]  }
0x2a: {  	p0 =	seq.s32 s5, $0x0;
	s5 =	sld [smem:$0x3FAB]  }
0x2b: {  	s6 =	sld [smem:$0x3FAC]  }
0x2c: {  	s7 =	sld [smem:$0x3FAD]  }
0x2d: {  	s3 =	simm.s32 $0x108;
	s8 =	sld [smem:$0x3FAE]  }
0x2e: {  	s3 =	simm.s32 @!p0 $0x1082;
	s9 =	sld [smem:$0x3FAF]  }
0x2f: {  	lr =	sadd.s32 s0, s3;
	s0 =	sld [smem:$0x3FA6]  }
0x30: {  	s3 =	sld [smem:$0x3FA9]  }
0x31: {  	[smem:$0x3FB2] =	sst s10  }
0x32: {  	s10 =	sld [smem:$0x3FB0];
	_ =	sdelay $0x3  }
0x33: {  	p0 =	seq.s32 s10, $0x1;
	s10 =	sld [smem:$0x3FB2];
	_ =	sdelay $0x3  }
0x34: {  	[smem:$0x3FB2] =	sst s10  }
0x35: {  	s10 =	sld [smem:$0x3FB1];
	_ =	sdelay $0x3  }
0x36: {  	p1 =	seq.s32 s10, $0x1;
	s10 =	sld [smem:$0x3FB2];
	_ =	sdelay $0x3  }
0x37: {  	[smem:$0x3FB2] =	sst s10  }
0x38: {  	s10 =	sld [smem:$0x3FB3]  }
0x39: {  	_ = 	snop;
	(pc) =	sbr.ind lr, $3  }
0x3a: {  	_ = 	snop  }
0x3b: {  	_ = 	snop  }
0x3c: {  	p2 =	seq.s32 s10, $0x1;
	s10 =	sld [smem:$0x3FB2]  }
0x3d: {  	_ =	shalt  }
0x3e: {  	_ =	shalt  }
0x3f: {  	_ =	shalt  }
0x40: {  	_ =	shalt  }
0x41: {  	_ =	shalt  }
0x42: {  	_ =	shalt  }
0x43: {  	_ =	shalt  }
0x44: {  	_ =	shalt  }
0x45: {  	_ =	shalt  }
0x46: {  	_ =	shalt  }
0x47: {  	_ =	shalt  }
0x48: {  	_ =	shalt  }
0x49: {  	_ =	shalt  }
0x4a: {  	_ =	shalt  }
0x4b: {  	_ =	shalt  }
0x4c: {  	_ =	shalt  }
0x4d: {  	_ =	shalt  }
0x4e: {  	_ =	shalt  }
0x4f: {  	_ =	shalt  }
0x50: {  	_ =	shalt  }
0x51: {  	_ =	shalt  }
0x52: {  	_ =	shalt  }
0x53: {  	_ =	shalt  }
0x54: {  	_ =	shalt  }
0x55: {  	_ =	shalt  }
0x56: {  	_ =	shalt  }
0x57: {  	_ =	shalt  }
0x58: {  	_ =	shalt  }
0x59: {  	_ =	shalt  }
0x5a: {  	_ =	shalt  }
0x5b: {  	_ =	shalt  }
0x5c: {  	_ =	shalt  }
0x5d: {  	_ =	shalt  }
0x5e: {  	_ =	shalt  }
0x5f: {  	_ =	shalt  }
0x60: {  	_ =	shalt  }
0x61: {  	_ =	shalt  }
0x62: {  	_ =	shalt  }
0x63: {  	_ =	shalt  }
0x64: {  	_ =	shalt  }
0x65: {  	_ =	shalt  }
0x66: {  	_ =	shalt  }
0x67: {  	_ =	shalt  }
0x68: {  	_ =	shalt  }
0x69: {  	_ =	shalt  }
0x6a: {  	_ =	shalt  }
0x6b: {  	_ =	shalt  }
0x6c: {  	_ =	shalt  }
0x6d: {  	_ =	shalt  }
0x6e: {  	_ =	shalt  }
0x6f: {  	_ =	shalt  }
0x70: {  	_ =	shalt  }
0x71: {  	_ =	shalt  }
0x72: {  	_ =	shalt  }
0x73: {  	_ =	shalt  }
0x74: {  	_ =	shalt  }
0x75: {  	_ =	shalt  }
0x76: {  	_ =	shalt  }
0x77: {  	_ =	shalt  }
0x78: {  	_ =	shalt  }
0x79: {  	_ =	shalt  }
0x7a: {  	_ =	shalt  }
0x7b: {  	_ =	shalt  }
0x7c: {  	_ =	shalt  }
0x7d: {  	_ =	shalt  }
0x7e: {  	_ =	shalt  }
0x7f: {  	_ =	shalt  }
0x80: {  	_ =	shalt  }
0x81: {  	_ =	shalt  }
0x82: {  	_ =	shalt  }
0x83: {  	_ =	shalt  }
0x84: {  	_ =	shalt  }
0x85: {  	_ =	shalt  }
0x86: {  	_ =	shalt  }
0x87: {  	_ =	shalt  }
.Lfunc_end0:
.L_simem_size_0:
called_computation.2_lowered:
.L_overlay_start_0:
0x88: {  	s2 =	sld [smem:$0x3FD9]  }
0x89: {  	s3 =	sld [smem:$0x3FFE];
	_ =	sdelay $0x1  }
0x8a: {  	s1 =	srdreg.scid  }
0x8b: {  	s0 =	sand.u32 $0x1, s1  }
0x8c: {  	s17 =	sshll.u32 s0, $0xA;
	s2 =	sadd.s32 s3, s2  }
0x8d: {  	s2 =	sadd.s32 s2, s17  }
0x8e: {  	[smem:$0x3FBE] =	sst s2  }
0x8f: {  	_ = 	snop  }
0x90: {  	s2 =	sld [smem:$0x3FD0];
	(tm) =	ssettm $0x1  }
0x91: {  	s18 =	sld [smem:$0x3FFB];
	_ =	sdelay $0x3  }
0x92: {  	_ =	strace s18  }
0x93: {  	s3 =	sld [smem:$0x3FFC];
	_ =	sdelay $0x3  }
0x94: {  	_ =	strace s3  }
0x95: {  	s3 =	sld [smem:$0x3FFD];
	_ =	sdelay $0x3  }
0x96: {  	_ =	strace s3  }
0x97: {  	_ =	strace $0x8FFFFFFF  }
0x98: {  	s19 =	sld [smem:$0x3FDB];
	_ =	sdelay $0x1  }
0x99: {  	s4 =	simm.s32 $_scs_section_size  }
0x9a: {  	s5 =	simm.s32 $_size__tile_overlayer_lowered;
	s6 =	simm.s32 $_tile_overlayer_lowered  }
0x9b: {  	s22 =	simm.s32 $0x1BFF;
	s21 =	sshll.u32 s6, $0x1;
	s3 =	sadd.s32 s4, s19  }
0x9c: {  	s7 =	simm.s32 $0x0;
	s20 =	sshll.u32 s5, $0x1;
	s5 =	sadd.s32 s21, s3  }
0x9d: {  	[timem:s7], [sflag:s22] =	dma.local [hbm:s5], s20  }
0x9e: {  	_ =	swait.ge [sflag:s22], s20  }
0x9f: {  	s4 =	ssub.s32 $0x0, s20;
	[sflag:s22] =	ssyncset.done $0x0  }
0xa0: {  	[sflag:s22] =	ssyncadd.s32 s4;
	_ =	sdelay $0x1  }
0xa1: {  	s23 =	simm.s32 $0x1B8B  }
0xa2: {  	_ =	swait.ge [sflag:s23], $0x1  }
0xa3: {  	[sflag:s23] =	ssyncset.done $0x0  }
0xa4: {  	s25 =	simm.s32 $0x1B8E;
	s24 =	sld [smem:$0x3FFE];
	[sflag:s23] =	ssyncadd.s32 $0xFFFFFFFF  }
0xa5: {  	s26 =	simm.s32 $execute0_lowered;
	[smem:$0x3FD2] =	sst s25  }
0xa6: {  	s5 =	sshll.u32 s26, $0x1;
	_ =	strace $0x8000004C;
	[dreg:$0x1] =	wrdreg $0xFFFFFFFF  }
0xa7: {  	s28 =	simm.s32 $_size_execute0_lowered;
	s3 =	sadd.s32 s3, s5;
	[dreg:$0x0] =	wrdreg $0x0  }
0xa8: {  	s5 =	sshll.u32 s28, $0x1;
	[dreg:$0x2] =	wrdreg s3  }
0xa9: {  	[dreg:$0x3] =	wrdreg s5  }
0xaa: {  	[dreg:$0x4] =	wrdreg $0xC0  }
0xab: {  	_ =	task [dreg:s7], $0x5FFFF  }
0xac: {  	[dreg:$0x1] =	wrdreg $0xFFFFFFFF  }
0xad: {  	[dreg:$0x0] =	wrdreg $0x60  }
0xae: {  	[dreg:$0x2] =	wrdreg s24  }
0xaf: {  	[dreg:$0x3] =	wrdreg s2  }
0xb0: {  	[dreg:$0x4] =	wrdreg $0xB3800  }
0xb1: {  	[dreg:$0x5] =	wrdreg $0x9  }
0xb2: {  	_ =	task.clear_ibuf [dreg:s7], $0x6FFFF;
	_ =	strace $0x9000004C  }
0xb3: {  	s29 =	simm.s32 $0x9;
	_ =	strace $0x8000004E  }
0xb4: {  	_ =	swait.ge [sflag:s29], $0x1  }
0xb5: {  	[sflag:s29] =	ssyncadd.s32 $0xFFFFFFFF  }
0xb6: {  	_ =	strace $0x9000004E  }
0xb7: {  	_ =	sfence  }
0xb8: {  	s30 =	sld [smem:$0x0];
	_ =	sdelay $0x2  }
0xb9: {  	s31 =	sshll.u32 s1, $0xD;
	s1 =	sshrl.u32 s1, $0x2  }
0xba: {  	s3 =	sand.u32 $0x4000, s31;
	s1 =	sadd.s32 s1, s30  }
0xbb: {  	s0 =	sor.u32 s3, s0;
	s1 =	sshll.u32 s1, $0x11  }
0xbc: {  	s0 =	sor.u32 s1, s0  }
0xbd: {  	s0 =	sadd.s32 $0x8F2B, s0  }
0xbe: {  	[sflag:s0] =	ssyncadd.remote.s32 $0x1  }
0xbf: {  	_ =	sfence.sel $0xFFFF  }
0xc0: {  	[dreg:$0x0] =	wrdreg $0xFFFFFFFF;
	(pc) =	sbr.abs _section_cstart, $3  }
0xc1: {  	[dreg:$0x1] =	wrdreg $0xFFFFFFFF  }
0xc2: {  	_ =	task.clear_ibuf [dreg:s7], $0x2FFFF;
	_ =	strace $0x9FFFFFFF  }
0xc3: {  	(tm) =	ssettm $0x7FFFFFFF  }
tec
execute0_lowered:
.L_overlay_start_1:
0x0: {  	(tag) =	ssettag $0x1  }
0x1: {  	s0 =	rddreg [dreg:$0x0]  }
0x2: {  	s1 =	rddreg [dreg:$0x1]  }
0x3: {  	s2 =	rddreg [dreg:$0x2]  }
0x4: {  	s3 =	simm.s32 $0x0;
	s21 =	srdreg.scid;
	s11 =	stileid.u32  }
0x5: {  	s31 =	simm.s32 $0x6380;
	[smem:$0x7FF] =	sst s3;
	s5 =	sadd.s32 $0x1B400, s0  }
0x6: {  	s4 =	sadd.s32 $0x3A00, s0;
	s6 =	sadd.s32 $0x3400, s0;
	s22 =	smul.u32 $0x50000, s11  }
0x7: {  	s8 =	sadd.s32 $0xD400, s0;
	s0 =	sadd.s32 $0x43400, s0;
	s10 =	smul.u32 $0x14000, s11  }
0x8: {  	_ =	strace $0x8000004D;
	[dreg:$0x4] =	wrdreg s4;
	s4 =	sand.u32 $0x1, s21  }
0x9: {  	s11 =	sshll.u32 s11, $0x1;
	[dreg:$0x5] =	wrdreg s6;
	s7 =	ssub.s32 $0x2, s4  }
0xa: {  	s6 =	sshrl.u32 s22, $0x2;
	s23 =	sor.u32 s4, s11;
	s16 =	sadd.s32 $0x4000, s10  }
0xb: {  	s17 =	sadd.s32 $0x8000, s10;
	s25 =	sadd.s32 $0xC000, s10;
	s4 =	smul.u32 $0x140000, s4  }
0xc: {  	s18 =	sadd.s32 $0x10000, s10;
	s9 =	sshrl.u32 s7, $0x1;
	s26 =	sadd.s32 s16, s2  }
0xd: {  	s12 =	smul.u32 $0x3800, s23;
	s28 =	sadd.s32 s17, s2;
	s29 =	sadd.s32 s25, s2  }
0xe: {  	s30 =	sadd.s32 s18, s2;
	s7 =	ssub.s32 s7, s9;
	s9 =	sadd.s32 s6, s2  }
0xf: {  	s10 =	sadd.s32 s10, s4;
	s16 =	sadd.s32 s4, s16;
	s17 =	sadd.s32 s4, s17  }
0x10: {  	s6 =	sadd.s32 s4, s25;
	s4 =	sadd.s32 s4, s18;
	s18 =	simm.s32 $0x3380  }
0x11: {  	s24 =	sadd.s32 $0x2000, s9;
	s19 =	sshrl.u32 s12, $0x3;
	s10 =	sshrl.u32 s10, $0x3  }
0x12: {  	s16 =	sshrl.u32 s16, $0x3;
	s17 =	sshrl.u32 s17, $0x3;
	[dreg:$0x7] =	wrdreg s9  }
0x13: {  	s6 =	sshrl.u32 s6, $0x3;
	s21 =	smax.u32 s7, $0x1;
	[dreg:$0x6] =	wrdreg s24  }
0x14: {  	s4 =	sshrl.u32 s4, $0x3;
	s22 =	sadd.s32 $0x6000, s9;
	[dreg:$0x11] =	wrdreg s21  }
0x15: {  	s23 =	sadd.s32 $0xA000, s9;
	s25 =	sadd.s32 $0x12000, s9;
	[dreg:$0x12] =	wrdreg s22  }
0x16: {  	s7 =	simm.s32 $0x80;
	s13 =	sadd.s32 s8, s19;
	[dreg:$0x13] =	wrdreg s23  }
0x17: {  	s14 =	sadd.s32 s1, s19;
	s15 =	sor.u32 $0x10, s19;
	[dreg:$0x15] =	wrdreg s25  }
0x18: {  	s10 =	sadd.s32 s0, s10;
	s6 =	sadd.s32 s0, s6;
	[dreg:$0x8] =	wrdreg s13  }
0x19: {  	s24 =	sadd.s32 $0xE000, s9;
	s21 =	simm.s32 $0x200;
	[dreg:$0x9] =	wrdreg s14  }
0x1a: {  	s22 =	simm.s32 $0x280;
	[dreg:$0xa] =	wrdreg s10;
	s10 =	sadd.s32 s0, s16  }
0x1b: {  	[dreg:$0xd] =	wrdreg s6;
	s19 =	sadd.s32 s8, s15;
	s20 =	sadd.s32 s1, s15  }
0x1c: {  	[dreg:$0x14] =	wrdreg s24;
	s6 =	simm.s32 $0x380;
	s16 =	simm.s32 $0x1  }
.Ltmp0:
0x1d: {  	s24 =	simm.s32 $0x0;
	[dreg:$0xb] =	wrdreg s10;
	(pc) =	sbr.rel .LBB2_1-.Ltmp0, $4  }
0x1e: {  	s10 =	sadd.s32 s0, s17;
	s0 =	sadd.s32 s0, s4;
	[dreg:$0xf] =	wrdreg s19  }
0x1f: {  	[dreg:$0x10] =	wrdreg s20;
	s4 =	simm.s32 $0x8B80;
	s17 =	simm.s32 $0x60  }
0x20: {  	s19 =	simm.s32 $0x2;
	s20 =	simm.s32 $0x300;
	[dreg:$0xc] =	wrdreg s10  }
0x21: {  	v0 =	vimm.f32 $0.0e+00;
	[dreg:$0xe] =	wrdreg s0;
	s0 =	simm.s32 $0x4;
	s10 =	simm.s32 $0x180  }
.LBB2_10:
0x22: {  	s11 =	simm.s32 $0x3  }
0x23: {  	_ =	swait.ge [sflag:s11], $0x3000  }
0x24: {  	[sflag:s11] =	ssyncset.done $0x0  }
0x25: {  	[sflag:s11] =	ssyncadd.s32 $0xFFFFD000  }
0x26: {  	s26 =	stileid.u32;
	[bflag:$0x0] =	sbarrier.arrive $0xFFFF  }
0x27: {  	s11 =	sshll.u32 s26, $0x6;
	s23 =	rddreg [dreg:$0x7]  }
0x28: {  	s11 =	sor.u32 $0x1C04, s11;
	s25 =	rddreg [dreg:$0xa];
	s23 =	sshrl.u32 s23, $0x3  }
0x29: {  	[hbm:s25], [sflag:s11] =	dma.local [spmem:s23], $0x800  }
0x2a: {  	_ =	swait.ge [sflag:s0], $0x800  }
0x2b: {  	s26 =	smov.u32 s13;
	[sflag:s0] =	ssyncset.done $0x0  }
0x2c: {  	s13 =	sshrl.u32 s13, $0x3;
	s25 =	rddreg [dreg:$0xb];
	[sflag:s0] =	ssyncadd.s32 $0xFFFFF800  }
0x2d: {  	[hbm:s25], [sflag:s11] =	dma.local [spmem:s13], $0x800  }
0x2e: {  	_ =	swait.ge [sflag:s0], $0x800  }
0x2f: {  	s28 =	smov.u32 s14;
	[sflag:s0] =	ssyncset.done $0x0  }
0x30: {  	s13 =	sshrl.u32 s14, $0x3;
	s14 =	rddreg [dreg:$0xc];
	[sflag:s0] =	ssyncadd.s32 $0xFFFFF800  }
0x31: {  	[hbm:s14], [sflag:s11] =	dma.local [spmem:s13], $0x800  }
0x32: {  	_ =	swait.ge [sflag:s0], $0x800  }
0x33: {  	s29 =	smov.u32 s15;
	[sflag:s0] =	ssyncset.done $0x0  }
0x34: {  	s15 =	sshrl.u32 s15, $0x3;
	s25 =	rddreg [dreg:$0xd];
	[sflag:s0] =	ssyncadd.s32 $0xFFFFF800  }
0x35: {  	[hbm:s25], [sflag:s11] =	dma.local [spmem:s15], $0x800  }
0x36: {  	_ =	swait.ge [sflag:s0], $0x800  }
0x37: {  	[sflag:s0] =	ssyncset.done $0x0  }
0x38: {  	s14 =	sshrl.u32 s9, $0x3;
	s15 =	rddreg [dreg:$0xe];
	[sflag:s0] =	ssyncadd.s32 $0xFFFFF800  }
0x39: {  	[hbm:s15], [sflag:s11] =	dma.local [spmem:s14], $0x800  }
0x3a: {  	_ =	swait.ge [sflag:s0], $0x800  }
0x3b: {  	s24 =	sadd.s32 $0x1, s24;
	s25 =	rddreg [dreg:$0x11]  }
0x3c: {  	p0 =	sne.s32 s24, s25  }
.Ltmp1:
0x3d: {  	_ = 	snop;
	(pc) =	sbr.rel @!p0 .LBB2_11-.Ltmp1, $3  }
0x3e: {  	_ =	sdelay $0x1  }
0x3f: {  	[sflag:s0] =	ssyncset.done $0x0  }
0x40: {  	s30 =	smov.u32 s9;
	[sflag:s0] =	ssyncadd.s32 $0xFFFFF800  }
.LBB2_1:
0x41: {  	s11 =	rddreg [dreg:$0x4]  }
0x42: {  	[tilespmem:s31], [sflag:$0x4] =	stream.linear.gather [hbm4b:s11+s3], $0x2800, $0x38;
	[tilespmem:$0x1F380] =	vst v63  }
0x43: {  	_ =	swait.ge [sflag:s0], $0x2800  }
0x44: {  	[sflag:s0] =	ssyncset.done $0x0  }
0x45: {  	s25 =	rddreg [dreg:$0x5];
	[sflag:s0] =	ssyncadd.s32 $0xFFFFD800  }
0x46: {  	[tilespmem:s4], [sflag:$0x4] =	stream.linear.gather [hbm4b:s25+s3], $0x2800, $0x38;
	[tilespmem:$0x1F380] =	vst v63  }
0x47: {  	_ =	swait.ge [sflag:s0], $0x2800  }
0x48: {  	[sflag:s0] =	ssyncset.done $0x0  }
0x49: {  	s23 =	simm.s32 $0x0;
	s25 =	simm.s32 $0x200;
	[sflag:s0] =	ssyncadd.s32 $0xFFFFD800  }
.LBB2_2:
0x4a: {  	p0 =	sne.s32 s25, $0x7E00;
	[tilespmem:s23+$0x3F0] =	vst v0  }
0x4b: {  	[tilespmem:s23+$0x380] =	vst v0  }
0x4c: {  	[tilespmem:s23+$0x390] =	vst v0  }
.Ltmp2:
0x4d: {  	[tilespmem:s23+$0x3A0] =	vst v0;
	(pc) =	sbr.rel @p0 .LBB2_2-.Ltmp2, $4  }
0x4e: {  	[tilespmem:s23+$0x3B0] =	vst v0  }
0x4f: {  	[tilespmem:s23+$0x3C0] =	vst v0  }
0x50: {  	[tilespmem:s23+$0x3D0] =	vst v0  }
0x51: {  	[tilespmem:s23+$0x3E0] =	vst v0;
	s23 =	sshra.s32 s25, $0x2;
	s25 =	sadd.s32 $0x200, s25  }
0x52: {  	[tilespmem:s23+$0x3F0] =	vst v0  }
0x53: {  	[tilespmem:s23+$0x380] =	vst v0  }
0x54: {  	[tilespmem:s23+$0x390] =	vst v0  }
0x55: {  	[tilespmem:s23+$0x3A0] =	vst v0  }
0x56: {  	[tilespmem:s23+$0x3B0] =	vst v0  }
0x57: {  	[tilespmem:s23+$0x3C0] =	vst v0  }
0x58: {  	[tilespmem:s23+$0x3D0] =	vst v0  }
0x59: {  	[tilespmem:s23+$0x3E0] =	vst v0;
	s9 =	rddreg [dreg:$0x7]  }
0x5a: {  	[spmem:s9] =	stream.linear.scatter [tilespmem:s6], [sflag:$0x4], $0x2000, $0x38;
	[tilespmem:$0x1F380] =	vst v63  }
0x5b: {  	_ =	swait.ge [sflag:s0], $0x2000  }
0x5c: {  	[sflag:s0] =	ssyncset.done $0x0  }
0x5d: {  	s11 =	rddreg [dreg:$0x6];
	[sflag:s0] =	ssyncadd.s32 $0xFFFFE000  }
0x5e: {  	[spmem:s11] =	stream.linear.scatter [tilespmem:s6], [sflag:$0x4], $0x2000, $0x38;
	[tilespmem:$0x1F380] =	vst v63  }
0x5f: {  	_ =	swait.ge [sflag:s0], $0x2000  }
0x60: {  	[sflag:s0] =	ssyncset.done $0x0  }
0x61: {  	[sflag:s0] =	ssyncadd.s32 $0xFFFFE000  }
0x62: {  	[spmem:s26] =	stream.linear.scatter [tilespmem:s6], [sflag:$0x4], $0x2000, $0x38;
	[tilespmem:$0x1F380] =	vst v63  }
0x63: {  	_ =	swait.ge [sflag:s0], $0x2000  }
0x64: {  	[sflag:s0] =	ssyncset.done $0x0  }
0x65: {  	s13 =	smov.u32 s26;
	s26 =	rddreg [dreg:$0x12];
	[sflag:s0] =	ssyncadd.s32 $0xFFFFE000  }
0x66: {  	[spmem:s26] =	stream.linear.scatter [tilespmem:s6], [sflag:$0x4], $0x2000, $0x38;
	[tilespmem:$0x1F380] =	vst v63  }
0x67: {  	_ =	swait.ge [sflag:s0], $0x2000  }
0x68: {  	[sflag:s0] =	ssyncset.done $0x0  }
0x69: {  	[sflag:s0] =	ssyncadd.s32 $0xFFFFE000  }
0x6a: {  	[spmem:s28] =	stream.linear.scatter [tilespmem:s6], [sflag:$0x4], $0x2000, $0x38;
	[tilespmem:$0x1F380] =	vst v63  }
0x6b: {  	_ =	swait.ge [sflag:s0], $0x2000  }
0x6c: {  	[sflag:s0] =	ssyncset.done $0x0  }
0x6d: {  	s14 =	smov.u32 s28;
	s28 =	rddreg [dreg:$0x13];
	[sflag:s0] =	ssyncadd.s32 $0xFFFFE000  }
0x6e: {  	[spmem:s28] =	stream.linear.scatter [tilespmem:s6], [sflag:$0x4], $0x2000, $0x38;
	[tilespmem:$0x1F380] =	vst v63  }
0x6f: {  	_ =	swait.ge [sflag:s0], $0x2000  }
0x70: {  	[sflag:s0] =	ssyncset.done $0x0  }
0x71: {  	[sflag:s0] =	ssyncadd.s32 $0xFFFFE000  }
0x72: {  	[spmem:s29] =	stream.linear.scatter [tilespmem:s6], [sflag:$0x4], $0x2000, $0x38;
	[tilespmem:$0x1F380] =	vst v63  }
0x73: {  	_ =	swait.ge [sflag:s0], $0x2000  }
0x74: {  	[sflag:s0] =	ssyncset.done $0x0  }
0x75: {  	s15 =	smov.u32 s29;
	s29 =	rddreg [dreg:$0x14];
	[sflag:s0] =	ssyncadd.s32 $0xFFFFE000  }
0x76: {  	[spmem:s29] =	stream.linear.scatter [tilespmem:s6], [sflag:$0x4], $0x2000, $0x38;
	[tilespmem:$0x1F380] =	vst v63  }
0x77: {  	_ =	swait.ge [sflag:s0], $0x2000  }
0x78: {  	[sflag:s0] =	ssyncset.done $0x0  }
0x79: {  	[sflag:s0] =	ssyncadd.s32 $0xFFFFE000  }
0x7a: {  	[spmem:s30] =	stream.linear.scatter [tilespmem:s6], [sflag:$0x4], $0x2000, $0x38;
	[tilespmem:$0x1F380] =	vst v63  }
0x7b: {  	_ =	swait.ge [sflag:s0], $0x2000  }
0x7c: {  	[sflag:s0] =	ssyncset.done $0x0  }
0x7d: {  	s9 =	smov.u32 s30;
	s30 =	rddreg [dreg:$0x15];
	[sflag:s0] =	ssyncadd.s32 $0xFFFFE000  }
0x7e: {  	[spmem:s30] =	stream.linear.scatter [tilespmem:s6], [sflag:$0x4], $0x2000, $0x38;
	[tilespmem:$0x1F380] =	vst v63  }
0x7f: {  	_ =	swait.ge [sflag:s0], $0x2000  }
0x80: {  	[sflag:s0] =	ssyncset.done $0x0  }
0x81: {  	[sflag:s0] =	ssyncadd.s32 $0xFFFFE000  }
0x82: {  	[bflag:$0x0] =	sbarrier.arrive $0xFFFF  }
0x83: {  	s25 =	simm.s32 $0x0;
	s23 =	rddreg [dreg:$0x8]  }
0x84: {  	[tilespmem:s25], [sflag:$0x1] =	stream.linear.gather [hbm4b:s23+s25], $0x80, $0x38;
	[tilespmem:$0x1F380] =	vst v63  }
0x85: {  	s28 =	simm.s32 $0x100;
	s26 =	rddreg [dreg:$0x9]  }
0x86: {  	[tilespmem:s28], [sflag:$0x1] =	stream.linear.gather [hbm4b:s26+s25], $0x80, $0x38;
	[tilespmem:$0x1F380] =	vst v63  }
0x87: {  	s29 =	rddreg [dreg:$0xf]  }
0x88: {  	[tilespmem:s7], [sflag:$0x1] =	stream.linear.gather [hbm4b:s29+s25], $0x80, $0x38;
	[tilespmem:$0x1F380] =	vst v63  }
0x89: {  	s30 =	rddreg [dreg:$0x10]  }
0x8a: {  	[tilespmem:s10], [sflag:$0x1] =	stream.linear.gather [hbm4b:s30+s25], $0x80, $0x38;
	[tilespmem:$0x1F380] =	vst v63  }
0x8b: {  	_ =	swait.ge [sflag:s16], $0x80  }
0x8c: {  	[sflag:s16] =	ssyncset.done $0x0  }
0x8d: {  	[sflag:s16] =	ssyncadd.s32 $0xFFFFFF80  }
0x8e: {  	_ =	swait.ge [sflag:s16], $0x80  }
0x8f: {  	[sflag:s16] =	ssyncset.done $0x0  }
0x90: {  	s26 =	simm.s32 $0x0;
	[sflag:s16] =	ssyncadd.s32 $0xFFFFFF80  }
0x91: {  	[tilespmem:s6], [sflag:$0x2] =	stream.indirect.gather [hbm4b:s5+s17], $0x80, s25, s17, $0xb8;
	[tilespmem:$0x1F380] =	vst v63  }
.LBB2_4:
0x92: {  	p0 =	seq.s32 s26, $0x0  }
0x93: {  	s23 =	simm.s32 @!p0 $0x3  }
0x94: {  	_ =	swait.ge @!p0 [sflag:s23], $0x3000  }
0x95: {  	[sflag:s23] =	ssyncset.done @!p0 $0x0  }
0x96: {  	[sflag:s23] =	ssyncadd.s32 @!p0 $0xFFFFD000  }
0x97: {  	_ =	swait.ge [sflag:s16], $0x80  }
0x98: {  	[sflag:s16] =	ssyncset.done $0x0  }
0x99: {  	[sflag:s16] =	ssyncadd.s32 $0xFFFFFF80  }
0x9a: {  	_ =	swait.ge [sflag:s16], $0x80  }
0x9b: {  	[sflag:s16] =	ssyncset.done $0x0  }
0x9c: {  	[sflag:s16] =	ssyncadd.s32 $0xFFFFFF80  }
0x9d: {  	[tilespmem:s18], [sflag:$0x2] =	stream.indirect.gather [hbm4b:s5+s17], $0x80, s7, s17, $0xb8;
	[tilespmem:$0x1F380] =	vst v63  }
0x9e: {  	_ =	swait.ge [sflag:s19], $0x3000  }
0x9f: {  	[sflag:s19] =	ssyncset.done $0x0  }
0xa0: {  	[sflag:s19] =	ssyncadd.s32 $0xFFFFD000  }
0xa1: {  	v1 =	vld [tilespmem:$0x0]  }
0xa2: {  	v2 =	vld [tilespmem:$0x100];
	_ =	sdelay $0x6  }
0xa3: {  	v1 =	vld.idx.msk [tilespmem:v1+s31+$0x0], $0xffff  }
0xa4: {  	v3 =	vld.idx.msk [tilespmem:v2+s4+$0x0], $0xffff;
	_ =	sdelay $0x4  }
0xa5: {  	v1 =	vadd.f32 v3, v1;
	_ =	sdelay $0x1  }
0xa6: {  	v1 =	vadd.f32 v1, v1;
	_ =	sdelay $0x1  }
0xa7: {  	v1 =	vmul.f32 $1.442695020e+00, v1;
	_ =	sdelay $0x1  }
0xa8: {  	(erf) = vpow2.f32 v1;
	_ =	sdelay $0x8  }
0xa9: {  	v1 =	vpop (erf)  }
0xaa: {  	v1 =	vadd.f32 $1.000000000e+00, v1;
	_ =	sdelay $0x1  }
0xab: {  	(erf) = vrcp.f32 v1;
	_ =	sdelay $0x6  }
0xac: {  	v1 =	vld [tilespmem:$0x10]  }
0xad: {  	v4 =	vld [tilespmem:$0x110]  }
0xae: {  	v3 =	vpop (erf)  }
0xaf: {  	v3 =	vadd.f32 v3, v3;
	_ =	sdelay $0x1  }
0xb0: {  	v3 =	vsub.f32 $1.000000000e+00, v3  }
0xb1: {  	[tilespmem:$0x200] =	vst v2  }
0xb2: {  	[tilespmem:$0x300] =	vst v3  }
0xb3: {  	v1 =	vld.idx.msk [tilespmem:v1+s31+$0x0], $0xffff  }
0xb4: {  	v2 =	vld.idx.msk [tilespmem:v4+s4+$0x0], $0xffff;
	_ =	sdelay $0x4  }
0xb5: {  	v1 =	vadd.f32 v2, v1;
	_ =	sdelay $0x1  }
0xb6: {  	v1 =	vadd.f32 v1, v1;
	_ =	sdelay $0x1  }
0xb7: {  	v1 =	vmul.f32 $1.442695020e+00, v1;
	_ =	sdelay $0x1  }
0xb8: {  	(erf) = vpow2.f32 v1;
	_ =	sdelay $0x8  }
0xb9: {  	v1 =	vpop (erf)  }
0xba: {  	v1 =	vadd.f32 $1.000000000e+00, v1;
	_ =	sdelay $0x1  }
0xbb: {  	(erf) = vrcp.f32 v1;
	_ =	sdelay $0x6  }
0xbc: {  	v1 =	vld [tilespmem:$0x20]  }
0xbd: {  	v3 =	vld [tilespmem:$0x120]  }
0xbe: {  	v2 =	vpop (erf)  }
0xbf: {  	v2 =	vadd.f32 v2, v2;
	_ =	sdelay $0x1  }
0xc0: {  	v2 =	vsub.f32 $1.000000000e+00, v2  }
0xc1: {  	[tilespmem:$0x210] =	vst v4  }
0xc2: {  	[tilespmem:$0x310] =	vst v2  }
0xc3: {  	v1 =	vld.idx.msk [tilespmem:v1+s31+$0x0], $0xffff  }
0xc4: {  	v2 =	vld.idx.msk [tilespmem:v3+s4+$0x0], $0xffff;
	_ =	sdelay $0x4  }
0xc5: {  	v1 =	vadd.f32 v2, v1;
	_ =	sdelay $0x1  }
0xc6: {  	v1 =	vadd.f32 v1, v1;
	_ =	sdelay $0x1  }
0xc7: {  	v1 =	vmul.f32 $1.442695020e+00, v1;
	_ =	sdelay $0x1  }
0xc8: {  	(erf) = vpow2.f32 v1;
	_ =	sdelay $0x8  }
0xc9: {  	v1 =	vpop (erf)  }
0xca: {  	v1 =	vadd.f32 $1.000000000e+00, v1;
	_ =	sdelay $0x1  }
0xcb: {  	(erf) = vrcp.f32 v1;
	_ =	sdelay $0x6  }
0xcc: {  	v1 =	vld [tilespmem:$0x30]  }
0xcd: {  	v4 =	vld [tilespmem:$0x130]  }
0xce: {  	v2 =	vpop (erf)  }
0xcf: {  	v2 =	vadd.f32 v2, v2;
	_ =	sdelay $0x1  }
0xd0: {  	v2 =	vsub.f32 $1.000000000e+00, v2  }
0xd1: {  	[tilespmem:$0x220] =	vst v3  }
0xd2: {  	[tilespmem:$0x320] =	vst v2  }
0xd3: {  	v1 =	vld.idx.msk [tilespmem:v1+s31+$0x0], $0xffff  }
0xd4: {  	v2 =	vld.idx.msk [tilespmem:v4+s4+$0x0], $0xffff;
	_ =	sdelay $0x4  }
0xd5: {  	v1 =	vadd.f32 v2, v1;
	_ =	sdelay $0x1  }
0xd6: {  	v1 =	vadd.f32 v1, v1;
	_ =	sdelay $0x1  }
0xd7: {  	v1 =	vmul.f32 $1.442695020e+00, v1;
	_ =	sdelay $0x1  }
0xd8: {  	(erf) = vpow2.f32 v1;
	_ =	sdelay $0x8  }
0xd9: {  	v1 =	vpop (erf)  }
0xda: {  	v1 =	vadd.f32 $1.000000000e+00, v1;
	_ =	sdelay $0x1  }
0xdb: {  	(erf) = vrcp.f32 v1;
	_ =	sdelay $0x6  }
0xdc: {  	v1 =	vld [tilespmem:$0x40]  }
0xdd: {  	v3 =	vld [tilespmem:$0x140]  }
0xde: {  	v2 =	vpop (erf)  }
0xdf: {  	v2 =	vadd.f32 v2, v2;
	_ =	sdelay $0x1  }
0xe0: {  	v2 =	vsub.f32 $1.000000000e+00, v2  }
0xe1: {  	[tilespmem:$0x230] =	vst v4  }
0xe2: {  	[tilespmem:$0x330] =	vst v2  }
0xe3: {  	v1 =	vld.idx.msk [tilespmem:v1+s31+$0x0], $0xffff  }
0xe4: {  	v2 =	vld.idx.msk [tilespmem:v3+s4+$0x0], $0xffff;
	_ =	sdelay $0x4  }
0xe5: {  	v1 =	vadd.f32 v2, v1;
	_ =	sdelay $0x1  }
0xe6: {  	v1 =	vadd.f32 v1, v1;
	_ =	sdelay $0x1  }
0xe7: {  	v1 =	vmul.f32 $1.442695020e+00, v1;
	_ =	sdelay $0x1  }
0xe8: {  	(erf) = vpow2.f32 v1;
	_ =	sdelay $0x8  }
0xe9: {  	v1 =	vpop (erf)  }
0xea: {  	v1 =	vadd.f32 $1.000000000e+00, v1;
	_ =	sdelay $0x1  }
0xeb: {  	(erf) = vrcp.f32 v1;
	_ =	sdelay $0x6  }
0xec: {  	v1 =	vld [tilespmem:$0x50]  }
0xed: {  	v4 =	vld [tilespmem:$0x150]  }
0xee: {  	v2 =	vpop (erf)  }
0xef: {  	v2 =	vadd.f32 v2, v2;
	_ =	sdelay $0x1  }
0xf0: {  	v2 =	vsub.f32 $1.000000000e+00, v2  }
0xf1: {  	[tilespmem:$0x240] =	vst v3  }
0xf2: {  	[tilespmem:$0x340] =	vst v2  }
0xf3: {  	v1 =	vld.idx.msk [tilespmem:v1+s31+$0x0], $0xffff  }
0xf4: {  	v2 =	vld.idx.msk [tilespmem:v4+s4+$0x0], $0xffff;
	_ =	sdelay $0x4  }
0xf5: {  	v1 =	vadd.f32 v2, v1;
	_ =	sdelay $0x1  }
0xf6: {  	v1 =	vadd.f32 v1, v1;
	_ =	sdelay $0x1  }
0xf7: {  	v1 =	vmul.f32 $1.442695020e+00, v1;
	_ =	sdelay $0x1  }
0xf8: {  	(erf) = vpow2.f32 v1;
	_ =	sdelay $0x8  }
0xf9: {  	v1 =	vpop (erf)  }
0xfa: {  	v1 =	vadd.f32 $1.000000000e+00, v1;
	_ =	sdelay $0x1  }
0xfb: {  	(erf) = vrcp.f32 v1;
	_ =	sdelay $0x8  }
0xfc: {  	v1 =	vpop (erf)  }
0xfd: {  	v1 =	vadd.f32 v1, v1;
	_ =	sdelay $0x1  }
0xfe: {  	v1 =	vsub.f32 $1.000000000e+00, v1;
	_ =	sdelay $0x1  }
0xff: {  	[tilespmem:$0x350] =	vst v1;
	v1 =	vmov s25  }
0x100: {  	s29 =	simm.s32 $0x3C0;
	[tilespmem:$0x250] =	vst v4  }
0x101: {  	v5 =	vld [tilespmem:s29+$0x30]  }
0x102: {  	v8 =	vld [tilespmem:s29+$0x10]  }
0x103: {  	v6 =	vld [tilespmem:s29+$0xFFFFFFC0]  }
0x104: {  	v2 =	vld.idx.msk [tilespmem:v1+s20+$0x0], $0xffff  }
0x105: {  	v10 =	vld [tilespmem:s29+$0xFFFFFFE0]  }
0x106: {  	v3 =	vld [tilespmem:s29+$0x20]  }
0x107: {  	v4 =	vld [tilespmem:s29+$0xFFFFFFD0]  }
0x108: {  	v1 =	vld [tilespmem:s29+$0xFFFFFFF0]  }
0x109: {  	v9 =	vmul.f32 v5, v2;
	v5 =	vld [tilespmem:s29+$0x0]  }
0x10a: {  	v7 =	vmul.f32 v6, v2  }
0x10b: {  	s28 =	sshll.u32 s26, $0x8;
	s30 =	simm.s32 $0x1;
	s23 =	simm.s32 $0x3C0;
	v6 =	vmul.f32 v10, v2;
	v8 =	vmul.f32 v8, v2  }
.LBB2_5:
0x10c: {  	p0 =	sne.s32 s30, $0x5F  }
0x10d: {  	v4 =	vmul.f32 v4, v2;
	v3 =	vmul.f32 v3, v2;
	[tilespmem:s29+$0x30] =	vst v9;
	s23 =	sadd.s32 $0x80, s23;
	s11 =	smov.u32 s30;
	s30 =	sadd.s32 $0x1, s30  }
0x10e: {  	[tilespmem:s29+$0xFFFFFFC0] =	vst v7;
	v7 =	vmul.f32 v1, v2;
	v2 =	vmul.f32 v5, v2  }
0x10f: {  	[tilespmem:s29+$0x10] =	vst v8  }
0x110: {  	v5 =	vmov s11;
	[tilespmem:s29+$0xFFFFFFE0] =	vst v6  }
0x111: {  	v1 =	vld [tilespmem:s23+$0xFFFFFFF0];
	[tilespmem:s29+$0xFFFFFFF0] =	vst v7  }
0x112: {  	v6 =	vld [tilespmem:s23+$0x30];
	[tilespmem:s29+$0x0] =	vst v2  }
0x113: {  	v8 =	vld [tilespmem:s23+$0x10];
	[tilespmem:s29+$0x20] =	vst v3  }
0x114: {  	v7 =	vld [tilespmem:s23+$0xFFFFFFC0];
	[tilespmem:s29+$0xFFFFFFD0] =	vst v4;
	s29 =	smov.u32 s23  }
0x115: {  	v2 =	vld.idx.msk [tilespmem:v5+s20+$0x0], $0xffff  }
0x116: {  	v10 =	vld [tilespmem:s23+$0xFFFFFFE0]  }
0x117: {  	v3 =	vld [tilespmem:s23+$0x20]  }
.Ltmp3:
0x118: {  	v4 =	vld [tilespmem:s23+$0xFFFFFFD0];
	(pc) =	sbr.rel @p0 .LBB2_5-.Ltmp3, $3  }
0x119: {  	v5 =	vld [tilespmem:s23+$0x0];
	_ =	sdelay $0x1  }
0x11a: {  	v7 =	vmul.f32 v7, v2;
	v9 =	vmul.f32 v6, v2  }
0x11b: {  	v8 =	vmul.f32 v8, v2;
	v6 =	vmul.f32 v10, v2  }
0x11c: {  	[tilespmem:s29+$0x30] =	vst v9  }
0x11d: {  	[tilespmem:s29+$0xFFFFFFC0] =	vst v7  }
0x11e: {  	v1 =	vmul.f32 v1, v2;
	[tilespmem:s29+$0x10] =	vst v8  }
0x11f: {  	v3 =	vmul.f32 v3, v2;
	[tilespmem:s29+$0xFFFFFFE0] =	vst v6  }
0x120: {  	p0 =	seq.s32 s26, $0x34;
	v5 =	vmul.f32 v5, v2;
	[tilespmem:s29+$0xFFFFFFF0] =	vst v1  }
0x121: {  	s11 =	sadd.s32 @!p0 $0x100, s28;
	v1 =	vmul.f32 v4, v2;
	[tilespmem:s29+$0x20] =	vst v3  }
0x122: {  	s23 =	sand.u32 @!p0 $0x7C00, s11;
	[tilespmem:s29+$0x0] =	vst v5  }
0x123: {  	s11 =	sand.u32 @!p0 $0x300, s11;
	s23 =	sadd.s32 @!p0 s12, s23;
	[tilespmem:s29+$0xFFFFFFD0] =	vst v1;
	s29 =	simm.s32 @p0 $0x3  }
0x124: {  	[spmem:s2] =	stream.indirect.scatter.add.f32 [tilespmem:s6], [sflag:$0x3], $0x80, s21, s17, $0xb8;
	[tilespmem:$0x1F380] =	vst v63  }
0x125: {  	s11 =	sor.u32 @!p0 s11, s23;
	_ =	swait.ge @p0 [sflag:s29], $0x3000  }
0x126: {  	s11 =	sshrl.u32 @!p0 s11, $0x3;
	[sflag:s29] =	ssyncset.done @p0 $0x0  }
0x127: {  	s23 =	sadd.s32 @!p0 s8, s11;
	[sflag:s29] =	ssyncadd.s32 @p0 $0xFFFFD000;
	s29 =	simm.s32 @!p0 $0x0  }
0x128: {  	[tilespmem:s29], [sflag:$0x1] =	stream.linear.gather @!p0 [hbm4b:s23+s29], $0x80, $0x38;
	[tilespmem:$0x1F380] =	vst v63  }
0x129: {  	s11 =	sadd.s32 @!p0 s1, s11;
	s23 =	simm.s32 @!p0 $0x100  }
0x12a: {  	[tilespmem:s23], [sflag:$0x1] =	stream.linear.gather @!p0 [hbm4b:s11+s29], $0x80, $0x38;
	[tilespmem:$0x1F380] =	vst v63  }
0x12b: {  	s11 =	simm.s32 @!p0 $0x3  }
0x12c: {  	_ =	swait.ge @!p0 [sflag:s11], $0x3000  }
0x12d: {  	[sflag:s11] =	ssyncset.done @!p0 $0x0  }
0x12e: {  	[sflag:s11] =	ssyncadd.s32 @!p0 $0xFFFFD000;
	s11 =	simm.s32 @!p0 $0x1  }
0x12f: {  	_ =	swait.ge @!p0 [sflag:s11], $0x80  }
0x130: {  	[sflag:s11] =	ssyncset.done @!p0 $0x0  }
0x131: {  	[sflag:s11] =	ssyncadd.s32 @!p0 $0xFFFFFF80  }
0x132: {  	_ =	swait.ge @!p0 [sflag:s11], $0x80  }
0x133: {  	[sflag:s11] =	ssyncset.done @!p0 $0x0  }
0x134: {  	s23 =	simm.s32 @!p0 $0x380;
	[sflag:s11] =	ssyncadd.s32 @!p0 $0xFFFFFF80;
	s11 =	simm.s32 @!p0 $0x60  }
0x135: {  	[tilespmem:s23], [sflag:$0x2] =	stream.indirect.gather @!p0 [hbm4b:s5+s11], $0x80, s29, s11, $0xb8;
	[tilespmem:$0x1F380] =	vst v63  }
0x136: {  	_ =	swait.ge [sflag:s19], $0x3000  }
0x137: {  	[sflag:s19] =	ssyncset.done $0x0  }
0x138: {  	[sflag:s19] =	ssyncadd.s32 $0xFFFFD000  }
0x139: {  	v1 =	vld [tilespmem:$0x80]  }
0x13a: {  	v2 =	vld [tilespmem:$0x180];
	_ =	sdelay $0x6  }
0x13b: {  	v1 =	vld.idx.msk [tilespmem:v1+s31+$0x0], $0xffff  }
0x13c: {  	v3 =	vld.idx.msk [tilespmem:v2+s4+$0x0], $0xffff;
	_ =	sdelay $0x4  }
0x13d: {  	v1 =	vadd.f32 v3, v1;
	_ =	sdelay $0x1  }
0x13e: {  	v1 =	vadd.f32 v1, v1;
	_ =	sdelay $0x1  }
0x13f: {  	v1 =	vmul.f32 $1.442695020e+00, v1;
	_ =	sdelay $0x1  }
0x140: {  	(erf) = vpow2.f32 v1;
	_ =	sdelay $0x8  }
0x141: {  	v1 =	vpop (erf)  }
0x142: {  	v1 =	vadd.f32 $1.000000000e+00, v1;
	_ =	sdelay $0x1  }
0x143: {  	(erf) = vrcp.f32 v1;
	_ =	sdelay $0x6  }
0x144: {  	v1 =	vld [tilespmem:$0x90]  }
0x145: {  	v4 =	vld [tilespmem:$0x190]  }
0x146: {  	v3 =	vpop (erf)  }
0x147: {  	v3 =	vadd.f32 v3, v3;
	_ =	sdelay $0x1  }
0x148: {  	v3 =	vsub.f32 $1.000000000e+00, v3  }
0x149: {  	[tilespmem:$0x280] =	vst v2  }
0x14a: {  	[tilespmem:$0x300] =	vst v3  }
0x14b: {  	v1 =	vld.idx.msk [tilespmem:v1+s31+$0x0], $0xffff  }
0x14c: {  	v2 =	vld.idx.msk [tilespmem:v4+s4+$0x0], $0xffff;
	_ =	sdelay $0x4  }
0x14d: {  	v1 =	vadd.f32 v2, v1;
	_ =	sdelay $0x1  }
0x14e: {  	v1 =	vadd.f32 v1, v1;
	_ =	sdelay $0x1  }
0x14f: {  	v1 =	vmul.f32 $1.442695020e+00, v1;
	_ =	sdelay $0x1  }
0x150: {  	(erf) = vpow2.f32 v1;
	_ =	sdelay $0x8  }
0x151: {  	v1 =	vpop (erf)  }
0x152: {  	v1 =	vadd.f32 $1.000000000e+00, v1;
	_ =	sdelay $0x1  }
0x153: {  	(erf) = vrcp.f32 v1;
	_ =	sdelay $0x6  }
0x154: {  	v1 =	vld [tilespmem:$0xA0]  }
0x155: {  	v3 =	vld [tilespmem:$0x1A0]  }
0x156: {  	v2 =	vpop (erf)  }
0x157: {  	v2 =	vadd.f32 v2, v2;
	_ =	sdelay $0x1  }
0x158: {  	v2 =	vsub.f32 $1.000000000e+00, v2  }
0x159: {  	[tilespmem:$0x290] =	vst v4  }
0x15a: {  	[tilespmem:$0x310] =	vst v2  }
0x15b: {  	v1 =	vld.idx.msk [tilespmem:v1+s31+$0x0], $0xffff  }
0x15c: {  	v2 =	vld.idx.msk [tilespmem:v3+s4+$0x0], $0xffff;
	_ =	sdelay $0x4  }
0x15d: {  	v1 =	vadd.f32 v2, v1;
	_ =	sdelay $0x1  }
0x15e: {  	v1 =	vadd.f32 v1, v1;
	_ =	sdelay $0x1  }
0x15f: {  	v1 =	vmul.f32 $1.442695020e+00, v1;
	_ =	sdelay $0x1  }
0x160: {  	(erf) = vpow2.f32 v1;
	_ =	sdelay $0x8  }
0x161: {  	v1 =	vpop (erf)  }
0x162: {  	v1 =	vadd.f32 $1.000000000e+00, v1;
	_ =	sdelay $0x1  }
0x163: {  	(erf) = vrcp.f32 v1;
	_ =	sdelay $0x6  }
0x164: {  	v1 =	vld [tilespmem:$0xB0]  }
0x165: {  	v4 =	vld [tilespmem:$0x1B0]  }
0x166: {  	v2 =	vpop (erf)  }
0x167: {  	v2 =	vadd.f32 v2, v2;
	_ =	sdelay $0x1  }
0x168: {  	v2 =	vsub.f32 $1.000000000e+00, v2  }
0x169: {  	[tilespmem:$0x2A0] =	vst v3  }
0x16a: {  	[tilespmem:$0x320] =	vst v2  }
0x16b: {  	v1 =	vld.idx.msk [tilespmem:v1+s31+$0x0], $0xffff  }
0x16c: {  	v2 =	vld.idx.msk [tilespmem:v4+s4+$0x0], $0xffff;
	_ =	sdelay $0x4  }
0x16d: {  	v1 =	vadd.f32 v2, v1;
	_ =	sdelay $0x1  }
0x16e: {  	v1 =	vadd.f32 v1, v1;
	_ =	sdelay $0x1  }
0x16f: {  	v1 =	vmul.f32 $1.442695020e+00, v1;
	_ =	sdelay $0x1  }
0x170: {  	(erf) = vpow2.f32 v1;
	_ =	sdelay $0x8  }
0x171: {  	v1 =	vpop (erf)  }
0x172: {  	v1 =	vadd.f32 $1.000000000e+00, v1;
	_ =	sdelay $0x1  }
0x173: {  	(erf) = vrcp.f32 v1;
	_ =	sdelay $0x6  }
0x174: {  	v1 =	vld [tilespmem:$0xC0]  }
0x175: {  	v3 =	vld [tilespmem:$0x1C0]  }
0x176: {  	v2 =	vpop (erf)  }
0x177: {  	v2 =	vadd.f32 v2, v2;
	_ =	sdelay $0x1  }
0x178: {  	v2 =	vsub.f32 $1.000000000e+00, v2  }
0x179: {  	[tilespmem:$0x2B0] =	vst v4  }
0x17a: {  	[tilespmem:$0x330] =	vst v2  }
0x17b: {  	v1 =	vld.idx.msk [tilespmem:v1+s31+$0x0], $0xffff  }
0x17c: {  	v2 =	vld.idx.msk [tilespmem:v3+s4+$0x0], $0xffff;
	_ =	sdelay $0x4  }
0x17d: {  	v1 =	vadd.f32 v2, v1;
	_ =	sdelay $0x1  }
0x17e: {  	v1 =	vadd.f32 v1, v1;
	_ =	sdelay $0x1  }
0x17f: {  	v1 =	vmul.f32 $1.442695020e+00, v1;
	_ =	sdelay $0x1  }
0x180: {  	(erf) = vpow2.f32 v1;
	_ =	sdelay $0x8  }
0x181: {  	v1 =	vpop (erf)  }
0x182: {  	v1 =	vadd.f32 $1.000000000e+00, v1;
	_ =	sdelay $0x1  }
0x183: {  	(erf) = vrcp.f32 v1;
	_ =	sdelay $0x6  }
0x184: {  	v1 =	vld [tilespmem:$0xD0]  }
0x185: {  	v4 =	vld [tilespmem:$0x1D0]  }
0x186: {  	v2 =	vpop (erf)  }
0x187: {  	v2 =	vadd.f32 v2, v2;
	_ =	sdelay $0x1  }
0x188: {  	v2 =	vsub.f32 $1.000000000e+00, v2  }
0x189: {  	[tilespmem:$0x2C0] =	vst v3  }
0x18a: {  	[tilespmem:$0x340] =	vst v2  }
0x18b: {  	v1 =	vld.idx.msk [tilespmem:v1+s31+$0x0], $0xffff  }
0x18c: {  	v2 =	vld.idx.msk [tilespmem:v4+s4+$0x0], $0xffff;
	_ =	sdelay $0x4  }
0x18d: {  	v1 =	vadd.f32 v2, v1;
	_ =	sdelay $0x1  }
0x18e: {  	v1 =	vadd.f32 v1, v1;
	_ =	sdelay $0x1  }
0x18f: {  	v1 =	vmul.f32 $1.442695020e+00, v1;
	_ =	sdelay $0x1  }
0x190: {  	(erf) = vpow2.f32 v1;
	_ =	sdelay $0x8  }
0x191: {  	v1 =	vpop (erf)  }
0x192: {  	v1 =	vadd.f32 $1.000000000e+00, v1;
	_ =	sdelay $0x1  }
0x193: {  	(erf) = vrcp.f32 v1;
	_ =	sdelay $0x8  }
0x194: {  	v1 =	vpop (erf)  }
0x195: {  	v1 =	vadd.f32 v1, v1  }
0x196: {  	s23 =	simm.s32 $0x0  }
0x197: {  	v2 =	vmov s23;
	v1 =	vsub.f32 $1.000000000e+00, v1  }
0x198: {  	[tilespmem:$0x2D0] =	vst v4  }
0x199: {  	s29 =	simm.s32 $0x33F0;
	[tilespmem:$0x350] =	vst v1  }
0x19a: {  	v5 =	vld [tilespmem:s29+$0x0]  }
0x19b: {  	v8 =	vld [tilespmem:s29+$0xFFFFFFE0]  }
0x19c: {  	v1 =	vld.idx.msk [tilespmem:v2+s20+$0x0], $0xffff  }
0x19d: {  	v6 =	vld [tilespmem:s29+$0xFFFFFF90]  }
0x19e: {  	v10 =	vld [tilespmem:s29+$0xFFFFFFB0]  }
0x19f: {  	v2 =	vld [tilespmem:s29+$0xFFFFFFF0]  }
0x1a0: {  	v3 =	vld [tilespmem:s29+$0xFFFFFFC0]  }
0x1a1: {  	v4 =	vld [tilespmem:s29+$0xFFFFFFA0]  }
0x1a2: {  	v9 =	vmul.f32 v5, v1;
	v5 =	vld [tilespmem:s29+$0xFFFFFFD0]  }
0x1a3: {  	v7 =	vmul.f32 v6, v1  }
0x1a4: {  	s30 =	simm.s32 $0x1;
	s23 =	simm.s32 $0x33F0;
	v6 =	vmul.f32 v10, v1;
	v8 =	vmul.f32 v8, v1  }
.LBB2_7:
0x1a5: {  	p1 =	sne.s32 s30, $0x5F  }
0x1a6: {  	v4 =	vmul.f32 v4, v1;
	v10 =	vmul.f32 v2, v1;
	[tilespmem:s29+$0x0] =	vst v9;
	s23 =	sadd.s32 $0x80, s23;
	s11 =	smov.u32 s30;
	s30 =	sadd.s32 $0x1, s30  }
0x1a7: {  	v3 =	vmul.f32 v3, v1;
	[tilespmem:s29+$0xFFFFFF90] =	vst v7;
	v1 =	vmul.f32 v5, v1  }
0x1a8: {  	[tilespmem:s29+$0xFFFFFFE0] =	vst v8  }
0x1a9: {  	v5 =	vmov s11;
	[tilespmem:s29+$0xFFFFFFB0] =	vst v6  }
0x1aa: {  	v2 =	vld [tilespmem:s23+$0xFFFFFFF0];
	[tilespmem:s29+$0xFFFFFFC0] =	vst v3  }
0x1ab: {  	v6 =	vld [tilespmem:s23+$0x0];
	[tilespmem:s29+$0xFFFFFFD0] =	vst v1  }
0x1ac: {  	v3 =	vld [tilespmem:s23+$0xFFFFFFC0];
	[tilespmem:s29+$0xFFFFFFF0] =	vst v10  }
0x1ad: {  	v8 =	vld [tilespmem:s23+$0xFFFFFFE0];
	[tilespmem:s29+$0xFFFFFFA0] =	vst v4;
	s29 =	smov.u32 s23  }
0x1ae: {  	v1 =	vld.idx.msk [tilespmem:v5+s20+$0x0], $0xffff  }
0x1af: {  	v7 =	vld [tilespmem:s23+$0xFFFFFF90]  }
0x1b0: {  	v10 =	vld [tilespmem:s23+$0xFFFFFFB0]  }
.Ltmp4:
0x1b1: {  	v4 =	vld [tilespmem:s23+$0xFFFFFFA0];
	(pc) =	sbr.rel @p1 .LBB2_7-.Ltmp4, $3  }
0x1b2: {  	v5 =	vld [tilespmem:s23+$0xFFFFFFD0];
	_ =	sdelay $0x1  }
0x1b3: {  	v9 =	vmul.f32 v6, v1;
	v7 =	vmul.f32 v7, v1  }
0x1b4: {  	v8 =	vmul.f32 v8, v1;
	v6 =	vmul.f32 v10, v1  }
0x1b5: {  	[tilespmem:s29+$0x0] =	vst v9  }
0x1b6: {  	[tilespmem:s29+$0xFFFFFF90] =	vst v7  }
0x1b7: {  	v3 =	vmul.f32 v3, v1;
	[tilespmem:s29+$0xFFFFFFE0] =	vst v8  }
0x1b8: {  	v2 =	vmul.f32 v2, v1;
	[tilespmem:s29+$0xFFFFFFB0] =	vst v6  }
.Ltmp5:
0x1b9: {  	v5 =	vmul.f32 v5, v1;
	[tilespmem:s29+$0xFFFFFFC0] =	vst v3;
	(pc) =	sbr.rel @p0 .LBB2_10-.Ltmp5, $4  }
0x1ba: {  	v1 =	vmul.f32 v4, v1;
	[tilespmem:s29+$0xFFFFFFF0] =	vst v2  }
0x1bb: {  	[tilespmem:s29+$0xFFFFFFD0] =	vst v5  }
0x1bc: {  	[tilespmem:s29+$0xFFFFFFA0] =	vst v1  }
0x1bd: {  	[spmem:s2] =	stream.indirect.scatter.add.f32 [tilespmem:s18], [sflag:$0x3], $0x80, s22, s17, $0xb8;
	[tilespmem:$0x1F380] =	vst v63  }
0x1be: {  	s11 =	sadd.s32 $0x180, s28  }
0x1bf: {  	s23 =	sand.u32 $0x7C00, s11  }
0x1c0: {  	s11 =	sand.u32 $0x380, s11;
	s23 =	sadd.s32 s12, s23  }
0x1c1: {  	s11 =	sor.u32 s11, s23  }
.Ltmp6:
0x1c2: {  	s11 =	sshrl.u32 s11, $0x3;
	(pc) =	sbr.rel .LBB2_4-.Ltmp6, $4  }
0x1c3: {  	s30 =	sadd.s32 s8, s11  }
0x1c4: {  	[tilespmem:s7], [sflag:$0x1] =	stream.linear.gather [hbm4b:s30+s3], $0x80, $0x38;
	[tilespmem:$0x1F380] =	vst v63  }
0x1c5: {  	s26 =	sadd.s32 $0x1, s26;
	s11 =	sadd.s32 s1, s11  }
0x1c6: {  	[tilespmem:s10], [sflag:$0x1] =	stream.linear.gather [hbm4b:s11+s3], $0x80, $0x38;
	[tilespmem:$0x1F380] =	vst v63  }
.LBB2_11:
0x1c7: {  	_ =	sfence.sel $0x180000  }
0x1c8: {  	[bflag:$0x0] =	sbarrier.arrive $0xFFFF  }
0x1c9: {  	_ =	strace $0x9000004D  }
0x1ca: {  	s0 =	stileid.u32;
	[bflag:$0x2] =	sbarrier.arrive $0xFFFF  }
0x1cb: {  	p0 =	sne.s32 s0, $0x0;
	s0 =	rddreg [dreg:$0x3]  }
0x1cc: {  	s0 =	sadd.s32 @!p0 $0x100000, s0  }
0x1cd: {  	[sflag:s0] =	ssyncadd.tile.s32 @!p0 $0x1;
	_ =	shalt  }
.Lfunc_end2:
_tile_overlayer_lowered:
.L_overlay_start_2:
0x1ce: {  	(tag) =	ssettag $0x2  }
0x1cf: {  	s0 =	rddreg [dreg:$0x0];
	s2 =	stileid.u32  }
0x1d0: {  	s1 =	rddreg [dreg:$0x1];
	p0 =	sne.s32 s2, $0x0  }
0x1d1: {  	s3 =	rddreg [dreg:$0x2];
	[bflag:$0x3] =	sbarrier.arrive $0xFFFF;
	s2 =	simm.s32 @!p0 $0x1C04  }
0x1d2: {  	[timem:s3], [sflag:s2] =	dma.local @!p0 [hbm:s0], s1  }
0x1d3: {  	s0 =	simm.s32 @!p0 $0x4  }
0x1d4: {  	_ =	swait.ge @!p0 [sflag:s0], s1  }
0x1d5: {  	s1 =	ssub.s32 @!p0 $0x0, s1;
	[sflag:s0] =	ssyncset.done @!p0 $0x0  }
0x1d6: {  	[sflag:s0] =	ssyncadd.s32 @!p0 s1  }
0x1d7: {  	[bflag:$0x3] =	sbarrier.arrive $0xFFFF  }
0x1d8: {  	_ =	shalt  }

// kernel: kernel.9.cloned.1.call-start
scs
__scs_entry_jumppad:
0x0: {  	(pc) =	sbr.rel $0x88, $3  }
0x1: {  	(tag) =	ssettag $0x0;
	lr =	simm.s32 $0x1  }
0x2: {  	[smem:$0x3F97] =	sst lr;
	_ =	strace $0xD0000000  }
0x3: {  	_ = 	snop  }
0x4: {  	_ = 	snop  }
0x5: {  	_ = 	snop  }
0x6: {  	_ = 	snop  }
0x7: {  	_ = 	snop  }
__scs_overlays_trampoline_lowered:
0x8: {  	[smem:$0x3FA6] =	sst s0  }
0x9: {  	[smem:$0x3FA7] =	sst s1  }
0xa: {  	[smem:$0x3FA8] =	sst s2  }
0xb: {  	[smem:$0x3FA9] =	sst s3  }
0xc: {  	[smem:$0x3FAA] =	sst s4  }
0xd: {  	[smem:$0x3FAB] =	sst s5  }
0xe: {  	[smem:$0x3FAC] =	sst s6  }
0xf: {  	[smem:$0x3FAD] =	sst s7  }
0x10: {  	[smem:$0x3FAE] =	sst s8  }
0x11: {  	[smem:$0x3FAF] =	sst s9;
	s0 =	simm.s32 @!p0 $0x0  }
0x12: {  	s1 =	sld [smem:$0x3F95];
	s0 =	simm.s32 @p0 $0x1  }
0x13: {  	[smem:$0x3FB0] =	sst s0;
	s0 =	simm.s32 @!p1 $0x0  }
0x14: {  	s2 =	sld [smem:$0x3F94];
	s0 =	simm.s32 @p1 $0x1  }
0x15: {  	[smem:$0x3FB1] =	sst s0;
	s0 =	simm.s32 @!p2 $0x0  }
0x16: {  	s3 =	sld [smem:$0x3FDB];
	s0 =	simm.s32 @p2 $0x1  }
0x17: {  	s4 =	simm.s32 $0x1BF5;
	[smem:$0x3FB3] =	sst s0  }
0x18: {  	s0 =	sld [smem:$0x3F96];
	_ =	swait.ge [sflag:s4], $0x0  }
0x19: {  	s7 =	sld [smem:$0x3F97]  }
0x1a: {  	s8 =	sadd.s32 $0xFFFFE003, lr  }
0x1b: {  	s9 =	sadd.s32 $0xFFFFFEF7, lr;
	s5 =	simm.s32 $0xFFFFFFFF;
	p2 =	slt.u32 s8, $0xFFFFF086  }
0x1c: {  	p1 =	slt.u32 s9, $0xF7A;
	s5 =	simm.s32 @!p2 $0x0  }
0x1d: {  	s5 =	simm.s32 @p1 $0x1;
	p0 =	seq.s32 s7, s2  }
0x1e: {  	s7 =	smul.u32 @!p0 $0xF7A, s2;
	p2 =	seq.s32 @!p0 s5, $0x0  }
0x1f: {  	s9 =	smul.u32 $0xF7A, s1;
	s8 =	simm.s32 @!p0 $0x1BF5;
	p2 =	por !p2, p0  }
0x20: {  	[sflag:s8] =	ssyncset.s32 @!p0 $0xFFFFF086;
	s6 =	sadd.s32 @!p0 s3, s7;
	s7 =	simm.s32 @!p0 $0x108  }
0x21: {  	s3 =	sadd.s32 s3, s9;
	s6 =	sadd.s32 @!p0 $0x88, s6;
	s7 =	simm.s32 @p2 $0x1082  }
0x22: {  	[simem:s7], [sflag:s8] =	dma.local @!p0 [hbm:s6], $0xF7A  }
0x23: {  	s9 =	sor.u32 $0xD0000000, s2;
	s6 =	simm.s32 $0x108;
	_ =	swait.ge @!p0 [sflag:s8], $0x0  }
0x24: {  	s3 =	sadd.s32 $0x88, s3;
	s6 =	simm.s32 @!p1 $0x1082;
	[sflag:s4] =	ssyncset.s32 $0xFFFFF086  }
0x25: {  	[simem:s6], [sflag:s4] =	dma.local [hbm:s3], $0xF7A  }
0x26: {  	[smem:$0x3F97] =	sst s1;
	(tag) =	ssettag s2;
	_ =	strace s9  }
0x27: {  	s1 =	sld [smem:$0x3FA7]  }
0x28: {  	s2 =	sld [smem:$0x3FA8]  }
0x29: {  	s4 =	sld [smem:$0x3FAA]  }
0x2a: {  	p0 =	seq.s32 s5, $0x0;
	s5 =	sld [smem:$0x3FAB]  }
0x2b: {  	s6 =	sld [smem:$0x3FAC]  }
0x2c: {  	s7 =	sld [smem:$0x3FAD]  }
0x2d: {  	s3 =	simm.s32 $0x108;
	s8 =	sld [smem:$0x3FAE]  }
0x2e: {  	s3 =	simm.s32 @!p0 $0x1082;
	s9 =	sld [smem:$0x3FAF]  }
0x2f: {  	lr =	sadd.s32 s0, s3;
	s0 =	sld [smem:$0x3FA6]  }
0x30: {  	s3 =	sld [smem:$0x3FA9]  }
0x31: {  	[smem:$0x3FB2] =	sst s10  }
0x32: {  	s10 =	sld [smem:$0x3FB0];
	_ =	sdelay $0x3  }
0x33: {  	p0 =	seq.s32 s10, $0x1;
	s10 =	sld [smem:$0x3FB2];
	_ =	sdelay $0x3  }
0x34: {  	[smem:$0x3FB2] =	sst s10  }
0x35: {  	s10 =	sld [smem:$0x3FB1];
	_ =	sdelay $0x3  }
0x36: {  	p1 =	seq.s32 s10, $0x1;
	s10 =	sld [smem:$0x3FB2];
	_ =	sdelay $0x3  }
0x37: {  	[smem:$0x3FB2] =	sst s10  }
0x38: {  	s10 =	sld [smem:$0x3FB3]  }
0x39: {  	_ = 	snop;
	(pc) =	sbr.ind lr, $3  }
0x3a: {  	_ = 	snop  }
0x3b: {  	_ = 	snop  }
0x3c: {  	p2 =	seq.s32 s10, $0x1;
	s10 =	sld [smem:$0x3FB2]  }
0x3d: {  	_ =	shalt  }
0x3e: {  	_ =	shalt  }
0x3f: {  	_ =	shalt  }
0x40: {  	_ =	shalt  }
0x41: {  	_ =	shalt  }
0x42: {  	_ =	shalt  }
0x43: {  	_ =	shalt  }
0x44: {  	_ =	shalt  }
0x45: {  	_ =	shalt  }
0x46: {  	_ =	shalt  }
0x47: {  	_ =	shalt  }
0x48: {  	_ =	shalt  }
0x49: {  	_ =	shalt  }
0x4a: {  	_ =	shalt  }
0x4b: {  	_ =	shalt  }
0x4c: {  	_ =	shalt  }
0x4d: {  	_ =	shalt  }
0x4e: {  	_ =	shalt  }
0x4f: {  	_ =	shalt  }
0x50: {  	_ =	shalt  }
0x51: {  	_ =	shalt  }
0x52: {  	_ =	shalt  }
0x53: {  	_ =	shalt  }
0x54: {  	_ =	shalt  }
0x55: {  	_ =	shalt  }
0x56: {  	_ =	shalt  }
0x57: {  	_ =	shalt  }
0x58: {  	_ =	shalt  }
0x59: {  	_ =	shalt  }
0x5a: {  	_ =	shalt  }
0x5b: {  	_ =	shalt  }
0x5c: {  	_ =	shalt  }
0x5d: {  	_ =	shalt  }
0x5e: {  	_ =	shalt  }
0x5f: {  	_ =	shalt  }
0x60: {  	_ =	shalt  }
0x61: {  	_ =	shalt  }
0x62: {  	_ =	shalt  }
0x63: {  	_ =	shalt  }
0x64: {  	_ =	shalt  }
0x65: {  	_ =	shalt  }
0x66: {  	_ =	shalt  }
0x67: {  	_ =	shalt  }
0x68: {  	_ =	shalt  }
0x69: {  	_ =	shalt  }
0x6a: {  	_ =	shalt  }
0x6b: {  	_ =	shalt  }
0x6c: {  	_ =	shalt  }
0x6d: {  	_ =	shalt  }
0x6e: {  	_ =	shalt  }
0x6f: {  	_ =	shalt  }
0x70: {  	_ =	shalt  }
0x71: {  	_ =	shalt  }
0x72: {  	_ =	shalt  }
0x73: {  	_ =	shalt  }
0x74: {  	_ =	shalt  }
0x75: {  	_ =	shalt  }
0x76: {  	_ =	shalt  }
0x77: {  	_ =	shalt  }
0x78: {  	_ =	shalt  }
0x79: {  	_ =	shalt  }
0x7a: {  	_ =	shalt  }
0x7b: {  	_ =	shalt  }
0x7c: {  	_ =	shalt  }
0x7d: {  	_ =	shalt  }
0x7e: {  	_ =	shalt  }
0x7f: {  	_ =	shalt  }
0x80: {  	_ =	shalt  }
0x81: {  	_ =	shalt  }
0x82: {  	_ =	shalt  }
0x83: {  	_ =	shalt  }
0x84: {  	_ =	shalt  }
0x85: {  	_ =	shalt  }
0x86: {  	_ =	shalt  }
0x87: {  	_ =	shalt  }
.Lfunc_end0:
.L_simem_size_0:
called_computation_lowered:
.L_overlay_start_0:
0x88: {  	s2 =	sld [smem:$0x3FD9]  }
0x89: {  	s3 =	sld [smem:$0x3FFE];
	_ =	sdelay $0x1  }
0x8a: {  	s1 =	srdreg.scid  }
0x8b: {  	s0 =	sand.u32 $0x1, s1  }
0x8c: {  	s17 =	sshll.u32 s0, $0xA;
	s2 =	sadd.s32 s3, s2  }
0x8d: {  	s2 =	sadd.s32 s2, s17  }
0x8e: {  	[smem:$0x3FBE] =	sst s2  }
0x8f: {  	_ = 	snop  }
0x90: {  	s2 =	sld [smem:$0x3FD0];
	(tm) =	ssettm $0x1  }
0x91: {  	s18 =	sld [smem:$0x3FFB];
	_ =	sdelay $0x3  }
0x92: {  	_ =	strace s18  }
0x93: {  	s3 =	sld [smem:$0x3FFC];
	_ =	sdelay $0x3  }
0x94: {  	_ =	strace s3  }
0x95: {  	s3 =	sld [smem:$0x3FFD];
	_ =	sdelay $0x3  }
0x96: {  	_ =	strace s3  }
0x97: {  	_ =	strace $0x8FFFFFFF  }
0x98: {  	s19 =	sld [smem:$0x3FDB];
	_ =	sdelay $0x1  }
0x99: {  	s4 =	simm.s32 $_scs_section_size  }
0x9a: {  	s5 =	simm.s32 $_size__tile_overlayer_lowered;
	s6 =	simm.s32 $_tile_overlayer_lowered  }
0x9b: {  	s22 =	simm.s32 $0x1BFF;
	s21 =	sshll.u32 s6, $0x1;
	s3 =	sadd.s32 s4, s19  }
0x9c: {  	s7 =	simm.s32 $0x0;
	s20 =	sshll.u32 s5, $0x1;
	s5 =	sadd.s32 s21, s3  }
0x9d: {  	[timem:s7], [sflag:s22] =	dma.local [hbm:s5], s20  }
0x9e: {  	_ =	swait.ge [sflag:s22], s20  }
0x9f: {  	s4 =	ssub.s32 $0x0, s20;
	[sflag:s22] =	ssyncset.done $0x0  }
0xa0: {  	[sflag:s22] =	ssyncadd.s32 s4;
	_ =	sdelay $0x1  }
0xa1: {  	s23 =	simm.s32 $0x1B8B  }
0xa2: {  	_ =	swait.ge [sflag:s23], $0x1  }
0xa3: {  	[sflag:s23] =	ssyncset.done $0x0  }
0xa4: {  	s25 =	simm.s32 $0x1B8E;
	s24 =	sld [smem:$0x3FFE];
	[sflag:s23] =	ssyncadd.s32 $0xFFFFFFFF  }
0xa5: {  	s26 =	simm.s32 $execute0_lowered;
	[smem:$0x3FD2] =	sst s25  }
0xa6: {  	s5 =	sshll.u32 s26, $0x1;
	_ =	strace $0x80000046;
	[dreg:$0x1] =	wrdreg $0xFFFFFFFF  }
0xa7: {  	s28 =	simm.s32 $_size_execute0_lowered;
	s3 =	sadd.s32 s3, s5;
	[dreg:$0x0] =	wrdreg $0x0  }
0xa8: {  	s5 =	sshll.u32 s28, $0x1;
	[dreg:$0x2] =	wrdreg s3  }
0xa9: {  	[dreg:$0x3] =	wrdreg s5  }
0xaa: {  	[dreg:$0x4] =	wrdreg $0xC0  }
0xab: {  	_ =	task [dreg:s7], $0x5FFFF  }
0xac: {  	[dreg:$0x1] =	wrdreg $0xFFFFFFFF  }
0xad: {  	[dreg:$0x0] =	wrdreg $0x60  }
0xae: {  	[dreg:$0x2] =	wrdreg s2  }
0xaf: {  	[dreg:$0x3] =	wrdreg s24  }
0xb0: {  	[dreg:$0x4] =	wrdreg $0x9  }
0xb1: {  	_ =	task.clear_ibuf [dreg:s7], $0x5FFFF;
	_ =	strace $0x90000046  }
0xb2: {  	s29 =	simm.s32 $0x9;
	_ =	strace $0x80000048  }
0xb3: {  	_ =	swait.ge [sflag:s29], $0x1  }
0xb4: {  	[sflag:s29] =	ssyncadd.s32 $0xFFFFFFFF  }
0xb5: {  	_ =	strace $0x90000048  }
0xb6: {  	_ =	sfence  }
0xb7: {  	s30 =	sld [smem:$0x0];
	_ =	sdelay $0x2  }
0xb8: {  	s31 =	sshll.u32 s1, $0xD;
	s1 =	sshrl.u32 s1, $0x2  }
0xb9: {  	s3 =	sand.u32 $0x4000, s31;
	s1 =	sadd.s32 s1, s30  }
0xba: {  	s0 =	sor.u32 s3, s0;
	s1 =	sshll.u32 s1, $0x11  }
0xbb: {  	s0 =	sor.u32 s1, s0  }
0xbc: {  	s0 =	sadd.s32 $0x8F2B, s0  }
0xbd: {  	[sflag:s0] =	ssyncadd.remote.s32 $0x1  }
0xbe: {  	_ =	sfence.sel $0xFFFF  }
0xbf: {  	[dreg:$0x0] =	wrdreg $0xFFFFFFFF;
	(pc) =	sbr.abs _section_cstart, $3  }
0xc0: {  	[dreg:$0x1] =	wrdreg $0xFFFFFFFF  }
0xc1: {  	_ =	task.clear_ibuf [dreg:s7], $0x2FFFF;
	_ =	strace $0x9FFFFFFF  }
0xc2: {  	(tm) =	ssettm $0x7FFFFFFF  }
0xc3: {  	_ =	shalt  }
tec
execute0_lowered:
.L_overlay_start_1:
0x0: {  	(tag) =	ssettag $0x1  }
0x1: {  	s1 =	srdreg.scid  }
0x2: {  	s0 =	stileid.u32;
	s4 =	rddreg [dreg:$0x0]  }
0x3: {  	s6 =	rddreg [dreg:$0x1];
	s3 =	sand.u32 $0x1, s1;
	s29 =	sshll.u32 s0, $0x1  }
0x4: {  	s2 =	simm.s32 $0x0;
	s30 =	sshrl.u32 s0, $0x2;
	s5 =	sor.u32 s3, s29  }
0x5: {  	s9 =	simm.s32 $0x400;
	s7 =	smul.u32 $0x14000, s30;
	s8 =	sshll.u32 s5, $0x7  }
0x6: {  	s10 =	simm.s32 $0x0;
	s1 =	rddreg [dreg:$0x2];
	s8 =	sand.u32 $0x380, s8  }
0x7: {  	[smem:$0x7FF] =	sst s2;
	s3 =	ssub.s32 $0x2, s3;
	s7 =	sor.u32 s7, s8  }
0x8: {  	_ =	strace $0x80000047;
	s5 =	smul.u32 $0x700, s5;
	s7 =	sshrl.u32 s7, $0x3  }
0x9: {  	s31 =	sshrl.u32 s3, $0x1;
	s8 =	simm.s32 $0x80;
	s6 =	sadd.s32 s7, s6  }
0xa: {  	s7 =	ssub.s32 s3, s31;
	s3 =	sadd.s32 s4, s5;
	s4 =	sadd.s32 $0x3400, s6  }
0xb: {  	v0 =	vimm.f32 $0.0e+00;
	v1 =	vimm.f32 $1.000000000e+00;
	s5 =	smax.u32 s7, $0x1;
	s6 =	simm.s32 $0x1;
	s7 =	simm.s32 $0x3800  }
.LBB2_1:
0xc: {  	[tilespmem:s2], [sflag:$0x1] =	stream.linear.gather [hbm4b:s3+s2], $0x3500, $0x38;
	[tilespmem:$0x6000] =	vst v63  }
0xd: {  	_ =	swait.ge [sflag:s6], $0x3500  }
0xe: {  	[sflag:s6] =	ssyncset.done $0x0  }
0xf: {  	s11 =	simm.s32 $0x0;
	[sflag:s6] =	ssyncadd.s32 $0xFFFFCB00  }
.LBB2_2:
0x10: {  	p0 =	sne.s32 s11, $0x9FC0  }
.Ltmp0:
0x11: {  	_ = 	snop;
	(pc) =	sbr.rel @p0 .LBB2_2-.Ltmp0, $3  }
0x12: {  	_ =	sdelay $0x1  }
0x13: {  	s12 =	sshra.s32 s11, $0x2  }
0x14: {  	s11 =	sadd.s32 $0x40, s11;
	[tilespmem:s12+$0x3800] =	vst v0  }
0x15: {  	s11 =	simm.s32 $0x0  }
.LBB2_4:
0x16: {  	s12 =	sshra.s32 s11, $0x2  }
0x17: {  	v2 =	vld [tilespmem:s12+$0x0];
	_ =	sdelay $0x7  }
0x18: {  	[tilespmem:v2+s7+$0x0] =	vst.idx.add.f32.msk $0xffff, v1  }
0x19: {  	v2 =	vld [tilespmem:s12+$0x10];
	_ =	sdelay $0x7  }
0x1a: {  	[tilespmem:v2+s7+$0x0] =	vst.idx.add.f32.msk $0xffff, v1  }
0x1b: {  	v2 =	vld [tilespmem:s12+$0x20];
	_ =	sdelay $0x7  }
0x1c: {  	[tilespmem:v2+s7+$0x0] =	vst.idx.add.f32.msk $0xffff, v1  }
0x1d: {  	v2 =	vld [tilespmem:s12+$0x30];
	_ =	sdelay $0x7  }
0x1e: {  	[tilespmem:v2+s7+$0x0] =	vst.idx.add.f32.msk $0xffff, v1  }
0x1f: {  	v2 =	vld [tilespmem:s12+$0x40];
	_ =	sdelay $0x7  }
0x20: {  	[tilespmem:v2+s7+$0x0] =	vst.idx.add.f32.msk $0xffff, v1  }
0x21: {  	v2 =	vld [tilespmem:s12+$0x50];
	_ =	sdelay $0x2  }
0x22: {  	p0 =	sne.s32 s11, $0xD200  }
.Ltmp1:
0x23: {  	_ = 	snop;
	(pc) =	sbr.rel @p0 .LBB2_4-.Ltmp1, $2  }
0x24: {  	_ =	sdelay $0x2  }
0x25: {  	s11 =	sadd.s32 $0x200, s11;
	[tilespmem:v2+s7+$0x0] =	vst.idx.add.f32.msk $0xffff, v1  }
0x26: {  	s10 =	sadd.s32 $0x1, s10  }
0x27: {  	p0 =	sne.s32 s10, s5  }
.Ltmp2:
0x28: {  	_ = 	snop;
	(pc) =	sbr.rel @p0 .LBB2_1-.Ltmp2, $4  }
0x29: {  	[hbm4b:s4+s8] =	stream.strided.scatter [tilespmem:s7], [sflag:$0x1], $0x2800, s9, s8, $0x38;
	[tilespmem:$0x6000] =	vst v63  }
0x2a: {  	_ =	swait.ge [sflag:s6], $0x2800  }
0x2b: {  	[sflag:s6] =	ssyncset.done $0x0  }
0x2c: {  	[sflag:s6] =	ssyncadd.s32 $0xFFFFD800  }
0x2d: {  	_ =	sfence.sel $0x180000  }
0x2e: {  	[bflag:$0x0] =	sbarrier.arrive $0xFFFF  }
0x2f: {  	p0 =	sne.s32 s0, $0x0;
	_ =	strace $0x90000047  }
0x30: {  	s0 =	sadd.s32 @!p0 $0x100000, s1;
	[bflag:$0x2] =	sbarrier.arrive $0xFFFF  }
0x31: {  	[sflag:s0] =	ssyncadd.tile.s32 @!p0 $0x1;
	_ =	shalt  }
.Lfunc_end2:
_tile_overlayer_lowered:
.L_overlay_start_2:
0x32: {  	(tag) =	ssettag $0x2  }
0x33: {  	s0 =	rddreg [dreg:$0x0];
	s2 =	stileid.u32  }
0x34: {  	s1 =	rddreg [dreg:$0x1];
	p0 =	sne.s32 s2, $0x0  }
0x35: {  	s3 =	rddreg [dreg:$0x2];
	[bflag:$0x3] =	sbarrier.arrive $0xFFFF;
	s2 =	simm.s32 @!p0 $0x1C01  }
0x36: {  	[timem:s3], [sflag:s2] =	dma.local @!p0 [hbm:s0], s1  }
0x37: {  	s0 =	simm.s32 @!p0 $0x1  }
0x38: {  	_ =	swait.ge @!p0 [sflag:s0], s1  }
0x39: {  	s1 =	ssub.s32 @!p0 $0x0, s1;
	[sflag:s0] =	ssyncset.done @!p0 $0x0  }
0x3a: {  	[sflag:s0] =	ssyncadd.s32 @!p0 s1  }
0x3b: {  	[bflag:$0x3] =	sbarrier.arrive $0xFFFF  }
0x3c: {  	_ =	shalt  }

</sc_bundles>
